<compile_context>
chip_gen: v7x
topology: tpu7x:2x2x1
jax: 0.10.2.dev20260603
libtpu: 0.0.44.dev20260713+nightly
codegen_flags: <defaults>
</compile_context>

<pallas_src>
import functools

import jax
import jax.numpy as jnp
from jax import lax
from jax.experimental import pallas as pl
from jax.experimental.pallas import tpu as pltpu
from jax.experimental.pallas import tpu_sc as plsc

_MAXP = 15000
_D = 64
_B = 16384
_H = 200
_N = _B * _H
_NC = 2
_NS = 16
_L = 16
_NW = _NC * _NS
_PER_W = _N // _NW
_BLK = 128
_NB = _PER_W // _BLK
_NGP = _NB // 2


def _make_kernel():
    mesh = plsc.VectorSubcoreMesh(core_axis_name="c", subcore_axis_name="s")

    @functools.partial(
        pl.kernel,
        mesh=mesh,
        out_type=jax.ShapeDtypeStruct((_H, 8, _B // _BLK, 8 * _BLK),
                                      jnp.float32),
        scratch_types=[
            pltpu.VMEM((_BLK,), jnp.int32),
            pltpu.VMEM((_BLK,), jnp.int32),
            pltpu.VMEM((_BLK, _D), jnp.float32),
            pltpu.VMEM((_BLK, _D), jnp.float32),
            pltpu.VMEM((8 * 8 * _BLK,), jnp.float32),
            pltpu.VMEM((8 * 8 * _BLK,), jnp.float32),
            pltpu.SemaphoreType.DMA,
            pltpu.SemaphoreType.DMA,
            pltpu.SemaphoreType.DMA,
            pltpu.SemaphoreType.DMA,
            pltpu.SemaphoreType.DMA,
        ],
        compiler_params=pltpu.CompilerParams(
            use_tc_tiling_on_sc=False, needs_layout_passes=False),
    )
    def emb(ids_hbm, pe_hbm, out_hbm, idx0, idx1, rows0, rows1,
            tiles0, tiles1, isem, gsem0, gsem1, wsem0, wsem1):
        wid = lax.axis_index("s") * _NC + lax.axis_index("c")
        base = wid * _PER_W
        idxs = (idx0, idx1)
        rows = (rows0, rows1)
        tiles = (tiles0, tiles1)
        gsems = (gsem0, gsem1)
        wsems = (wsem0, wsem1)

        iota = lax.iota(jnp.int32, _L)
        bvec = [(iota + k) % _L for k in range(_L)]
        cvec = [iota + c0 for c0 in range(0, _D, _L)]
        svec = [((c0 + iota) // 8) * (8 * _BLK) + ((c0 + iota) % 8) * _BLK
                for c0 in range(0, _D, _L)]

        def idx_load(i, b):
            return pltpu.make_async_copy(
                ids_hbm.at[pl.ds(base + i * _BLK, _BLK)], idxs[b], isem)

        def gather(b):
            return pltpu.make_async_copy(
                pe_hbm.at[idxs[b]], rows[b], gsems[b])

        def tile_writes(i, b):
            n0 = base + i * _BLK
            h = n0 >> 14
            bhi = (n0 >> 7) & 127
            return [
                pltpu.make_async_copy(
                    tiles[b].at[pl.ds(chi * 8 * _BLK, 8 * _BLK)],
                    out_hbm.at[h, chi, bhi], wsems[b])
                for chi in range(8)
            ]

        def clamp(b):
            for k in range(8):
                sl = pl.ds(k * _L, _L)
                idxs[b][sl] = jnp.minimum(idxs[b][sl], _MAXP - 1)

        def transpose_and_write(i, b):
            wr = tile_writes(i, b)
            for cg in range(_D // _L):
                @plsc.parallel_loop(0, _BLK, step=_L, unroll=4)
                def tb(b0, cg=cg, b=b):
                    for k in range(_L):
                        rvec = bvec[k] + b0
                        v = plsc.load_gather(rows[b], [rvec, cvec[cg]])
                        plsc.store_scatter(tiles[b], [svec[cg] + rvec], v)
                wr[2 * cg].start()
                wr[2 * cg + 1].start()

        idx_load(0, 0).start()
        idx_load(0, 0).wait()
        clamp(0)
        gather(0).start()
        idx_load(1, 1).start()

        def body(g, carry):
            for b in range(2):
                i = 2 * g + b
                nb = 1 - b

                def _adv():
                    idx_load(i + 1, nb).wait()
                    clamp(nb)
                    gather(nb).start()
                    return None
                def _prefetch(i=i, b=b):
                    idx_load(i + 2, b).start()
                    return None
                def _drain_writes(i=i, b=b):
                    for c in tile_writes(i - 2, b):
                        c.wait()
                    return None
                if b == 0:
                    _adv()
                else:
                    pl.when(g < _NGP - 1)(_adv)
                gather(b).wait()
                pl.when(g < _NGP - 1)(_prefetch)
                pl.when(g > 0)(_drain_writes)
                transpose_and_write(i, b)
            return carry

        lax.fori_loop(0, _NGP, body, 0)
        for c in tile_writes(_NB - 2, 0):
            c.wait()
        for c in tile_writes(_NB - 1, 1):
            c.wait()

    return emb


_emb = _make_kernel()


def kernel(position_ids, pe):
    ids_t = jnp.swapaxes(position_ids, 0, 1).reshape(-1)
    out4 = _emb(ids_t, pe)
    out5 = out4.reshape(_H, 8, _B // _BLK, 8, _BLK)
    return out5.transpose(2, 4, 0, 1, 3).reshape(_B, _H, _D)

# --- scband reference (transcript-rebuilt; emitter-appended) ---
"""Pipeline reference for scband-position-embedding-6751688589511 (READ-ONLY COPY).

The authoritative reference and input builder live on the scoring server;
editing this copy changes nothing except your own understanding.
"""

import jax, jax.numpy as jnp
import numpy as np

MAX_POSITION = 15000
HIDDEN_DIM = 64
BATCH = 16384
HIST = 200


def _sin_cos_table():
    position = jnp.arange(MAX_POSITION, dtype=jnp.float32)[:, None]
    div_term = jnp.exp(jnp.arange(0, HIDDEN_DIM, 2, dtype=jnp.float32) * (-np.log(10000.0) / HIDDEN_DIM))
    gain = 2.0 / (HIDDEN_DIM + 4.0 * HIDDEN_DIM)
    pe = jnp.zeros((MAX_POSITION, HIDDEN_DIM), dtype=jnp.float32)
    pe = pe.at[:, 0::2].set(jnp.sin(position * div_term) * gain)
    pe = pe.at[:, 1::2].set(jnp.cos(position * div_term) * gain)
    return pe


def setup_inputs(seed: int = 0) -> dict:
    key = jax.random.key(seed)
    position_ids = jax.random.randint(key, (BATCH, HIST), 0, MAX_POSITION, dtype=jnp.int32)
    pe = _sin_cos_table()
    return {"position_ids": position_ids, "pe": pe}


def reference(position_ids, pe):
    # forward: clamp_max(max_position - 1) then embedding gather
    ids = jnp.minimum(position_ids, MAX_POSITION - 1)
    return jnp.take(pe, ids, axis=0)

if __name__ == "__main__":
    import jax
    _d = setup_inputs()
    print(jax.jit(kernel)(*tuple(_d.values())))

</pallas_src>

<mosaic_0001>
#map = affine_map<(d0, d1) -> (0)>
#map1 = affine_map<(d0, d1) -> (0, 0)>
#map2 = affine_map<(d0, d1) -> (0, 0, 0, 0)>
module attributes {stable_mosaic.version = 14 : i64} {
  func.func @emb(%arg0: i32, %arg1: i32, %arg2: memref<3276800xi32, #tpu.memory_space<hbm>>, %arg3: memref<15000x64xf32, #tpu.memory_space<hbm>>, %arg4: memref<200x8x128x1024xf32, #tpu.memory_space<hbm>>, %arg5: memref<128xi32, #tpu.memory_space<vmem>>, %arg6: memref<128xi32, #tpu.memory_space<vmem>>, %arg7: memref<128x64xf32, #tpu.memory_space<vmem>>, %arg8: memref<128x64xf32, #tpu.memory_space<vmem>>, %arg9: memref<8192xf32, #tpu.memory_space<vmem>>, %arg10: memref<8192xf32, #tpu.memory_space<vmem>>, %arg11: memref<!tpu.dma_semaphore, #tpu.memory_space<semaphore_mem>>, %arg12: memref<!tpu.dma_semaphore, #tpu.memory_space<semaphore_mem>>, %arg13: memref<!tpu.dma_semaphore, #tpu.memory_space<semaphore_mem>>, %arg14: memref<!tpu.dma_semaphore, #tpu.memory_space<semaphore_mem>>, %arg15: memref<!tpu.dma_semaphore, #tpu.memory_space<semaphore_mem>>) attributes {dimension_semantics = [#tpu.dimension_semantics<core_parallel>, #tpu.dimension_semantics<subcore_parallel>], iteration_bounds = array<i64: 2, 16>, scalar_prefetch = 0 : i64, scratch_operands = 11 : i64, tpu.core_type = #tpu.core_type<sc_vector_subcore>, window_params = [{transform_indices = #map}, {transform_indices = #map1}, {transform_indices = #map2}]} {
    %mul3A = arith.constant 2 : i32
    %mul3A_0 = arith.muli %arg1, %mul3A : i32
    %add3A = arith.addi %mul3A_0, %arg0 : i32
    %mul3A_1 = arith.constant 102400 : i32
    %mul3A_2 = arith.muli %add3A, %mul3A_1 : i32
    %iota3A = tpu.iota {dimensions = array<i32: 0>} : vector<16xi32>
    %add3A_3 = arith.constant 0 : i32
    %add3A_4 = vector.broadcast %add3A_3 : i32 to vector<16xi32>
    %add3A_5 = arith.addi %iota3A, %add3A_4 : vector<16xi32>
    %jit3A = arith.constant 16 : i32
    %eq3A = arith.constant 0 : i32
    %eq3A_6 = arith.cmpi eq, %jit3A, %eq3A : i32
    %jit3A_7 = arith.constant 1 : i32
    %select_n3A = arith.select %eq3A_6, %jit3A_7, %jit3A : i32
    %rem3A = vector.broadcast %select_n3A : i32 to vector<16xi32>
    %rem3A_8 = arith.remsi %add3A_5, %rem3A : vector<16xi32>
    %ne3A = arith.constant 0 : i32
    %ne3A_9 = vector.broadcast %ne3A : i32 to vector<16xi32>
    %ne3A_10 = arith.cmpi ne, %rem3A_8, %ne3A_9 : vector<16xi32>
    %lt3A = arith.constant 0 : i32
    %lt3A_11 = vector.broadcast %lt3A : i32 to vector<16xi32>
    %lt3A_12 = arith.cmpi slt, %rem3A_8, %lt3A_11 : vector<16xi32>
    %lt3A_13 = arith.constant 0 : i32
    %lt3A_14 = arith.cmpi slt, %select_n3A, %lt3A_13 : i32
    %ne3A_15 = vector.broadcast %lt3A_14 : i1 to vector<16xi1>
    %ne3A_16 = vector.broadcast %ne3A_15 : vector<16xi1> to vector<16xi1>
    %ne3A_17 = arith.xori %lt3A_12, %ne3A_16 : vector<16xi1>
    %and3A = arith.andi %ne3A_17, %ne3A_10 : vector<16xi1>
    %add3A_18 = vector.broadcast %select_n3A : i32 to vector<16xi32>
    %add3A_19 = arith.addi %rem3A_8, %add3A_18 : vector<16xi32>
    %select_n3A_20 = arith.select %and3A, %add3A_19, %rem3A_8 : vector<16xi1>, vector<16xi32>
    %add3A_21 = arith.constant 1 : i32
    %add3A_22 = vector.broadcast %add3A_21 : i32 to vector<16xi32>
    %add3A_23 = arith.addi %iota3A, %add3A_22 : vector<16xi32>
    %jit3A_24 = arith.constant 16 : i32
    %eq3A_25 = arith.constant 0 : i32
    %eq3A_26 = arith.cmpi eq, %jit3A_24, %eq3A_25 : i32
    %jit3A_27 = arith.constant 1 : i32
    %select_n3A_28 = arith.select %eq3A_26, %jit3A_27, %jit3A_24 : i32
    %rem3A_29 = vector.broadcast %select_n3A_28 : i32 to vector<16xi32>
    %rem3A_30 = arith.remsi %add3A_23, %rem3A_29 : vector<16xi32>
    %ne3A_31 = arith.constant 0 : i32
    %ne3A_32 = vector.broadcast %ne3A_31 : i32 to vector<16xi32>
    %ne3A_33 = arith.cmpi ne, %rem3A_30, %ne3A_32 : vector<16xi32>
    %lt3A_34 = arith.constant 0 : i32
    %lt3A_35 = vector.broadcast %lt3A_34 : i32 to vector<16xi32>
    %lt3A_36 = arith.cmpi slt, %rem3A_30, %lt3A_35 : vector<16xi32>
    %lt3A_37 = arith.constant 0 : i32
    %lt3A_38 = arith.cmpi slt, %select_n3A_28, %lt3A_37 : i32
    %ne3A_39 = vector.broadcast %lt3A_38 : i1 to vector<16xi1>
    %ne3A_40 = vector.broadcast %ne3A_39 : vector<16xi1> to vector<16xi1>
    %ne3A_41 = arith.xori %lt3A_36, %ne3A_40 : vector<16xi1>
    %and3A_42 = arith.andi %ne3A_41, %ne3A_33 : vector<16xi1>
    %add3A_43 = vector.broadcast %select_n3A_28 : i32 to vector<16xi32>
    %add3A_44 = arith.addi %rem3A_30, %add3A_43 : vector<16xi32>
    %select_n3A_45 = arith.select %and3A_42, %add3A_44, %rem3A_30 : vector<16xi1>, vector<16xi32>
    %add3A_46 = arith.constant 2 : i32
    %add3A_47 = vector.broadcast %add3A_46 : i32 to vector<16xi32>
    %add3A_48 = arith.addi %iota3A, %add3A_47 : vector<16xi32>
    %jit3A_49 = arith.constant 16 : i32
    %eq3A_50 = arith.constant 0 : i32
    %eq3A_51 = arith.cmpi eq, %jit3A_49, %eq3A_50 : i32
    %jit3A_52 = arith.constant 1 : i32
    %select_n3A_53 = arith.select %eq3A_51, %jit3A_52, %jit3A_49 : i32
    %rem3A_54 = vector.broadcast %select_n3A_53 : i32 to vector<16xi32>
    %rem3A_55 = arith.remsi %add3A_48, %rem3A_54 : vector<16xi32>
    %ne3A_56 = arith.constant 0 : i32
    %ne3A_57 = vector.broadcast %ne3A_56 : i32 to vector<16xi32>
    %ne3A_58 = arith.cmpi ne, %rem3A_55, %ne3A_57 : vector<16xi32>
    %lt3A_59 = arith.constant 0 : i32
    %lt3A_60 = vector.broadcast %lt3A_59 : i32 to vector<16xi32>
    %lt3A_61 = arith.cmpi slt, %rem3A_55, %lt3A_60 : vector<16xi32>
    %lt3A_62 = arith.constant 0 : i32
    %lt3A_63 = arith.cmpi slt, %select_n3A_53, %lt3A_62 : i32
    %ne3A_64 = vector.broadcast %lt3A_63 : i1 to vector<16xi1>
    %ne3A_65 = vector.broadcast %ne3A_64 : vector<16xi1> to vector<16xi1>
    %ne3A_66 = arith.xori %lt3A_61, %ne3A_65 : vector<16xi1>
    %and3A_67 = arith.andi %ne3A_66, %ne3A_58 : vector<16xi1>
    %add3A_68 = vector.broadcast %select_n3A_53 : i32 to vector<16xi32>
    %add3A_69 = arith.addi %rem3A_55, %add3A_68 : vector<16xi32>
    %select_n3A_70 = arith.select %and3A_67, %add3A_69, %rem3A_55 : vector<16xi1>, vector<16xi32>
    %add3A_71 = arith.constant 3 : i32
    %add3A_72 = vector.broadcast %add3A_71 : i32 to vector<16xi32>
    %add3A_73 = arith.addi %iota3A, %add3A_72 : vector<16xi32>
    %jit3A_74 = arith.constant 16 : i32
    %eq3A_75 = arith.constant 0 : i32
    %eq3A_76 = arith.cmpi eq, %jit3A_74, %eq3A_75 : i32
    %jit3A_77 = arith.constant 1 : i32
    %select_n3A_78 = arith.select %eq3A_76, %jit3A_77, %jit3A_74 : i32
    %rem3A_79 = vector.broadcast %select_n3A_78 : i32 to vector<16xi32>
    %rem3A_80 = arith.remsi %add3A_73, %rem3A_79 : vector<16xi32>
    %ne3A_81 = arith.constant 0 : i32
    %ne3A_82 = vector.broadcast %ne3A_81 : i32 to vector<16xi32>
    %ne3A_83 = arith.cmpi ne, %rem3A_80, %ne3A_82 : vector<16xi32>
    %lt3A_84 = arith.constant 0 : i32
    %lt3A_85 = vector.broadcast %lt3A_84 : i32 to vector<16xi32>
    %lt3A_86 = arith.cmpi slt, %rem3A_80, %lt3A_85 : vector<16xi32>
    %lt3A_87 = arith.constant 0 : i32
    %lt3A_88 = arith.cmpi slt, %select_n3A_78, %lt3A_87 : i32
    %ne3A_89 = vector.broadcast %lt3A_88 : i1 to vector<16xi1>
    %ne3A_90 = vector.broadcast %ne3A_89 : vector<16xi1> to vector<16xi1>
    %ne3A_91 = arith.xori %lt3A_86, %ne3A_90 : vector<16xi1>
    %and3A_92 = arith.andi %ne3A_91, %ne3A_83 : vector<16xi1>
    %add3A_93 = vector.broadcast %select_n3A_78 : i32 to vector<16xi32>
    %add3A_94 = arith.addi %rem3A_80, %add3A_93 : vector<16xi32>
    %select_n3A_95 = arith.select %and3A_92, %add3A_94, %rem3A_80 : vector<16xi1>, vector<16xi32>
    %add3A_96 = arith.constant 4 : i32
    %add3A_97 = vector.broadcast %add3A_96 : i32 to vector<16xi32>
    %add3A_98 = arith.addi %iota3A, %add3A_97 : vector<16xi32>
    %jit3A_99 = arith.constant 16 : i32
    %eq3A_100 = arith.constant 0 : i32
    %eq3A_101 = arith.cmpi eq, %jit3A_99, %eq3A_100 : i32
    %jit3A_102 = arith.constant 1 : i32
    %select_n3A_103 = arith.select %eq3A_101, %jit3A_102, %jit3A_99 : i32
    %rem3A_104 = vector.broadcast %select_n3A_103 : i32 to vector<16xi32>
    %rem3A_105 = arith.remsi %add3A_98, %rem3A_104 : vector<16xi32>
    %ne3A_106 = arith.constant 0 : i32
    %ne3A_107 = vector.broadcast %ne3A_106 : i32 to vector<16xi32>
    %ne3A_108 = arith.cmpi ne, %rem3A_105, %ne3A_107 : vector<16xi32>
    %lt3A_109 = arith.constant 0 : i32
    %lt3A_110 = vector.broadcast %lt3A_109 : i32 to vector<16xi32>
    %lt3A_111 = arith.cmpi slt, %rem3A_105, %lt3A_110 : vector<16xi32>
    %lt3A_112 = arith.constant 0 : i32
    %lt3A_113 = arith.cmpi slt, %select_n3A_103, %lt3A_112 : i32
    %ne3A_114 = vector.broadcast %lt3A_113 : i1 to vector<16xi1>
    %ne3A_115 = vector.broadcast %ne3A_114 : vector<16xi1> to vector<16xi1>
    %ne3A_116 = arith.xori %lt3A_111, %ne3A_115 : vector<16xi1>
    %and3A_117 = arith.andi %ne3A_116, %ne3A_108 : vector<16xi1>
    %add3A_118 = vector.broadcast %select_n3A_103 : i32 to vector<16xi32>
    %add3A_119 = arith.addi %rem3A_105, %add3A_118 : vector<16xi32>
    %select_n3A_120 = arith.select %and3A_117, %add3A_119, %rem3A_105 : vector<16xi1>, vector<16xi32>
    %add3A_121 = arith.constant 5 : i32
    %add3A_122 = vector.broadcast %add3A_121 : i32 to vector<16xi32>
    %add3A_123 = arith.addi %iota3A, %add3A_122 : vector<16xi32>
    %jit3A_124 = arith.constant 16 : i32
    %eq3A_125 = arith.constant 0 : i32
    %eq3A_126 = arith.cmpi eq, %jit3A_124, %eq3A_125 : i32
    %jit3A_127 = arith.constant 1 : i32
    %select_n3A_128 = arith.select %eq3A_126, %jit3A_127, %jit3A_124 : i32
    %rem3A_129 = vector.broadcast %select_n3A_128 : i32 to vector<16xi32>
    %rem3A_130 = arith.remsi %add3A_123, %rem3A_129 : vector<16xi32>
    %ne3A_131 = arith.constant 0 : i32
    %ne3A_132 = vector.broadcast %ne3A_131 : i32 to vector<16xi32>
    %ne3A_133 = arith.cmpi ne, %rem3A_130, %ne3A_132 : vector<16xi32>
    %lt3A_134 = arith.constant 0 : i32
    %lt3A_135 = vector.broadcast %lt3A_134 : i32 to vector<16xi32>
    %lt3A_136 = arith.cmpi slt, %rem3A_130, %lt3A_135 : vector<16xi32>
    %lt3A_137 = arith.constant 0 : i32
    %lt3A_138 = arith.cmpi slt, %select_n3A_128, %lt3A_137 : i32
    %ne3A_139 = vector.broadcast %lt3A_138 : i1 to vector<16xi1>
    %ne3A_140 = vector.broadcast %ne3A_139 : vector<16xi1> to vector<16xi1>
    %ne3A_141 = arith.xori %lt3A_136, %ne3A_140 : vector<16xi1>
    %and3A_142 = arith.andi %ne3A_141, %ne3A_133 : vector<16xi1>
    %add3A_143 = vector.broadcast %select_n3A_128 : i32 to vector<16xi32>
    %add3A_144 = arith.addi %rem3A_130, %add3A_143 : vector<16xi32>
    %select_n3A_145 = arith.select %and3A_142, %add3A_144, %rem3A_130 : vector<16xi1>, vector<16xi32>
    %add3A_146 = arith.constant 6 : i32
    %add3A_147 = vector.broadcast %add3A_146 : i32 to vector<16xi32>
    %add3A_148 = arith.addi %iota3A, %add3A_147 : vector<16xi32>
    %jit3A_149 = arith.constant 16 : i32
    %eq3A_150 = arith.constant 0 : i32
    %eq3A_151 = arith.cmpi eq, %jit3A_149, %eq3A_150 : i32
    %jit3A_152 = arith.constant 1 : i32
    %select_n3A_153 = arith.select %eq3A_151, %jit3A_152, %jit3A_149 : i32
    %rem3A_154 = vector.broadcast %select_n3A_153 : i32 to vector<16xi32>
    %rem3A_155 = arith.remsi %add3A_148, %rem3A_154 : vector<16xi32>
    %ne3A_156 = arith.constant 0 : i32
    %ne3A_157 = vector.broadcast %ne3A_156 : i32 to vector<16xi32>
    %ne3A_158 = arith.cmpi ne, %rem3A_155, %ne3A_157 : vector<16xi32>
    %lt3A_159 = arith.constant 0 : i32
    %lt3A_160 = vector.broadcast %lt3A_159 : i32 to vector<16xi32>
    %lt3A_161 = arith.cmpi slt, %rem3A_155, %lt3A_160 : vector<16xi32>
    %lt3A_162 = arith.constant 0 : i32
    %lt3A_163 = arith.cmpi slt, %select_n3A_153, %lt3A_162 : i32
    %ne3A_164 = vector.broadcast %lt3A_163 : i1 to vector<16xi1>
    %ne3A_165 = vector.broadcast %ne3A_164 : vector<16xi1> to vector<16xi1>
    %ne3A_166 = arith.xori %lt3A_161, %ne3A_165 : vector<16xi1>
    %and3A_167 = arith.andi %ne3A_166, %ne3A_158 : vector<16xi1>
    %add3A_168 = vector.broadcast %select_n3A_153 : i32 to vector<16xi32>
    %add3A_169 = arith.addi %rem3A_155, %add3A_168 : vector<16xi32>
    %select_n3A_170 = arith.select %and3A_167, %add3A_169, %rem3A_155 : vector<16xi1>, vector<16xi32>
    %add3A_171 = arith.constant 7 : i32
    %add3A_172 = vector.broadcast %add3A_171 : i32 to vector<16xi32>
    %add3A_173 = arith.addi %iota3A, %add3A_172 : vector<16xi32>
    %jit3A_174 = arith.constant 16 : i32
    %eq3A_175 = arith.constant 0 : i32
    %eq3A_176 = arith.cmpi eq, %jit3A_174, %eq3A_175 : i32
    %jit3A_177 = arith.constant 1 : i32
    %select_n3A_178 = arith.select %eq3A_176, %jit3A_177, %jit3A_174 : i32
    %rem3A_179 = vector.broadcast %select_n3A_178 : i32 to vector<16xi32>
    %rem3A_180 = arith.remsi %add3A_173, %rem3A_179 : vector<16xi32>
    %ne3A_181 = arith.constant 0 : i32
    %ne3A_182 = vector.broadcast %ne3A_181 : i32 to vector<16xi32>
    %ne3A_183 = arith.cmpi ne, %rem3A_180, %ne3A_182 : vector<16xi32>
    %lt3A_184 = arith.constant 0 : i32
    %lt3A_185 = vector.broadcast %lt3A_184 : i32 to vector<16xi32>
    %lt3A_186 = arith.cmpi slt, %rem3A_180, %lt3A_185 : vector<16xi32>
    %lt3A_187 = arith.constant 0 : i32
    %lt3A_188 = arith.cmpi slt, %select_n3A_178, %lt3A_187 : i32
    %ne3A_189 = vector.broadcast %lt3A_188 : i1 to vector<16xi1>
    %ne3A_190 = vector.broadcast %ne3A_189 : vector<16xi1> to vector<16xi1>
    %ne3A_191 = arith.xori %lt3A_186, %ne3A_190 : vector<16xi1>
    %and3A_192 = arith.andi %ne3A_191, %ne3A_183 : vector<16xi1>
    %add3A_193 = vector.broadcast %select_n3A_178 : i32 to vector<16xi32>
    %add3A_194 = arith.addi %rem3A_180, %add3A_193 : vector<16xi32>
    %select_n3A_195 = arith.select %and3A_192, %add3A_194, %rem3A_180 : vector<16xi1>, vector<16xi32>
    %add3A_196 = arith.constant 8 : i32
    %add3A_197 = vector.broadcast %add3A_196 : i32 to vector<16xi32>
    %add3A_198 = arith.addi %iota3A, %add3A_197 : vector<16xi32>
    %jit3A_199 = arith.constant 16 : i32
    %eq3A_200 = arith.constant 0 : i32
    %eq3A_201 = arith.cmpi eq, %jit3A_199, %eq3A_200 : i32
    %jit3A_202 = arith.constant 1 : i32
    %select_n3A_203 = arith.select %eq3A_201, %jit3A_202, %jit3A_199 : i32
    %rem3A_204 = vector.broadcast %select_n3A_203 : i32 to vector<16xi32>
    %rem3A_205 = arith.remsi %add3A_198, %rem3A_204 : vector<16xi32>
    %ne3A_206 = arith.constant 0 : i32
    %ne3A_207 = vector.broadcast %ne3A_206 : i32 to vector<16xi32>
    %ne3A_208 = arith.cmpi ne, %rem3A_205, %ne3A_207 : vector<16xi32>
    %lt3A_209 = arith.constant 0 : i32
    %lt3A_210 = vector.broadcast %lt3A_209 : i32 to vector<16xi32>
    %lt3A_211 = arith.cmpi slt, %rem3A_205, %lt3A_210 : vector<16xi32>
    %lt3A_212 = arith.constant 0 : i32
    %lt3A_213 = arith.cmpi slt, %select_n3A_203, %lt3A_212 : i32
    %ne3A_214 = vector.broadcast %lt3A_213 : i1 to vector<16xi1>
    %ne3A_215 = vector.broadcast %ne3A_214 : vector<16xi1> to vector<16xi1>
    %ne3A_216 = arith.xori %lt3A_211, %ne3A_215 : vector<16xi1>
    %and3A_217 = arith.andi %ne3A_216, %ne3A_208 : vector<16xi1>
    %add3A_218 = vector.broadcast %select_n3A_203 : i32 to vector<16xi32>
    %add3A_219 = arith.addi %rem3A_205, %add3A_218 : vector<16xi32>
    %select_n3A_220 = arith.select %and3A_217, %add3A_219, %rem3A_205 : vector<16xi1>, vector<16xi32>
    %add3A_221 = arith.constant 9 : i32
    %add3A_222 = vector.broadcast %add3A_221 : i32 to vector<16xi32>
    %add3A_223 = arith.addi %iota3A, %add3A_222 : vector<16xi32>
    %jit3A_224 = arith.constant 16 : i32
    %eq3A_225 = arith.constant 0 : i32
    %eq3A_226 = arith.cmpi eq, %jit3A_224, %eq3A_225 : i32
    %jit3A_227 = arith.constant 1 : i32
    %select_n3A_228 = arith.select %eq3A_226, %jit3A_227, %jit3A_224 : i32
    %rem3A_229 = vector.broadcast %select_n3A_228 : i32 to vector<16xi32>
    %rem3A_230 = arith.remsi %add3A_223, %rem3A_229 : vector<16xi32>
    %ne3A_231 = arith.constant 0 : i32
    %ne3A_232 = vector.broadcast %ne3A_231 : i32 to vector<16xi32>
    %ne3A_233 = arith.cmpi ne, %rem3A_230, %ne3A_232 : vector<16xi32>
    %lt3A_234 = arith.constant 0 : i32
    %lt3A_235 = vector.broadcast %lt3A_234 : i32 to vector<16xi32>
    %lt3A_236 = arith.cmpi slt, %rem3A_230, %lt3A_235 : vector<16xi32>
    %lt3A_237 = arith.constant 0 : i32
    %lt3A_238 = arith.cmpi slt, %select_n3A_228, %lt3A_237 : i32
    %ne3A_239 = vector.broadcast %lt3A_238 : i1 to vector<16xi1>
    %ne3A_240 = vector.broadcast %ne3A_239 : vector<16xi1> to vector<16xi1>
    %ne3A_241 = arith.xori %lt3A_236, %ne3A_240 : vector<16xi1>
    %and3A_242 = arith.andi %ne3A_241, %ne3A_233 : vector<16xi1>
    %add3A_243 = vector.broadcast %select_n3A_228 : i32 to vector<16xi32>
    %add3A_244 = arith.addi %rem3A_230, %add3A_243 : vector<16xi32>
    %select_n3A_245 = arith.select %and3A_242, %add3A_244, %rem3A_230 : vector<16xi1>, vector<16xi32>
    %add3A_246 = arith.constant 10 : i32
    %add3A_247 = vector.broadcast %add3A_246 : i32 to vector<16xi32>
    %add3A_248 = arith.addi %iota3A, %add3A_247 : vector<16xi32>
    %jit3A_249 = arith.constant 16 : i32
    %eq3A_250 = arith.constant 0 : i32
    %eq3A_251 = arith.cmpi eq, %jit3A_249, %eq3A_250 : i32
    %jit3A_252 = arith.constant 1 : i32
    %select_n3A_253 = arith.select %eq3A_251, %jit3A_252, %jit3A_249 : i32
    %rem3A_254 = vector.broadcast %select_n3A_253 : i32 to vector<16xi32>
    %rem3A_255 = arith.remsi %add3A_248, %rem3A_254 : vector<16xi32>
    %ne3A_256 = arith.constant 0 : i32
    %ne3A_257 = vector.broadcast %ne3A_256 : i32 to vector<16xi32>
    %ne3A_258 = arith.cmpi ne, %rem3A_255, %ne3A_257 : vector<16xi32>
    %lt3A_259 = arith.constant 0 : i32
    %lt3A_260 = vector.broadcast %lt3A_259 : i32 to vector<16xi32>
    %lt3A_261 = arith.cmpi slt, %rem3A_255, %lt3A_260 : vector<16xi32>
    %lt3A_262 = arith.constant 0 : i32
    %lt3A_263 = arith.cmpi slt, %select_n3A_253, %lt3A_262 : i32
    %ne3A_264 = vector.broadcast %lt3A_263 : i1 to vector<16xi1>
    %ne3A_265 = vector.broadcast %ne3A_264 : vector<16xi1> to vector<16xi1>
    %ne3A_266 = arith.xori %lt3A_261, %ne3A_265 : vector<16xi1>
    %and3A_267 = arith.andi %ne3A_266, %ne3A_258 : vector<16xi1>
    %add3A_268 = vector.broadcast %select_n3A_253 : i32 to vector<16xi32>
    %add3A_269 = arith.addi %rem3A_255, %add3A_268 : vector<16xi32>
    %select_n3A_270 = arith.select %and3A_267, %add3A_269, %rem3A_255 : vector<16xi1>, vector<16xi32>
    %add3A_271 = arith.constant 11 : i32
    %add3A_272 = vector.broadcast %add3A_271 : i32 to vector<16xi32>
    %add3A_273 = arith.addi %iota3A, %add3A_272 : vector<16xi32>
    %jit3A_274 = arith.constant 16 : i32
    %eq3A_275 = arith.constant 0 : i32
    %eq3A_276 = arith.cmpi eq, %jit3A_274, %eq3A_275 : i32
    %jit3A_277 = arith.constant 1 : i32
    %select_n3A_278 = arith.select %eq3A_276, %jit3A_277, %jit3A_274 : i32
    %rem3A_279 = vector.broadcast %select_n3A_278 : i32 to vector<16xi32>
    %rem3A_280 = arith.remsi %add3A_273, %rem3A_279 : vector<16xi32>
    %ne3A_281 = arith.constant 0 : i32
    %ne3A_282 = vector.broadcast %ne3A_281 : i32 to vector<16xi32>
    %ne3A_283 = arith.cmpi ne, %rem3A_280, %ne3A_282 : vector<16xi32>
    %lt3A_284 = arith.constant 0 : i32
    %lt3A_285 = vector.broadcast %lt3A_284 : i32 to vector<16xi32>
    %lt3A_286 = arith.cmpi slt, %rem3A_280, %lt3A_285 : vector<16xi32>
    %lt3A_287 = arith.constant 0 : i32
    %lt3A_288 = arith.cmpi slt, %select_n3A_278, %lt3A_287 : i32
    %ne3A_289 = vector.broadcast %lt3A_288 : i1 to vector<16xi1>
    %ne3A_290 = vector.broadcast %ne3A_289 : vector<16xi1> to vector<16xi1>
    %ne3A_291 = arith.xori %lt3A_286, %ne3A_290 : vector<16xi1>
    %and3A_292 = arith.andi %ne3A_291, %ne3A_283 : vector<16xi1>
    %add3A_293 = vector.broadcast %select_n3A_278 : i32 to vector<16xi32>
    %add3A_294 = arith.addi %rem3A_280, %add3A_293 : vector<16xi32>
    %select_n3A_295 = arith.select %and3A_292, %add3A_294, %rem3A_280 : vector<16xi1>, vector<16xi32>
    %add3A_296 = arith.constant 12 : i32
    %add3A_297 = vector.broadcast %add3A_296 : i32 to vector<16xi32>
    %add3A_298 = arith.addi %iota3A, %add3A_297 : vector<16xi32>
    %jit3A_299 = arith.constant 16 : i32
    %eq3A_300 = arith.constant 0 : i32
    %eq3A_301 = arith.cmpi eq, %jit3A_299, %eq3A_300 : i32
    %jit3A_302 = arith.constant 1 : i32
    %select_n3A_303 = arith.select %eq3A_301, %jit3A_302, %jit3A_299 : i32
    %rem3A_304 = vector.broadcast %select_n3A_303 : i32 to vector<16xi32>
    %rem3A_305 = arith.remsi %add3A_298, %rem3A_304 : vector<16xi32>
    %ne3A_306 = arith.constant 0 : i32
    %ne3A_307 = vector.broadcast %ne3A_306 : i32 to vector<16xi32>
    %ne3A_308 = arith.cmpi ne, %rem3A_305, %ne3A_307 : vector<16xi32>
    %lt3A_309 = arith.constant 0 : i32
    %lt3A_310 = vector.broadcast %lt3A_309 : i32 to vector<16xi32>
    %lt3A_311 = arith.cmpi slt, %rem3A_305, %lt3A_310 : vector<16xi32>
    %lt3A_312 = arith.constant 0 : i32
    %lt3A_313 = arith.cmpi slt, %select_n3A_303, %lt3A_312 : i32
    %ne3A_314 = vector.broadcast %lt3A_313 : i1 to vector<16xi1>
    %ne3A_315 = vector.broadcast %ne3A_314 : vector<16xi1> to vector<16xi1>
    %ne3A_316 = arith.xori %lt3A_311, %ne3A_315 : vector<16xi1>
    %and3A_317 = arith.andi %ne3A_316, %ne3A_308 : vector<16xi1>
    %add3A_318 = vector.broadcast %select_n3A_303 : i32 to vector<16xi32>
    %add3A_319 = arith.addi %rem3A_305, %add3A_318 : vector<16xi32>
    %select_n3A_320 = arith.select %and3A_317, %add3A_319, %rem3A_305 : vector<16xi1>, vector<16xi32>
    %add3A_321 = arith.constant 13 : i32
    %add3A_322 = vector.broadcast %add3A_321 : i32 to vector<16xi32>
    %add3A_323 = arith.addi %iota3A, %add3A_322 : vector<16xi32>
    %jit3A_324 = arith.constant 16 : i32
    %eq3A_325 = arith.constant 0 : i32
    %eq3A_326 = arith.cmpi eq, %jit3A_324, %eq3A_325 : i32
    %jit3A_327 = arith.constant 1 : i32
    %select_n3A_328 = arith.select %eq3A_326, %jit3A_327, %jit3A_324 : i32
    %rem3A_329 = vector.broadcast %select_n3A_328 : i32 to vector<16xi32>
    %rem3A_330 = arith.remsi %add3A_323, %rem3A_329 : vector<16xi32>
    %ne3A_331 = arith.constant 0 : i32
    %ne3A_332 = vector.broadcast %ne3A_331 : i32 to vector<16xi32>
    %ne3A_333 = arith.cmpi ne, %rem3A_330, %ne3A_332 : vector<16xi32>
    %lt3A_334 = arith.constant 0 : i32
    %lt3A_335 = vector.broadcast %lt3A_334 : i32 to vector<16xi32>
    %lt3A_336 = arith.cmpi slt, %rem3A_330, %lt3A_335 : vector<16xi32>
    %lt3A_337 = arith.constant 0 : i32
    %lt3A_338 = arith.cmpi slt, %select_n3A_328, %lt3A_337 : i32
    %ne3A_339 = vector.broadcast %lt3A_338 : i1 to vector<16xi1>
    %ne3A_340 = vector.broadcast %ne3A_339 : vector<16xi1> to vector<16xi1>
    %ne3A_341 = arith.xori %lt3A_336, %ne3A_340 : vector<16xi1>
    %and3A_342 = arith.andi %ne3A_341, %ne3A_333 : vector<16xi1>
    %add3A_343 = vector.broadcast %select_n3A_328 : i32 to vector<16xi32>
    %add3A_344 = arith.addi %rem3A_330, %add3A_343 : vector<16xi32>
    %select_n3A_345 = arith.select %and3A_342, %add3A_344, %rem3A_330 : vector<16xi1>, vector<16xi32>
    %add3A_346 = arith.constant 14 : i32
    %add3A_347 = vector.broadcast %add3A_346 : i32 to vector<16xi32>
    %add3A_348 = arith.addi %iota3A, %add3A_347 : vector<16xi32>
    %jit3A_349 = arith.constant 16 : i32
    %eq3A_350 = arith.constant 0 : i32
    %eq3A_351 = arith.cmpi eq, %jit3A_349, %eq3A_350 : i32
    %jit3A_352 = arith.constant 1 : i32
    %select_n3A_353 = arith.select %eq3A_351, %jit3A_352, %jit3A_349 : i32
    %rem3A_354 = vector.broadcast %select_n3A_353 : i32 to vector<16xi32>
    %rem3A_355 = arith.remsi %add3A_348, %rem3A_354 : vector<16xi32>
    %ne3A_356 = arith.constant 0 : i32
    %ne3A_357 = vector.broadcast %ne3A_356 : i32 to vector<16xi32>
    %ne3A_358 = arith.cmpi ne, %rem3A_355, %ne3A_357 : vector<16xi32>
    %lt3A_359 = arith.constant 0 : i32
    %lt3A_360 = vector.broadcast %lt3A_359 : i32 to vector<16xi32>
    %lt3A_361 = arith.cmpi slt, %rem3A_355, %lt3A_360 : vector<16xi32>
    %lt3A_362 = arith.constant 0 : i32
    %lt3A_363 = arith.cmpi slt, %select_n3A_353, %lt3A_362 : i32
    %ne3A_364 = vector.broadcast %lt3A_363 : i1 to vector<16xi1>
    %ne3A_365 = vector.broadcast %ne3A_364 : vector<16xi1> to vector<16xi1>
    %ne3A_366 = arith.xori %lt3A_361, %ne3A_365 : vector<16xi1>
    %and3A_367 = arith.andi %ne3A_366, %ne3A_358 : vector<16xi1>
    %add3A_368 = vector.broadcast %select_n3A_353 : i32 to vector<16xi32>
    %add3A_369 = arith.addi %rem3A_355, %add3A_368 : vector<16xi32>
    %select_n3A_370 = arith.select %and3A_367, %add3A_369, %rem3A_355 : vector<16xi1>, vector<16xi32>
    %add3A_371 = arith.constant 15 : i32
    %add3A_372 = vector.broadcast %add3A_371 : i32 to vector<16xi32>
    %add3A_373 = arith.addi %iota3A, %add3A_372 : vector<16xi32>
    %jit3A_374 = arith.constant 16 : i32
    %eq3A_375 = arith.constant 0 : i32
    %eq3A_376 = arith.cmpi eq, %jit3A_374, %eq3A_375 : i32
    %jit3A_377 = arith.constant 1 : i32
    %select_n3A_378 = arith.select %eq3A_376, %jit3A_377, %jit3A_374 : i32
    %rem3A_379 = vector.broadcast %select_n3A_378 : i32 to vector<16xi32>
    %rem3A_380 = arith.remsi %add3A_373, %rem3A_379 : vector<16xi32>
    %ne3A_381 = arith.constant 0 : i32
    %ne3A_382 = vector.broadcast %ne3A_381 : i32 to vector<16xi32>
    %ne3A_383 = arith.cmpi ne, %rem3A_380, %ne3A_382 : vector<16xi32>
    %lt3A_384 = arith.constant 0 : i32
    %lt3A_385 = vector.broadcast %lt3A_384 : i32 to vector<16xi32>
    %lt3A_386 = arith.cmpi slt, %rem3A_380, %lt3A_385 : vector<16xi32>
    %lt3A_387 = arith.constant 0 : i32
    %lt3A_388 = arith.cmpi slt, %select_n3A_378, %lt3A_387 : i32
    %ne3A_389 = vector.broadcast %lt3A_388 : i1 to vector<16xi1>
    %ne3A_390 = vector.broadcast %ne3A_389 : vector<16xi1> to vector<16xi1>
    %ne3A_391 = arith.xori %lt3A_386, %ne3A_390 : vector<16xi1>
    %and3A_392 = arith.andi %ne3A_391, %ne3A_383 : vector<16xi1>
    %add3A_393 = vector.broadcast %select_n3A_378 : i32 to vector<16xi32>
    %add3A_394 = arith.addi %rem3A_380, %add3A_393 : vector<16xi32>
    %select_n3A_395 = arith.select %and3A_392, %add3A_394, %rem3A_380 : vector<16xi1>, vector<16xi32>
    %add3A_396 = arith.constant 0 : i32
    %add3A_397 = vector.broadcast %add3A_396 : i32 to vector<16xi32>
    %add3A_398 = arith.addi %iota3A, %add3A_397 : vector<16xi32>
    %add3A_399 = arith.constant 16 : i32
    %add3A_400 = vector.broadcast %add3A_399 : i32 to vector<16xi32>
    %add3A_401 = arith.addi %iota3A, %add3A_400 : vector<16xi32>
    %add3A_402 = arith.constant 32 : i32
    %add3A_403 = vector.broadcast %add3A_402 : i32 to vector<16xi32>
    %add3A_404 = arith.addi %iota3A, %add3A_403 : vector<16xi32>
    %add3A_405 = arith.constant 48 : i32
    %add3A_406 = vector.broadcast %add3A_405 : i32 to vector<16xi32>
    %add3A_407 = arith.addi %iota3A, %add3A_406 : vector<16xi32>
    %add3A_408 = arith.constant 0 : i32
    %add3A_409 = vector.broadcast %add3A_408 : i32 to vector<16xi32>
    %add3A_410 = arith.addi %add3A_409, %iota3A : vector<16xi32>
    %jit3A_411 = arith.constant 8 : i32
    %div3A = vector.broadcast %jit3A_411 : i32 to vector<16xi32>
    %div3A_412 = arith.divsi %add3A_410, %div3A : vector<16xi32>
    %sign3A = arith.constant 0 : i32
    %sign3A_413 = vector.broadcast %sign3A : i32 to vector<16xi32>
    %sign3A_414 = arith.cmpi sgt, %add3A_410, %sign3A_413 : vector<16xi32>
    %sign3A_415 = arith.extui %sign3A_414 : vector<16xi1> to vector<16xi32>
    %sign3A_416 = arith.constant 0 : i32
    %sign3A_417 = vector.broadcast %sign3A_416 : i32 to vector<16xi32>
    %sign3A_418 = arith.cmpi slt, %add3A_410, %sign3A_417 : vector<16xi32>
    %sign3A_419 = arith.extui %sign3A_418 : vector<16xi1> to vector<16xi32>
    %sign3A_420 = arith.subi %sign3A_415, %sign3A_419 : vector<16xi32>
    %sign3A_421 = arith.constant 0 : i32
    %sign3A_422 = arith.cmpi sgt, %jit3A_411, %sign3A_421 : i32
    %sign3A_423 = arith.extui %sign3A_422 : i1 to i32
    %sign3A_424 = arith.constant 0 : i32
    %sign3A_425 = arith.cmpi slt, %jit3A_411, %sign3A_424 : i32
    %sign3A_426 = arith.extui %sign3A_425 : i1 to i32
    %sign3A_427 = arith.subi %sign3A_423, %sign3A_426 : i32
    %ne3A_428 = vector.broadcast %sign3A_427 : i32 to vector<16xi32>
    %ne3A_429 = arith.cmpi ne, %sign3A_420, %ne3A_428 : vector<16xi32>
    %rem3A_430 = vector.broadcast %jit3A_411 : i32 to vector<16xi32>
    %rem3A_431 = arith.remsi %add3A_410, %rem3A_430 : vector<16xi32>
    %ne3A_432 = arith.constant 0 : i32
    %ne3A_433 = vector.broadcast %ne3A_432 : i32 to vector<16xi32>
    %ne3A_434 = arith.cmpi ne, %rem3A_431, %ne3A_433 : vector<16xi32>
    %and3A_435 = arith.andi %ne3A_429, %ne3A_434 : vector<16xi1>
    %sub3A = arith.constant 1 : i32
    %sub3A_436 = vector.broadcast %sub3A : i32 to vector<16xi32>
    %sub3A_437 = arith.subi %div3A_412, %sub3A_436 : vector<16xi32>
    %select_n3A_438 = arith.select %and3A_435, %sub3A_437, %div3A_412 : vector<16xi1>, vector<16xi32>
    %mul3A_439 = arith.constant 1024 : i32
    %mul3A_440 = vector.broadcast %mul3A_439 : i32 to vector<16xi32>
    %mul3A_441 = arith.muli %select_n3A_438, %mul3A_440 : vector<16xi32>
    %add3A_442 = arith.constant 0 : i32
    %add3A_443 = vector.broadcast %add3A_442 : i32 to vector<16xi32>
    %add3A_444 = arith.addi %add3A_443, %iota3A : vector<16xi32>
    %jit3A_445 = arith.constant 8 : i32
    %eq3A_446 = arith.constant 0 : i32
    %eq3A_447 = arith.cmpi eq, %jit3A_445, %eq3A_446 : i32
    %jit3A_448 = arith.constant 1 : i32
    %select_n3A_449 = arith.select %eq3A_447, %jit3A_448, %jit3A_445 : i32
    %rem3A_450 = vector.broadcast %select_n3A_449 : i32 to vector<16xi32>
    %rem3A_451 = arith.remsi %add3A_444, %rem3A_450 : vector<16xi32>
    %ne3A_452 = arith.constant 0 : i32
    %ne3A_453 = vector.broadcast %ne3A_452 : i32 to vector<16xi32>
    %ne3A_454 = arith.cmpi ne, %rem3A_451, %ne3A_453 : vector<16xi32>
    %lt3A_455 = arith.constant 0 : i32
    %lt3A_456 = vector.broadcast %lt3A_455 : i32 to vector<16xi32>
    %lt3A_457 = arith.cmpi slt, %rem3A_451, %lt3A_456 : vector<16xi32>
    %lt3A_458 = arith.constant 0 : i32
    %lt3A_459 = arith.cmpi slt, %select_n3A_449, %lt3A_458 : i32
    %ne3A_460 = vector.broadcast %lt3A_459 : i1 to vector<16xi1>
    %ne3A_461 = vector.broadcast %ne3A_460 : vector<16xi1> to vector<16xi1>
    %ne3A_462 = arith.xori %lt3A_457, %ne3A_461 : vector<16xi1>
    %and3A_463 = arith.andi %ne3A_462, %ne3A_454 : vector<16xi1>
    %add3A_464 = vector.broadcast %select_n3A_449 : i32 to vector<16xi32>
    %add3A_465 = arith.addi %rem3A_451, %add3A_464 : vector<16xi32>
    %select_n3A_466 = arith.select %and3A_463, %add3A_465, %rem3A_451 : vector<16xi1>, vector<16xi32>
    %mul3A_467 = arith.constant 128 : i32
    %mul3A_468 = vector.broadcast %mul3A_467 : i32 to vector<16xi32>
    %mul3A_469 = arith.muli %select_n3A_466, %mul3A_468 : vector<16xi32>
    %add3A_470 = arith.addi %mul3A_441, %mul3A_469 : vector<16xi32>
    %add3A_471 = arith.constant 16 : i32
    %add3A_472 = vector.broadcast %add3A_471 : i32 to vector<16xi32>
    %add3A_473 = arith.addi %add3A_472, %iota3A : vector<16xi32>
    %jit3A_474 = arith.constant 8 : i32
    %div3A_475 = vector.broadcast %jit3A_474 : i32 to vector<16xi32>
    %div3A_476 = arith.divsi %add3A_473, %div3A_475 : vector<16xi32>
    %sign3A_477 = arith.constant 0 : i32
    %sign3A_478 = vector.broadcast %sign3A_477 : i32 to vector<16xi32>
    %sign3A_479 = arith.cmpi sgt, %add3A_473, %sign3A_478 : vector<16xi32>
    %sign3A_480 = arith.extui %sign3A_479 : vector<16xi1> to vector<16xi32>
    %sign3A_481 = arith.constant 0 : i32
    %sign3A_482 = vector.broadcast %sign3A_481 : i32 to vector<16xi32>
    %sign3A_483 = arith.cmpi slt, %add3A_473, %sign3A_482 : vector<16xi32>
    %sign3A_484 = arith.extui %sign3A_483 : vector<16xi1> to vector<16xi32>
    %sign3A_485 = arith.subi %sign3A_480, %sign3A_484 : vector<16xi32>
    %sign3A_486 = arith.constant 0 : i32
    %sign3A_487 = arith.cmpi sgt, %jit3A_474, %sign3A_486 : i32
    %sign3A_488 = arith.extui %sign3A_487 : i1 to i32
    %sign3A_489 = arith.constant 0 : i32
    %sign3A_490 = arith.cmpi slt, %jit3A_474, %sign3A_489 : i32
    %sign3A_491 = arith.extui %sign3A_490 : i1 to i32
    %sign3A_492 = arith.subi %sign3A_488, %sign3A_491 : i32
    %ne3A_493 = vector.broadcast %sign3A_492 : i32 to vector<16xi32>
    %ne3A_494 = arith.cmpi ne, %sign3A_485, %ne3A_493 : vector<16xi32>
    %rem3A_495 = vector.broadcast %jit3A_474 : i32 to vector<16xi32>
    %rem3A_496 = arith.remsi %add3A_473, %rem3A_495 : vector<16xi32>
    %ne3A_497 = arith.constant 0 : i32
    %ne3A_498 = vector.broadcast %ne3A_497 : i32 to vector<16xi32>
    %ne3A_499 = arith.cmpi ne, %rem3A_496, %ne3A_498 : vector<16xi32>
    %and3A_500 = arith.andi %ne3A_494, %ne3A_499 : vector<16xi1>
    %sub3A_501 = arith.constant 1 : i32
    %sub3A_502 = vector.broadcast %sub3A_501 : i32 to vector<16xi32>
    %sub3A_503 = arith.subi %div3A_476, %sub3A_502 : vector<16xi32>
    %select_n3A_504 = arith.select %and3A_500, %sub3A_503, %div3A_476 : vector<16xi1>, vector<16xi32>
    %mul3A_505 = arith.constant 1024 : i32
    %mul3A_506 = vector.broadcast %mul3A_505 : i32 to vector<16xi32>
    %mul3A_507 = arith.muli %select_n3A_504, %mul3A_506 : vector<16xi32>
    %add3A_508 = arith.constant 16 : i32
    %add3A_509 = vector.broadcast %add3A_508 : i32 to vector<16xi32>
    %add3A_510 = arith.addi %add3A_509, %iota3A : vector<16xi32>
    %jit3A_511 = arith.constant 8 : i32
    %eq3A_512 = arith.constant 0 : i32
    %eq3A_513 = arith.cmpi eq, %jit3A_511, %eq3A_512 : i32
    %jit3A_514 = arith.constant 1 : i32
    %select_n3A_515 = arith.select %eq3A_513, %jit3A_514, %jit3A_511 : i32
    %rem3A_516 = vector.broadcast %select_n3A_515 : i32 to vector<16xi32>
    %rem3A_517 = arith.remsi %add3A_510, %rem3A_516 : vector<16xi32>
    %ne3A_518 = arith.constant 0 : i32
    %ne3A_519 = vector.broadcast %ne3A_518 : i32 to vector<16xi32>
    %ne3A_520 = arith.cmpi ne, %rem3A_517, %ne3A_519 : vector<16xi32>
    %lt3A_521 = arith.constant 0 : i32
    %lt3A_522 = vector.broadcast %lt3A_521 : i32 to vector<16xi32>
    %lt3A_523 = arith.cmpi slt, %rem3A_517, %lt3A_522 : vector<16xi32>
    %lt3A_524 = arith.constant 0 : i32
    %lt3A_525 = arith.cmpi slt, %select_n3A_515, %lt3A_524 : i32
    %ne3A_526 = vector.broadcast %lt3A_525 : i1 to vector<16xi1>
    %ne3A_527 = vector.broadcast %ne3A_526 : vector<16xi1> to vector<16xi1>
    %ne3A_528 = arith.xori %lt3A_523, %ne3A_527 : vector<16xi1>
    %and3A_529 = arith.andi %ne3A_528, %ne3A_520 : vector<16xi1>
    %add3A_530 = vector.broadcast %select_n3A_515 : i32 to vector<16xi32>
    %add3A_531 = arith.addi %rem3A_517, %add3A_530 : vector<16xi32>
    %select_n3A_532 = arith.select %and3A_529, %add3A_531, %rem3A_517 : vector<16xi1>, vector<16xi32>
    %mul3A_533 = arith.constant 128 : i32
    %mul3A_534 = vector.broadcast %mul3A_533 : i32 to vector<16xi32>
    %mul3A_535 = arith.muli %select_n3A_532, %mul3A_534 : vector<16xi32>
    %add3A_536 = arith.addi %mul3A_507, %mul3A_535 : vector<16xi32>
    %add3A_537 = arith.constant 32 : i32
    %add3A_538 = vector.broadcast %add3A_537 : i32 to vector<16xi32>
    %add3A_539 = arith.addi %add3A_538, %iota3A : vector<16xi32>
    %jit3A_540 = arith.constant 8 : i32
    %div3A_541 = vector.broadcast %jit3A_540 : i32 to vector<16xi32>
    %div3A_542 = arith.divsi %add3A_539, %div3A_541 : vector<16xi32>
    %sign3A_543 = arith.constant 0 : i32
    %sign3A_544 = vector.broadcast %sign3A_543 : i32 to vector<16xi32>
    %sign3A_545 = arith.cmpi sgt, %add3A_539, %sign3A_544 : vector<16xi32>
    %sign3A_546 = arith.extui %sign3A_545 : vector<16xi1> to vector<16xi32>
    %sign3A_547 = arith.constant 0 : i32
    %sign3A_548 = vector.broadcast %sign3A_547 : i32 to vector<16xi32>
    %sign3A_549 = arith.cmpi slt, %add3A_539, %sign3A_548 : vector<16xi32>
    %sign3A_550 = arith.extui %sign3A_549 : vector<16xi1> to vector<16xi32>
    %sign3A_551 = arith.subi %sign3A_546, %sign3A_550 : vector<16xi32>
    %sign3A_552 = arith.constant 0 : i32
    %sign3A_553 = arith.cmpi sgt, %jit3A_540, %sign3A_552 : i32
    %sign3A_554 = arith.extui %sign3A_553 : i1 to i32
    %sign3A_555 = arith.constant 0 : i32
    %sign3A_556 = arith.cmpi slt, %jit3A_540, %sign3A_555 : i32
    %sign3A_557 = arith.extui %sign3A_556 : i1 to i32
    %sign3A_558 = arith.subi %sign3A_554, %sign3A_557 : i32
    %ne3A_559 = vector.broadcast %sign3A_558 : i32 to vector<16xi32>
    %ne3A_560 = arith.cmpi ne, %sign3A_551, %ne3A_559 : vector<16xi32>
    %rem3A_561 = vector.broadcast %jit3A_540 : i32 to vector<16xi32>
    %rem3A_562 = arith.remsi %add3A_539, %rem3A_561 : vector<16xi32>
    %ne3A_563 = arith.constant 0 : i32
    %ne3A_564 = vector.broadcast %ne3A_563 : i32 to vector<16xi32>
    %ne3A_565 = arith.cmpi ne, %rem3A_562, %ne3A_564 : vector<16xi32>
    %and3A_566 = arith.andi %ne3A_560, %ne3A_565 : vector<16xi1>
    %sub3A_567 = arith.constant 1 : i32
    %sub3A_568 = vector.broadcast %sub3A_567 : i32 to vector<16xi32>
    %sub3A_569 = arith.subi %div3A_542, %sub3A_568 : vector<16xi32>
    %select_n3A_570 = arith.select %and3A_566, %sub3A_569, %div3A_542 : vector<16xi1>, vector<16xi32>
    %mul3A_571 = arith.constant 1024 : i32
    %mul3A_572 = vector.broadcast %mul3A_571 : i32 to vector<16xi32>
    %mul3A_573 = arith.muli %select_n3A_570, %mul3A_572 : vector<16xi32>
    %add3A_574 = arith.constant 32 : i32
    %add3A_575 = vector.broadcast %add3A_574 : i32 to vector<16xi32>
    %add3A_576 = arith.addi %add3A_575, %iota3A : vector<16xi32>
    %jit3A_577 = arith.constant 8 : i32
    %eq3A_578 = arith.constant 0 : i32
    %eq3A_579 = arith.cmpi eq, %jit3A_577, %eq3A_578 : i32
    %jit3A_580 = arith.constant 1 : i32
    %select_n3A_581 = arith.select %eq3A_579, %jit3A_580, %jit3A_577 : i32
    %rem3A_582 = vector.broadcast %select_n3A_581 : i32 to vector<16xi32>
    %rem3A_583 = arith.remsi %add3A_576, %rem3A_582 : vector<16xi32>
    %ne3A_584 = arith.constant 0 : i32
    %ne3A_585 = vector.broadcast %ne3A_584 : i32 to vector<16xi32>
    %ne3A_586 = arith.cmpi ne, %rem3A_583, %ne3A_585 : vector<16xi32>
    %lt3A_587 = arith.constant 0 : i32
    %lt3A_588 = vector.broadcast %lt3A_587 : i32 to vector<16xi32>
    %lt3A_589 = arith.cmpi slt, %rem3A_583, %lt3A_588 : vector<16xi32>
    %lt3A_590 = arith.constant 0 : i32
    %lt3A_591 = arith.cmpi slt, %select_n3A_581, %lt3A_590 : i32
    %ne3A_592 = vector.broadcast %lt3A_591 : i1 to vector<16xi1>
    %ne3A_593 = vector.broadcast %ne3A_592 : vector<16xi1> to vector<16xi1>
    %ne3A_594 = arith.xori %lt3A_589, %ne3A_593 : vector<16xi1>
    %and3A_595 = arith.andi %ne3A_594, %ne3A_586 : vector<16xi1>
    %add3A_596 = vector.broadcast %select_n3A_581 : i32 to vector<16xi32>
    %add3A_597 = arith.addi %rem3A_583, %add3A_596 : vector<16xi32>
    %select_n3A_598 = arith.select %and3A_595, %add3A_597, %rem3A_583 : vector<16xi1>, vector<16xi32>
    %mul3A_599 = arith.constant 128 : i32
    %mul3A_600 = vector.broadcast %mul3A_599 : i32 to vector<16xi32>
    %mul3A_601 = arith.muli %select_n3A_598, %mul3A_600 : vector<16xi32>
    %add3A_602 = arith.addi %mul3A_573, %mul3A_601 : vector<16xi32>
    %add3A_603 = arith.constant 48 : i32
    %add3A_604 = vector.broadcast %add3A_603 : i32 to vector<16xi32>
    %add3A_605 = arith.addi %add3A_604, %iota3A : vector<16xi32>
    %jit3A_606 = arith.constant 8 : i32
    %div3A_607 = vector.broadcast %jit3A_606 : i32 to vector<16xi32>
    %div3A_608 = arith.divsi %add3A_605, %div3A_607 : vector<16xi32>
    %sign3A_609 = arith.constant 0 : i32
    %sign3A_610 = vector.broadcast %sign3A_609 : i32 to vector<16xi32>
    %sign3A_611 = arith.cmpi sgt, %add3A_605, %sign3A_610 : vector<16xi32>
    %sign3A_612 = arith.extui %sign3A_611 : vector<16xi1> to vector<16xi32>
    %sign3A_613 = arith.constant 0 : i32
    %sign3A_614 = vector.broadcast %sign3A_613 : i32 to vector<16xi32>
    %sign3A_615 = arith.cmpi slt, %add3A_605, %sign3A_614 : vector<16xi32>
    %sign3A_616 = arith.extui %sign3A_615 : vector<16xi1> to vector<16xi32>
    %sign3A_617 = arith.subi %sign3A_612, %sign3A_616 : vector<16xi32>
    %sign3A_618 = arith.constant 0 : i32
    %sign3A_619 = arith.cmpi sgt, %jit3A_606, %sign3A_618 : i32
    %sign3A_620 = arith.extui %sign3A_619 : i1 to i32
    %sign3A_621 = arith.constant 0 : i32
    %sign3A_622 = arith.cmpi slt, %jit3A_606, %sign3A_621 : i32
    %sign3A_623 = arith.extui %sign3A_622 : i1 to i32
    %sign3A_624 = arith.subi %sign3A_620, %sign3A_623 : i32
    %ne3A_625 = vector.broadcast %sign3A_624 : i32 to vector<16xi32>
    %ne3A_626 = arith.cmpi ne, %sign3A_617, %ne3A_625 : vector<16xi32>
    %rem3A_627 = vector.broadcast %jit3A_606 : i32 to vector<16xi32>
    %rem3A_628 = arith.remsi %add3A_605, %rem3A_627 : vector<16xi32>
    %ne3A_629 = arith.constant 0 : i32
    %ne3A_630 = vector.broadcast %ne3A_629 : i32 to vector<16xi32>
    %ne3A_631 = arith.cmpi ne, %rem3A_628, %ne3A_630 : vector<16xi32>
    %and3A_632 = arith.andi %ne3A_626, %ne3A_631 : vector<16xi1>
    %sub3A_633 = arith.constant 1 : i32
    %sub3A_634 = vector.broadcast %sub3A_633 : i32 to vector<16xi32>
    %sub3A_635 = arith.subi %div3A_608, %sub3A_634 : vector<16xi32>
    %select_n3A_636 = arith.select %and3A_632, %sub3A_635, %div3A_608 : vector<16xi1>, vector<16xi32>
    %mul3A_637 = arith.constant 1024 : i32
    %mul3A_638 = vector.broadcast %mul3A_637 : i32 to vector<16xi32>
    %mul3A_639 = arith.muli %select_n3A_636, %mul3A_638 : vector<16xi32>
    %add3A_640 = arith.constant 48 : i32
    %add3A_641 = vector.broadcast %add3A_640 : i32 to vector<16xi32>
    %add3A_642 = arith.addi %add3A_641, %iota3A : vector<16xi32>
    %jit3A_643 = arith.constant 8 : i32
    %eq3A_644 = arith.constant 0 : i32
    %eq3A_645 = arith.cmpi eq, %jit3A_643, %eq3A_644 : i32
    %jit3A_646 = arith.constant 1 : i32
    %select_n3A_647 = arith.select %eq3A_645, %jit3A_646, %jit3A_643 : i32
    %rem3A_648 = vector.broadcast %select_n3A_647 : i32 to vector<16xi32>
    %rem3A_649 = arith.remsi %add3A_642, %rem3A_648 : vector<16xi32>
    %ne3A_650 = arith.constant 0 : i32
    %ne3A_651 = vector.broadcast %ne3A_650 : i32 to vector<16xi32>
    %ne3A_652 = arith.cmpi ne, %rem3A_649, %ne3A_651 : vector<16xi32>
    %lt3A_653 = arith.constant 0 : i32
    %lt3A_654 = vector.broadcast %lt3A_653 : i32 to vector<16xi32>
    %lt3A_655 = arith.cmpi slt, %rem3A_649, %lt3A_654 : vector<16xi32>
    %lt3A_656 = arith.constant 0 : i32
    %lt3A_657 = arith.cmpi slt, %select_n3A_647, %lt3A_656 : i32
    %ne3A_658 = vector.broadcast %lt3A_657 : i1 to vector<16xi1>
    %ne3A_659 = vector.broadcast %ne3A_658 : vector<16xi1> to vector<16xi1>
    %ne3A_660 = arith.xori %lt3A_655, %ne3A_659 : vector<16xi1>
    %and3A_661 = arith.andi %ne3A_660, %ne3A_652 : vector<16xi1>
    %add3A_662 = vector.broadcast %select_n3A_647 : i32 to vector<16xi32>
    %add3A_663 = arith.addi %rem3A_649, %add3A_662 : vector<16xi32>
    %select_n3A_664 = arith.select %and3A_661, %add3A_663, %rem3A_649 : vector<16xi1>, vector<16xi32>
    %mul3A_665 = arith.constant 128 : i32
    %mul3A_666 = vector.broadcast %mul3A_665 : i32 to vector<16xi32>
    %mul3A_667 = arith.muli %select_n3A_664, %mul3A_666 : vector<16xi32>
    %add3A_668 = arith.addi %mul3A_639, %mul3A_667 : vector<16xi32>
    %add3A_669 = arith.constant 0 : i32
    %add3A_670 = arith.addi %mul3A_2, %add3A_669 : i32
    %dma_start3A = tpu.memref_slice %arg2[%add3A_670] : memref<3276800xi32, #tpu.memory_space<hbm>> -> memref<128xi32, #tpu.memory_space<hbm>>
    %dma_start3A_671 = tpu.memref_slice %arg2[%add3A_670] : memref<3276800xi32, #tpu.memory_space<hbm>> -> memref<128xi32, #tpu.memory_space<hbm>>
    tpu.enqueue_dma source(%dma_start3A_671 : memref<128xi32, #tpu.memory_space<hbm>>) target(%arg5 : memref<128xi32, #tpu.memory_space<vmem>>) target_semaphore(%arg11 : memref<!tpu.dma_semaphore, #tpu.memory_space<semaphore_mem>>)
    %add3A_672 = arith.constant 0 : i32
    %add3A_673 = arith.addi %mul3A_2, %add3A_672 : i32
    %dma_wait3A = tpu.memref_slice %arg2[%add3A_673] : memref<3276800xi32, #tpu.memory_space<hbm>> -> memref<128xi32, #tpu.memory_space<hbm>>
    %dma_wait3A_674 = tpu.memref_slice %arg2[%add3A_673] : memref<3276800xi32, #tpu.memory_space<hbm>> -> memref<128xi32, #tpu.memory_space<hbm>>
    tpu.wait_dma2 semaphore(%arg11 : memref<!tpu.dma_semaphore, #tpu.memory_space<semaphore_mem>>) src(%dma_wait3A_674 : memref<128xi32, #tpu.memory_space<hbm>>) dst(%arg5 : memref<128xi32, #tpu.memory_space<vmem>>)
    %get3A = arith.constant 0 : index
    %get3A_675 = tpu.vector_load %arg5[%get3A] {strides = array<i32>} : memref<128xi32, #tpu.memory_space<vmem>>, vector<16xi32>,
    %min3A = arith.constant 14999 : i32
    %min3A_676 = vector.broadcast %min3A : i32 to vector<16xi32>
    %min3A_677 = arith.minsi %get3A_675, %min3A_676 : vector<16xi32>
    %swap3A = arith.constant 0 : index
    %swap3A_678 = tpu.vector_load %arg5[%swap3A] {strides = array<i32>} : memref<128xi32, #tpu.memory_space<vmem>>, vector<16xi32>,
    tpu.vector_store %arg5[%swap3A], %min3A_677 {strides = array<i32>} : memref<128xi32, #tpu.memory_space<vmem>>, vector<16xi32>,
    %get3A_679 = arith.constant 16 : index
    %get3A_680 = tpu.vector_load %arg5[%get3A_679] {strides = array<i32>} : memref<128xi32, #tpu.memory_space<vmem>>, vector<16xi32>,
    %min3A_681 = arith.constant 14999 : i32
    %min3A_682 = vector.broadcast %min3A_681 : i32 to vector<16xi32>
    %min3A_683 = arith.minsi %get3A_680, %min3A_682 : vector<16xi32>
    %swap3A_684 = arith.constant 16 : index
    %swap3A_685 = tpu.vector_load %arg5[%swap3A_684] {strides = array<i32>} : memref<128xi32, #tpu.memory_space<vmem>>, vector<16xi32>,
    tpu.vector_store %arg5[%swap3A_684], %min3A_683 {strides = array<i32>} : memref<128xi32, #tpu.memory_space<vmem>>, vector<16xi32>,
    %get3A_686 = arith.constant 32 : index
    %get3A_687 = tpu.vector_load %arg5[%get3A_686] {strides = array<i32>} : memref<128xi32, #tpu.memory_space<vmem>>, vector<16xi32>,
    %min3A_688 = arith.constant 14999 : i32
    %min3A_689 = vector.broadcast %min3A_688 : i32 to vector<16xi32>
    %min3A_690 = arith.minsi %get3A_687, %min3A_689 : vector<16xi32>
    %swap3A_691 = arith.constant 32 : index
    %swap3A_692 = tpu.vector_load %arg5[%swap3A_691] {strides = array<i32>} : memref<128xi32, #tpu.memory_space<vmem>>, vector<16xi32>,
    tpu.vector_store %arg5[%swap3A_691], %min3A_690 {strides = array<i32>} : memref<128xi32, #tpu.memory_space<vmem>>, vector<16xi32>,
    %get3A_693 = arith.constant 48 : index
    %get3A_694 = tpu.vector_load %arg5[%get3A_693] {strides = array<i32>} : memref<128xi32, #tpu.memory_space<vmem>>, vector<16xi32>,
    %min3A_695 = arith.constant 14999 : i32
    %min3A_696 = vector.broadcast %min3A_695 : i32 to vector<16xi32>
    %min3A_697 = arith.minsi %get3A_694, %min3A_696 : vector<16xi32>
    %swap3A_698 = arith.constant 48 : index
    %swap3A_699 = tpu.vector_load %arg5[%swap3A_698] {strides = array<i32>} : memref<128xi32, #tpu.memory_space<vmem>>, vector<16xi32>,
    tpu.vector_store %arg5[%swap3A_698], %min3A_697 {strides = array<i32>} : memref<128xi32, #tpu.memory_space<vmem>>, vector<16xi32>,
    %get3A_700 = arith.constant 64 : index
    %get3A_701 = tpu.vector_load %arg5[%get3A_700] {strides = array<i32>} : memref<128xi32, #tpu.memory_space<vmem>>, vector<16xi32>,
    %min3A_702 = arith.constant 14999 : i32
    %min3A_703 = vector.broadcast %min3A_702 : i32 to vector<16xi32>
    %min3A_704 = arith.minsi %get3A_701, %min3A_703 : vector<16xi32>
    %swap3A_705 = arith.constant 64 : index
    %swap3A_706 = tpu.vector_load %arg5[%swap3A_705] {strides = array<i32>} : memref<128xi32, #tpu.memory_space<vmem>>, vector<16xi32>,
    tpu.vector_store %arg5[%swap3A_705], %min3A_704 {strides = array<i32>} : memref<128xi32, #tpu.memory_space<vmem>>, vector<16xi32>,
    %get3A_707 = arith.constant 80 : index
    %get3A_708 = tpu.vector_load %arg5[%get3A_707] {strides = array<i32>} : memref<128xi32, #tpu.memory_space<vmem>>, vector<16xi32>,
    %min3A_709 = arith.constant 14999 : i32
    %min3A_710 = vector.broadcast %min3A_709 : i32 to vector<16xi32>
    %min3A_711 = arith.minsi %get3A_708, %min3A_710 : vector<16xi32>
    %swap3A_712 = arith.constant 80 : index
    %swap3A_713 = tpu.vector_load %arg5[%swap3A_712] {strides = array<i32>} : memref<128xi32, #tpu.memory_space<vmem>>, vector<16xi32>,
    tpu.vector_store %arg5[%swap3A_712], %min3A_711 {strides = array<i32>} : memref<128xi32, #tpu.memory_space<vmem>>, vector<16xi32>,
    %get3A_714 = arith.constant 96 : index
    %get3A_715 = tpu.vector_load %arg5[%get3A_714] {strides = array<i32>} : memref<128xi32, #tpu.memory_space<vmem>>, vector<16xi32>,
    %min3A_716 = arith.constant 14999 : i32
    %min3A_717 = vector.broadcast %min3A_716 : i32 to vector<16xi32>
    %min3A_718 = arith.minsi %get3A_715, %min3A_717 : vector<16xi32>
    %swap3A_719 = arith.constant 96 : index
    %swap3A_720 = tpu.vector_load %arg5[%swap3A_719] {strides = array<i32>} : memref<128xi32, #tpu.memory_space<vmem>>, vector<16xi32>,
    tpu.vector_store %arg5[%swap3A_719], %min3A_718 {strides = array<i32>} : memref<128xi32, #tpu.memory_space<vmem>>, vector<16xi32>,
    %get3A_721 = arith.constant 112 : index
    %get3A_722 = tpu.vector_load %arg5[%get3A_721] {strides = array<i32>} : memref<128xi32, #tpu.memory_space<vmem>>, vector<16xi32>,
    %min3A_723 = arith.constant 14999 : i32
    %min3A_724 = vector.broadcast %min3A_723 : i32 to vector<16xi32>
    %min3A_725 = arith.minsi %get3A_722, %min3A_724 : vector<16xi32>
    %swap3A_726 = arith.constant 112 : index
    %swap3A_727 = tpu.vector_load %arg5[%swap3A_726] {strides = array<i32>} : memref<128xi32, #tpu.memory_space<vmem>>, vector<16xi32>,
    tpu.vector_store %arg5[%swap3A_726], %min3A_725 {strides = array<i32>} : memref<128xi32, #tpu.memory_space<vmem>>, vector<16xi32>,
    %dma_start3A_728 = arith.constant 0 : i32
    %dma_start3A_729 = arith.constant 0 : i32
    %dma_start3A_730 = tpu.memref_slice %arg3[%dma_start3A_728, %dma_start3A_729] : memref<15000x64xf32, #tpu.memory_space<hbm>> -> memref<15000x64xf32, #tpu.memory_space<hbm>>
    tpu.enqueue_indirect_dma source(%dma_start3A_730 : memref<15000x64xf32, #tpu.memory_space<hbm>>) target(%arg7 : memref<128x64xf32, #tpu.memory_space<vmem>>) offsets(%arg5 : memref<128xi32, #tpu.memory_space<vmem>>) semaphore(%arg12 : memref<!tpu.dma_semaphore, #tpu.memory_space<semaphore_mem>>)
    %add3A_731 = arith.constant 128 : i32
    %add3A_732 = arith.addi %mul3A_2, %add3A_731 : i32
    %dma_start3A_733 = tpu.memref_slice %arg2[%add3A_732] : memref<3276800xi32, #tpu.memory_space<hbm>> -> memref<128xi32, #tpu.memory_space<hbm>>
    %dma_start3A_734 = tpu.memref_slice %arg2[%add3A_732] : memref<3276800xi32, #tpu.memory_space<hbm>> -> memref<128xi32, #tpu.memory_space<hbm>>
    tpu.enqueue_dma source(%dma_start3A_734 : memref<128xi32, #tpu.memory_space<hbm>>) target(%arg6 : memref<128xi32, #tpu.memory_space<vmem>>) target_semaphore(%arg11 : memref<!tpu.dma_semaphore, #tpu.memory_space<semaphore_mem>>)
    %scan3A = arith.constant 0 : i32
    %scan3A_735 = arith.constant 0 : i32
    %scan3A_736 = arith.constant 400 : i32
    %scan3A_737 = arith.addi %scan3A_735, %scan3A_736 : i32
    %scan3A_738 = arith.constant 1 : i32
    scf.for %scan3A_931 = %scan3A_735 to %scan3A_737 step %scan3A_738  : i32 {
      %mul3A_932 = arith.constant 2 : i32
      %mul3A_933 = arith.muli %mul3A_932, %scan3A_931 : i32
      %add3A_934 = arith.constant 0 : i32
      %add3A_935 = arith.addi %mul3A_933, %add3A_934 : i32
      %add3A_936 = arith.constant 1 : i32
      %add3A_937 = arith.addi %add3A_935, %add3A_936 : i32
      %mul3A_938 = arith.constant 128 : i32
      %mul3A_939 = arith.muli %add3A_937, %mul3A_938 : i32
      %add3A_940 = arith.addi %mul3A_2, %mul3A_939 : i32
      %dma_wait3A_941 = tpu.memref_slice %arg2[%add3A_940] : memref<3276800xi32, #tpu.memory_space<hbm>> -> memref<128xi32, #tpu.memory_space<hbm>>
      %dma_wait3A_942 = tpu.memref_slice %arg2[%add3A_940] : memref<3276800xi32, #tpu.memory_space<hbm>> -> memref<128xi32, #tpu.memory_space<hbm>>
      tpu.wait_dma2 semaphore(%arg11 : memref<!tpu.dma_semaphore, #tpu.memory_space<semaphore_mem>>) src(%dma_wait3A_942 : memref<128xi32, #tpu.memory_space<hbm>>) dst(%arg6 : memref<128xi32, #tpu.memory_space<vmem>>)
      %get3A_943 = arith.constant 0 : index
      %get3A_944 = tpu.vector_load %arg6[%get3A_943] {strides = array<i32>} : memref<128xi32, #tpu.memory_space<vmem>>, vector<16xi32>,
      %min3A_945 = arith.constant 14999 : i32
      %min3A_946 = vector.broadcast %min3A_945 : i32 to vector<16xi32>
      %min3A_947 = arith.minsi %get3A_944, %min3A_946 : vector<16xi32>
      %swap3A_948 = arith.constant 0 : index
      %swap3A_949 = tpu.vector_load %arg6[%swap3A_948] {strides = array<i32>} : memref<128xi32, #tpu.memory_space<vmem>>, vector<16xi32>,
      tpu.vector_store %arg6[%swap3A_948], %min3A_947 {strides = array<i32>} : memref<128xi32, #tpu.memory_space<vmem>>, vector<16xi32>,
      %get3A_950 = arith.constant 16 : index
      %get3A_951 = tpu.vector_load %arg6[%get3A_950] {strides = array<i32>} : memref<128xi32, #tpu.memory_space<vmem>>, vector<16xi32>,
      %min3A_952 = arith.constant 14999 : i32
      %min3A_953 = vector.broadcast %min3A_952 : i32 to vector<16xi32>
      %min3A_954 = arith.minsi %get3A_951, %min3A_953 : vector<16xi32>
      %swap3A_955 = arith.constant 16 : index
      %swap3A_956 = tpu.vector_load %arg6[%swap3A_955] {strides = array<i32>} : memref<128xi32, #tpu.memory_space<vmem>>, vector<16xi32>,
      tpu.vector_store %arg6[%swap3A_955], %min3A_954 {strides = array<i32>} : memref<128xi32, #tpu.memory_space<vmem>>, vector<16xi32>,
      %get3A_957 = arith.constant 32 : index
      %get3A_958 = tpu.vector_load %arg6[%get3A_957] {strides = array<i32>} : memref<128xi32, #tpu.memory_space<vmem>>, vector<16xi32>,
      %min3A_959 = arith.constant 14999 : i32
      %min3A_960 = vector.broadcast %min3A_959 : i32 to vector<16xi32>
      %min3A_961 = arith.minsi %get3A_958, %min3A_960 : vector<16xi32>
      %swap3A_962 = arith.constant 32 : index
      %swap3A_963 = tpu.vector_load %arg6[%swap3A_962] {strides = array<i32>} : memref<128xi32, #tpu.memory_space<vmem>>, vector<16xi32>,
      tpu.vector_store %arg6[%swap3A_962], %min3A_961 {strides = array<i32>} : memref<128xi32, #tpu.memory_space<vmem>>, vector<16xi32>,
      %get3A_964 = arith.constant 48 : index
      %get3A_965 = tpu.vector_load %arg6[%get3A_964] {strides = array<i32>} : memref<128xi32, #tpu.memory_space<vmem>>, vector<16xi32>,
      %min3A_966 = arith.constant 14999 : i32
      %min3A_967 = vector.broadcast %min3A_966 : i32 to vector<16xi32>
      %min3A_968 = arith.minsi %get3A_965, %min3A_967 : vector<16xi32>
      %swap3A_969 = arith.constant 48 : index
      %swap3A_970 = tpu.vector_load %arg6[%swap3A_969] {strides = array<i32>} : memref<128xi32, #tpu.memory_space<vmem>>, vector<16xi32>,
      tpu.vector_store %arg6[%swap3A_969], %min3A_968 {strides = array<i32>} : memref<128xi32, #tpu.memory_space<vmem>>, vector<16xi32>,
      %get3A_971 = arith.constant 64 : index
      %get3A_972 = tpu.vector_load %arg6[%get3A_971] {strides = array<i32>} : memref<128xi32, #tpu.memory_space<vmem>>, vector<16xi32>,
      %min3A_973 = arith.constant 14999 : i32
      %min3A_974 = vector.broadcast %min3A_973 : i32 to vector<16xi32>
      %min3A_975 = arith.minsi %get3A_972, %min3A_974 : vector<16xi32>
      %swap3A_976 = arith.constant 64 : index
      %swap3A_977 = tpu.vector_load %arg6[%swap3A_976] {strides = array<i32>} : memref<128xi32, #tpu.memory_space<vmem>>, vector<16xi32>,
      tpu.vector_store %arg6[%swap3A_976], %min3A_975 {strides = array<i32>} : memref<128xi32, #tpu.memory_space<vmem>>, vector<16xi32>,
      %get3A_978 = arith.constant 80 : index
      %get3A_979 = tpu.vector_load %arg6[%get3A_978] {strides = array<i32>} : memref<128xi32, #tpu.memory_space<vmem>>, vector<16xi32>,
      %min3A_980 = arith.constant 14999 : i32
      %min3A_981 = vector.broadcast %min3A_980 : i32 to vector<16xi32>
      %min3A_982 = arith.minsi %get3A_979, %min3A_981 : vector<16xi32>
      %swap3A_983 = arith.constant 80 : index
      %swap3A_984 = tpu.vector_load %arg6[%swap3A_983] {strides = array<i32>} : memref<128xi32, #tpu.memory_space<vmem>>, vector<16xi32>,
      tpu.vector_store %arg6[%swap3A_983], %min3A_982 {strides = array<i32>} : memref<128xi32, #tpu.memory_space<vmem>>, vector<16xi32>,
      %get3A_985 = arith.constant 96 : index
      %get3A_986 = tpu.vector_load %arg6[%get3A_985] {strides = array<i32>} : memref<128xi32, #tpu.memory_space<vmem>>, vector<16xi32>,
      %min3A_987 = arith.constant 14999 : i32
      %min3A_988 = vector.broadcast %min3A_987 : i32 to vector<16xi32>
      %min3A_989 = arith.minsi %get3A_986, %min3A_988 : vector<16xi32>
      %swap3A_990 = arith.constant 96 : index
      %swap3A_991 = tpu.vector_load %arg6[%swap3A_990] {strides = array<i32>} : memref<128xi32, #tpu.memory_space<vmem>>, vector<16xi32>,
      tpu.vector_store %arg6[%swap3A_990], %min3A_989 {strides = array<i32>} : memref<128xi32, #tpu.memory_space<vmem>>, vector<16xi32>,
      %get3A_992 = arith.constant 112 : index
      %get3A_993 = tpu.vector_load %arg6[%get3A_992] {strides = array<i32>} : memref<128xi32, #tpu.memory_space<vmem>>, vector<16xi32>,
      %min3A_994 = arith.constant 14999 : i32
      %min3A_995 = vector.broadcast %min3A_994 : i32 to vector<16xi32>
      %min3A_996 = arith.minsi %get3A_993, %min3A_995 : vector<16xi32>
      %swap3A_997 = arith.constant 112 : index
      %swap3A_998 = tpu.vector_load %arg6[%swap3A_997] {strides = array<i32>} : memref<128xi32, #tpu.memory_space<vmem>>, vector<16xi32>,
      tpu.vector_store %arg6[%swap3A_997], %min3A_996 {strides = array<i32>} : memref<128xi32, #tpu.memory_space<vmem>>, vector<16xi32>,
      %dma_start3A_999 = arith.constant 0 : i32
      %dma_start3A_1000 = arith.constant 0 : i32
      %dma_start3A_1001 = tpu.memref_slice %arg3[%dma_start3A_999, %dma_start3A_1000] : memref<15000x64xf32, #tpu.memory_space<hbm>> -> memref<15000x64xf32, #tpu.memory_space<hbm>>
      tpu.enqueue_indirect_dma source(%dma_start3A_1001 : memref<15000x64xf32, #tpu.memory_space<hbm>>) target(%arg8 : memref<128x64xf32, #tpu.memory_space<vmem>>) offsets(%arg6 : memref<128xi32, #tpu.memory_space<vmem>>) semaphore(%arg13 : memref<!tpu.dma_semaphore, #tpu.memory_space<semaphore_mem>>)
      %dma_wait3A_1002 = arith.constant 0 : i32
      %dma_wait3A_1003 = arith.constant 0 : i32
      %dma_wait3A_1004 = tpu.memref_slice %arg3[%dma_wait3A_1002, %dma_wait3A_1003] : memref<15000x64xf32, #tpu.memory_space<hbm>> -> memref<15000x64xf32, #tpu.memory_space<hbm>>
      tpu.wait_indirect_dma semaphore(%arg12 : memref<!tpu.dma_semaphore, #tpu.memory_space<semaphore_mem>>) src(%dma_wait3A_1004 : memref<15000x64xf32, #tpu.memory_space<hbm>>) dst(%arg7 : memref<128x64xf32, #tpu.memory_space<vmem>>)
      %lt3A_1005 = arith.constant 399 : i32
      %lt3A_1006 = arith.cmpi slt, %scan3A_931, %lt3A_1005 : i32
      %convert_element_type3A = arith.extui %lt3A_1006 : i1 to i32
      %cond3A = arith.constant 0 : i32
      %cond3A_1007 = arith.cmpi ne, %convert_element_type3A, %cond3A : i32
      scf.if %cond3A_1007 {
        %add3A_1251 = arith.constant 2 : i32
        %add3A_1252 = arith.addi %add3A_935, %add3A_1251 : i32
        %mul3A_1253 = arith.constant 128 : i32
        %mul3A_1254 = arith.muli %add3A_1252, %mul3A_1253 : i32
        %add3A_1255 = arith.addi %mul3A_2, %mul3A_1254 : i32
        %dma_start3A_1256 = tpu.memref_slice %arg2[%add3A_1255] : memref<3276800xi32, #tpu.memory_space<hbm>> -> memref<128xi32, #tpu.memory_space<hbm>>
        %dma_start3A_1257 = tpu.memref_slice %arg2[%add3A_1255] : memref<3276800xi32, #tpu.memory_space<hbm>> -> memref<128xi32, #tpu.memory_space<hbm>>
        tpu.enqueue_dma source(%dma_start3A_1257 : memref<128xi32, #tpu.memory_space<hbm>>) target(%arg5 : memref<128xi32, #tpu.memory_space<vmem>>) target_semaphore(%arg11 : memref<!tpu.dma_semaphore, #tpu.memory_space<semaphore_mem>>)
      } else {
      }
      %gt3A = arith.constant 0 : i32
      %gt3A_1008 = arith.cmpi sgt, %scan3A_931, %gt3A : i32
      %convert_element_type3A_1009 = arith.extui %gt3A_1008 : i1 to i32
      %cond3A_1010 = arith.constant 0 : i32
      %cond3A_1011 = arith.cmpi ne, %convert_element_type3A_1009, %cond3A_1010 : i32
      scf.if %cond3A_1011 {
        %sub3A_1251 = arith.constant 2 : i32
        %sub3A_1252 = arith.subi %add3A_935, %sub3A_1251 : i32
        %mul3A_1253 = arith.constant 128 : i32
        %mul3A_1254 = arith.muli %sub3A_1252, %mul3A_1253 : i32
        %add3A_1255 = arith.addi %mul3A_2, %mul3A_1254 : i32
        %shift_right_arithmetic3A_1256 = arith.constant 14 : i32
        %shift_right_arithmetic3A_1257 = arith.shrsi %add3A_1255, %shift_right_arithmetic3A_1256 : i32
        %shift_right_arithmetic3A_1258 = arith.constant 7 : i32
        %shift_right_arithmetic3A_1259 = arith.shrsi %add3A_1255, %shift_right_arithmetic3A_1258 : i32
        %and3A_1260 = arith.constant 127 : i32
        %and3A_1261 = arith.andi %shift_right_arithmetic3A_1259, %and3A_1260 : i32
        %dma_wait3A_1262 = arith.constant 0 : i32
        %dma_wait3A_1263 = arith.constant 0 : i32
        %dma_wait3A_1264 = tpu.memref_slice %arg9[%dma_wait3A_1263] : memref<8192xf32, #tpu.memory_space<vmem>> -> memref<1024xf32, #tpu.memory_space<vmem>>
        %dma_wait3A_1265 = arith.constant 0 : i32
        %dma_wait3A_1266 = tpu.memref_slice %arg4[%shift_right_arithmetic3A_1257, %dma_wait3A_1262, %and3A_1261, %dma_wait3A_1265] : memref<200x8x128x1024xf32, #tpu.memory_space<hbm>> -> memref<1x1x1x1024xf32, #tpu.memory_space<hbm>>
        %dma_wait3A_1267 = tpu.memref_squeeze %dma_wait3A_1266 : memref<1x1x1x1024xf32, #tpu.memory_space<hbm>> -> memref<1024xf32, #tpu.memory_space<hbm>>
        %dma_wait3A_1268 = arith.constant 0 : i32
        %dma_wait3A_1269 = tpu.memref_slice %arg4[%shift_right_arithmetic3A_1257, %dma_wait3A_1262, %and3A_1261, %dma_wait3A_1268] : memref<200x8x128x1024xf32, #tpu.memory_space<hbm>> -> memref<1x1x1x1024xf32, #tpu.memory_space<hbm>>
        %dma_wait3A_1270 = tpu.memref_squeeze %dma_wait3A_1269 : memref<1x1x1x1024xf32, #tpu.memory_space<hbm>> -> memref<1024xf32, #tpu.memory_space<hbm>>
        %dma_wait3A_1271 = arith.constant 0 : i32
        %dma_wait3A_1272 = tpu.memref_slice %arg9[%dma_wait3A_1271] : memref<8192xf32, #tpu.memory_space<vmem>> -> memref<1024xf32, #tpu.memory_space<vmem>>
        tpu.wait_dma2 semaphore(%arg14 : memref<!tpu.dma_semaphore, #tpu.memory_space<semaphore_mem>>) src(%dma_wait3A_1272 : memref<1024xf32, #tpu.memory_space<vmem>>) dst(%dma_wait3A_1270 : memref<1024xf32, #tpu.memory_space<hbm>>)
        %dma_wait3A_1273 = arith.constant 1 : i32
        %dma_wait3A_1274 = arith.constant 1024 : i32
        %dma_wait3A_1275 = tpu.memref_slice %arg9[%dma_wait3A_1274] : memref<8192xf32, #tpu.memory_space<vmem>> -> memref<1024xf32, #tpu.memory_space<vmem>>
        %dma_wait3A_1276 = arith.constant 0 : i32
        %dma_wait3A_1277 = tpu.memref_slice %arg4[%shift_right_arithmetic3A_1257, %dma_wait3A_1273, %and3A_1261, %dma_wait3A_1276] : memref<200x8x128x1024xf32, #tpu.memory_space<hbm>> -> memref<1x1x1x1024xf32, #tpu.memory_space<hbm>>
        %dma_wait3A_1278 = tpu.memref_squeeze %dma_wait3A_1277 : memref<1x1x1x1024xf32, #tpu.memory_space<hbm>> -> memref<1024xf32, #tpu.memory_space<hbm>>
        %dma_wait3A_1279 = arith.constant 0 : i32
        %dma_wait3A_1280 = tpu.memref_slice %arg4[%shift_right_arithmetic3A_1257, %dma_wait3A_1273, %and3A_1261, %dma_wait3A_1279] : memref<200x8x128x1024xf32, #tpu.memory_space<hbm>> -> memref<1x1x1x1024xf32, #tpu.memory_space<hbm>>
        %dma_wait3A_1281 = tpu.memref_squeeze %dma_wait3A_1280 : memref<1x1x1x1024xf32, #tpu.memory_space<hbm>> -> memref<1024xf32, #tpu.memory_space<hbm>>
        %dma_wait3A_1282 = arith.constant 1024 : i32
        %dma_wait3A_1283 = tpu.memref_slice %arg9[%dma_wait3A_1282] : memref<8192xf32, #tpu.memory_space<vmem>> -> memref<1024xf32, #tpu.memory_space<vmem>>
        tpu.wait_dma2 semaphore(%arg14 : memref<!tpu.dma_semaphore, #tpu.memory_space<semaphore_mem>>) src(%dma_wait3A_1283 : memref<1024xf32, #tpu.memory_space<vmem>>) dst(%dma_wait3A_1281 : memref<1024xf32, #tpu.memory_space<hbm>>)
        %dma_wait3A_1284 = arith.constant 2 : i32
        %dma_wait3A_1285 = arith.constant 2048 : i32
        %dma_wait3A_1286 = tpu.memref_slice %arg9[%dma_wait3A_1285] : memref<8192xf32, #tpu.memory_space<vmem>> -> memref<1024xf32, #tpu.memory_space<vmem>>
        %dma_wait3A_1287 = arith.constant 0 : i32
        %dma_wait3A_1288 = tpu.memref_slice %arg4[%shift_right_arithmetic3A_1257, %dma_wait3A_1284, %and3A_1261, %dma_wait3A_1287] : memref<200x8x128x1024xf32, #tpu.memory_space<hbm>> -> memref<1x1x1x1024xf32, #tpu.memory_space<hbm>>
        %dma_wait3A_1289 = tpu.memref_squeeze %dma_wait3A_1288 : memref<1x1x1x1024xf32, #tpu.memory_space<hbm>> -> memref<1024xf32, #tpu.memory_space<hbm>>
        %dma_wait3A_1290 = arith.constant 0 : i32
        %dma_wait3A_1291 = tpu.memref_slice %arg4[%shift_right_arithmetic3A_1257, %dma_wait3A_1284, %and3A_1261, %dma_wait3A_1290] : memref<200x8x128x1024xf32, #tpu.memory_space<hbm>> -> memref<1x1x1x1024xf32, #tpu.memory_space<hbm>>
        %dma_wait3A_1292 = tpu.memref_squeeze %dma_wait3A_1291 : memref<1x1x1x1024xf32, #tpu.memory_space<hbm>> -> memref<1024xf32, #tpu.memory_space<hbm>>
        %dma_wait3A_1293 = arith.constant 2048 : i32
        %dma_wait3A_1294 = tpu.memref_slice %arg9[%dma_wait3A_1293] : memref<8192xf32, #tpu.memory_space<vmem>> -> memref<1024xf32, #tpu.memory_space<vmem>>
        tpu.wait_dma2 semaphore(%arg14 : memref<!tpu.dma_semaphore, #tpu.memory_space<semaphore_mem>>) src(%dma_wait3A_1294 : memref<1024xf32, #tpu.memory_space<vmem>>) dst(%dma_wait3A_1292 : memref<1024xf32, #tpu.memory_space<hbm>>)
        %dma_wait3A_1295 = arith.constant 3 : i32
        %dma_wait3A_1296 = arith.constant 3072 : i32
        %dma_wait3A_1297 = tpu.memref_slice %arg9[%dma_wait3A_1296] : memref<8192xf32, #tpu.memory_space<vmem>> -> memref<1024xf32, #tpu.memory_space<vmem>>
        %dma_wait3A_1298 = arith.constant 0 : i32
        %dma_wait3A_1299 = tpu.memref_slice %arg4[%shift_right_arithmetic3A_1257, %dma_wait3A_1295, %and3A_1261, %dma_wait3A_1298] : memref<200x8x128x1024xf32, #tpu.memory_space<hbm>> -> memref<1x1x1x1024xf32, #tpu.memory_space<hbm>>
        %dma_wait3A_1300 = tpu.memref_squeeze %dma_wait3A_1299 : memref<1x1x1x1024xf32, #tpu.memory_space<hbm>> -> memref<1024xf32, #tpu.memory_space<hbm>>
        %dma_wait3A_1301 = arith.constant 0 : i32
        %dma_wait3A_1302 = tpu.memref_slice %arg4[%shift_right_arithmetic3A_1257, %dma_wait3A_1295, %and3A_1261, %dma_wait3A_1301] : memref<200x8x128x1024xf32, #tpu.memory_space<hbm>> -> memref<1x1x1x1024xf32, #tpu.memory_space<hbm>>
        %dma_wait3A_1303 = tpu.memref_squeeze %dma_wait3A_1302 : memref<1x1x1x1024xf32, #tpu.memory_space<hbm>> -> memref<1024xf32, #tpu.memory_space<hbm>>
        %dma_wait3A_1304 = arith.constant 3072 : i32
        %dma_wait3A_1305 = tpu.memref_slice %arg9[%dma_wait3A_1304] : memref<8192xf32, #tpu.memory_space<vmem>> -> memref<1024xf32, #tpu.memory_space<vmem>>
        tpu.wait_dma2 semaphore(%arg14 : memref<!tpu.dma_semaphore, #tpu.memory_space<semaphore_mem>>) src(%dma_wait3A_1305 : memref<1024xf32, #tpu.memory_space<vmem>>) dst(%dma_wait3A_1303 : memref<1024xf32, #tpu.memory_space<hbm>>)
        %dma_wait3A_1306 = arith.constant 4 : i32
        %dma_wait3A_1307 = arith.constant 4096 : i32
        %dma_wait3A_1308 = tpu.memref_slice %arg9[%dma_wait3A_1307] : memref<8192xf32, #tpu.memory_space<vmem>> -> memref<1024xf32, #tpu.memory_space<vmem>>
        %dma_wait3A_1309 = arith.constant 0 : i32
        %dma_wait3A_1310 = tpu.memref_slice %arg4[%shift_right_arithmetic3A_1257, %dma_wait3A_1306, %and3A_1261, %dma_wait3A_1309] : memref<200x8x128x1024xf32, #tpu.memory_space<hbm>> -> memref<1x1x1x1024xf32, #tpu.memory_space<hbm>>
        %dma_wait3A_1311 = tpu.memref_squeeze %dma_wait3A_1310 : memref<1x1x1x1024xf32, #tpu.memory_space<hbm>> -> memref<1024xf32, #tpu.memory_space<hbm>>
        %dma_wait3A_1312 = arith.constant 0 : i32
        %dma_wait3A_1313 = tpu.memref_slice %arg4[%shift_right_arithmetic3A_1257, %dma_wait3A_1306, %and3A_1261, %dma_wait3A_1312] : memref<200x8x128x1024xf32, #tpu.memory_space<hbm>> -> memref<1x1x1x1024xf32, #tpu.memory_space<hbm>>
        %dma_wait3A_1314 = tpu.memref_squeeze %dma_wait3A_1313 : memref<1x1x1x1024xf32, #tpu.memory_space<hbm>> -> memref<1024xf32, #tpu.memory_space<hbm>>
        %dma_wait3A_1315 = arith.constant 4096 : i32
        %dma_wait3A_1316 = tpu.memref_slice %arg9[%dma_wait3A_1315] : memref<8192xf32, #tpu.memory_space<vmem>> -> memref<1024xf32, #tpu.memory_space<vmem>>
        tpu.wait_dma2 semaphore(%arg14 : memref<!tpu.dma_semaphore, #tpu.memory_space<semaphore_mem>>) src(%dma_wait3A_1316 : memref<1024xf32, #tpu.memory_space<vmem>>) dst(%dma_wait3A_1314 : memref<1024xf32, #tpu.memory_space<hbm>>)
        %dma_wait3A_1317 = arith.constant 5 : i32
        %dma_wait3A_1318 = arith.constant 5120 : i32
        %dma_wait3A_1319 = tpu.memref_slice %arg9[%dma_wait3A_1318] : memref<8192xf32, #tpu.memory_space<vmem>> -> memref<1024xf32, #tpu.memory_space<vmem>>
        %dma_wait3A_1320 = arith.constant 0 : i32
        %dma_wait3A_1321 = tpu.memref_slice %arg4[%shift_right_arithmetic3A_1257, %dma_wait3A_1317, %and3A_1261, %dma_wait3A_1320] : memref<200x8x128x1024xf32, #tpu.memory_space<hbm>> -> memref<1x1x1x1024xf32, #tpu.memory_space<hbm>>
        %dma_wait3A_1322 = tpu.memref_squeeze %dma_wait3A_1321 : memref<1x1x1x1024xf32, #tpu.memory_space<hbm>> -> memref<1024xf32, #tpu.memory_space<hbm>>
        %dma_wait3A_1323 = arith.constant 0 : i32
        %dma_wait3A_1324 = tpu.memref_slice %arg4[%shift_right_arithmetic3A_1257, %dma_wait3A_1317, %and3A_1261, %dma_wait3A_1323] : memref<200x8x128x1024xf32, #tpu.memory_space<hbm>> -> memref<1x1x1x1024xf32, #tpu.memory_space<hbm>>
        %dma_wait3A_1325 = tpu.memref_squeeze %dma_wait3A_1324 : memref<1x1x1x1024xf32, #tpu.memory_space<hbm>> -> memref<1024xf32, #tpu.memory_space<hbm>>
        %dma_wait3A_1326 = arith.constant 5120 : i32
        %dma_wait3A_1327 = tpu.memref_slice %arg9[%dma_wait3A_1326] : memref<8192xf32, #tpu.memory_space<vmem>> -> memref<1024xf32, #tpu.memory_space<vmem>>
        tpu.wait_dma2 semaphore(%arg14 : memref<!tpu.dma_semaphore, #tpu.memory_space<semaphore_mem>>) src(%dma_wait3A_1327 : memref<1024xf32, #tpu.memory_space<vmem>>) dst(%dma_wait3A_1325 : memref<1024xf32, #tpu.memory_space<hbm>>)
        %dma_wait3A_1328 = arith.constant 6 : i32
        %dma_wait3A_1329 = arith.constant 6144 : i32
        %dma_wait3A_1330 = tpu.memref_slice %arg9[%dma_wait3A_1329] : memref<8192xf32, #tpu.memory_space<vmem>> -> memref<1024xf32, #tpu.memory_space<vmem>>
        %dma_wait3A_1331 = arith.constant 0 : i32
        %dma_wait3A_1332 = tpu.memref_slice %arg4[%shift_right_arithmetic3A_1257, %dma_wait3A_1328, %and3A_1261, %dma_wait3A_1331] : memref<200x8x128x1024xf32, #tpu.memory_space<hbm>> -> memref<1x1x1x1024xf32, #tpu.memory_space<hbm>>
        %dma_wait3A_1333 = tpu.memref_squeeze %dma_wait3A_1332 : memref<1x1x1x1024xf32, #tpu.memory_space<hbm>> -> memref<1024xf32, #tpu.memory_space<hbm>>
        %dma_wait3A_1334 = arith.constant 0 : i32
        %dma_wait3A_1335 = tpu.memref_slice %arg4[%shift_right_arithmetic3A_1257, %dma_wait3A_1328, %and3A_1261, %dma_wait3A_1334] : memref<200x8x128x1024xf32, #tpu.memory_space<hbm>> -> memref<1x1x1x1024xf32, #tpu.memory_space<hbm>>
        %dma_wait3A_1336 = tpu.memref_squeeze %dma_wait3A_1335 : memref<1x1x1x1024xf32, #tpu.memory_space<hbm>> -> memref<1024xf32, #tpu.memory_space<hbm>>
        %dma_wait3A_1337 = arith.constant 6144 : i32
        %dma_wait3A_1338 = tpu.memref_slice %arg9[%dma_wait3A_1337] : memref<8192xf32, #tpu.memory_space<vmem>> -> memref<1024xf32, #tpu.memory_space<vmem>>
        tpu.wait_dma2 semaphore(%arg14 : memref<!tpu.dma_semaphore, #tpu.memory_space<semaphore_mem>>) src(%dma_wait3A_1338 : memref<1024xf32, #tpu.memory_space<vmem>>) dst(%dma_wait3A_1336 : memref<1024xf32, #tpu.memory_space<hbm>>)
        %dma_wait3A_1339 = arith.constant 7 : i32
        %dma_wait3A_1340 = arith.constant 7168 : i32
        %dma_wait3A_1341 = tpu.memref_slice %arg9[%dma_wait3A_1340] : memref<8192xf32, #tpu.memory_space<vmem>> -> memref<1024xf32, #tpu.memory_space<vmem>>
        %dma_wait3A_1342 = arith.constant 0 : i32
        %dma_wait3A_1343 = tpu.memref_slice %arg4[%shift_right_arithmetic3A_1257, %dma_wait3A_1339, %and3A_1261, %dma_wait3A_1342] : memref<200x8x128x1024xf32, #tpu.memory_space<hbm>> -> memref<1x1x1x1024xf32, #tpu.memory_space<hbm>>
        %dma_wait3A_1344 = tpu.memref_squeeze %dma_wait3A_1343 : memref<1x1x1x1024xf32, #tpu.memory_space<hbm>> -> memref<1024xf32, #tpu.memory_space<hbm>>
        %dma_wait3A_1345 = arith.constant 0 : i32
        %dma_wait3A_1346 = tpu.memref_slice %arg4[%shift_right_arithmetic3A_1257, %dma_wait3A_1339, %and3A_1261, %dma_wait3A_1345] : memref<200x8x128x1024xf32, #tpu.memory_space<hbm>> -> memref<1x1x1x1024xf32, #tpu.memory_space<hbm>>
        %dma_wait3A_1347 = tpu.memref_squeeze %dma_wait3A_1346 : memref<1x1x1x1024xf32, #tpu.memory_space<hbm>> -> memref<1024xf32, #tpu.memory_space<hbm>>
        %dma_wait3A_1348 = arith.constant 7168 : i32
        %dma_wait3A_1349 = tpu.memref_slice %arg9[%dma_wait3A_1348] : memref<8192xf32, #tpu.memory_space<vmem>> -> memref<1024xf32, #tpu.memory_space<vmem>>
        tpu.wait_dma2 semaphore(%arg14 : memref<!tpu.dma_semaphore, #tpu.memory_space<semaphore_mem>>) src(%dma_wait3A_1349 : memref<1024xf32, #tpu.memory_space<vmem>>) dst(%dma_wait3A_1347 : memref<1024xf32, #tpu.memory_space<hbm>>)
      } else {
      }
      %mul3A_1012 = arith.constant 128 : i32
      %mul3A_1013 = arith.muli %add3A_935, %mul3A_1012 : i32
      %add3A_1014 = arith.addi %mul3A_2, %mul3A_1013 : i32
      %shift_right_arithmetic3A_1015 = arith.constant 14 : i32
      %shift_right_arithmetic3A_1016 = arith.shrsi %add3A_1014, %shift_right_arithmetic3A_1015 : i32
      %shift_right_arithmetic3A_1017 = arith.constant 7 : i32
      %shift_right_arithmetic3A_1018 = arith.shrsi %add3A_1014, %shift_right_arithmetic3A_1017 : i32
      %and3A_1019 = arith.constant 127 : i32
      %and3A_1020 = arith.andi %shift_right_arithmetic3A_1018, %and3A_1019 : i32
      %parallel_loop3A = arith.constant 0 : i32
      %parallel_loop3A_1021 = arith.constant 128 : i32
      %parallel_loop3A_1022 = arith.constant 16 : i32
      scf.for %parallel_loop3A_1251 = %parallel_loop3A to %parallel_loop3A_1021 step %parallel_loop3A_1022  : i32 {
        %parallel_loop3A_1252 = vector.broadcast %parallel_loop3A_1251 : i32 to vector<16xi32>
        %parallel_loop3A_1253 = arith.addi %select_n3A_20, %parallel_loop3A_1252 : vector<16xi32>
        %parallel_loop3A_1254 = tpu.vector_load_idx %arg7[%parallel_loop3A_1253, %add3A_398] : memref<128x64xf32, #tpu.memory_space<vmem>>[vector<16xi32>, vector<16xi32>], vector<16xf32>,
        %parallel_loop3A_1255 = arith.addi %add3A_470, %parallel_loop3A_1253 : vector<16xi32>
        tpu.vector_store_idx %arg9[%parallel_loop3A_1255], %parallel_loop3A_1254 : memref<8192xf32, #tpu.memory_space<vmem>>[vector<16xi32>], vector<16xf32>,
        %parallel_loop3A_1256 = vector.broadcast %parallel_loop3A_1251 : i32 to vector<16xi32>
        %parallel_loop3A_1257 = arith.addi %select_n3A_45, %parallel_loop3A_1256 : vector<16xi32>
        %parallel_loop3A_1258 = tpu.vector_load_idx %arg7[%parallel_loop3A_1257, %add3A_398] : memref<128x64xf32, #tpu.memory_space<vmem>>[vector<16xi32>, vector<16xi32>], vector<16xf32>,
        %parallel_loop3A_1259 = arith.addi %add3A_470, %parallel_loop3A_1257 : vector<16xi32>
        tpu.vector_store_idx %arg9[%parallel_loop3A_1259], %parallel_loop3A_1258 : memref<8192xf32, #tpu.memory_space<vmem>>[vector<16xi32>], vector<16xf32>,
        %parallel_loop3A_1260 = vector.broadcast %parallel_loop3A_1251 : i32 to vector<16xi32>
        %parallel_loop3A_1261 = arith.addi %select_n3A_70, %parallel_loop3A_1260 : vector<16xi32>
        %parallel_loop3A_1262 = tpu.vector_load_idx %arg7[%parallel_loop3A_1261, %add3A_398] : memref<128x64xf32, #tpu.memory_space<vmem>>[vector<16xi32>, vector<16xi32>], vector<16xf32>,
        %parallel_loop3A_1263 = arith.addi %add3A_470, %parallel_loop3A_1261 : vector<16xi32>
        tpu.vector_store_idx %arg9[%parallel_loop3A_1263], %parallel_loop3A_1262 : memref<8192xf32, #tpu.memory_space<vmem>>[vector<16xi32>], vector<16xf32>,
        %parallel_loop3A_1264 = vector.broadcast %parallel_loop3A_1251 : i32 to vector<16xi32>
        %parallel_loop3A_1265 = arith.addi %select_n3A_95, %parallel_loop3A_1264 : vector<16xi32>
        %parallel_loop3A_1266 = tpu.vector_load_idx %arg7[%parallel_loop3A_1265, %add3A_398] : memref<128x64xf32, #tpu.memory_space<vmem>>[vector<16xi32>, vector<16xi32>], vector<16xf32>,
        %parallel_loop3A_1267 = arith.addi %add3A_470, %parallel_loop3A_1265 : vector<16xi32>
        tpu.vector_store_idx %arg9[%parallel_loop3A_1267], %parallel_loop3A_1266 : memref<8192xf32, #tpu.memory_space<vmem>>[vector<16xi32>], vector<16xf32>,
        %parallel_loop3A_1268 = vector.broadcast %parallel_loop3A_1251 : i32 to vector<16xi32>
        %parallel_loop3A_1269 = arith.addi %select_n3A_120, %parallel_loop3A_1268 : vector<16xi32>
        %parallel_loop3A_1270 = tpu.vector_load_idx %arg7[%parallel_loop3A_1269, %add3A_398] : memref<128x64xf32, #tpu.memory_space<vmem>>[vector<16xi32>, vector<16xi32>], vector<16xf32>,
        %parallel_loop3A_1271 = arith.addi %add3A_470, %parallel_loop3A_1269 : vector<16xi32>
        tpu.vector_store_idx %arg9[%parallel_loop3A_1271], %parallel_loop3A_1270 : memref<8192xf32, #tpu.memory_space<vmem>>[vector<16xi32>], vector<16xf32>,
        %parallel_loop3A_1272 = vector.broadcast %parallel_loop3A_1251 : i32 to vector<16xi32>
        %parallel_loop3A_1273 = arith.addi %select_n3A_145, %parallel_loop3A_1272 : vector<16xi32>
        %parallel_loop3A_1274 = tpu.vector_load_idx %arg7[%parallel_loop3A_1273, %add3A_398] : memref<128x64xf32, #tpu.memory_space<vmem>>[vector<16xi32>, vector<16xi32>], vector<16xf32>,
        %parallel_loop3A_1275 = arith.addi %add3A_470, %parallel_loop3A_1273 : vector<16xi32>
        tpu.vector_store_idx %arg9[%parallel_loop3A_1275], %parallel_loop3A_1274 : memref<8192xf32, #tpu.memory_space<vmem>>[vector<16xi32>], vector<16xf32>,
        %parallel_loop3A_1276 = vector.broadcast %parallel_loop3A_1251 : i32 to vector<16xi32>
        %parallel_loop3A_1277 = arith.addi %select_n3A_170, %parallel_loop3A_1276 : vector<16xi32>
        %parallel_loop3A_1278 = tpu.vector_load_idx %arg7[%parallel_loop3A_1277, %add3A_398] : memref<128x64xf32, #tpu.memory_space<vmem>>[vector<16xi32>, vector<16xi32>], vector<16xf32>,
        %parallel_loop3A_1279 = arith.addi %add3A_470, %parallel_loop3A_1277 : vector<16xi32>
        tpu.vector_store_idx %arg9[%parallel_loop3A_1279], %parallel_loop3A_1278 : memref<8192xf32, #tpu.memory_space<vmem>>[vector<16xi32>], vector<16xf32>,
        %parallel_loop3A_1280 = vector.broadcast %parallel_loop3A_1251 : i32 to vector<16xi32>
        %parallel_loop3A_1281 = arith.addi %select_n3A_195, %parallel_loop3A_1280 : vector<16xi32>
        %parallel_loop3A_1282 = tpu.vector_load_idx %arg7[%parallel_loop3A_1281, %add3A_398] : memref<128x64xf32, #tpu.memory_space<vmem>>[vector<16xi32>, vector<16xi32>], vector<16xf32>,
        %parallel_loop3A_1283 = arith.addi %add3A_470, %parallel_loop3A_1281 : vector<16xi32>
        tpu.vector_store_idx %arg9[%parallel_loop3A_1283], %parallel_loop3A_1282 : memref<8192xf32, #tpu.memory_space<vmem>>[vector<16xi32>], vector<16xf32>,
        %parallel_loop3A_1284 = vector.broadcast %parallel_loop3A_1251 : i32 to vector<16xi32>
        %parallel_loop3A_1285 = arith.addi %select_n3A_220, %parallel_loop3A_1284 : vector<16xi32>
        %parallel_loop3A_1286 = tpu.vector_load_idx %arg7[%parallel_loop3A_1285, %add3A_398] : memref<128x64xf32, #tpu.memory_space<vmem>>[vector<16xi32>, vector<16xi32>], vector<16xf32>,
        %parallel_loop3A_1287 = arith.addi %add3A_470, %parallel_loop3A_1285 : vector<16xi32>
        tpu.vector_store_idx %arg9[%parallel_loop3A_1287], %parallel_loop3A_1286 : memref<8192xf32, #tpu.memory_space<vmem>>[vector<16xi32>], vector<16xf32>,
        %parallel_loop3A_1288 = vector.broadcast %parallel_loop3A_1251 : i32 to vector<16xi32>
        %parallel_loop3A_1289 = arith.addi %select_n3A_245, %parallel_loop3A_1288 : vector<16xi32>
        %parallel_loop3A_1290 = tpu.vector_load_idx %arg7[%parallel_loop3A_1289, %add3A_398] : memref<128x64xf32, #tpu.memory_space<vmem>>[vector<16xi32>, vector<16xi32>], vector<16xf32>,
        %parallel_loop3A_1291 = arith.addi %add3A_470, %parallel_loop3A_1289 : vector<16xi32>
        tpu.vector_store_idx %arg9[%parallel_loop3A_1291], %parallel_loop3A_1290 : memref<8192xf32, #tpu.memory_space<vmem>>[vector<16xi32>], vector<16xf32>,
        %parallel_loop3A_1292 = vector.broadcast %parallel_loop3A_1251 : i32 to vector<16xi32>
        %parallel_loop3A_1293 = arith.addi %select_n3A_270, %parallel_loop3A_1292 : vector<16xi32>
        %parallel_loop3A_1294 = tpu.vector_load_idx %arg7[%parallel_loop3A_1293, %add3A_398] : memref<128x64xf32, #tpu.memory_space<vmem>>[vector<16xi32>, vector<16xi32>], vector<16xf32>,
        %parallel_loop3A_1295 = arith.addi %add3A_470, %parallel_loop3A_1293 : vector<16xi32>
        tpu.vector_store_idx %arg9[%parallel_loop3A_1295], %parallel_loop3A_1294 : memref<8192xf32, #tpu.memory_space<vmem>>[vector<16xi32>], vector<16xf32>,
        %parallel_loop3A_1296 = vector.broadcast %parallel_loop3A_1251 : i32 to vector<16xi32>
        %parallel_loop3A_1297 = arith.addi %select_n3A_295, %parallel_loop3A_1296 : vector<16xi32>
        %parallel_loop3A_1298 = tpu.vector_load_idx %arg7[%parallel_loop3A_1297, %add3A_398] : memref<128x64xf32, #tpu.memory_space<vmem>>[vector<16xi32>, vector<16xi32>], vector<16xf32>,
        %parallel_loop3A_1299 = arith.addi %add3A_470, %parallel_loop3A_1297 : vector<16xi32>
        tpu.vector_store_idx %arg9[%parallel_loop3A_1299], %parallel_loop3A_1298 : memref<8192xf32, #tpu.memory_space<vmem>>[vector<16xi32>], vector<16xf32>,
        %parallel_loop3A_1300 = vector.broadcast %parallel_loop3A_1251 : i32 to vector<16xi32>
        %parallel_loop3A_1301 = arith.addi %select_n3A_320, %parallel_loop3A_1300 : vector<16xi32>
        %parallel_loop3A_1302 = tpu.vector_load_idx %arg7[%parallel_loop3A_1301, %add3A_398] : memref<128x64xf32, #tpu.memory_space<vmem>>[vector<16xi32>, vector<16xi32>], vector<16xf32>,
        %parallel_loop3A_1303 = arith.addi %add3A_470, %parallel_loop3A_1301 : vector<16xi32>
        tpu.vector_store_idx %arg9[%parallel_loop3A_1303], %parallel_loop3A_1302 : memref<8192xf32, #tpu.memory_space<vmem>>[vector<16xi32>], vector<16xf32>,
        %parallel_loop3A_1304 = vector.broadcast %parallel_loop3A_1251 : i32 to vector<16xi32>
        %parallel_loop3A_1305 = arith.addi %select_n3A_345, %parallel_loop3A_1304 : vector<16xi32>
        %parallel_loop3A_1306 = tpu.vector_load_idx %arg7[%parallel_loop3A_1305, %add3A_398] : memref<128x64xf32, #tpu.memory_space<vmem>>[vector<16xi32>, vector<16xi32>], vector<16xf32>,
        %parallel_loop3A_1307 = arith.addi %add3A_470, %parallel_loop3A_1305 : vector<16xi32>
        tpu.vector_store_idx %arg9[%parallel_loop3A_1307], %parallel_loop3A_1306 : memref<8192xf32, #tpu.memory_space<vmem>>[vector<16xi32>], vector<16xf32>,
        %parallel_loop3A_1308 = vector.broadcast %parallel_loop3A_1251 : i32 to vector<16xi32>
        %parallel_loop3A_1309 = arith.addi %select_n3A_370, %parallel_loop3A_1308 : vector<16xi32>
        %parallel_loop3A_1310 = tpu.vector_load_idx %arg7[%parallel_loop3A_1309, %add3A_398] : memref<128x64xf32, #tpu.memory_space<vmem>>[vector<16xi32>, vector<16xi32>], vector<16xf32>,
        %parallel_loop3A_1311 = arith.addi %add3A_470, %parallel_loop3A_1309 : vector<16xi32>
        tpu.vector_store_idx %arg9[%parallel_loop3A_1311], %parallel_loop3A_1310 : memref<8192xf32, #tpu.memory_space<vmem>>[vector<16xi32>], vector<16xf32>,
        %parallel_loop3A_1312 = vector.broadcast %parallel_loop3A_1251 : i32 to vector<16xi32>
        %parallel_loop3A_1313 = arith.addi %select_n3A_395, %parallel_loop3A_1312 : vector<16xi32>
        %parallel_loop3A_1314 = tpu.vector_load_idx %arg7[%parallel_loop3A_1313, %add3A_398] : memref<128x64xf32, #tpu.memory_space<vmem>>[vector<16xi32>, vector<16xi32>], vector<16xf32>,
        %parallel_loop3A_1315 = arith.addi %add3A_470, %parallel_loop3A_1313 : vector<16xi32>
        tpu.vector_store_idx %arg9[%parallel_loop3A_1315], %parallel_loop3A_1314 : memref<8192xf32, #tpu.memory_space<vmem>>[vector<16xi32>], vector<16xf32>,
      } {sc.loop_unroll_factor = 4 : i64, sc.parallel_access}
      %dma_start3A_1023 = arith.constant 0 : i32
      %dma_start3A_1024 = arith.constant 0 : i32
      %dma_start3A_1025 = tpu.memref_slice %arg9[%dma_start3A_1024] : memref<8192xf32, #tpu.memory_space<vmem>> -> memref<1024xf32, #tpu.memory_space<vmem>>
      %dma_start3A_1026 = arith.constant 0 : i32
      %dma_start3A_1027 = tpu.memref_slice %arg4[%shift_right_arithmetic3A_1016, %dma_start3A_1023, %and3A_1020, %dma_start3A_1026] : memref<200x8x128x1024xf32, #tpu.memory_space<hbm>> -> memref<1x1x1x1024xf32, #tpu.memory_space<hbm>>
      %dma_start3A_1028 = tpu.memref_squeeze %dma_start3A_1027 : memref<1x1x1x1024xf32, #tpu.memory_space<hbm>> -> memref<1024xf32, #tpu.memory_space<hbm>>
      %dma_start3A_1029 = arith.constant 0 : i32
      %dma_start3A_1030 = tpu.memref_slice %arg4[%shift_right_arithmetic3A_1016, %dma_start3A_1023, %and3A_1020, %dma_start3A_1029] : memref<200x8x128x1024xf32, #tpu.memory_space<hbm>> -> memref<1x1x1x1024xf32, #tpu.memory_space<hbm>>
      %dma_start3A_1031 = tpu.memref_squeeze %dma_start3A_1030 : memref<1x1x1x1024xf32, #tpu.memory_space<hbm>> -> memref<1024xf32, #tpu.memory_space<hbm>>
      %dma_start3A_1032 = arith.constant 0 : i32
      %dma_start3A_1033 = tpu.memref_slice %arg9[%dma_start3A_1032] : memref<8192xf32, #tpu.memory_space<vmem>> -> memref<1024xf32, #tpu.memory_space<vmem>>
      tpu.enqueue_dma source(%dma_start3A_1033 : memref<1024xf32, #tpu.memory_space<vmem>>) target(%dma_start3A_1031 : memref<1024xf32, #tpu.memory_space<hbm>>) target_semaphore(%arg14 : memref<!tpu.dma_semaphore, #tpu.memory_space<semaphore_mem>>)
      %dma_start3A_1034 = arith.constant 1 : i32
      %dma_start3A_1035 = arith.constant 1024 : i32
      %dma_start3A_1036 = tpu.memref_slice %arg9[%dma_start3A_1035] : memref<8192xf32, #tpu.memory_space<vmem>> -> memref<1024xf32, #tpu.memory_space<vmem>>
      %dma_start3A_1037 = arith.constant 0 : i32
      %dma_start3A_1038 = tpu.memref_slice %arg4[%shift_right_arithmetic3A_1016, %dma_start3A_1034, %and3A_1020, %dma_start3A_1037] : memref<200x8x128x1024xf32, #tpu.memory_space<hbm>> -> memref<1x1x1x1024xf32, #tpu.memory_space<hbm>>
      %dma_start3A_1039 = tpu.memref_squeeze %dma_start3A_1038 : memref<1x1x1x1024xf32, #tpu.memory_space<hbm>> -> memref<1024xf32, #tpu.memory_space<hbm>>
      %dma_start3A_1040 = arith.constant 0 : i32
      %dma_start3A_1041 = tpu.memref_slice %arg4[%shift_right_arithmetic3A_1016, %dma_start3A_1034, %and3A_1020, %dma_start3A_1040] : memref<200x8x128x1024xf32, #tpu.memory_space<hbm>> -> memref<1x1x1x1024xf32, #tpu.memory_space<hbm>>
      %dma_start3A_1042 = tpu.memref_squeeze %dma_start3A_1041 : memref<1x1x1x1024xf32, #tpu.memory_space<hbm>> -> memref<1024xf32, #tpu.memory_space<hbm>>
      %dma_start3A_1043 = arith.constant 1024 : i32
      %dma_start3A_1044 = tpu.memref_slice %arg9[%dma_start3A_1043] : memref<8192xf32, #tpu.memory_space<vmem>> -> memref<1024xf32, #tpu.memory_space<vmem>>
      tpu.enqueue_dma source(%dma_start3A_1044 : memref<1024xf32, #tpu.memory_space<vmem>>) target(%dma_start3A_1042 : memref<1024xf32, #tpu.memory_space<hbm>>) target_semaphore(%arg14 : memref<!tpu.dma_semaphore, #tpu.memory_space<semaphore_mem>>)
      %parallel_loop3A_1045 = arith.constant 0 : i32
      %parallel_loop3A_1046 = arith.constant 128 : i32
      %parallel_loop3A_1047 = arith.constant 16 : i32
      scf.for %parallel_loop3A_1251 = %parallel_loop3A_1045 to %parallel_loop3A_1046 step %parallel_loop3A_1047  : i32 {
        %parallel_loop3A_1252 = vector.broadcast %parallel_loop3A_1251 : i32 to vector<16xi32>
        %parallel_loop3A_1253 = arith.addi %select_n3A_20, %parallel_loop3A_1252 : vector<16xi32>
        %parallel_loop3A_1254 = tpu.vector_load_idx %arg7[%parallel_loop3A_1253, %add3A_401] : memref<128x64xf32, #tpu.memory_space<vmem>>[vector<16xi32>, vector<16xi32>], vector<16xf32>,
        %parallel_loop3A_1255 = arith.addi %add3A_536, %parallel_loop3A_1253 : vector<16xi32>
        tpu.vector_store_idx %arg9[%parallel_loop3A_1255], %parallel_loop3A_1254 : memref<8192xf32, #tpu.memory_space<vmem>>[vector<16xi32>], vector<16xf32>,
        %parallel_loop3A_1256 = vector.broadcast %parallel_loop3A_1251 : i32 to vector<16xi32>
        %parallel_loop3A_1257 = arith.addi %select_n3A_45, %parallel_loop3A_1256 : vector<16xi32>
        %parallel_loop3A_1258 = tpu.vector_load_idx %arg7[%parallel_loop3A_1257, %add3A_401] : memref<128x64xf32, #tpu.memory_space<vmem>>[vector<16xi32>, vector<16xi32>], vector<16xf32>,
        %parallel_loop3A_1259 = arith.addi %add3A_536, %parallel_loop3A_1257 : vector<16xi32>
        tpu.vector_store_idx %arg9[%parallel_loop3A_1259], %parallel_loop3A_1258 : memref<8192xf32, #tpu.memory_space<vmem>>[vector<16xi32>], vector<16xf32>,
        %parallel_loop3A_1260 = vector.broadcast %parallel_loop3A_1251 : i32 to vector<16xi32>
        %parallel_loop3A_1261 = arith.addi %select_n3A_70, %parallel_loop3A_1260 : vector<16xi32>
        %parallel_loop3A_1262 = tpu.vector_load_idx %arg7[%parallel_loop3A_1261, %add3A_401] : memref<128x64xf32, #tpu.memory_space<vmem>>[vector<16xi32>, vector<16xi32>], vector<16xf32>,
        %parallel_loop3A_1263 = arith.addi %add3A_536, %parallel_loop3A_1261 : vector<16xi32>
        tpu.vector_store_idx %arg9[%parallel_loop3A_1263], %parallel_loop3A_1262 : memref<8192xf32, #tpu.memory_space<vmem>>[vector<16xi32>], vector<16xf32>,
        %parallel_loop3A_1264 = vector.broadcast %parallel_loop3A_1251 : i32 to vector<16xi32>
        %parallel_loop3A_1265 = arith.addi %select_n3A_95, %parallel_loop3A_1264 : vector<16xi32>
        %parallel_loop3A_1266 = tpu.vector_load_idx %arg7[%parallel_loop3A_1265, %add3A_401] : memref<128x64xf32, #tpu.memory_space<vmem>>[vector<16xi32>, vector<16xi32>], vector<16xf32>,
        %parallel_loop3A_1267 = arith.addi %add3A_536, %parallel_loop3A_1265 : vector<16xi32>
        tpu.vector_store_idx %arg9[%parallel_loop3A_1267], %parallel_loop3A_1266 : memref<8192xf32, #tpu.memory_space<vmem>>[vector<16xi32>], vector<16xf32>,
        %parallel_loop3A_1268 = vector.broadcast %parallel_loop3A_1251 : i32 to vector<16xi32>
        %parallel_loop3A_1269 = arith.addi %select_n3A_120, %parallel_loop3A_1268 : vector<16xi32>
        %parallel_loop3A_1270 = tpu.vector_load_idx %arg7[%parallel_loop3A_1269, %add3A_401] : memref<128x64xf32, #tpu.memory_space<vmem>>[vector<16xi32>, vector<16xi32>], vector<16xf32>,
        %parallel_loop3A_1271 = arith.addi %add3A_536, %parallel_loop3A_1269 : vector<16xi32>
        tpu.vector_store_idx %arg9[%parallel_loop3A_1271], %parallel_loop3A_1270 : memref<8192xf32, #tpu.memory_space<vmem>>[vector<16xi32>], vector<16xf32>,
        %parallel_loop3A_1272 = vector.broadcast %parallel_loop3A_1251 : i32 to vector<16xi32>
        %parallel_loop3A_1273 = arith.addi %select_n3A_145, %parallel_loop3A_1272 : vector<16xi32>
        %parallel_loop3A_1274 = tpu.vector_load_idx %arg7[%parallel_loop3A_1273, %add3A_401] : memref<128x64xf32, #tpu.memory_space<vmem>>[vector<16xi32>, vector<16xi32>], vector<16xf32>,
        %parallel_loop3A_1275 = arith.addi %add3A_536, %parallel_loop3A_1273 : vector<16xi32>
        tpu.vector_store_idx %arg9[%parallel_loop3A_1275], %parallel_loop3A_1274 : memref<8192xf32, #tpu.memory_space<vmem>>[vector<16xi32>], vector<16xf32>,
        %parallel_loop3A_1276 = vector.broadcast %parallel_loop3A_1251 : i32 to vector<16xi32>
        %parallel_loop3A_1277 = arith.addi %select_n3A_170, %parallel_loop3A_1276 : vector<16xi32>
        %parallel_loop3A_1278 = tpu.vector_load_idx %arg7[%parallel_loop3A_1277, %add3A_401] : memref<128x64xf32, #tpu.memory_space<vmem>>[vector<16xi32>, vector<16xi32>], vector<16xf32>,
        %parallel_loop3A_1279 = arith.addi %add3A_536, %parallel_loop3A_1277 : vector<16xi32>
        tpu.vector_store_idx %arg9[%parallel_loop3A_1279], %parallel_loop3A_1278 : memref<8192xf32, #tpu.memory_space<vmem>>[vector<16xi32>], vector<16xf32>,
        %parallel_loop3A_1280 = vector.broadcast %parallel_loop3A_1251 : i32 to vector<16xi32>
        %parallel_loop3A_1281 = arith.addi %select_n3A_195, %parallel_loop3A_1280 : vector<16xi32>
        %parallel_loop3A_1282 = tpu.vector_load_idx %arg7[%parallel_loop3A_1281, %add3A_401] : memref<128x64xf32, #tpu.memory_space<vmem>>[vector<16xi32>, vector<16xi32>], vector<16xf32>,
        %parallel_loop3A_1283 = arith.addi %add3A_536, %parallel_loop3A_1281 : vector<16xi32>
        tpu.vector_store_idx %arg9[%parallel_loop3A_1283], %parallel_loop3A_1282 : memref<8192xf32, #tpu.memory_space<vmem>>[vector<16xi32>], vector<16xf32>,
        %parallel_loop3A_1284 = vector.broadcast %parallel_loop3A_1251 : i32 to vector<16xi32>
        %parallel_loop3A_1285 = arith.addi %select_n3A_220, %parallel_loop3A_1284 : vector<16xi32>
        %parallel_loop3A_1286 = tpu.vector_load_idx %arg7[%parallel_loop3A_1285, %add3A_401] : memref<128x64xf32, #tpu.memory_space<vmem>>[vector<16xi32>, vector<16xi32>], vector<16xf32>,
        %parallel_loop3A_1287 = arith.addi %add3A_536, %parallel_loop3A_1285 : vector<16xi32>
        tpu.vector_store_idx %arg9[%parallel_loop3A_1287], %parallel_loop3A_1286 : memref<8192xf32, #tpu.memory_space<vmem>>[vector<16xi32>], vector<16xf32>,
        %parallel_loop3A_1288 = vector.broadcast %parallel_loop3A_1251 : i32 to vector<16xi32>
        %parallel_loop3A_1289 = arith.addi %select_n3A_245, %parallel_loop3A_1288 : vector<16xi32>
        %parallel_loop3A_1290 = tpu.vector_load_idx %arg7[%parallel_loop3A_1289, %add3A_401] : memref<128x64xf32, #tpu.memory_space<vmem>>[vector<16xi32>, vector<16xi32>], vector<16xf32>,
        %parallel_loop3A_1291 = arith.addi %add3A_536, %parallel_loop3A_1289 : vector<16xi32>
        tpu.vector_store_idx %arg9[%parallel_loop3A_1291], %parallel_loop3A_1290 : memref<8192xf32, #tpu.memory_space<vmem>>[vector<16xi32>], vector<16xf32>,
        %parallel_loop3A_1292 = vector.broadcast %parallel_loop3A_1251 : i32 to vector<16xi32>
        %parallel_loop3A_1293 = arith.addi %select_n3A_270, %parallel_loop3A_1292 : vector<16xi32>
        %parallel_loop3A_1294 = tpu.vector_load_idx %arg7[%parallel_loop3A_1293, %add3A_401] : memref<128x64xf32, #tpu.memory_space<vmem>>[vector<16xi32>, vector<16xi32>], vector<16xf32>,
        %parallel_loop3A_1295 = arith.addi %add3A_536, %parallel_loop3A_1293 : vector<16xi32>
        tpu.vector_store_idx %arg9[%parallel_loop3A_1295], %parallel_loop3A_1294 : memref<8192xf32, #tpu.memory_space<vmem>>[vector<16xi32>], vector<16xf32>,
        %parallel_loop3A_1296 = vector.broadcast %parallel_loop3A_1251 : i32 to vector<16xi32>
        %parallel_loop3A_1297 = arith.addi %select_n3A_295, %parallel_loop3A_1296 : vector<16xi32>
        %parallel_loop3A_1298 = tpu.vector_load_idx %arg7[%parallel_loop3A_1297, %add3A_401] : memref<128x64xf32, #tpu.memory_space<vmem>>[vector<16xi32>, vector<16xi32>], vector<16xf32>,
        %parallel_loop3A_1299 = arith.addi %add3A_536, %parallel_loop3A_1297 : vector<16xi32>
        tpu.vector_store_idx %arg9[%parallel_loop3A_1299], %parallel_loop3A_1298 : memref<8192xf32, #tpu.memory_space<vmem>>[vector<16xi32>], vector<16xf32>,
        %parallel_loop3A_1300 = vector.broadcast %parallel_loop3A_1251 : i32 to vector<16xi32>
        %parallel_loop3A_1301 = arith.addi %select_n3A_320, %parallel_loop3A_1300 : vector<16xi32>
        %parallel_loop3A_1302 = tpu.vector_load_idx %arg7[%parallel_loop3A_1301, %add3A_401] : memref<128x64xf32, #tpu.memory_space<vmem>>[vector<16xi32>, vector<16xi32>], vector<16xf32>,
        %parallel_loop3A_1303 = arith.addi %add3A_536, %parallel_loop3A_1301 : vector<16xi32>
        tpu.vector_store_idx %arg9[%parallel_loop3A_1303], %parallel_loop3A_1302 : memref<8192xf32, #tpu.memory_space<vmem>>[vector<16xi32>], vector<16xf32>,
        %parallel_loop3A_1304 = vector.broadcast %parallel_loop3A_1251 : i32 to vector<16xi32>
        %parallel_loop3A_1305 = arith.addi %select_n3A_345, %parallel_loop3A_1304 : vector<16xi32>
        %parallel_loop3A_1306 = tpu.vector_load_idx %arg7[%parallel_loop3A_1305, %add3A_401] : memref<128x64xf32, #tpu.memory_space<vmem>>[vector<16xi32>, vector<16xi32>], vector<16xf32>,
        %parallel_loop3A_1307 = arith.addi %add3A_536, %parallel_loop3A_1305 : vector<16xi32>
        tpu.vector_store_idx %arg9[%parallel_loop3A_1307], %parallel_loop3A_1306 : memref<8192xf32, #tpu.memory_space<vmem>>[vector<16xi32>], vector<16xf32>,
        %parallel_loop3A_1308 = vector.broadcast %parallel_loop3A_1251 : i32 to vector<16xi32>
        %parallel_loop3A_1309 = arith.addi %select_n3A_370, %parallel_loop3A_1308 : vector<16xi32>
        %parallel_loop3A_1310 = tpu.vector_load_idx %arg7[%parallel_loop3A_1309, %add3A_401] : memref<128x64xf32, #tpu.memory_space<vmem>>[vector<16xi32>, vector<16xi32>], vector<16xf32>,
        %parallel_loop3A_1311 = arith.addi %add3A_536, %parallel_loop3A_1309 : vector<16xi32>
        tpu.vector_store_idx %arg9[%parallel_loop3A_1311], %parallel_loop3A_1310 : memref<8192xf32, #tpu.memory_space<vmem>>[vector<16xi32>], vector<16xf32>,
        %parallel_loop3A_1312 = vector.broadcast %parallel_loop3A_1251 : i32 to vector<16xi32>
        %parallel_loop3A_1313 = arith.addi %select_n3A_395, %parallel_loop3A_1312 : vector<16xi32>
        %parallel_loop3A_1314 = tpu.vector_load_idx %arg7[%parallel_loop3A_1313, %add3A_401] : memref<128x64xf32, #tpu.memory_space<vmem>>[vector<16xi32>, vector<16xi32>], vector<16xf32>,
        %parallel_loop3A_1315 = arith.addi %add3A_536, %parallel_loop3A_1313 : vector<16xi32>
        tpu.vector_store_idx %arg9[%parallel_loop3A_1315], %parallel_loop3A_1314 : memref<8192xf32, #tpu.memory_space<vmem>>[vector<16xi32>], vector<16xf32>,
      } {sc.loop_unroll_factor = 4 : i64, sc.parallel_access}
      %dma_start3A_1048 = arith.constant 2 : i32
      %dma_start3A_1049 = arith.constant 2048 : i32
      %dma_start3A_1050 = tpu.memref_slice %arg9[%dma_start3A_1049] : memref<8192xf32, #tpu.memory_space<vmem>> -> memref<1024xf32, #tpu.memory_space<vmem>>
      %dma_start3A_1051 = arith.constant 0 : i32
      %dma_start3A_1052 = tpu.memref_slice %arg4[%shift_right_arithmetic3A_1016, %dma_start3A_1048, %and3A_1020, %dma_start3A_1051] : memref<200x8x128x1024xf32, #tpu.memory_space<hbm>> -> memref<1x1x1x1024xf32, #tpu.memory_space<hbm>>
      %dma_start3A_1053 = tpu.memref_squeeze %dma_start3A_1052 : memref<1x1x1x1024xf32, #tpu.memory_space<hbm>> -> memref<1024xf32, #tpu.memory_space<hbm>>
      %dma_start3A_1054 = arith.constant 0 : i32
      %dma_start3A_1055 = tpu.memref_slice %arg4[%shift_right_arithmetic3A_1016, %dma_start3A_1048, %and3A_1020, %dma_start3A_1054] : memref<200x8x128x1024xf32, #tpu.memory_space<hbm>> -> memref<1x1x1x1024xf32, #tpu.memory_space<hbm>>
      %dma_start3A_1056 = tpu.memref_squeeze %dma_start3A_1055 : memref<1x1x1x1024xf32, #tpu.memory_space<hbm>> -> memref<1024xf32, #tpu.memory_space<hbm>>
      %dma_start3A_1057 = arith.constant 2048 : i32
      %dma_start3A_1058 = tpu.memref_slice %arg9[%dma_start3A_1057] : memref<8192xf32, #tpu.memory_space<vmem>> -> memref<1024xf32, #tpu.memory_space<vmem>>
      tpu.enqueue_dma source(%dma_start3A_1058 : memref<1024xf32, #tpu.memory_space<vmem>>) target(%dma_start3A_1056 : memref<1024xf32, #tpu.memory_space<hbm>>) target_semaphore(%arg14 : memref<!tpu.dma_semaphore, #tpu.memory_space<semaphore_mem>>)
      %dma_start3A_1059 = arith.constant 3 : i32
      %dma_start3A_1060 = arith.constant 3072 : i32
      %dma_start3A_1061 = tpu.memref_slice %arg9[%dma_start3A_1060] : memref<8192xf32, #tpu.memory_space<vmem>> -> memref<1024xf32, #tpu.memory_space<vmem>>
      %dma_start3A_1062 = arith.constant 0 : i32
      %dma_start3A_1063 = tpu.memref_slice %arg4[%shift_right_arithmetic3A_1016, %dma_start3A_1059, %and3A_1020, %dma_start3A_1062] : memref<200x8x128x1024xf32, #tpu.memory_space<hbm>> -> memref<1x1x1x1024xf32, #tpu.memory_space<hbm>>
      %dma_start3A_1064 = tpu.memref_squeeze %dma_start3A_1063 : memref<1x1x1x1024xf32, #tpu.memory_space<hbm>> -> memref<1024xf32, #tpu.memory_space<hbm>>
      %dma_start3A_1065 = arith.constant 0 : i32
      %dma_start3A_1066 = tpu.memref_slice %arg4[%shift_right_arithmetic3A_1016, %dma_start3A_1059, %and3A_1020, %dma_start3A_1065] : memref<200x8x128x1024xf32, #tpu.memory_space<hbm>> -> memref<1x1x1x1024xf32, #tpu.memory_space<hbm>>
      %dma_start3A_1067 = tpu.memref_squeeze %dma_start3A_1066 : memref<1x1x1x1024xf32, #tpu.memory_space<hbm>> -> memref<1024xf32, #tpu.memory_space<hbm>>
      %dma_start3A_1068 = arith.constant 3072 : i32
      %dma_start3A_1069 = tpu.memref_slice %arg9[%dma_start3A_1068] : memref<8192xf32, #tpu.memory_space<vmem>> -> memref<1024xf32, #tpu.memory_space<vmem>>
      tpu.enqueue_dma source(%dma_start3A_1069 : memref<1024xf32, #tpu.memory_space<vmem>>) target(%dma_start3A_1067 : memref<1024xf32, #tpu.memory_space<hbm>>) target_semaphore(%arg14 : memref<!tpu.dma_semaphore, #tpu.memory_space<semaphore_mem>>)
      %parallel_loop3A_1070 = arith.constant 0 : i32
      %parallel_loop3A_1071 = arith.constant 128 : i32
      %parallel_loop3A_1072 = arith.constant 16 : i32
      scf.for %parallel_loop3A_1251 = %parallel_loop3A_1070 to %parallel_loop3A_1071 step %parallel_loop3A_1072  : i32 {
        %parallel_loop3A_1252 = vector.broadcast %parallel_loop3A_1251 : i32 to vector<16xi32>
        %parallel_loop3A_1253 = arith.addi %select_n3A_20, %parallel_loop3A_1252 : vector<16xi32>
        %parallel_loop3A_1254 = tpu.vector_load_idx %arg7[%parallel_loop3A_1253, %add3A_404] : memref<128x64xf32, #tpu.memory_space<vmem>>[vector<16xi32>, vector<16xi32>], vector<16xf32>,
        %parallel_loop3A_1255 = arith.addi %add3A_602, %parallel_loop3A_1253 : vector<16xi32>
        tpu.vector_store_idx %arg9[%parallel_loop3A_1255], %parallel_loop3A_1254 : memref<8192xf32, #tpu.memory_space<vmem>>[vector<16xi32>], vector<16xf32>,
        %parallel_loop3A_1256 = vector.broadcast %parallel_loop3A_1251 : i32 to vector<16xi32>
        %parallel_loop3A_1257 = arith.addi %select_n3A_45, %parallel_loop3A_1256 : vector<16xi32>
        %parallel_loop3A_1258 = tpu.vector_load_idx %arg7[%parallel_loop3A_1257, %add3A_404] : memref<128x64xf32, #tpu.memory_space<vmem>>[vector<16xi32>, vector<16xi32>], vector<16xf32>,
        %parallel_loop3A_1259 = arith.addi %add3A_602, %parallel_loop3A_1257 : vector<16xi32>
        tpu.vector_store_idx %arg9[%parallel_loop3A_1259], %parallel_loop3A_1258 : memref<8192xf32, #tpu.memory_space<vmem>>[vector<16xi32>], vector<16xf32>,
        %parallel_loop3A_1260 = vector.broadcast %parallel_loop3A_1251 : i32 to vector<16xi32>
        %parallel_loop3A_1261 = arith.addi %select_n3A_70, %parallel_loop3A_1260 : vector<16xi32>
        %parallel_loop3A_1262 = tpu.vector_load_idx %arg7[%parallel_loop3A_1261, %add3A_404] : memref<128x64xf32, #tpu.memory_space<vmem>>[vector<16xi32>, vector<16xi32>], vector<16xf32>,
        %parallel_loop3A_1263 = arith.addi %add3A_602, %parallel_loop3A_1261 : vector<16xi32>
        tpu.vector_store_idx %arg9[%parallel_loop3A_1263], %parallel_loop3A_1262 : memref<8192xf32, #tpu.memory_space<vmem>>[vector<16xi32>], vector<16xf32>,
        %parallel_loop3A_1264 = vector.broadcast %parallel_loop3A_1251 : i32 to vector<16xi32>
        %parallel_loop3A_1265 = arith.addi %select_n3A_95, %parallel_loop3A_1264 : vector<16xi32>
        %parallel_loop3A_1266 = tpu.vector_load_idx %arg7[%parallel_loop3A_1265, %add3A_404] : memref<128x64xf32, #tpu.memory_space<vmem>>[vector<16xi32>, vector<16xi32>], vector<16xf32>,
        %parallel_loop3A_1267 = arith.addi %add3A_602, %parallel_loop3A_1265 : vector<16xi32>
        tpu.vector_store_idx %arg9[%parallel_loop3A_1267], %parallel_loop3A_1266 : memref<8192xf32, #tpu.memory_space<vmem>>[vector<16xi32>], vector<16xf32>,
        %parallel_loop3A_1268 = vector.broadcast %parallel_loop3A_1251 : i32 to vector<16xi32>
        %parallel_loop3A_1269 = arith.addi %select_n3A_120, %parallel_loop3A_1268 : vector<16xi32>
        %parallel_loop3A_1270 = tpu.vector_load_idx %arg7[%parallel_loop3A_1269, %add3A_404] : memref<128x64xf32, #tpu.memory_space<vmem>>[vector<16xi32>, vector<16xi32>], vector<16xf32>,
        %parallel_loop3A_1271 = arith.addi %add3A_602, %parallel_loop3A_1269 : vector<16xi32>
        tpu.vector_store_idx %arg9[%parallel_loop3A_1271], %parallel_loop3A_1270 : memref<8192xf32, #tpu.memory_space<vmem>>[vector<16xi32>], vector<16xf32>,
        %parallel_loop3A_1272 = vector.broadcast %parallel_loop3A_1251 : i32 to vector<16xi32>
        %parallel_loop3A_1273 = arith.addi %select_n3A_145, %parallel_loop3A_1272 : vector<16xi32>
        %parallel_loop3A_1274 = tpu.vector_load_idx %arg7[%parallel_loop3A_1273, %add3A_404] : memref<128x64xf32, #tpu.memory_space<vmem>>[vector<16xi32>, vector<16xi32>], vector<16xf32>,
        %parallel_loop3A_1275 = arith.addi %add3A_602, %parallel_loop3A_1273 : vector<16xi32>
        tpu.vector_store_idx %arg9[%parallel_loop3A_1275], %parallel_loop3A_1274 : memref<8192xf32, #tpu.memory_space<vmem>>[vector<16xi32>], vector<16xf32>,
        %parallel_loop3A_1276 = vector.broadcast %parallel_loop3A_1251 : i32 to vector<16xi32>
        %parallel_loop3A_1277 = arith.addi %select_n3A_170, %parallel_loop3A_1276 : vector<16xi32>
        %parallel_loop3A_1278 = tpu.vector_load_idx %arg7[%parallel_loop3A_1277, %add3A_404] : memref<128x64xf32, #tpu.memory_space<vmem>>[vector<16xi32>, vector<16xi32>], vector<16xf32>,
        %parallel_loop3A_1279 = arith.addi %add3A_602, %parallel_loop3A_1277 : vector<16xi32>
        tpu.vector_store_idx %arg9[%parallel_loop3A_1279], %parallel_loop3A_1278 : memref<8192xf32, #tpu.memory_space<vmem>>[vector<16xi32>], vector<16xf32>,
        %parallel_loop3A_1280 = vector.broadcast %parallel_loop3A_1251 : i32 to vector<16xi32>
        %parallel_loop3A_1281 = arith.addi %select_n3A_195, %parallel_loop3A_1280 : vector<16xi32>
        %parallel_loop3A_1282 = tpu.vector_load_idx %arg7[%parallel_loop3A_1281, %add3A_404] : memref<128x64xf32, #tpu.memory_space<vmem>>[vector<16xi32>, vector<16xi32>], vector<16xf32>,
        %parallel_loop3A_1283 = arith.addi %add3A_602, %parallel_loop3A_1281 : vector<16xi32>
        tpu.vector_store_idx %arg9[%parallel_loop3A_1283], %parallel_loop3A_1282 : memref<8192xf32, #tpu.memory_space<vmem>>[vector<16xi32>], vector<16xf32>,
        %parallel_loop3A_1284 = vector.broadcast %parallel_loop3A_1251 : i32 to vector<16xi32>
        %parallel_loop3A_1285 = arith.addi %select_n3A_220, %parallel_loop3A_1284 : vector<16xi32>
        %parallel_loop3A_1286 = tpu.vector_load_idx %arg7[%parallel_loop3A_1285, %add3A_404] : memref<128x64xf32, #tpu.memory_space<vmem>>[vector<16xi32>, vector<16xi32>], vector<16xf32>,
        %parallel_loop3A_1287 = arith.addi %add3A_602, %parallel_loop3A_1285 : vector<16xi32>
        tpu.vector_store_idx %arg9[%parallel_loop3A_1287], %parallel_loop3A_1286 : memref<8192xf32, #tpu.memory_space<vmem>>[vector<16xi32>], vector<16xf32>,
        %parallel_loop3A_1288 = vector.broadcast %parallel_loop3A_1251 : i32 to vector<16xi32>
        %parallel_loop3A_1289 = arith.addi %select_n3A_245, %parallel_loop3A_1288 : vector<16xi32>
        %parallel_loop3A_1290 = tpu.vector_load_idx %arg7[%parallel_loop3A_1289, %add3A_404] : memref<128x64xf32, #tpu.memory_space<vmem>>[vector<16xi32>, vector<16xi32>], vector<16xf32>,
        %parallel_loop3A_1291 = arith.addi %add3A_602, %parallel_loop3A_1289 : vector<16xi32>
        tpu.vector_store_idx %arg9[%parallel_loop3A_1291], %parallel_loop3A_1290 : memref<8192xf32, #tpu.memory_space<vmem>>[vector<16xi32>], vector<16xf32>,
        %parallel_loop3A_1292 = vector.broadcast %parallel_loop3A_1251 : i32 to vector<16xi32>
        %parallel_loop3A_1293 = arith.addi %select_n3A_270, %parallel_loop3A_1292 : vector<16xi32>
        %parallel_loop3A_1294 = tpu.vector_load_idx %arg7[%parallel_loop3A_1293, %add3A_404] : memref<128x64xf32, #tpu.memory_space<vmem>>[vector<16xi32>, vector<16xi32>], vector<16xf32>,
        %parallel_loop3A_1295 = arith.addi %add3A_602, %parallel_loop3A_1293 : vector<16xi32>
        tpu.vector_store_idx %arg9[%parallel_loop3A_1295], %parallel_loop3A_1294 : memref<8192xf32, #tpu.memory_space<vmem>>[vector<16xi32>], vector<16xf32>,
        %parallel_loop3A_1296 = vector.broadcast %parallel_loop3A_1251 : i32 to vector<16xi32>
        %parallel_loop3A_1297 = arith.addi %select_n3A_295, %parallel_loop3A_1296 : vector<16xi32>
        %parallel_loop3A_1298 = tpu.vector_load_idx %arg7[%parallel_loop3A_1297, %add3A_404] : memref<128x64xf32, #tpu.memory_space<vmem>>[vector<16xi32>, vector<16xi32>], vector<16xf32>,
        %parallel_loop3A_1299 = arith.addi %add3A_602, %parallel_loop3A_1297 : vector<16xi32>
        tpu.vector_store_idx %arg9[%parallel_loop3A_1299], %parallel_loop3A_1298 : memref<8192xf32, #tpu.memory_space<vmem>>[vector<16xi32>], vector<16xf32>,
        %parallel_loop3A_1300 = vector.broadcast %parallel_loop3A_1251 : i32 to vector<16xi32>
        %parallel_loop3A_1301 = arith.addi %select_n3A_320, %parallel_loop3A_1300 : vector<16xi32>
        %parallel_loop3A_1302 = tpu.vector_load_idx %arg7[%parallel_loop3A_1301, %add3A_404] : memref<128x64xf32, #tpu.memory_space<vmem>>[vector<16xi32>, vector<16xi32>], vector<16xf32>,
        %parallel_loop3A_1303 = arith.addi %add3A_602, %parallel_loop3A_1301 : vector<16xi32>
        tpu.vector_store_idx %arg9[%parallel_loop3A_1303], %parallel_loop3A_1302 : memref<8192xf32, #tpu.memory_space<vmem>>[vector<16xi32>], vector<16xf32>,
        %parallel_loop3A_1304 = vector.broadcast %parallel_loop3A_1251 : i32 to vector<16xi32>
        %parallel_loop3A_1305 = arith.addi %select_n3A_345, %parallel_loop3A_1304 : vector<16xi32>
        %parallel_loop3A_1306 = tpu.vector_load_idx %arg7[%parallel_loop3A_1305, %add3A_404] : memref<128x64xf32, #tpu.memory_space<vmem>>[vector<16xi32>, vector<16xi32>], vector<16xf32>,
        %parallel_loop3A_1307 = arith.addi %add3A_602, %parallel_loop3A_1305 : vector<16xi32>
        tpu.vector_store_idx %arg9[%parallel_loop3A_1307], %parallel_loop3A_1306 : memref<8192xf32, #tpu.memory_space<vmem>>[vector<16xi32>], vector<16xf32>,
        %parallel_loop3A_1308 = vector.broadcast %parallel_loop3A_1251 : i32 to vector<16xi32>
        %parallel_loop3A_1309 = arith.addi %select_n3A_370, %parallel_loop3A_1308 : vector<16xi32>
        %parallel_loop3A_1310 = tpu.vector_load_idx %arg7[%parallel_loop3A_1309, %add3A_404] : memref<128x64xf32, #tpu.memory_space<vmem>>[vector<16xi32>, vector<16xi32>], vector<16xf32>,
        %parallel_loop3A_1311 = arith.addi %add3A_602, %parallel_loop3A_1309 : vector<16xi32>
        tpu.vector_store_idx %arg9[%parallel_loop3A_1311], %parallel_loop3A_1310 : memref<8192xf32, #tpu.memory_space<vmem>>[vector<16xi32>], vector<16xf32>,
        %parallel_loop3A_1312 = vector.broadcast %parallel_loop3A_1251 : i32 to vector<16xi32>
        %parallel_loop3A_1313 = arith.addi %select_n3A_395, %parallel_loop3A_1312 : vector<16xi32>
        %parallel_loop3A_1314 = tpu.vector_load_idx %arg7[%parallel_loop3A_1313, %add3A_404] : memref<128x64xf32, #tpu.memory_space<vmem>>[vector<16xi32>, vector<16xi32>], vector<16xf32>,
        %parallel_loop3A_1315 = arith.addi %add3A_602, %parallel_loop3A_1313 : vector<16xi32>
        tpu.vector_store_idx %arg9[%parallel_loop3A_1315], %parallel_loop3A_1314 : memref<8192xf32, #tpu.memory_space<vmem>>[vector<16xi32>], vector<16xf32>,
      } {sc.loop_unroll_factor = 4 : i64, sc.parallel_access}
      %dma_start3A_1073 = arith.constant 4 : i32
      %dma_start3A_1074 = arith.constant 4096 : i32
      %dma_start3A_1075 = tpu.memref_slice %arg9[%dma_start3A_1074] : memref<8192xf32, #tpu.memory_space<vmem>> -> memref<1024xf32, #tpu.memory_space<vmem>>
      %dma_start3A_1076 = arith.constant 0 : i32
      %dma_start3A_1077 = tpu.memref_slice %arg4[%shift_right_arithmetic3A_1016, %dma_start3A_1073, %and3A_1020, %dma_start3A_1076] : memref<200x8x128x1024xf32, #tpu.memory_space<hbm>> -> memref<1x1x1x1024xf32, #tpu.memory_space<hbm>>
      %dma_start3A_1078 = tpu.memref_squeeze %dma_start3A_1077 : memref<1x1x1x1024xf32, #tpu.memory_space<hbm>> -> memref<1024xf32, #tpu.memory_space<hbm>>
      %dma_start3A_1079 = arith.constant 0 : i32
      %dma_start3A_1080 = tpu.memref_slice %arg4[%shift_right_arithmetic3A_1016, %dma_start3A_1073, %and3A_1020, %dma_start3A_1079] : memref<200x8x128x1024xf32, #tpu.memory_space<hbm>> -> memref<1x1x1x1024xf32, #tpu.memory_space<hbm>>
      %dma_start3A_1081 = tpu.memref_squeeze %dma_start3A_1080 : memref<1x1x1x1024xf32, #tpu.memory_space<hbm>> -> memref<1024xf32, #tpu.memory_space<hbm>>
      %dma_start3A_1082 = arith.constant 4096 : i32
      %dma_start3A_1083 = tpu.memref_slice %arg9[%dma_start3A_1082] : memref<8192xf32, #tpu.memory_space<vmem>> -> memref<1024xf32, #tpu.memory_space<vmem>>
      tpu.enqueue_dma source(%dma_start3A_1083 : memref<1024xf32, #tpu.memory_space<vmem>>) target(%dma_start3A_1081 : memref<1024xf32, #tpu.memory_space<hbm>>) target_semaphore(%arg14 : memref<!tpu.dma_semaphore, #tpu.memory_space<semaphore_mem>>)
      %dma_start3A_1084 = arith.constant 5 : i32
      %dma_start3A_1085 = arith.constant 5120 : i32
      %dma_start3A_1086 = tpu.memref_slice %arg9[%dma_start3A_1085] : memref<8192xf32, #tpu.memory_space<vmem>> -> memref<1024xf32, #tpu.memory_space<vmem>>
      %dma_start3A_1087 = arith.constant 0 : i32
      %dma_start3A_1088 = tpu.memref_slice %arg4[%shift_right_arithmetic3A_1016, %dma_start3A_1084, %and3A_1020, %dma_start3A_1087] : memref<200x8x128x1024xf32, #tpu.memory_space<hbm>> -> memref<1x1x1x1024xf32, #tpu.memory_space<hbm>>
      %dma_start3A_1089 = tpu.memref_squeeze %dma_start3A_1088 : memref<1x1x1x1024xf32, #tpu.memory_space<hbm>> -> memref<1024xf32, #tpu.memory_space<hbm>>
      %dma_start3A_1090 = arith.constant 0 : i32
      %dma_start3A_1091 = tpu.memref_slice %arg4[%shift_right_arithmetic3A_1016, %dma_start3A_1084, %and3A_1020, %dma_start3A_1090] : memref<200x8x128x1024xf32, #tpu.memory_space<hbm>> -> memref<1x1x1x1024xf32, #tpu.memory_space<hbm>>
      %dma_start3A_1092 = tpu.memref_squeeze %dma_start3A_1091 : memref<1x1x1x1024xf32, #tpu.memory_space<hbm>> -> memref<1024xf32, #tpu.memory_space<hbm>>
      %dma_start3A_1093 = arith.constant 5120 : i32
      %dma_start3A_1094 = tpu.memref_slice %arg9[%dma_start3A_1093] : memref<8192xf32, #tpu.memory_space<vmem>> -> memref<1024xf32, #tpu.memory_space<vmem>>
      tpu.enqueue_dma source(%dma_start3A_1094 : memref<1024xf32, #tpu.memory_space<vmem>>) target(%dma_start3A_1092 : memref<1024xf32, #tpu.memory_space<hbm>>) target_semaphore(%arg14 : memref<!tpu.dma_semaphore, #tpu.memory_space<semaphore_mem>>)
      %parallel_loop3A_1095 = arith.constant 0 : i32
      %parallel_loop3A_1096 = arith.constant 128 : i32
      %parallel_loop3A_1097 = arith.constant 16 : i32
      scf.for %parallel_loop3A_1251 = %parallel_loop3A_1095 to %parallel_loop3A_1096 step %parallel_loop3A_1097  : i32 {
        %parallel_loop3A_1252 = vector.broadcast %parallel_loop3A_1251 : i32 to vector<16xi32>
        %parallel_loop3A_1253 = arith.addi %select_n3A_20, %parallel_loop3A_1252 : vector<16xi32>
        %parallel_loop3A_1254 = tpu.vector_load_idx %arg7[%parallel_loop3A_1253, %add3A_407] : memref<128x64xf32, #tpu.memory_space<vmem>>[vector<16xi32>, vector<16xi32>], vector<16xf32>,
        %parallel_loop3A_1255 = arith.addi %add3A_668, %parallel_loop3A_1253 : vector<16xi32>
        tpu.vector_store_idx %arg9[%parallel_loop3A_1255], %parallel_loop3A_1254 : memref<8192xf32, #tpu.memory_space<vmem>>[vector<16xi32>], vector<16xf32>,
        %parallel_loop3A_1256 = vector.broadcast %parallel_loop3A_1251 : i32 to vector<16xi32>
        %parallel_loop3A_1257 = arith.addi %select_n3A_45, %parallel_loop3A_1256 : vector<16xi32>
        %parallel_loop3A_1258 = tpu.vector_load_idx %arg7[%parallel_loop3A_1257, %add3A_407] : memref<128x64xf32, #tpu.memory_space<vmem>>[vector<16xi32>, vector<16xi32>], vector<16xf32>,
        %parallel_loop3A_1259 = arith.addi %add3A_668, %parallel_loop3A_1257 : vector<16xi32>
        tpu.vector_store_idx %arg9[%parallel_loop3A_1259], %parallel_loop3A_1258 : memref<8192xf32, #tpu.memory_space<vmem>>[vector<16xi32>], vector<16xf32>,
        %parallel_loop3A_1260 = vector.broadcast %parallel_loop3A_1251 : i32 to vector<16xi32>
        %parallel_loop3A_1261 = arith.addi %select_n3A_70, %parallel_loop3A_1260 : vector<16xi32>
        %parallel_loop3A_1262 = tpu.vector_load_idx %arg7[%parallel_loop3A_1261, %add3A_407] : memref<128x64xf32, #tpu.memory_space<vmem>>[vector<16xi32>, vector<16xi32>], vector<16xf32>,
        %parallel_loop3A_1263 = arith.addi %add3A_668, %parallel_loop3A_1261 : vector<16xi32>
        tpu.vector_store_idx %arg9[%parallel_loop3A_1263], %parallel_loop3A_1262 : memref<8192xf32, #tpu.memory_space<vmem>>[vector<16xi32>], vector<16xf32>,
        %parallel_loop3A_1264 = vector.broadcast %parallel_loop3A_1251 : i32 to vector<16xi32>
        %parallel_loop3A_1265 = arith.addi %select_n3A_95, %parallel_loop3A_1264 : vector<16xi32>
        %parallel_loop3A_1266 = tpu.vector_load_idx %arg7[%parallel_loop3A_1265, %add3A_407] : memref<128x64xf32, #tpu.memory_space<vmem>>[vector<16xi32>, vector<16xi32>], vector<16xf32>,
        %parallel_loop3A_1267 = arith.addi %add3A_668, %parallel_loop3A_1265 : vector<16xi32>
        tpu.vector_store_idx %arg9[%parallel_loop3A_1267], %parallel_loop3A_1266 : memref<8192xf32, #tpu.memory_space<vmem>>[vector<16xi32>], vector<16xf32>,
        %parallel_loop3A_1268 = vector.broadcast %parallel_loop3A_1251 : i32 to vector<16xi32>
        %parallel_loop3A_1269 = arith.addi %select_n3A_120, %parallel_loop3A_1268 : vector<16xi32>
        %parallel_loop3A_1270 = tpu.vector_load_idx %arg7[%parallel_loop3A_1269, %add3A_407] : memref<128x64xf32, #tpu.memory_space<vmem>>[vector<16xi32>, vector<16xi32>], vector<16xf32>,
        %parallel_loop3A_1271 = arith.addi %add3A_668, %parallel_loop3A_1269 : vector<16xi32>
        tpu.vector_store_idx %arg9[%parallel_loop3A_1271], %parallel_loop3A_1270 : memref<8192xf32, #tpu.memory_space<vmem>>[vector<16xi32>], vector<16xf32>,
        %parallel_loop3A_1272 = vector.broadcast %parallel_loop3A_1251 : i32 to vector<16xi32>
        %parallel_loop3A_1273 = arith.addi %select_n3A_145, %parallel_loop3A_1272 : vector<16xi32>
        %parallel_loop3A_1274 = tpu.vector_load_idx %arg7[%parallel_loop3A_1273, %add3A_407] : memref<128x64xf32, #tpu.memory_space<vmem>>[vector<16xi32>, vector<16xi32>], vector<16xf32>,
        %parallel_loop3A_1275 = arith.addi %add3A_668, %parallel_loop3A_1273 : vector<16xi32>
        tpu.vector_store_idx %arg9[%parallel_loop3A_1275], %parallel_loop3A_1274 : memref<8192xf32, #tpu.memory_space<vmem>>[vector<16xi32>], vector<16xf32>,
        %parallel_loop3A_1276 = vector.broadcast %parallel_loop3A_1251 : i32 to vector<16xi32>
        %parallel_loop3A_1277 = arith.addi %select_n3A_170, %parallel_loop3A_1276 : vector<16xi32>
        %parallel_loop3A_1278 = tpu.vector_load_idx %arg7[%parallel_loop3A_1277, %add3A_407] : memref<128x64xf32, #tpu.memory_space<vmem>>[vector<16xi32>, vector<16xi32>], vector<16xf32>,
        %parallel_loop3A_1279 = arith.addi %add3A_668, %parallel_loop3A_1277 : vector<16xi32>
        tpu.vector_store_idx %arg9[%parallel_loop3A_1279], %parallel_loop3A_1278 : memref<8192xf32, #tpu.memory_space<vmem>>[vector<16xi32>], vector<16xf32>,
        %parallel_loop3A_1280 = vector.broadcast %parallel_loop3A_1251 : i32 to vector<16xi32>
        %parallel_loop3A_1281 = arith.addi %select_n3A_195, %parallel_loop3A_1280 : vector<16xi32>
        %parallel_loop3A_1282 = tpu.vector_load_idx %arg7[%parallel_loop3A_1281, %add3A_407] : memref<128x64xf32, #tpu.memory_space<vmem>>[vector<16xi32>, vector<16xi32>], vector<16xf32>,
        %parallel_loop3A_1283 = arith.addi %add3A_668, %parallel_loop3A_1281 : vector<16xi32>
        tpu.vector_store_idx %arg9[%parallel_loop3A_1283], %parallel_loop3A_1282 : memref<8192xf32, #tpu.memory_space<vmem>>[vector<16xi32>], vector<16xf32>,
        %parallel_loop3A_1284 = vector.broadcast %parallel_loop3A_1251 : i32 to vector<16xi32>
        %parallel_loop3A_1285 = arith.addi %select_n3A_220, %parallel_loop3A_1284 : vector<16xi32>
        %parallel_loop3A_1286 = tpu.vector_load_idx %arg7[%parallel_loop3A_1285, %add3A_407] : memref<128x64xf32, #tpu.memory_space<vmem>>[vector<16xi32>, vector<16xi32>], vector<16xf32>,
        %parallel_loop3A_1287 = arith.addi %add3A_668, %parallel_loop3A_1285 : vector<16xi32>
        tpu.vector_store_idx %arg9[%parallel_loop3A_1287], %parallel_loop3A_1286 : memref<8192xf32, #tpu.memory_space<vmem>>[vector<16xi32>], vector<16xf32>,
        %parallel_loop3A_1288 = vector.broadcast %parallel_loop3A_1251 : i32 to vector<16xi32>
        %parallel_loop3A_1289 = arith.addi %select_n3A_245, %parallel_loop3A_1288 : vector<16xi32>
        %parallel_loop3A_1290 = tpu.vector_load_idx %arg7[%parallel_loop3A_1289, %add3A_407] : memref<128x64xf32, #tpu.memory_space<vmem>>[vector<16xi32>, vector<16xi32>], vector<16xf32>,
        %parallel_loop3A_1291 = arith.addi %add3A_668, %parallel_loop3A_1289 : vector<16xi32>
        tpu.vector_store_idx %arg9[%parallel_loop3A_1291], %parallel_loop3A_1290 : memref<8192xf32, #tpu.memory_space<vmem>>[vector<16xi32>], vector<16xf32>,
        %parallel_loop3A_1292 = vector.broadcast %parallel_loop3A_1251 : i32 to vector<16xi32>
        %parallel_loop3A_1293 = arith.addi %select_n3A_270, %parallel_loop3A_1292 : vector<16xi32>
        %parallel_loop3A_1294 = tpu.vector_load_idx %arg7[%parallel_loop3A_1293, %add3A_407] : memref<128x64xf32, #tpu.memory_space<vmem>>[vector<16xi32>, vector<16xi32>], vector<16xf32>,
        %parallel_loop3A_1295 = arith.addi %add3A_668, %parallel_loop3A_1293 : vector<16xi32>
        tpu.vector_store_idx %arg9[%parallel_loop3A_1295], %parallel_loop3A_1294 : memref<8192xf32, #tpu.memory_space<vmem>>[vector<16xi32>], vector<16xf32>,
        %parallel_loop3A_1296 = vector.broadcast %parallel_loop3A_1251 : i32 to vector<16xi32>
        %parallel_loop3A_1297 = arith.addi %select_n3A_295, %parallel_loop3A_1296 : vector<16xi32>
        %parallel_loop3A_1298 = tpu.vector_load_idx %arg7[%parallel_loop3A_1297, %add3A_407] : memref<128x64xf32, #tpu.memory_space<vmem>>[vector<16xi32>, vector<16xi32>], vector<16xf32>,
        %parallel_loop3A_1299 = arith.addi %add3A_668, %parallel_loop3A_1297 : vector<16xi32>
        tpu.vector_store_idx %arg9[%parallel_loop3A_1299], %parallel_loop3A_1298 : memref<8192xf32, #tpu.memory_space<vmem>>[vector<16xi32>], vector<16xf32>,
        %parallel_loop3A_1300 = vector.broadcast %parallel_loop3A_1251 : i32 to vector<16xi32>
        %parallel_loop3A_1301 = arith.addi %select_n3A_320, %parallel_loop3A_1300 : vector<16xi32>
        %parallel_loop3A_1302 = tpu.vector_load_idx %arg7[%parallel_loop3A_1301, %add3A_407] : memref<128x64xf32, #tpu.memory_space<vmem>>[vector<16xi32>, vector<16xi32>], vector<16xf32>,
        %parallel_loop3A_1303 = arith.addi %add3A_668, %parallel_loop3A_1301 : vector<16xi32>
        tpu.vector_store_idx %arg9[%parallel_loop3A_1303], %parallel_loop3A_1302 : memref<8192xf32, #tpu.memory_space<vmem>>[vector<16xi32>], vector<16xf32>,
        %parallel_loop3A_1304 = vector.broadcast %parallel_loop3A_1251 : i32 to vector<16xi32>
        %parallel_loop3A_1305 = arith.addi %select_n3A_345, %parallel_loop3A_1304 : vector<16xi32>
        %parallel_loop3A_1306 = tpu.vector_load_idx %arg7[%parallel_loop3A_1305, %add3A_407] : memref<128x64xf32, #tpu.memory_space<vmem>>[vector<16xi32>, vector<16xi32>], vector<16xf32>,
        %parallel_loop3A_1307 = arith.addi %add3A_668, %parallel_loop3A_1305 : vector<16xi32>
        tpu.vector_store_idx %arg9[%parallel_loop3A_1307], %parallel_loop3A_1306 : memref<8192xf32, #tpu.memory_space<vmem>>[vector<16xi32>], vector<16xf32>,
        %parallel_loop3A_1308 = vector.broadcast %parallel_loop3A_1251 : i32 to vector<16xi32>
        %parallel_loop3A_1309 = arith.addi %select_n3A_370, %parallel_loop3A_1308 : vector<16xi32>
        %parallel_loop3A_1310 = tpu.vector_load_idx %arg7[%parallel_loop3A_1309, %add3A_407] : memref<128x64xf32, #tpu.memory_space<vmem>>[vector<16xi32>, vector<16xi32>], vector<16xf32>,
        %parallel_loop3A_1311 = arith.addi %add3A_668, %parallel_loop3A_1309 : vector<16xi32>
        tpu.vector_store_idx %arg9[%parallel_loop3A_1311], %parallel_loop3A_1310 : memref<8192xf32, #tpu.memory_space<vmem>>[vector<16xi32>], vector<16xf32>,
        %parallel_loop3A_1312 = vector.broadcast %parallel_loop3A_1251 : i32 to vector<16xi32>
        %parallel_loop3A_1313 = arith.addi %select_n3A_395, %parallel_loop3A_1312 : vector<16xi32>
        %parallel_loop3A_1314 = tpu.vector_load_idx %arg7[%parallel_loop3A_1313, %add3A_407] : memref<128x64xf32, #tpu.memory_space<vmem>>[vector<16xi32>, vector<16xi32>], vector<16xf32>,
        %parallel_loop3A_1315 = arith.addi %add3A_668, %parallel_loop3A_1313 : vector<16xi32>
        tpu.vector_store_idx %arg9[%parallel_loop3A_1315], %parallel_loop3A_1314 : memref<8192xf32, #tpu.memory_space<vmem>>[vector<16xi32>], vector<16xf32>,
      } {sc.loop_unroll_factor = 4 : i64, sc.parallel_access}
      %dma_start3A_1098 = arith.constant 6 : i32
      %dma_start3A_1099 = arith.constant 6144 : i32
      %dma_start3A_1100 = tpu.memref_slice %arg9[%dma_start3A_1099] : memref<8192xf32, #tpu.memory_space<vmem>> -> memref<1024xf32, #tpu.memory_space<vmem>>
      %dma_start3A_1101 = arith.constant 0 : i32
      %dma_start3A_1102 = tpu.memref_slice %arg4[%shift_right_arithmetic3A_1016, %dma_start3A_1098, %and3A_1020, %dma_start3A_1101] : memref<200x8x128x1024xf32, #tpu.memory_space<hbm>> -> memref<1x1x1x1024xf32, #tpu.memory_space<hbm>>
      %dma_start3A_1103 = tpu.memref_squeeze %dma_start3A_1102 : memref<1x1x1x1024xf32, #tpu.memory_space<hbm>> -> memref<1024xf32, #tpu.memory_space<hbm>>
      %dma_start3A_1104 = arith.constant 0 : i32
      %dma_start3A_1105 = tpu.memref_slice %arg4[%shift_right_arithmetic3A_1016, %dma_start3A_1098, %and3A_1020, %dma_start3A_1104] : memref<200x8x128x1024xf32, #tpu.memory_space<hbm>> -> memref<1x1x1x1024xf32, #tpu.memory_space<hbm>>
      %dma_start3A_1106 = tpu.memref_squeeze %dma_start3A_1105 : memref<1x1x1x1024xf32, #tpu.memory_space<hbm>> -> memref<1024xf32, #tpu.memory_space<hbm>>
      %dma_start3A_1107 = arith.constant 6144 : i32
      %dma_start3A_1108 = tpu.memref_slice %arg9[%dma_start3A_1107] : memref<8192xf32, #tpu.memory_space<vmem>> -> memref<1024xf32, #tpu.memory_space<vmem>>
      tpu.enqueue_dma source(%dma_start3A_1108 : memref<1024xf32, #tpu.memory_space<vmem>>) target(%dma_start3A_1106 : memref<1024xf32, #tpu.memory_space<hbm>>) target_semaphore(%arg14 : memref<!tpu.dma_semaphore, #tpu.memory_space<semaphore_mem>>)
      %dma_start3A_1109 = arith.constant 7 : i32
      %dma_start3A_1110 = arith.constant 7168 : i32
      %dma_start3A_1111 = tpu.memref_slice %arg9[%dma_start3A_1110] : memref<8192xf32, #tpu.memory_space<vmem>> -> memref<1024xf32, #tpu.memory_space<vmem>>
      %dma_start3A_1112 = arith.constant 0 : i32
      %dma_start3A_1113 = tpu.memref_slice %arg4[%shift_right_arithmetic3A_1016, %dma_start3A_1109, %and3A_1020, %dma_start3A_1112] : memref<200x8x128x1024xf32, #tpu.memory_space<hbm>> -> memref<1x1x1x1024xf32, #tpu.memory_space<hbm>>
      %dma_start3A_1114 = tpu.memref_squeeze %dma_start3A_1113 : memref<1x1x1x1024xf32, #tpu.memory_space<hbm>> -> memref<1024xf32, #tpu.memory_space<hbm>>
      %dma_start3A_1115 = arith.constant 0 : i32
      %dma_start3A_1116 = tpu.memref_slice %arg4[%shift_right_arithmetic3A_1016, %dma_start3A_1109, %and3A_1020, %dma_start3A_1115] : memref<200x8x128x1024xf32, #tpu.memory_space<hbm>> -> memref<1x1x1x1024xf32, #tpu.memory_space<hbm>>
      %dma_start3A_1117 = tpu.memref_squeeze %dma_start3A_1116 : memref<1x1x1x1024xf32, #tpu.memory_space<hbm>> -> memref<1024xf32, #tpu.memory_space<hbm>>
      %dma_start3A_1118 = arith.constant 7168 : i32
      %dma_start3A_1119 = tpu.memref_slice %arg9[%dma_start3A_1118] : memref<8192xf32, #tpu.memory_space<vmem>> -> memref<1024xf32, #tpu.memory_space<vmem>>
      tpu.enqueue_dma source(%dma_start3A_1119 : memref<1024xf32, #tpu.memory_space<vmem>>) target(%dma_start3A_1117 : memref<1024xf32, #tpu.memory_space<hbm>>) target_semaphore(%arg14 : memref<!tpu.dma_semaphore, #tpu.memory_space<semaphore_mem>>)
      %mul3A_1120 = arith.constant 2 : i32
      %mul3A_1121 = arith.muli %mul3A_1120, %scan3A_931 : i32
      %add3A_1122 = arith.constant 1 : i32
      %add3A_1123 = arith.addi %mul3A_1121, %add3A_1122 : i32
      %lt3A_1124 = arith.constant 399 : i32
      %lt3A_1125 = arith.cmpi slt, %scan3A_931, %lt3A_1124 : i32
      %convert_element_type3A_1126 = arith.extui %lt3A_1125 : i1 to i32
      %cond3A_1127 = arith.constant 0 : i32
      %cond3A_1128 = arith.cmpi ne, %convert_element_type3A_1126, %cond3A_1127 : i32
      scf.if %cond3A_1128 {
        %add3A_1251 = arith.constant 1 : i32
        %add3A_1252 = arith.addi %add3A_1123, %add3A_1251 : i32
        %mul3A_1253 = arith.constant 128 : i32
        %mul3A_1254 = arith.muli %add3A_1252, %mul3A_1253 : i32
        %add3A_1255 = arith.addi %mul3A_2, %mul3A_1254 : i32
        %dma_wait3A_1256 = tpu.memref_slice %arg2[%add3A_1255] : memref<3276800xi32, #tpu.memory_space<hbm>> -> memref<128xi32, #tpu.memory_space<hbm>>
        %dma_wait3A_1257 = tpu.memref_slice %arg2[%add3A_1255] : memref<3276800xi32, #tpu.memory_space<hbm>> -> memref<128xi32, #tpu.memory_space<hbm>>
        tpu.wait_dma2 semaphore(%arg11 : memref<!tpu.dma_semaphore, #tpu.memory_space<semaphore_mem>>) src(%dma_wait3A_1257 : memref<128xi32, #tpu.memory_space<hbm>>) dst(%arg5 : memref<128xi32, #tpu.memory_space<vmem>>)
        %get3A_1258 = arith.constant 0 : index
        %get3A_1259 = tpu.vector_load %arg5[%get3A_1258] {strides = array<i32>} : memref<128xi32, #tpu.memory_space<vmem>>, vector<16xi32>,
        %min3A_1260 = arith.constant 14999 : i32
        %min3A_1261 = vector.broadcast %min3A_1260 : i32 to vector<16xi32>
        %min3A_1262 = arith.minsi %get3A_1259, %min3A_1261 : vector<16xi32>
        %swap3A_1263 = arith.constant 0 : index
        %swap3A_1264 = tpu.vector_load %arg5[%swap3A_1263] {strides = array<i32>} : memref<128xi32, #tpu.memory_space<vmem>>, vector<16xi32>,
        tpu.vector_store %arg5[%swap3A_1263], %min3A_1262 {strides = array<i32>} : memref<128xi32, #tpu.memory_space<vmem>>, vector<16xi32>,
        %get3A_1265 = arith.constant 16 : index
        %get3A_1266 = tpu.vector_load %arg5[%get3A_1265] {strides = array<i32>} : memref<128xi32, #tpu.memory_space<vmem>>, vector<16xi32>,
        %min3A_1267 = arith.constant 14999 : i32
        %min3A_1268 = vector.broadcast %min3A_1267 : i32 to vector<16xi32>
        %min3A_1269 = arith.minsi %get3A_1266, %min3A_1268 : vector<16xi32>
        %swap3A_1270 = arith.constant 16 : index
        %swap3A_1271 = tpu.vector_load %arg5[%swap3A_1270] {strides = array<i32>} : memref<128xi32, #tpu.memory_space<vmem>>, vector<16xi32>,
        tpu.vector_store %arg5[%swap3A_1270], %min3A_1269 {strides = array<i32>} : memref<128xi32, #tpu.memory_space<vmem>>, vector<16xi32>,
        %get3A_1272 = arith.constant 32 : index
        %get3A_1273 = tpu.vector_load %arg5[%get3A_1272] {strides = array<i32>} : memref<128xi32, #tpu.memory_space<vmem>>, vector<16xi32>,
        %min3A_1274 = arith.constant 14999 : i32
        %min3A_1275 = vector.broadcast %min3A_1274 : i32 to vector<16xi32>
        %min3A_1276 = arith.minsi %get3A_1273, %min3A_1275 : vector<16xi32>
        %swap3A_1277 = arith.constant 32 : index
        %swap3A_1278 = tpu.vector_load %arg5[%swap3A_1277] {strides = array<i32>} : memref<128xi32, #tpu.memory_space<vmem>>, vector<16xi32>,
        tpu.vector_store %arg5[%swap3A_1277], %min3A_1276 {strides = array<i32>} : memref<128xi32, #tpu.memory_space<vmem>>, vector<16xi32>,
        %get3A_1279 = arith.constant 48 : index
        %get3A_1280 = tpu.vector_load %arg5[%get3A_1279] {strides = array<i32>} : memref<128xi32, #tpu.memory_space<vmem>>, vector<16xi32>,
        %min3A_1281 = arith.constant 14999 : i32
        %min3A_1282 = vector.broadcast %min3A_1281 : i32 to vector<16xi32>
        %min3A_1283 = arith.minsi %get3A_1280, %min3A_1282 : vector<16xi32>
        %swap3A_1284 = arith.constant 48 : index
        %swap3A_1285 = tpu.vector_load %arg5[%swap3A_1284] {strides = array<i32>} : memref<128xi32, #tpu.memory_space<vmem>>, vector<16xi32>,
        tpu.vector_store %arg5[%swap3A_1284], %min3A_1283 {strides = array<i32>} : memref<128xi32, #tpu.memory_space<vmem>>, vector<16xi32>,
        %get3A_1286 = arith.constant 64 : index
        %get3A_1287 = tpu.vector_load %arg5[%get3A_1286] {strides = array<i32>} : memref<128xi32, #tpu.memory_space<vmem>>, vector<16xi32>,
        %min3A_1288 = arith.constant 14999 : i32
        %min3A_1289 = vector.broadcast %min3A_1288 : i32 to vector<16xi32>
        %min3A_1290 = arith.minsi %get3A_1287, %min3A_1289 : vector<16xi32>
        %swap3A_1291 = arith.constant 64 : index
        %swap3A_1292 = tpu.vector_load %arg5[%swap3A_1291] {strides = array<i32>} : memref<128xi32, #tpu.memory_space<vmem>>, vector<16xi32>,
        tpu.vector_store %arg5[%swap3A_1291], %min3A_1290 {strides = array<i32>} : memref<128xi32, #tpu.memory_space<vmem>>, vector<16xi32>,
        %get3A_1293 = arith.constant 80 : index
        %get3A_1294 = tpu.vector_load %arg5[%get3A_1293] {strides = array<i32>} : memref<128xi32, #tpu.memory_space<vmem>>, vector<16xi32>,
        %min3A_1295 = arith.constant 14999 : i32
        %min3A_1296 = vector.broadcast %min3A_1295 : i32 to vector<16xi32>
        %min3A_1297 = arith.minsi %get3A_1294, %min3A_1296 : vector<16xi32>
        %swap3A_1298 = arith.constant 80 : index
        %swap3A_1299 = tpu.vector_load %arg5[%swap3A_1298] {strides = array<i32>} : memref<128xi32, #tpu.memory_space<vmem>>, vector<16xi32>,
        tpu.vector_store %arg5[%swap3A_1298], %min3A_1297 {strides = array<i32>} : memref<128xi32, #tpu.memory_space<vmem>>, vector<16xi32>,
        %get3A_1300 = arith.constant 96 : index
        %get3A_1301 = tpu.vector_load %arg5[%get3A_1300] {strides = array<i32>} : memref<128xi32, #tpu.memory_space<vmem>>, vector<16xi32>,
        %min3A_1302 = arith.constant 14999 : i32
        %min3A_1303 = vector.broadcast %min3A_1302 : i32 to vector<16xi32>
        %min3A_1304 = arith.minsi %get3A_1301, %min3A_1303 : vector<16xi32>
        %swap3A_1305 = arith.constant 96 : index
        %swap3A_1306 = tpu.vector_load %arg5[%swap3A_1305] {strides = array<i32>} : memref<128xi32, #tpu.memory_space<vmem>>, vector<16xi32>,
        tpu.vector_store %arg5[%swap3A_1305], %min3A_1304 {strides = array<i32>} : memref<128xi32, #tpu.memory_space<vmem>>, vector<16xi32>,
        %get3A_1307 = arith.constant 112 : index
        %get3A_1308 = tpu.vector_load %arg5[%get3A_1307] {strides = array<i32>} : memref<128xi32, #tpu.memory_space<vmem>>, vector<16xi32>,
        %min3A_1309 = arith.constant 14999 : i32
        %min3A_1310 = vector.broadcast %min3A_1309 : i32 to vector<16xi32>
        %min3A_1311 = arith.minsi %get3A_1308, %min3A_1310 : vector<16xi32>
        %swap3A_1312 = arith.constant 112 : index
        %swap3A_1313 = tpu.vector_load %arg5[%swap3A_1312] {strides = array<i32>} : memref<128xi32, #tpu.memory_space<vmem>>, vector<16xi32>,
        tpu.vector_store %arg5[%swap3A_1312], %min3A_1311 {strides = array<i32>} : memref<128xi32, #tpu.memory_space<vmem>>, vector<16xi32>,
        %dma_start3A_1314 = arith.constant 0 : i32
        %dma_start3A_1315 = arith.constant 0 : i32
        %dma_start3A_1316 = tpu.memref_slice %arg3[%dma_start3A_1314, %dma_start3A_1315] : memref<15000x64xf32, #tpu.memory_space<hbm>> -> memref<15000x64xf32, #tpu.memory_space<hbm>>
        tpu.enqueue_indirect_dma source(%dma_start3A_1316 : memref<15000x64xf32, #tpu.memory_space<hbm>>) target(%arg7 : memref<128x64xf32, #tpu.memory_space<vmem>>) offsets(%arg5 : memref<128xi32, #tpu.memory_space<vmem>>) semaphore(%arg12 : memref<!tpu.dma_semaphore, #tpu.memory_space<semaphore_mem>>)
      } else {
      }
      %dma_wait3A_1129 = arith.constant 0 : i32
      %dma_wait3A_1130 = arith.constant 0 : i32
      %dma_wait3A_1131 = tpu.memref_slice %arg3[%dma_wait3A_1129, %dma_wait3A_1130] : memref<15000x64xf32, #tpu.memory_space<hbm>> -> memref<15000x64xf32, #tpu.memory_space<hbm>>
      tpu.wait_indirect_dma semaphore(%arg13 : memref<!tpu.dma_semaphore, #tpu.memory_space<semaphore_mem>>) src(%dma_wait3A_1131 : memref<15000x64xf32, #tpu.memory_space<hbm>>) dst(%arg8 : memref<128x64xf32, #tpu.memory_space<vmem>>)
      %lt3A_1132 = arith.constant 399 : i32
      %lt3A_1133 = arith.cmpi slt, %scan3A_931, %lt3A_1132 : i32
      %convert_element_type3A_1134 = arith.extui %lt3A_1133 : i1 to i32
      %cond3A_1135 = arith.constant 0 : i32
      %cond3A_1136 = arith.cmpi ne, %convert_element_type3A_1134, %cond3A_1135 : i32
      scf.if %cond3A_1136 {
        %add3A_1251 = arith.constant 2 : i32
        %add3A_1252 = arith.addi %add3A_1123, %add3A_1251 : i32
        %mul3A_1253 = arith.constant 128 : i32
        %mul3A_1254 = arith.muli %add3A_1252, %mul3A_1253 : i32
        %add3A_1255 = arith.addi %mul3A_2, %mul3A_1254 : i32
        %dma_start3A_1256 = tpu.memref_slice %arg2[%add3A_1255] : memref<3276800xi32, #tpu.memory_space<hbm>> -> memref<128xi32, #tpu.memory_space<hbm>>
        %dma_start3A_1257 = tpu.memref_slice %arg2[%add3A_1255] : memref<3276800xi32, #tpu.memory_space<hbm>> -> memref<128xi32, #tpu.memory_space<hbm>>
        tpu.enqueue_dma source(%dma_start3A_1257 : memref<128xi32, #tpu.memory_space<hbm>>) target(%arg6 : memref<128xi32, #tpu.memory_space<vmem>>) target_semaphore(%arg11 : memref<!tpu.dma_semaphore, #tpu.memory_space<semaphore_mem>>)
      } else {
      }
      %gt3A_1137 = arith.constant 0 : i32
      %gt3A_1138 = arith.cmpi sgt, %scan3A_931, %gt3A_1137 : i32
      %convert_element_type3A_1139 = arith.extui %gt3A_1138 : i1 to i32
      %cond3A_1140 = arith.constant 0 : i32
      %cond3A_1141 = arith.cmpi ne, %convert_element_type3A_1139, %cond3A_1140 : i32
      scf.if %cond3A_1141 {
        %sub3A_1251 = arith.constant 2 : i32
        %sub3A_1252 = arith.subi %add3A_1123, %sub3A_1251 : i32
        %mul3A_1253 = arith.constant 128 : i32
        %mul3A_1254 = arith.muli %sub3A_1252, %mul3A_1253 : i32
        %add3A_1255 = arith.addi %mul3A_2, %mul3A_1254 : i32
        %shift_right_arithmetic3A_1256 = arith.constant 14 : i32
        %shift_right_arithmetic3A_1257 = arith.shrsi %add3A_1255, %shift_right_arithmetic3A_1256 : i32
        %shift_right_arithmetic3A_1258 = arith.constant 7 : i32
        %shift_right_arithmetic3A_1259 = arith.shrsi %add3A_1255, %shift_right_arithmetic3A_1258 : i32
        %and3A_1260 = arith.constant 127 : i32
        %and3A_1261 = arith.andi %shift_right_arithmetic3A_1259, %and3A_1260 : i32
        %dma_wait3A_1262 = arith.constant 0 : i32
        %dma_wait3A_1263 = arith.constant 0 : i32
        %dma_wait3A_1264 = tpu.memref_slice %arg10[%dma_wait3A_1263] : memref<8192xf32, #tpu.memory_space<vmem>> -> memref<1024xf32, #tpu.memory_space<vmem>>
        %dma_wait3A_1265 = arith.constant 0 : i32
        %dma_wait3A_1266 = tpu.memref_slice %arg4[%shift_right_arithmetic3A_1257, %dma_wait3A_1262, %and3A_1261, %dma_wait3A_1265] : memref<200x8x128x1024xf32, #tpu.memory_space<hbm>> -> memref<1x1x1x1024xf32, #tpu.memory_space<hbm>>
        %dma_wait3A_1267 = tpu.memref_squeeze %dma_wait3A_1266 : memref<1x1x1x1024xf32, #tpu.memory_space<hbm>> -> memref<1024xf32, #tpu.memory_space<hbm>>
        %dma_wait3A_1268 = arith.constant 0 : i32
        %dma_wait3A_1269 = tpu.memref_slice %arg4[%shift_right_arithmetic3A_1257, %dma_wait3A_1262, %and3A_1261, %dma_wait3A_1268] : memref<200x8x128x1024xf32, #tpu.memory_space<hbm>> -> memref<1x1x1x1024xf32, #tpu.memory_space<hbm>>
        %dma_wait3A_1270 = tpu.memref_squeeze %dma_wait3A_1269 : memref<1x1x1x1024xf32, #tpu.memory_space<hbm>> -> memref<1024xf32, #tpu.memory_space<hbm>>
        %dma_wait3A_1271 = arith.constant 0 : i32
        %dma_wait3A_1272 = tpu.memref_slice %arg10[%dma_wait3A_1271] : memref<8192xf32, #tpu.memory_space<vmem>> -> memref<1024xf32, #tpu.memory_space<vmem>>
        tpu.wait_dma2 semaphore(%arg15 : memref<!tpu.dma_semaphore, #tpu.memory_space<semaphore_mem>>) src(%dma_wait3A_1272 : memref<1024xf32, #tpu.memory_space<vmem>>) dst(%dma_wait3A_1270 : memref<1024xf32, #tpu.memory_space<hbm>>)
        %dma_wait3A_1273 = arith.constant 1 : i32
        %dma_wait3A_1274 = arith.constant 1024 : i32
        %dma_wait3A_1275 = tpu.memref_slice %arg10[%dma_wait3A_1274] : memref<8192xf32, #tpu.memory_space<vmem>> -> memref<1024xf32, #tpu.memory_space<vmem>>
        %dma_wait3A_1276 = arith.constant 0 : i32
        %dma_wait3A_1277 = tpu.memref_slice %arg4[%shift_right_arithmetic3A_1257, %dma_wait3A_1273, %and3A_1261, %dma_wait3A_1276] : memref<200x8x128x1024xf32, #tpu.memory_space<hbm>> -> memref<1x1x1x1024xf32, #tpu.memory_space<hbm>>
        %dma_wait3A_1278 = tpu.memref_squeeze %dma_wait3A_1277 : memref<1x1x1x1024xf32, #tpu.memory_space<hbm>> -> memref<1024xf32, #tpu.memory_space<hbm>>
        %dma_wait3A_1279 = arith.constant 0 : i32
        %dma_wait3A_1280 = tpu.memref_slice %arg4[%shift_right_arithmetic3A_1257, %dma_wait3A_1273, %and3A_1261, %dma_wait3A_1279] : memref<200x8x128x1024xf32, #tpu.memory_space<hbm>> -> memref<1x1x1x1024xf32, #tpu.memory_space<hbm>>
        %dma_wait3A_1281 = tpu.memref_squeeze %dma_wait3A_1280 : memref<1x1x1x1024xf32, #tpu.memory_space<hbm>> -> memref<1024xf32, #tpu.memory_space<hbm>>
        %dma_wait3A_1282 = arith.constant 1024 : i32
        %dma_wait3A_1283 = tpu.memref_slice %arg10[%dma_wait3A_1282] : memref<8192xf32, #tpu.memory_space<vmem>> -> memref<1024xf32, #tpu.memory_space<vmem>>
        tpu.wait_dma2 semaphore(%arg15 : memref<!tpu.dma_semaphore, #tpu.memory_space<semaphore_mem>>) src(%dma_wait3A_1283 : memref<1024xf32, #tpu.memory_space<vmem>>) dst(%dma_wait3A_1281 : memref<1024xf32, #tpu.memory_space<hbm>>)
        %dma_wait3A_1284 = arith.constant 2 : i32
        %dma_wait3A_1285 = arith.constant 2048 : i32
        %dma_wait3A_1286 = tpu.memref_slice %arg10[%dma_wait3A_1285] : memref<8192xf32, #tpu.memory_space<vmem>> -> memref<1024xf32, #tpu.memory_space<vmem>>
        %dma_wait3A_1287 = arith.constant 0 : i32
        %dma_wait3A_1288 = tpu.memref_slice %arg4[%shift_right_arithmetic3A_1257, %dma_wait3A_1284, %and3A_1261, %dma_wait3A_1287] : memref<200x8x128x1024xf32, #tpu.memory_space<hbm>> -> memref<1x1x1x1024xf32, #tpu.memory_space<hbm>>
        %dma_wait3A_1289 = tpu.memref_squeeze %dma_wait3A_1288 : memref<1x1x1x1024xf32, #tpu.memory_space<hbm>> -> memref<1024xf32, #tpu.memory_space<hbm>>
        %dma_wait3A_1290 = arith.constant 0 : i32
        %dma_wait3A_1291 = tpu.memref_slice %arg4[%shift_right_arithmetic3A_1257, %dma_wait3A_1284, %and3A_1261, %dma_wait3A_1290] : memref<200x8x128x1024xf32, #tpu.memory_space<hbm>> -> memref<1x1x1x1024xf32, #tpu.memory_space<hbm>>
        %dma_wait3A_1292 = tpu.memref_squeeze %dma_wait3A_1291 : memref<1x1x1x1024xf32, #tpu.memory_space<hbm>> -> memref<1024xf32, #tpu.memory_space<hbm>>
        %dma_wait3A_1293 = arith.constant 2048 : i32
        %dma_wait3A_1294 = tpu.memref_slice %arg10[%dma_wait3A_1293] : memref<8192xf32, #tpu.memory_space<vmem>> -> memref<1024xf32, #tpu.memory_space<vmem>>
        tpu.wait_dma2 semaphore(%arg15 : memref<!tpu.dma_semaphore, #tpu.memory_space<semaphore_mem>>) src(%dma_wait3A_1294 : memref<1024xf32, #tpu.memory_space<vmem>>) dst(%dma_wait3A_1292 : memref<1024xf32, #tpu.memory_space<hbm>>)
        %dma_wait3A_1295 = arith.constant 3 : i32
        %dma_wait3A_1296 = arith.constant 3072 : i32
        %dma_wait3A_1297 = tpu.memref_slice %arg10[%dma_wait3A_1296] : memref<8192xf32, #tpu.memory_space<vmem>> -> memref<1024xf32, #tpu.memory_space<vmem>>
        %dma_wait3A_1298 = arith.constant 0 : i32
        %dma_wait3A_1299 = tpu.memref_slice %arg4[%shift_right_arithmetic3A_1257, %dma_wait3A_1295, %and3A_1261, %dma_wait3A_1298] : memref<200x8x128x1024xf32, #tpu.memory_space<hbm>> -> memref<1x1x1x1024xf32, #tpu.memory_space<hbm>>
        %dma_wait3A_1300 = tpu.memref_squeeze %dma_wait3A_1299 : memref<1x1x1x1024xf32, #tpu.memory_space<hbm>> -> memref<1024xf32, #tpu.memory_space<hbm>>
        %dma_wait3A_1301 = arith.constant 0 : i32
        %dma_wait3A_1302 = tpu.memref_slice %arg4[%shift_right_arithmetic3A_1257, %dma_wait3A_1295, %and3A_1261, %dma_wait3A_1301] : memref<200x8x128x1024xf32, #tpu.memory_space<hbm>> -> memref<1x1x1x1024xf32, #tpu.memory_space<hbm>>
        %dma_wait3A_1303 = tpu.memref_squeeze %dma_wait3A_1302 : memref<1x1x1x1024xf32, #tpu.memory_space<hbm>> -> memref<1024xf32, #tpu.memory_space<hbm>>
        %dma_wait3A_1304 = arith.constant 3072 : i32
        %dma_wait3A_1305 = tpu.memref_slice %arg10[%dma_wait3A_1304] : memref<8192xf32, #tpu.memory_space<vmem>> -> memref<1024xf32, #tpu.memory_space<vmem>>
        tpu.wait_dma2 semaphore(%arg15 : memref<!tpu.dma_semaphore, #tpu.memory_space<semaphore_mem>>) src(%dma_wait3A_1305 : memref<1024xf32, #tpu.memory_space<vmem>>) dst(%dma_wait3A_1303 : memref<1024xf32, #tpu.memory_space<hbm>>)
        %dma_wait3A_1306 = arith.constant 4 : i32
        %dma_wait3A_1307 = arith.constant 4096 : i32
        %dma_wait3A_1308 = tpu.memref_slice %arg10[%dma_wait3A_1307] : memref<8192xf32, #tpu.memory_space<vmem>> -> memref<1024xf32, #tpu.memory_space<vmem>>
        %dma_wait3A_1309 = arith.constant 0 : i32
        %dma_wait3A_1310 = tpu.memref_slice %arg4[%shift_right_arithmetic3A_1257, %dma_wait3A_1306, %and3A_1261, %dma_wait3A_1309] : memref<200x8x128x1024xf32, #tpu.memory_space<hbm>> -> memref<1x1x1x1024xf32, #tpu.memory_space<hbm>>
        %dma_wait3A_1311 = tpu.memref_squeeze %dma_wait3A_1310 : memref<1x1x1x1024xf32, #tpu.memory_space<hbm>> -> memref<1024xf32, #tpu.memory_space<hbm>>
        %dma_wait3A_1312 = arith.constant 0 : i32
        %dma_wait3A_1313 = tpu.memref_slice %arg4[%shift_right_arithmetic3A_1257, %dma_wait3A_1306, %and3A_1261, %dma_wait3A_1312] : memref<200x8x128x1024xf32, #tpu.memory_space<hbm>> -> memref<1x1x1x1024xf32, #tpu.memory_space<hbm>>
        %dma_wait3A_1314 = tpu.memref_squeeze %dma_wait3A_1313 : memref<1x1x1x1024xf32, #tpu.memory_space<hbm>> -> memref<1024xf32, #tpu.memory_space<hbm>>
        %dma_wait3A_1315 = arith.constant 4096 : i32
        %dma_wait3A_1316 = tpu.memref_slice %arg10[%dma_wait3A_1315] : memref<8192xf32, #tpu.memory_space<vmem>> -> memref<1024xf32, #tpu.memory_space<vmem>>
        tpu.wait_dma2 semaphore(%arg15 : memref<!tpu.dma_semaphore, #tpu.memory_space<semaphore_mem>>) src(%dma_wait3A_1316 : memref<1024xf32, #tpu.memory_space<vmem>>) dst(%dma_wait3A_1314 : memref<1024xf32, #tpu.memory_space<hbm>>)
        %dma_wait3A_1317 = arith.constant 5 : i32
        %dma_wait3A_1318 = arith.constant 5120 : i32
        %dma_wait3A_1319 = tpu.memref_slice %arg10[%dma_wait3A_1318] : memref<8192xf32, #tpu.memory_space<vmem>> -> memref<1024xf32, #tpu.memory_space<vmem>>
        %dma_wait3A_1320 = arith.constant 0 : i32
        %dma_wait3A_1321 = tpu.memref_slice %arg4[%shift_right_arithmetic3A_1257, %dma_wait3A_1317, %and3A_1261, %dma_wait3A_1320] : memref<200x8x128x1024xf32, #tpu.memory_space<hbm>> -> memref<1x1x1x1024xf32, #tpu.memory_space<hbm>>
        %dma_wait3A_1322 = tpu.memref_squeeze %dma_wait3A_1321 : memref<1x1x1x1024xf32, #tpu.memory_space<hbm>> -> memref<1024xf32, #tpu.memory_space<hbm>>
        %dma_wait3A_1323 = arith.constant 0 : i32
        %dma_wait3A_1324 = tpu.memref_slice %arg4[%shift_right_arithmetic3A_1257, %dma_wait3A_1317, %and3A_1261, %dma_wait3A_1323] : memref<200x8x128x1024xf32, #tpu.memory_space<hbm>> -> memref<1x1x1x1024xf32, #tpu.memory_space<hbm>>
        %dma_wait3A_1325 = tpu.memref_squeeze %dma_wait3A_1324 : memref<1x1x1x1024xf32, #tpu.memory_space<hbm>> -> memref<1024xf32, #tpu.memory_space<hbm>>
        %dma_wait3A_1326 = arith.constant 5120 : i32
        %dma_wait3A_1327 = tpu.memref_slice %arg10[%dma_wait3A_1326] : memref<8192xf32, #tpu.memory_space<vmem>> -> memref<1024xf32, #tpu.memory_space<vmem>>
        tpu.wait_dma2 semaphore(%arg15 : memref<!tpu.dma_semaphore, #tpu.memory_space<semaphore_mem>>) src(%dma_wait3A_1327 : memref<1024xf32, #tpu.memory_space<vmem>>) dst(%dma_wait3A_1325 : memref<1024xf32, #tpu.memory_space<hbm>>)
        %dma_wait3A_1328 = arith.constant 6 : i32
        %dma_wait3A_1329 = arith.constant 6144 : i32
        %dma_wait3A_1330 = tpu.memref_slice %arg10[%dma_wait3A_1329] : memref<8192xf32, #tpu.memory_space<vmem>> -> memref<1024xf32, #tpu.memory_space<vmem>>
        %dma_wait3A_1331 = arith.constant 0 : i32
        %dma_wait3A_1332 = tpu.memref_slice %arg4[%shift_right_arithmetic3A_1257, %dma_wait3A_1328, %and3A_1261, %dma_wait3A_1331] : memref<200x8x128x1024xf32, #tpu.memory_space<hbm>> -> memref<1x1x1x1024xf32, #tpu.memory_space<hbm>>
        %dma_wait3A_1333 = tpu.memref_squeeze %dma_wait3A_1332 : memref<1x1x1x1024xf32, #tpu.memory_space<hbm>> -> memref<1024xf32, #tpu.memory_space<hbm>>
        %dma_wait3A_1334 = arith.constant 0 : i32
        %dma_wait3A_1335 = tpu.memref_slice %arg4[%shift_right_arithmetic3A_1257, %dma_wait3A_1328, %and3A_1261, %dma_wait3A_1334] : memref<200x8x128x1024xf32, #tpu.memory_space<hbm>> -> memref<1x1x1x1024xf32, #tpu.memory_space<hbm>>
        %dma_wait3A_1336 = tpu.memref_squeeze %dma_wait3A_1335 : memref<1x1x1x1024xf32, #tpu.memory_space<hbm>> -> memref<1024xf32, #tpu.memory_space<hbm>>
        %dma_wait3A_1337 = arith.constant 6144 : i32
        %dma_wait3A_1338 = tpu.memref_slice %arg10[%dma_wait3A_1337] : memref<8192xf32, #tpu.memory_space<vmem>> -> memref<1024xf32, #tpu.memory_space<vmem>>
        tpu.wait_dma2 semaphore(%arg15 : memref<!tpu.dma_semaphore, #tpu.memory_space<semaphore_mem>>) src(%dma_wait3A_1338 : memref<1024xf32, #tpu.memory_space<vmem>>) dst(%dma_wait3A_1336 : memref<1024xf32, #tpu.memory_space<hbm>>)
        %dma_wait3A_1339 = arith.constant 7 : i32
        %dma_wait3A_1340 = arith.constant 7168 : i32
        %dma_wait3A_1341 = tpu.memref_slice %arg10[%dma_wait3A_1340] : memref<8192xf32, #tpu.memory_space<vmem>> -> memref<1024xf32, #tpu.memory_space<vmem>>
        %dma_wait3A_1342 = arith.constant 0 : i32
        %dma_wait3A_1343 = tpu.memref_slice %arg4[%shift_right_arithmetic3A_1257, %dma_wait3A_1339, %and3A_1261, %dma_wait3A_1342] : memref<200x8x128x1024xf32, #tpu.memory_space<hbm>> -> memref<1x1x1x1024xf32, #tpu.memory_space<hbm>>
        %dma_wait3A_1344 = tpu.memref_squeeze %dma_wait3A_1343 : memref<1x1x1x1024xf32, #tpu.memory_space<hbm>> -> memref<1024xf32, #tpu.memory_space<hbm>>
        %dma_wait3A_1345 = arith.constant 0 : i32
        %dma_wait3A_1346 = tpu.memref_slice %arg4[%shift_right_arithmetic3A_1257, %dma_wait3A_1339, %and3A_1261, %dma_wait3A_1345] : memref<200x8x128x1024xf32, #tpu.memory_space<hbm>> -> memref<1x1x1x1024xf32, #tpu.memory_space<hbm>>
        %dma_wait3A_1347 = tpu.memref_squeeze %dma_wait3A_1346 : memref<1x1x1x1024xf32, #tpu.memory_space<hbm>> -> memref<1024xf32, #tpu.memory_space<hbm>>
        %dma_wait3A_1348 = arith.constant 7168 : i32
        %dma_wait3A_1349 = tpu.memref_slice %arg10[%dma_wait3A_1348] : memref<8192xf32, #tpu.memory_space<vmem>> -> memref<1024xf32, #tpu.memory_space<vmem>>
        tpu.wait_dma2 semaphore(%arg15 : memref<!tpu.dma_semaphore, #tpu.memory_space<semaphore_mem>>) src(%dma_wait3A_1349 : memref<1024xf32, #tpu.memory_space<vmem>>) dst(%dma_wait3A_1347 : memref<1024xf32, #tpu.memory_space<hbm>>)
      } else {
      }
      %mul3A_1142 = arith.constant 128 : i32
      %mul3A_1143 = arith.muli %add3A_1123, %mul3A_1142 : i32
      %add3A_1144 = arith.addi %mul3A_2, %mul3A_1143 : i32
      %shift_right_arithmetic3A_1145 = arith.constant 14 : i32
      %shift_right_arithmetic3A_1146 = arith.shrsi %add3A_1144, %shift_right_arithmetic3A_1145 : i32
      %shift_right_arithmetic3A_1147 = arith.constant 7 : i32
      %shift_right_arithmetic3A_1148 = arith.shrsi %add3A_1144, %shift_right_arithmetic3A_1147 : i32
      %and3A_1149 = arith.constant 127 : i32
      %and3A_1150 = arith.andi %shift_right_arithmetic3A_1148, %and3A_1149 : i32
      %parallel_loop3A_1151 = arith.constant 0 : i32
      %parallel_loop3A_1152 = arith.constant 128 : i32
      %parallel_loop3A_1153 = arith.constant 16 : i32
      scf.for %parallel_loop3A_1251 = %parallel_loop3A_1151 to %parallel_loop3A_1152 step %parallel_loop3A_1153  : i32 {
        %parallel_loop3A_1252 = vector.broadcast %parallel_loop3A_1251 : i32 to vector<16xi32>
        %parallel_loop3A_1253 = arith.addi %select_n3A_20, %parallel_loop3A_1252 : vector<16xi32>
        %parallel_loop3A_1254 = tpu.vector_load_idx %arg8[%parallel_loop3A_1253, %add3A_398] : memref<128x64xf32, #tpu.memory_space<vmem>>[vector<16xi32>, vector<16xi32>], vector<16xf32>,
        %parallel_loop3A_1255 = arith.addi %add3A_470, %parallel_loop3A_1253 : vector<16xi32>
        tpu.vector_store_idx %arg10[%parallel_loop3A_1255], %parallel_loop3A_1254 : memref<8192xf32, #tpu.memory_space<vmem>>[vector<16xi32>], vector<16xf32>,
        %parallel_loop3A_1256 = vector.broadcast %parallel_loop3A_1251 : i32 to vector<16xi32>
        %parallel_loop3A_1257 = arith.addi %select_n3A_45, %parallel_loop3A_1256 : vector<16xi32>
        %parallel_loop3A_1258 = tpu.vector_load_idx %arg8[%parallel_loop3A_1257, %add3A_398] : memref<128x64xf32, #tpu.memory_space<vmem>>[vector<16xi32>, vector<16xi32>], vector<16xf32>,
        %parallel_loop3A_1259 = arith.addi %add3A_470, %parallel_loop3A_1257 : vector<16xi32>
        tpu.vector_store_idx %arg10[%parallel_loop3A_1259], %parallel_loop3A_1258 : memref<8192xf32, #tpu.memory_space<vmem>>[vector<16xi32>], vector<16xf32>,
        %parallel_loop3A_1260 = vector.broadcast %parallel_loop3A_1251 : i32 to vector<16xi32>
        %parallel_loop3A_1261 = arith.addi %select_n3A_70, %parallel_loop3A_1260 : vector<16xi32>
        %parallel_loop3A_1262 = tpu.vector_load_idx %arg8[%parallel_loop3A_1261, %add3A_398] : memref<128x64xf32, #tpu.memory_space<vmem>>[vector<16xi32>, vector<16xi32>], vector<16xf32>,
        %parallel_loop3A_1263 = arith.addi %add3A_470, %parallel_loop3A_1261 : vector<16xi32>
        tpu.vector_store_idx %arg10[%parallel_loop3A_1263], %parallel_loop3A_1262 : memref<8192xf32, #tpu.memory_space<vmem>>[vector<16xi32>], vector<16xf32>,
        %parallel_loop3A_1264 = vector.broadcast %parallel_loop3A_1251 : i32 to vector<16xi32>
        %parallel_loop3A_1265 = arith.addi %select_n3A_95, %parallel_loop3A_1264 : vector<16xi32>
        %parallel_loop3A_1266 = tpu.vector_load_idx %arg8[%parallel_loop3A_1265, %add3A_398] : memref<128x64xf32, #tpu.memory_space<vmem>>[vector<16xi32>, vector<16xi32>], vector<16xf32>,
        %parallel_loop3A_1267 = arith.addi %add3A_470, %parallel_loop3A_1265 : vector<16xi32>
        tpu.vector_store_idx %arg10[%parallel_loop3A_1267], %parallel_loop3A_1266 : memref<8192xf32, #tpu.memory_space<vmem>>[vector<16xi32>], vector<16xf32>,
        %parallel_loop3A_1268 = vector.broadcast %parallel_loop3A_1251 : i32 to vector<16xi32>
        %parallel_loop3A_1269 = arith.addi %select_n3A_120, %parallel_loop3A_1268 : vector<16xi32>
        %parallel_loop3A_1270 = tpu.vector_load_idx %arg8[%parallel_loop3A_1269, %add3A_398] : memref<128x64xf32, #tpu.memory_space<vmem>>[vector<16xi32>, vector<16xi32>], vector<16xf32>,
        %parallel_loop3A_1271 = arith.addi %add3A_470, %parallel_loop3A_1269 : vector<16xi32>
        tpu.vector_store_idx %arg10[%parallel_loop3A_1271], %parallel_loop3A_1270 : memref<8192xf32, #tpu.memory_space<vmem>>[vector<16xi32>], vector<16xf32>,
        %parallel_loop3A_1272 = vector.broadcast %parallel_loop3A_1251 : i32 to vector<16xi32>
        %parallel_loop3A_1273 = arith.addi %select_n3A_145, %parallel_loop3A_1272 : vector<16xi32>
        %parallel_loop3A_1274 = tpu.vector_load_idx %arg8[%parallel_loop3A_1273, %add3A_398] : memref<128x64xf32, #tpu.memory_space<vmem>>[vector<16xi32>, vector<16xi32>], vector<16xf32>,
        %parallel_loop3A_1275 = arith.addi %add3A_470, %parallel_loop3A_1273 : vector<16xi32>
        tpu.vector_store_idx %arg10[%parallel_loop3A_1275], %parallel_loop3A_1274 : memref<8192xf32, #tpu.memory_space<vmem>>[vector<16xi32>], vector<16xf32>,
        %parallel_loop3A_1276 = vector.broadcast %parallel_loop3A_1251 : i32 to vector<16xi32>
        %parallel_loop3A_1277 = arith.addi %select_n3A_170, %parallel_loop3A_1276 : vector<16xi32>
        %parallel_loop3A_1278 = tpu.vector_load_idx %arg8[%parallel_loop3A_1277, %add3A_398] : memref<128x64xf32, #tpu.memory_space<vmem>>[vector<16xi32>, vector<16xi32>], vector<16xf32>,
        %parallel_loop3A_1279 = arith.addi %add3A_470, %parallel_loop3A_1277 : vector<16xi32>
        tpu.vector_store_idx %arg10[%parallel_loop3A_1279], %parallel_loop3A_1278 : memref<8192xf32, #tpu.memory_space<vmem>>[vector<16xi32>], vector<16xf32>,
        %parallel_loop3A_1280 = vector.broadcast %parallel_loop3A_1251 : i32 to vector<16xi32>
        %parallel_loop3A_1281 = arith.addi %select_n3A_195, %parallel_loop3A_1280 : vector<16xi32>
        %parallel_loop3A_1282 = tpu.vector_load_idx %arg8[%parallel_loop3A_1281, %add3A_398] : memref<128x64xf32, #tpu.memory_space<vmem>>[vector<16xi32>, vector<16xi32>], vector<16xf32>,
        %parallel_loop3A_1283 = arith.addi %add3A_470, %parallel_loop3A_1281 : vector<16xi32>
        tpu.vector_store_idx %arg10[%parallel_loop3A_1283], %parallel_loop3A_1282 : memref<8192xf32, #tpu.memory_space<vmem>>[vector<16xi32>], vector<16xf32>,
        %parallel_loop3A_1284 = vector.broadcast %parallel_loop3A_1251 : i32 to vector<16xi32>
        %parallel_loop3A_1285 = arith.addi %select_n3A_220, %parallel_loop3A_1284 : vector<16xi32>
        %parallel_loop3A_1286 = tpu.vector_load_idx %arg8[%parallel_loop3A_1285, %add3A_398] : memref<128x64xf32, #tpu.memory_space<vmem>>[vector<16xi32>, vector<16xi32>], vector<16xf32>,
        %parallel_loop3A_1287 = arith.addi %add3A_470, %parallel_loop3A_1285 : vector<16xi32>
        tpu.vector_store_idx %arg10[%parallel_loop3A_1287], %parallel_loop3A_1286 : memref<8192xf32, #tpu.memory_space<vmem>>[vector<16xi32>], vector<16xf32>,
        %parallel_loop3A_1288 = vector.broadcast %parallel_loop3A_1251 : i32 to vector<16xi32>
        %parallel_loop3A_1289 = arith.addi %select_n3A_245, %parallel_loop3A_1288 : vector<16xi32>
        %parallel_loop3A_1290 = tpu.vector_load_idx %arg8[%parallel_loop3A_1289, %add3A_398] : memref<128x64xf32, #tpu.memory_space<vmem>>[vector<16xi32>, vector<16xi32>], vector<16xf32>,
        %parallel_loop3A_1291 = arith.addi %add3A_470, %parallel_loop3A_1289 : vector<16xi32>
        tpu.vector_store_idx %arg10[%parallel_loop3A_1291], %parallel_loop3A_1290 : memref<8192xf32, #tpu.memory_space<vmem>>[vector<16xi32>], vector<16xf32>,
        %parallel_loop3A_1292 = vector.broadcast %parallel_loop3A_1251 : i32 to vector<16xi32>
        %parallel_loop3A_1293 = arith.addi %select_n3A_270, %parallel_loop3A_1292 : vector<16xi32>
        %parallel_loop3A_1294 = tpu.vector_load_idx %arg8[%parallel_loop3A_1293, %add3A_398] : memref<128x64xf32, #tpu.memory_space<vmem>>[vector<16xi32>, vector<16xi32>], vector<16xf32>,
        %parallel_loop3A_1295 = arith.addi %add3A_470, %parallel_loop3A_1293 : vector<16xi32>
        tpu.vector_store_idx %arg10[%parallel_loop3A_1295], %parallel_loop3A_1294 : memref<8192xf32, #tpu.memory_space<vmem>>[vector<16xi32>], vector<16xf32>,
        %parallel_loop3A_1296 = vector.broadcast %parallel_loop3A_1251 : i32 to vector<16xi32>
        %parallel_loop3A_1297 = arith.addi %select_n3A_295, %parallel_loop3A_1296 : vector<16xi32>
        %parallel_loop3A_1298 = tpu.vector_load_idx %arg8[%parallel_loop3A_1297, %add3A_398] : memref<128x64xf32, #tpu.memory_space<vmem>>[vector<16xi32>, vector<16xi32>], vector<16xf32>,
        %parallel_loop3A_1299 = arith.addi %add3A_470, %parallel_loop3A_1297 : vector<16xi32>
        tpu.vector_store_idx %arg10[%parallel_loop3A_1299], %parallel_loop3A_1298 : memref<8192xf32, #tpu.memory_space<vmem>>[vector<16xi32>], vector<16xf32>,
        %parallel_loop3A_1300 = vector.broadcast %parallel_loop3A_1251 : i32 to vector<16xi32>
        %parallel_loop3A_1301 = arith.addi %select_n3A_320, %parallel_loop3A_1300 : vector<16xi32>
        %parallel_loop3A_1302 = tpu.vector_load_idx %arg8[%parallel_loop3A_1301, %add3A_398] : memref<128x64xf32, #tpu.memory_space<vmem>>[vector<16xi32>, vector<16xi32>], vector<16xf32>,
        %parallel_loop3A_1303 = arith.addi %add3A_470, %parallel_loop3A_1301 : vector<16xi32>
        tpu.vector_store_idx %arg10[%parallel_loop3A_1303], %parallel_loop3A_1302 : memref<8192xf32, #tpu.memory_space<vmem>>[vector<16xi32>], vector<16xf32>,
        %parallel_loop3A_1304 = vector.broadcast %parallel_loop3A_1251 : i32 to vector<16xi32>
        %parallel_loop3A_1305 = arith.addi %select_n3A_345, %parallel_loop3A_1304 : vector<16xi32>
        %parallel_loop3A_1306 = tpu.vector_load_idx %arg8[%parallel_loop3A_1305, %add3A_398] : memref<128x64xf32, #tpu.memory_space<vmem>>[vector<16xi32>, vector<16xi32>], vector<16xf32>,
        %parallel_loop3A_1307 = arith.addi %add3A_470, %parallel_loop3A_1305 : vector<16xi32>
        tpu.vector_store_idx %arg10[%parallel_loop3A_1307], %parallel_loop3A_1306 : memref<8192xf32, #tpu.memory_space<vmem>>[vector<16xi32>], vector<16xf32>,
        %parallel_loop3A_1308 = vector.broadcast %parallel_loop3A_1251 : i32 to vector<16xi32>
        %parallel_loop3A_1309 = arith.addi %select_n3A_370, %parallel_loop3A_1308 : vector<16xi32>
        %parallel_loop3A_1310 = tpu.vector_load_idx %arg8[%parallel_loop3A_1309, %add3A_398] : memref<128x64xf32, #tpu.memory_space<vmem>>[vector<16xi32>, vector<16xi32>], vector<16xf32>,
        %parallel_loop3A_1311 = arith.addi %add3A_470, %parallel_loop3A_1309 : vector<16xi32>
        tpu.vector_store_idx %arg10[%parallel_loop3A_1311], %parallel_loop3A_1310 : memref<8192xf32, #tpu.memory_space<vmem>>[vector<16xi32>], vector<16xf32>,
        %parallel_loop3A_1312 = vector.broadcast %parallel_loop3A_1251 : i32 to vector<16xi32>
        %parallel_loop3A_1313 = arith.addi %select_n3A_395, %parallel_loop3A_1312 : vector<16xi32>
        %parallel_loop3A_1314 = tpu.vector_load_idx %arg8[%parallel_loop3A_1313, %add3A_398] : memref<128x64xf32, #tpu.memory_space<vmem>>[vector<16xi32>, vector<16xi32>], vector<16xf32>,
        %parallel_loop3A_1315 = arith.addi %add3A_470, %parallel_loop3A_1313 : vector<16xi32>
        tpu.vector_store_idx %arg10[%parallel_loop3A_1315], %parallel_loop3A_1314 : memref<8192xf32, #tpu.memory_space<vmem>>[vector<16xi32>], vector<16xf32>,
      } {sc.loop_unroll_factor = 4 : i64, sc.parallel_access}
      %dma_start3A_1154 = arith.constant 0 : i32
      %dma_start3A_1155 = arith.constant 0 : i32
      %dma_start3A_1156 = tpu.memref_slice %arg10[%dma_start3A_1155] : memref<8192xf32, #tpu.memory_space<vmem>> -> memref<1024xf32, #tpu.memory_space<vmem>>
      %dma_start3A_1157 = arith.constant 0 : i32
      %dma_start3A_1158 = tpu.memref_slice %arg4[%shift_right_arithmetic3A_1146, %dma_start3A_1154, %and3A_1150, %dma_start3A_1157] : memref<200x8x128x1024xf32, #tpu.memory_space<hbm>> -> memref<1x1x1x1024xf32, #tpu.memory_space<hbm>>
      %dma_start3A_1159 = tpu.memref_squeeze %dma_start3A_1158 : memref<1x1x1x1024xf32, #tpu.memory_space<hbm>> -> memref<1024xf32, #tpu.memory_space<hbm>>
      %dma_start3A_1160 = arith.constant 0 : i32
      %dma_start3A_1161 = tpu.memref_slice %arg4[%shift_right_arithmetic3A_1146, %dma_start3A_1154, %and3A_1150, %dma_start3A_1160] : memref<200x8x128x1024xf32, #tpu.memory_space<hbm>> -> memref<1x1x1x1024xf32, #tpu.memory_space<hbm>>
      %dma_start3A_1162 = tpu.memref_squeeze %dma_start3A_1161 : memref<1x1x1x1024xf32, #tpu.memory_space<hbm>> -> memref<1024xf32, #tpu.memory_space<hbm>>
      %dma_start3A_1163 = arith.constant 0 : i32
      %dma_start3A_1164 = tpu.memref_slice %arg10[%dma_start3A_1163] : memref<8192xf32, #tpu.memory_space<vmem>> -> memref<1024xf32, #tpu.memory_space<vmem>>
      tpu.enqueue_dma source(%dma_start3A_1164 : memref<1024xf32, #tpu.memory_space<vmem>>) target(%dma_start3A_1162 : memref<1024xf32, #tpu.memory_space<hbm>>) target_semaphore(%arg15 : memref<!tpu.dma_semaphore, #tpu.memory_space<semaphore_mem>>)
      %dma_start3A_1165 = arith.constant 1 : i32
      %dma_start3A_1166 = arith.constant 1024 : i32
      %dma_start3A_1167 = tpu.memref_slice %arg10[%dma_start3A_1166] : memref<8192xf32, #tpu.memory_space<vmem>> -> memref<1024xf32, #tpu.memory_space<vmem>>
      %dma_start3A_1168 = arith.constant 0 : i32
      %dma_start3A_1169 = tpu.memref_slice %arg4[%shift_right_arithmetic3A_1146, %dma_start3A_1165, %and3A_1150, %dma_start3A_1168] : memref<200x8x128x1024xf32, #tpu.memory_space<hbm>> -> memref<1x1x1x1024xf32, #tpu.memory_space<hbm>>
      %dma_start3A_1170 = tpu.memref_squeeze %dma_start3A_1169 : memref<1x1x1x1024xf32, #tpu.memory_space<hbm>> -> memref<1024xf32, #tpu.memory_space<hbm>>
      %dma_start3A_1171 = arith.constant 0 : i32
      %dma_start3A_1172 = tpu.memref_slice %arg4[%shift_right_arithmetic3A_1146, %dma_start3A_1165, %and3A_1150, %dma_start3A_1171] : memref<200x8x128x1024xf32, #tpu.memory_space<hbm>> -> memref<1x1x1x1024xf32, #tpu.memory_space<hbm>>
      %dma_start3A_1173 = tpu.memref_squeeze %dma_start3A_1172 : memref<1x1x1x1024xf32, #tpu.memory_space<hbm>> -> memref<1024xf32, #tpu.memory_space<hbm>>
      %dma_start3A_1174 = arith.constant 1024 : i32
      %dma_start3A_1175 = tpu.memref_slice %arg10[%dma_start3A_1174] : memref<8192xf32, #tpu.memory_space<vmem>> -> memref<1024xf32, #tpu.memory_space<vmem>>
      tpu.enqueue_dma source(%dma_start3A_1175 : memref<1024xf32, #tpu.memory_space<vmem>>) target(%dma_start3A_1173 : memref<1024xf32, #tpu.memory_space<hbm>>) target_semaphore(%arg15 : memref<!tpu.dma_semaphore, #tpu.memory_space<semaphore_mem>>)
      %parallel_loop3A_1176 = arith.constant 0 : i32
      %parallel_loop3A_1177 = arith.constant 128 : i32
      %parallel_loop3A_1178 = arith.constant 16 : i32
      scf.for %parallel_loop3A_1251 = %parallel_loop3A_1176 to %parallel_loop3A_1177 step %parallel_loop3A_1178  : i32 {
        %parallel_loop3A_1252 = vector.broadcast %parallel_loop3A_1251 : i32 to vector<16xi32>
        %parallel_loop3A_1253 = arith.addi %select_n3A_20, %parallel_loop3A_1252 : vector<16xi32>
        %parallel_loop3A_1254 = tpu.vector_load_idx %arg8[%parallel_loop3A_1253, %add3A_401] : memref<128x64xf32, #tpu.memory_space<vmem>>[vector<16xi32>, vector<16xi32>], vector<16xf32>,
        %parallel_loop3A_1255 = arith.addi %add3A_536, %parallel_loop3A_1253 : vector<16xi32>
        tpu.vector_store_idx %arg10[%parallel_loop3A_1255], %parallel_loop3A_1254 : memref<8192xf32, #tpu.memory_space<vmem>>[vector<16xi32>], vector<16xf32>,
        %parallel_loop3A_1256 = vector.broadcast %parallel_loop3A_1251 : i32 to vector<16xi32>
        %parallel_loop3A_1257 = arith.addi %select_n3A_45, %parallel_loop3A_1256 : vector<16xi32>
        %parallel_loop3A_1258 = tpu.vector_load_idx %arg8[%parallel_loop3A_1257, %add3A_401] : memref<128x64xf32, #tpu.memory_space<vmem>>[vector<16xi32>, vector<16xi32>], vector<16xf32>,
        %parallel_loop3A_1259 = arith.addi %add3A_536, %parallel_loop3A_1257 : vector<16xi32>
        tpu.vector_store_idx %arg10[%parallel_loop3A_1259], %parallel_loop3A_1258 : memref<8192xf32, #tpu.memory_space<vmem>>[vector<16xi32>], vector<16xf32>,
        %parallel_loop3A_1260 = vector.broadcast %parallel_loop3A_1251 : i32 to vector<16xi32>
        %parallel_loop3A_1261 = arith.addi %select_n3A_70, %parallel_loop3A_1260 : vector<16xi32>
        %parallel_loop3A_1262 = tpu.vector_load_idx %arg8[%parallel_loop3A_1261, %add3A_401] : memref<128x64xf32, #tpu.memory_space<vmem>>[vector<16xi32>, vector<16xi32>], vector<16xf32>,
        %parallel_loop3A_1263 = arith.addi %add3A_536, %parallel_loop3A_1261 : vector<16xi32>
        tpu.vector_store_idx %arg10[%parallel_loop3A_1263], %parallel_loop3A_1262 : memref<8192xf32, #tpu.memory_space<vmem>>[vector<16xi32>], vector<16xf32>,
        %parallel_loop3A_1264 = vector.broadcast %parallel_loop3A_1251 : i32 to vector<16xi32>
        %parallel_loop3A_1265 = arith.addi %select_n3A_95, %parallel_loop3A_1264 : vector<16xi32>
        %parallel_loop3A_1266 = tpu.vector_load_idx %arg8[%parallel_loop3A_1265, %add3A_401] : memref<128x64xf32, #tpu.memory_space<vmem>>[vector<16xi32>, vector<16xi32>], vector<16xf32>,
        %parallel_loop3A_1267 = arith.addi %add3A_536, %parallel_loop3A_1265 : vector<16xi32>
        tpu.vector_store_idx %arg10[%parallel_loop3A_1267], %parallel_loop3A_1266 : memref<8192xf32, #tpu.memory_space<vmem>>[vector<16xi32>], vector<16xf32>,
        %parallel_loop3A_1268 = vector.broadcast %parallel_loop3A_1251 : i32 to vector<16xi32>
        %parallel_loop3A_1269 = arith.addi %select_n3A_120, %parallel_loop3A_1268 : vector<16xi32>
        %parallel_loop3A_1270 = tpu.vector_load_idx %arg8[%parallel_loop3A_1269, %add3A_401] : memref<128x64xf32, #tpu.memory_space<vmem>>[vector<16xi32>, vector<16xi32>], vector<16xf32>,
        %parallel_loop3A_1271 = arith.addi %add3A_536, %parallel_loop3A_1269 : vector<16xi32>
        tpu.vector_store_idx %arg10[%parallel_loop3A_1271], %parallel_loop3A_1270 : memref<8192xf32, #tpu.memory_space<vmem>>[vector<16xi32>], vector<16xf32>,
        %parallel_loop3A_1272 = vector.broadcast %parallel_loop3A_1251 : i32 to vector<16xi32>
        %parallel_loop3A_1273 = arith.addi %select_n3A_145, %parallel_loop3A_1272 : vector<16xi32>
        %parallel_loop3A_1274 = tpu.vector_load_idx %arg8[%parallel_loop3A_1273, %add3A_401] : memref<128x64xf32, #tpu.memory_space<vmem>>[vector<16xi32>, vector<16xi32>], vector<16xf32>,
        %parallel_loop3A_1275 = arith.addi %add3A_536, %parallel_loop3A_1273 : vector<16xi32>
        tpu.vector_store_idx %arg10[%parallel_loop3A_1275], %parallel_loop3A_1274 : memref<8192xf32, #tpu.memory_space<vmem>>[vector<16xi32>], vector<16xf32>,
        %parallel_loop3A_1276 = vector.broadcast %parallel_loop3A_1251 : i32 to vector<16xi32>
        %parallel_loop3A_1277 = arith.addi %select_n3A_170, %parallel_loop3A_1276 : vector<16xi32>
        %parallel_loop3A_1278 = tpu.vector_load_idx %arg8[%parallel_loop3A_1277, %add3A_401] : memref<128x64xf32, #tpu.memory_space<vmem>>[vector<16xi32>, vector<16xi32>], vector<16xf32>,
        %parallel_loop3A_1279 = arith.addi %add3A_536, %parallel_loop3A_1277 : vector<16xi32>
        tpu.vector_store_idx %arg10[%parallel_loop3A_1279], %parallel_loop3A_1278 : memref<8192xf32, #tpu.memory_space<vmem>>[vector<16xi32>], vector<16xf32>,
        %parallel_loop3A_1280 = vector.broadcast %parallel_loop3A_1251 : i32 to vector<16xi32>
        %parallel_loop3A_1281 = arith.addi %select_n3A_195, %parallel_loop3A_1280 : vector<16xi32>
        %parallel_loop3A_1282 = tpu.vector_load_idx %arg8[%parallel_loop3A_1281, %add3A_401] : memref<128x64xf32, #tpu.memory_space<vmem>>[vector<16xi32>, vector<16xi32>], vector<16xf32>,
        %parallel_loop3A_1283 = arith.addi %add3A_536, %parallel_loop3A_1281 : vector<16xi32>
        tpu.vector_store_idx %arg10[%parallel_loop3A_1283], %parallel_loop3A_1282 : memref<8192xf32, #tpu.memory_space<vmem>>[vector<16xi32>], vector<16xf32>,
        %parallel_loop3A_1284 = vector.broadcast %parallel_loop3A_1251 : i32 to vector<16xi32>
        %parallel_loop3A_1285 = arith.addi %select_n3A_220, %parallel_loop3A_1284 : vector<16xi32>
        %parallel_loop3A_1286 = tpu.vector_load_idx %arg8[%parallel_loop3A_1285, %add3A_401] : memref<128x64xf32, #tpu.memory_space<vmem>>[vector<16xi32>, vector<16xi32>], vector<16xf32>,
        %parallel_loop3A_1287 = arith.addi %add3A_536, %parallel_loop3A_1285 : vector<16xi32>
        tpu.vector_store_idx %arg10[%parallel_loop3A_1287], %parallel_loop3A_1286 : memref<8192xf32, #tpu.memory_space<vmem>>[vector<16xi32>], vector<16xf32>,
        %parallel_loop3A_1288 = vector.broadcast %parallel_loop3A_1251 : i32 to vector<16xi32>
        %parallel_loop3A_1289 = arith.addi %select_n3A_245, %parallel_loop3A_1288 : vector<16xi32>
        %parallel_loop3A_1290 = tpu.vector_load_idx %arg8[%parallel_loop3A_1289, %add3A_401] : memref<128x64xf32, #tpu.memory_space<vmem>>[vector<16xi32>, vector<16xi32>], vector<16xf32>,
        %parallel_loop3A_1291 = arith.addi %add3A_536, %parallel_loop3A_1289 : vector<16xi32>
        tpu.vector_store_idx %arg10[%parallel_loop3A_1291], %parallel_loop3A_1290 : memref<8192xf32, #tpu.memory_space<vmem>>[vector<16xi32>], vector<16xf32>,
        %parallel_loop3A_1292 = vector.broadcast %parallel_loop3A_1251 : i32 to vector<16xi32>
        %parallel_loop3A_1293 = arith.addi %select_n3A_270, %parallel_loop3A_1292 : vector<16xi32>
        %parallel_loop3A_1294 = tpu.vector_load_idx %arg8[%parallel_loop3A_1293, %add3A_401] : memref<128x64xf32, #tpu.memory_space<vmem>>[vector<16xi32>, vector<16xi32>], vector<16xf32>,
        %parallel_loop3A_1295 = arith.addi %add3A_536, %parallel_loop3A_1293 : vector<16xi32>
        tpu.vector_store_idx %arg10[%parallel_loop3A_1295], %parallel_loop3A_1294 : memref<8192xf32, #tpu.memory_space<vmem>>[vector<16xi32>], vector<16xf32>,
        %parallel_loop3A_1296 = vector.broadcast %parallel_loop3A_1251 : i32 to vector<16xi32>
        %parallel_loop3A_1297 = arith.addi %select_n3A_295, %parallel_loop3A_1296 : vector<16xi32>
        %parallel_loop3A_1298 = tpu.vector_load_idx %arg8[%parallel_loop3A_1297, %add3A_401] : memref<128x64xf32, #tpu.memory_space<vmem>>[vector<16xi32>, vector<16xi32>], vector<16xf32>,
        %parallel_loop3A_1299 = arith.addi %add3A_536, %parallel_loop3A_1297 : vector<16xi32>
        tpu.vector_store_idx %arg10[%parallel_loop3A_1299], %parallel_loop3A_1298 : memref<8192xf32, #tpu.memory_space<vmem>>[vector<16xi32>], vector<16xf32>,
        %parallel_loop3A_1300 = vector.broadcast %parallel_loop3A_1251 : i32 to vector<16xi32>
        %parallel_loop3A_1301 = arith.addi %select_n3A_320, %parallel_loop3A_1300 : vector<16xi32>
        %parallel_loop3A_1302 = tpu.vector_load_idx %arg8[%parallel_loop3A_1301, %add3A_401] : memref<128x64xf32, #tpu.memory_space<vmem>>[vector<16xi32>, vector<16xi32>], vector<16xf32>,
        %parallel_loop3A_1303 = arith.addi %add3A_536, %parallel_loop3A_1301 : vector<16xi32>
        tpu.vector_store_idx %arg10[%parallel_loop3A_1303], %parallel_loop3A_1302 : memref<8192xf32, #tpu.memory_space<vmem>>[vector<16xi32>], vector<16xf32>,
        %parallel_loop3A_1304 = vector.broadcast %parallel_loop3A_1251 : i32 to vector<16xi32>
        %parallel_loop3A_1305 = arith.addi %select_n3A_345, %parallel_loop3A_1304 : vector<16xi32>
        %parallel_loop3A_1306 = tpu.vector_load_idx %arg8[%parallel_loop3A_1305, %add3A_401] : memref<128x64xf32, #tpu.memory_space<vmem>>[vector<16xi32>, vector<16xi32>], vector<16xf32>,
        %parallel_loop3A_1307 = arith.addi %add3A_536, %parallel_loop3A_1305 : vector<16xi32>
        tpu.vector_store_idx %arg10[%parallel_loop3A_1307], %parallel_loop3A_1306 : memref<8192xf32, #tpu.memory_space<vmem>>[vector<16xi32>], vector<16xf32>,
        %parallel_loop3A_1308 = vector.broadcast %parallel_loop3A_1251 : i32 to vector<16xi32>
        %parallel_loop3A_1309 = arith.addi %select_n3A_370, %parallel_loop3A_1308 : vector<16xi32>
        %parallel_loop3A_1310 = tpu.vector_load_idx %arg8[%parallel_loop3A_1309, %add3A_401] : memref<128x64xf32, #tpu.memory_space<vmem>>[vector<16xi32>, vector<16xi32>], vector<16xf32>,
        %parallel_loop3A_1311 = arith.addi %add3A_536, %parallel_loop3A_1309 : vector<16xi32>
        tpu.vector_store_idx %arg10[%parallel_loop3A_1311], %parallel_loop3A_1310 : memref<8192xf32, #tpu.memory_space<vmem>>[vector<16xi32>], vector<16xf32>,
        %parallel_loop3A_1312 = vector.broadcast %parallel_loop3A_1251 : i32 to vector<16xi32>
        %parallel_loop3A_1313 = arith.addi %select_n3A_395, %parallel_loop3A_1312 : vector<16xi32>
        %parallel_loop3A_1314 = tpu.vector_load_idx %arg8[%parallel_loop3A_1313, %add3A_401] : memref<128x64xf32, #tpu.memory_space<vmem>>[vector<16xi32>, vector<16xi32>], vector<16xf32>,
        %parallel_loop3A_1315 = arith.addi %add3A_536, %parallel_loop3A_1313 : vector<16xi32>
        tpu.vector_store_idx %arg10[%parallel_loop3A_1315], %parallel_loop3A_1314 : memref<8192xf32, #tpu.memory_space<vmem>>[vector<16xi32>], vector<16xf32>,
      } {sc.loop_unroll_factor = 4 : i64, sc.parallel_access}
      %dma_start3A_1179 = arith.constant 2 : i32
      %dma_start3A_1180 = arith.constant 2048 : i32
      %dma_start3A_1181 = tpu.memref_slice %arg10[%dma_start3A_1180] : memref<8192xf32, #tpu.memory_space<vmem>> -> memref<1024xf32, #tpu.memory_space<vmem>>
      %dma_start3A_1182 = arith.constant 0 : i32
      %dma_start3A_1183 = tpu.memref_slice %arg4[%shift_right_arithmetic3A_1146, %dma_start3A_1179, %and3A_1150, %dma_start3A_1182] : memref<200x8x128x1024xf32, #tpu.memory_space<hbm>> -> memref<1x1x1x1024xf32, #tpu.memory_space<hbm>>
      %dma_start3A_1184 = tpu.memref_squeeze %dma_start3A_1183 : memref<1x1x1x1024xf32, #tpu.memory_space<hbm>> -> memref<1024xf32, #tpu.memory_space<hbm>>
      %dma_start3A_1185 = arith.constant 0 : i32
      %dma_start3A_1186 = tpu.memref_slice %arg4[%shift_right_arithmetic3A_1146, %dma_start3A_1179, %and3A_1150, %dma_start3A_1185] : memref<200x8x128x1024xf32, #tpu.memory_space<hbm>> -> memref<1x1x1x1024xf32, #tpu.memory_space<hbm>>
      %dma_start3A_1187 = tpu.memref_squeeze %dma_start3A_1186 : memref<1x1x1x1024xf32, #tpu.memory_space<hbm>> -> memref<1024xf32, #tpu.memory_space<hbm>>
      %dma_start3A_1188 = arith.constant 2048 : i32
      %dma_start3A_1189 = tpu.memref_slice %arg10[%dma_start3A_1188] : memref<8192xf32, #tpu.memory_space<vmem>> -> memref<1024xf32, #tpu.memory_space<vmem>>
      tpu.enqueue_dma source(%dma_start3A_1189 : memref<1024xf32, #tpu.memory_space<vmem>>) target(%dma_start3A_1187 : memref<1024xf32, #tpu.memory_space<hbm>>) target_semaphore(%arg15 : memref<!tpu.dma_semaphore, #tpu.memory_space<semaphore_mem>>)
      %dma_start3A_1190 = arith.constant 3 : i32
      %dma_start3A_1191 = arith.constant 3072 : i32
      %dma_start3A_1192 = tpu.memref_slice %arg10[%dma_start3A_1191] : memref<8192xf32, #tpu.memory_space<vmem>> -> memref<1024xf32, #tpu.memory_space<vmem>>
      %dma_start3A_1193 = arith.constant 0 : i32
      %dma_start3A_1194 = tpu.memref_slice %arg4[%shift_right_arithmetic3A_1146, %dma_start3A_1190, %and3A_1150, %dma_start3A_1193] : memref<200x8x128x1024xf32, #tpu.memory_space<hbm>> -> memref<1x1x1x1024xf32, #tpu.memory_space<hbm>>
      %dma_start3A_1195 = tpu.memref_squeeze %dma_start3A_1194 : memref<1x1x1x1024xf32, #tpu.memory_space<hbm>> -> memref<1024xf32, #tpu.memory_space<hbm>>
      %dma_start3A_1196 = arith.constant 0 : i32
      %dma_start3A_1197 = tpu.memref_slice %arg4[%shift_right_arithmetic3A_1146, %dma_start3A_1190, %and3A_1150, %dma_start3A_1196] : memref<200x8x128x1024xf32, #tpu.memory_space<hbm>> -> memref<1x1x1x1024xf32, #tpu.memory_space<hbm>>
      %dma_start3A_1198 = tpu.memref_squeeze %dma_start3A_1197 : memref<1x1x1x1024xf32, #tpu.memory_space<hbm>> -> memref<1024xf32, #tpu.memory_space<hbm>>
      %dma_start3A_1199 = arith.constant 3072 : i32
      %dma_start3A_1200 = tpu.memref_slice %arg10[%dma_start3A_1199] : memref<8192xf32, #tpu.memory_space<vmem>> -> memref<1024xf32, #tpu.memory_space<vmem>>
      tpu.enqueue_dma source(%dma_start3A_1200 : memref<1024xf32, #tpu.memory_space<vmem>>) target(%dma_start3A_1198 : memref<1024xf32, #tpu.memory_space<hbm>>) target_semaphore(%arg15 : memref<!tpu.dma_semaphore, #tpu.memory_space<semaphore_mem>>)
      %parallel_loop3A_1201 = arith.constant 0 : i32
      %parallel_loop3A_1202 = arith.constant 128 : i32
      %parallel_loop3A_1203 = arith.constant 16 : i32
      scf.for %parallel_loop3A_1251 = %parallel_loop3A_1201 to %parallel_loop3A_1202 step %parallel_loop3A_1203  : i32 {
        %parallel_loop3A_1252 = vector.broadcast %parallel_loop3A_1251 : i32 to vector<16xi32>
        %parallel_loop3A_1253 = arith.addi %select_n3A_20, %parallel_loop3A_1252 : vector<16xi32>
        %parallel_loop3A_1254 = tpu.vector_load_idx %arg8[%parallel_loop3A_1253, %add3A_404] : memref<128x64xf32, #tpu.memory_space<vmem>>[vector<16xi32>, vector<16xi32>], vector<16xf32>,
        %parallel_loop3A_1255 = arith.addi %add3A_602, %parallel_loop3A_1253 : vector<16xi32>
        tpu.vector_store_idx %arg10[%parallel_loop3A_1255], %parallel_loop3A_1254 : memref<8192xf32, #tpu.memory_space<vmem>>[vector<16xi32>], vector<16xf32>,
        %parallel_loop3A_1256 = vector.broadcast %parallel_loop3A_1251 : i32 to vector<16xi32>
        %parallel_loop3A_1257 = arith.addi %select_n3A_45, %parallel_loop3A_1256 : vector<16xi32>
        %parallel_loop3A_1258 = tpu.vector_load_idx %arg8[%parallel_loop3A_1257, %add3A_404] : memref<128x64xf32, #tpu.memory_space<vmem>>[vector<16xi32>, vector<16xi32>], vector<16xf32>,
        %parallel_loop3A_1259 = arith.addi %add3A_602, %parallel_loop3A_1257 : vector<16xi32>
        tpu.vector_store_idx %arg10[%parallel_loop3A_1259], %parallel_loop3A_1258 : memref<8192xf32, #tpu.memory_space<vmem>>[vector<16xi32>], vector<16xf32>,
        %parallel_loop3A_1260 = vector.broadcast %parallel_loop3A_1251 : i32 to vector<16xi32>
        %parallel_loop3A_1261 = arith.addi %select_n3A_70, %parallel_loop3A_1260 : vector<16xi32>
        %parallel_loop3A_1262 = tpu.vector_load_idx %arg8[%parallel_loop3A_1261, %add3A_404] : memref<128x64xf32, #tpu.memory_space<vmem>>[vector<16xi32>, vector<16xi32>], vector<16xf32>,
        %parallel_loop3A_1263 = arith.addi %add3A_602, %parallel_loop3A_1261 : vector<16xi32>
        tpu.vector_store_idx %arg10[%parallel_loop3A_1263], %parallel_loop3A_1262 : memref<8192xf32, #tpu.memory_space<vmem>>[vector<16xi32>], vector<16xf32>,
        %parallel_loop3A_1264 = vector.broadcast %parallel_loop3A_1251 : i32 to vector<16xi32>
        %parallel_loop3A_1265 = arith.addi %select_n3A_95, %parallel_loop3A_1264 : vector<16xi32>
        %parallel_loop3A_1266 = tpu.vector_load_idx %arg8[%parallel_loop3A_1265, %add3A_404] : memref<128x64xf32, #tpu.memory_space<vmem>>[vector<16xi32>, vector<16xi32>], vector<16xf32>,
        %parallel_loop3A_1267 = arith.addi %add3A_602, %parallel_loop3A_1265 : vector<16xi32>
        tpu.vector_store_idx %arg10[%parallel_loop3A_1267], %parallel_loop3A_1266 : memref<8192xf32, #tpu.memory_space<vmem>>[vector<16xi32>], vector<16xf32>,
        %parallel_loop3A_1268 = vector.broadcast %parallel_loop3A_1251 : i32 to vector<16xi32>
        %parallel_loop3A_1269 = arith.addi %select_n3A_120, %parallel_loop3A_1268 : vector<16xi32>
        %parallel_loop3A_1270 = tpu.vector_load_idx %arg8[%parallel_loop3A_1269, %add3A_404] : memref<128x64xf32, #tpu.memory_space<vmem>>[vector<16xi32>, vector<16xi32>], vector<16xf32>,
        %parallel_loop3A_1271 = arith.addi %add3A_602, %parallel_loop3A_1269 : vector<16xi32>
        tpu.vector_store_idx %arg10[%parallel_loop3A_1271], %parallel_loop3A_1270 : memref<8192xf32, #tpu.memory_space<vmem>>[vector<16xi32>], vector<16xf32>,
        %parallel_loop3A_1272 = vector.broadcast %parallel_loop3A_1251 : i32 to vector<16xi32>
        %parallel_loop3A_1273 = arith.addi %select_n3A_145, %parallel_loop3A_1272 : vector<16xi32>
        %parallel_loop3A_1274 = tpu.vector_load_idx %arg8[%parallel_loop3A_1273, %add3A_404] : memref<128x64xf32, #tpu.memory_space<vmem>>[vector<16xi32>, vector<16xi32>], vector<16xf32>,
        %parallel_loop3A_1275 = arith.addi %add3A_602, %parallel_loop3A_1273 : vector<16xi32>
        tpu.vector_store_idx %arg10[%parallel_loop3A_1275], %parallel_loop3A_1274 : memref<8192xf32, #tpu.memory_space<vmem>>[vector<16xi32>], vector<16xf32>,
        %parallel_loop3A_1276 = vector.broadcast %parallel_loop3A_1251 : i32 to vector<16xi32>
        %parallel_loop3A_1277 = arith.addi %select_n3A_170, %parallel_loop3A_1276 : vector<16xi32>
        %parallel_loop3A_1278 = tpu.vector_load_idx %arg8[%parallel_loop3A_1277, %add3A_404] : memref<128x64xf32, #tpu.memory_space<vmem>>[vector<16xi32>, vector<16xi32>], vector<16xf32>,
        %parallel_loop3A_1279 = arith.addi %add3A_602, %parallel_loop3A_1277 : vector<16xi32>
        tpu.vector_store_idx %arg10[%parallel_loop3A_1279], %parallel_loop3A_1278 : memref<8192xf32, #tpu.memory_space<vmem>>[vector<16xi32>], vector<16xf32>,
        %parallel_loop3A_1280 = vector.broadcast %parallel_loop3A_1251 : i32 to vector<16xi32>
        %parallel_loop3A_1281 = arith.addi %select_n3A_195, %parallel_loop3A_1280 : vector<16xi32>
        %parallel_loop3A_1282 = tpu.vector_load_idx %arg8[%parallel_loop3A_1281, %add3A_404] : memref<128x64xf32, #tpu.memory_space<vmem>>[vector<16xi32>, vector<16xi32>], vector<16xf32>,
        %parallel_loop3A_1283 = arith.addi %add3A_602, %parallel_loop3A_1281 : vector<16xi32>
        tpu.vector_store_idx %arg10[%parallel_loop3A_1283], %parallel_loop3A_1282 : memref<8192xf32, #tpu.memory_space<vmem>>[vector<16xi32>], vector<16xf32>,
        %parallel_loop3A_1284 = vector.broadcast %parallel_loop3A_1251 : i32 to vector<16xi32>
        %parallel_loop3A_1285 = arith.addi %select_n3A_220, %parallel_loop3A_1284 : vector<16xi32>
        %parallel_loop3A_1286 = tpu.vector_load_idx %arg8[%parallel_loop3A_1285, %add3A_404] : memref<128x64xf32, #tpu.memory_space<vmem>>[vector<16xi32>, vector<16xi32>], vector<16xf32>,
        %parallel_loop3A_1287 = arith.addi %add3A_602, %parallel_loop3A_1285 : vector<16xi32>
        tpu.vector_store_idx %arg10[%parallel_loop3A_1287], %parallel_loop3A_1286 : memref<8192xf32, #tpu.memory_space<vmem>>[vector<16xi32>], vector<16xf32>,
        %parallel_loop3A_1288 = vector.broadcast %parallel_loop3A_1251 : i32 to vector<16xi32>
        %parallel_loop3A_1289 = arith.addi %select_n3A_245, %parallel_loop3A_1288 : vector<16xi32>
        %parallel_loop3A_1290 = tpu.vector_load_idx %arg8[%parallel_loop3A_1289, %add3A_404] : memref<128x64xf32, #tpu.memory_space<vmem>>[vector<16xi32>, vector<16xi32>], vector<16xf32>,
        %parallel_loop3A_1291 = arith.addi %add3A_602, %parallel_loop3A_1289 : vector<16xi32>
        tpu.vector_store_idx %arg10[%parallel_loop3A_1291], %parallel_loop3A_1290 : memref<8192xf32, #tpu.memory_space<vmem>>[vector<16xi32>], vector<16xf32>,
        %parallel_loop3A_1292 = vector.broadcast %parallel_loop3A_1251 : i32 to vector<16xi32>
        %parallel_loop3A_1293 = arith.addi %select_n3A_270, %parallel_loop3A_1292 : vector<16xi32>
        %parallel_loop3A_1294 = tpu.vector_load_idx %arg8[%parallel_loop3A_1293, %add3A_404] : memref<128x64xf32, #tpu.memory_space<vmem>>[vector<16xi32>, vector<16xi32>], vector<16xf32>,
        %parallel_loop3A_1295 = arith.addi %add3A_602, %parallel_loop3A_1293 : vector<16xi32>
        tpu.vector_store_idx %arg10[%parallel_loop3A_1295], %parallel_loop3A_1294 : memref<8192xf32, #tpu.memory_space<vmem>>[vector<16xi32>], vector<16xf32>,
        %parallel_loop3A_1296 = vector.broadcast %parallel_loop3A_1251 : i32 to vector<16xi32>
        %parallel_loop3A_1297 = arith.addi %select_n3A_295, %parallel_loop3A_1296 : vector<16xi32>
        %parallel_loop3A_1298 = tpu.vector_load_idx %arg8[%parallel_loop3A_1297, %add3A_404] : memref<128x64xf32, #tpu.memory_space<vmem>>[vector<16xi32>, vector<16xi32>], vector<16xf32>,
        %parallel_loop3A_1299 = arith.addi %add3A_602, %parallel_loop3A_1297 : vector<16xi32>
        tpu.vector_store_idx %arg10[%parallel_loop3A_1299], %parallel_loop3A_1298 : memref<8192xf32, #tpu.memory_space<vmem>>[vector<16xi32>], vector<16xf32>,
        %parallel_loop3A_1300 = vector.broadcast %parallel_loop3A_1251 : i32 to vector<16xi32>
        %parallel_loop3A_1301 = arith.addi %select_n3A_320, %parallel_loop3A_1300 : vector<16xi32>
        %parallel_loop3A_1302 = tpu.vector_load_idx %arg8[%parallel_loop3A_1301, %add3A_404] : memref<128x64xf32, #tpu.memory_space<vmem>>[vector<16xi32>, vector<16xi32>], vector<16xf32>,
        %parallel_loop3A_1303 = arith.addi %add3A_602, %parallel_loop3A_1301 : vector<16xi32>
        tpu.vector_store_idx %arg10[%parallel_loop3A_1303], %parallel_loop3A_1302 : memref<8192xf32, #tpu.memory_space<vmem>>[vector<16xi32>], vector<16xf32>,
        %parallel_loop3A_1304 = vector.broadcast %parallel_loop3A_1251 : i32 to vector<16xi32>
        %parallel_loop3A_1305 = arith.addi %select_n3A_345, %parallel_loop3A_1304 : vector<16xi32>
        %parallel_loop3A_1306 = tpu.vector_load_idx %arg8[%parallel_loop3A_1305, %add3A_404] : memref<128x64xf32, #tpu.memory_space<vmem>>[vector<16xi32>, vector<16xi32>], vector<16xf32>,
        %parallel_loop3A_1307 = arith.addi %add3A_602, %parallel_loop3A_1305 : vector<16xi32>
        tpu.vector_store_idx %arg10[%parallel_loop3A_1307], %parallel_loop3A_1306 : memref<8192xf32, #tpu.memory_space<vmem>>[vector<16xi32>], vector<16xf32>,
        %parallel_loop3A_1308 = vector.broadcast %parallel_loop3A_1251 : i32 to vector<16xi32>
        %parallel_loop3A_1309 = arith.addi %select_n3A_370, %parallel_loop3A_1308 : vector<16xi32>
        %parallel_loop3A_1310 = tpu.vector_load_idx %arg8[%parallel_loop3A_1309, %add3A_404] : memref<128x64xf32, #tpu.memory_space<vmem>>[vector<16xi32>, vector<16xi32>], vector<16xf32>,
        %parallel_loop3A_1311 = arith.addi %add3A_602, %parallel_loop3A_1309 : vector<16xi32>
        tpu.vector_store_idx %arg10[%parallel_loop3A_1311], %parallel_loop3A_1310 : memref<8192xf32, #tpu.memory_space<vmem>>[vector<16xi32>], vector<16xf32>,
        %parallel_loop3A_1312 = vector.broadcast %parallel_loop3A_1251 : i32 to vector<16xi32>
        %parallel_loop3A_1313 = arith.addi %select_n3A_395, %parallel_loop3A_1312 : vector<16xi32>
        %parallel_loop3A_1314 = tpu.vector_load_idx %arg8[%parallel_loop3A_1313, %add3A_404] : memref<128x64xf32, #tpu.memory_space<vmem>>[vector<16xi32>, vector<16xi32>], vector<16xf32>,
        %parallel_loop3A_1315 = arith.addi %add3A_602, %parallel_loop3A_1313 : vector<16xi32>
        tpu.vector_store_idx %arg10[%parallel_loop3A_1315], %parallel_loop3A_1314 : memref<8192xf32, #tpu.memory_space<vmem>>[vector<16xi32>], vector<16xf32>,
      } {sc.loop_unroll_factor = 4 : i64, sc.parallel_access}
      %dma_start3A_1204 = arith.constant 4 : i32
      %dma_start3A_1205 = arith.constant 4096 : i32
      %dma_start3A_1206 = tpu.memref_slice %arg10[%dma_start3A_1205] : memref<8192xf32, #tpu.memory_space<vmem>> -> memref<1024xf32, #tpu.memory_space<vmem>>
      %dma_start3A_1207 = arith.constant 0 : i32
      %dma_start3A_1208 = tpu.memref_slice %arg4[%shift_right_arithmetic3A_1146, %dma_start3A_1204, %and3A_1150, %dma_start3A_1207] : memref<200x8x128x1024xf32, #tpu.memory_space<hbm>> -> memref<1x1x1x1024xf32, #tpu.memory_space<hbm>>
      %dma_start3A_1209 = tpu.memref_squeeze %dma_start3A_1208 : memref<1x1x1x1024xf32, #tpu.memory_space<hbm>> -> memref<1024xf32, #tpu.memory_space<hbm>>
      %dma_start3A_1210 = arith.constant 0 : i32
      %dma_start3A_1211 = tpu.memref_slice %arg4[%shift_right_arithmetic3A_1146, %dma_start3A_1204, %and3A_1150, %dma_start3A_1210] : memref<200x8x128x1024xf32, #tpu.memory_space<hbm>> -> memref<1x1x1x1024xf32, #tpu.memory_space<hbm>>
      %dma_start3A_1212 = tpu.memref_squeeze %dma_start3A_1211 : memref<1x1x1x1024xf32, #tpu.memory_space<hbm>> -> memref<1024xf32, #tpu.memory_space<hbm>>
      %dma_start3A_1213 = arith.constant 4096 : i32
      %dma_start3A_1214 = tpu.memref_slice %arg10[%dma_start3A_1213] : memref<8192xf32, #tpu.memory_space<vmem>> -> memref<1024xf32, #tpu.memory_space<vmem>>
      tpu.enqueue_dma source(%dma_start3A_1214 : memref<1024xf32, #tpu.memory_space<vmem>>) target(%dma_start3A_1212 : memref<1024xf32, #tpu.memory_space<hbm>>) target_semaphore(%arg15 : memref<!tpu.dma_semaphore, #tpu.memory_space<semaphore_mem>>)
      %dma_start3A_1215 = arith.constant 5 : i32
      %dma_start3A_1216 = arith.constant 5120 : i32
      %dma_start3A_1217 = tpu.memref_slice %arg10[%dma_start3A_1216] : memref<8192xf32, #tpu.memory_space<vmem>> -> memref<1024xf32, #tpu.memory_space<vmem>>
      %dma_start3A_1218 = arith.constant 0 : i32
      %dma_start3A_1219 = tpu.memref_slice %arg4[%shift_right_arithmetic3A_1146, %dma_start3A_1215, %and3A_1150, %dma_start3A_1218] : memref<200x8x128x1024xf32, #tpu.memory_space<hbm>> -> memref<1x1x1x1024xf32, #tpu.memory_space<hbm>>
      %dma_start3A_1220 = tpu.memref_squeeze %dma_start3A_1219 : memref<1x1x1x1024xf32, #tpu.memory_space<hbm>> -> memref<1024xf32, #tpu.memory_space<hbm>>
      %dma_start3A_1221 = arith.constant 0 : i32
      %dma_start3A_1222 = tpu.memref_slice %arg4[%shift_right_arithmetic3A_1146, %dma_start3A_1215, %and3A_1150, %dma_start3A_1221] : memref<200x8x128x1024xf32, #tpu.memory_space<hbm>> -> memref<1x1x1x1024xf32, #tpu.memory_space<hbm>>
      %dma_start3A_1223 = tpu.memref_squeeze %dma_start3A_1222 : memref<1x1x1x1024xf32, #tpu.memory_space<hbm>> -> memref<1024xf32, #tpu.memory_space<hbm>>
      %dma_start3A_1224 = arith.constant 5120 : i32
      %dma_start3A_1225 = tpu.memref_slice %arg10[%dma_start3A_1224] : memref<8192xf32, #tpu.memory_space<vmem>> -> memref<1024xf32, #tpu.memory_space<vmem>>
      tpu.enqueue_dma source(%dma_start3A_1225 : memref<1024xf32, #tpu.memory_space<vmem>>) target(%dma_start3A_1223 : memref<1024xf32, #tpu.memory_space<hbm>>) target_semaphore(%arg15 : memref<!tpu.dma_semaphore, #tpu.memory_space<semaphore_mem>>)
      %parallel_loop3A_1226 = arith.constant 0 : i32
      %parallel_loop3A_1227 = arith.constant 128 : i32
      %parallel_loop3A_1228 = arith.constant 16 : i32
      scf.for %parallel_loop3A_1251 = %parallel_loop3A_1226 to %parallel_loop3A_1227 step %parallel_loop3A_1228  : i32 {
        %parallel_loop3A_1252 = vector.broadcast %parallel_loop3A_1251 : i32 to vector<16xi32>
        %parallel_loop3A_1253 = arith.addi %select_n3A_20, %parallel_loop3A_1252 : vector<16xi32>
        %parallel_loop3A_1254 = tpu.vector_load_idx %arg8[%parallel_loop3A_1253, %add3A_407] : memref<128x64xf32, #tpu.memory_space<vmem>>[vector<16xi32>, vector<16xi32>], vector<16xf32>,
        %parallel_loop3A_1255 = arith.addi %add3A_668, %parallel_loop3A_1253 : vector<16xi32>
        tpu.vector_store_idx %arg10[%parallel_loop3A_1255], %parallel_loop3A_1254 : memref<8192xf32, #tpu.memory_space<vmem>>[vector<16xi32>], vector<16xf32>,
        %parallel_loop3A_1256 = vector.broadcast %parallel_loop3A_1251 : i32 to vector<16xi32>
        %parallel_loop3A_1257 = arith.addi %select_n3A_45, %parallel_loop3A_1256 : vector<16xi32>
        %parallel_loop3A_1258 = tpu.vector_load_idx %arg8[%parallel_loop3A_1257, %add3A_407] : memref<128x64xf32, #tpu.memory_space<vmem>>[vector<16xi32>, vector<16xi32>], vector<16xf32>,
        %parallel_loop3A_1259 = arith.addi %add3A_668, %parallel_loop3A_1257 : vector<16xi32>
        tpu.vector_store_idx %arg10[%parallel_loop3A_1259], %parallel_loop3A_1258 : memref<8192xf32, #tpu.memory_space<vmem>>[vector<16xi32>], vector<16xf32>,
        %parallel_loop3A_1260 = vector.broadcast %parallel_loop3A_1251 : i32 to vector<16xi32>
        %parallel_loop3A_1261 = arith.addi %select_n3A_70, %parallel_loop3A_1260 : vector<16xi32>
        %parallel_loop3A_1262 = tpu.vector_load_idx %arg8[%parallel_loop3A_1261, %add3A_407] : memref<128x64xf32, #tpu.memory_space<vmem>>[vector<16xi32>, vector<16xi32>], vector<16xf32>,
        %parallel_loop3A_1263 = arith.addi %add3A_668, %parallel_loop3A_1261 : vector<16xi32>
        tpu.vector_store_idx %arg10[%parallel_loop3A_1263], %parallel_loop3A_1262 : memref<8192xf32, #tpu.memory_space<vmem>>[vector<16xi32>], vector<16xf32>,
        %parallel_loop3A_1264 = vector.broadcast %parallel_loop3A_1251 : i32 to vector<16xi32>
        %parallel_loop3A_1265 = arith.addi %select_n3A_95, %parallel_loop3A_1264 : vector<16xi32>
        %parallel_loop3A_1266 = tpu.vector_load_idx %arg8[%parallel_loop3A_1265, %add3A_407] : memref<128x64xf32, #tpu.memory_space<vmem>>[vector<16xi32>, vector<16xi32>], vector<16xf32>,
        %parallel_loop3A_1267 = arith.addi %add3A_668, %parallel_loop3A_1265 : vector<16xi32>
        tpu.vector_store_idx %arg10[%parallel_loop3A_1267], %parallel_loop3A_1266 : memref<8192xf32, #tpu.memory_space<vmem>>[vector<16xi32>], vector<16xf32>,
        %parallel_loop3A_1268 = vector.broadcast %parallel_loop3A_1251 : i32 to vector<16xi32>
        %parallel_loop3A_1269 = arith.addi %select_n3A_120, %parallel_loop3A_1268 : vector<16xi32>
        %parallel_loop3A_1270 = tpu.vector_load_idx %arg8[%parallel_loop3A_1269, %add3A_407] : memref<128x64xf32, #tpu.memory_space<vmem>>[vector<16xi32>, vector<16xi32>], vector<16xf32>,
        %parallel_loop3A_1271 = arith.addi %add3A_668, %parallel_loop3A_1269 : vector<16xi32>
        tpu.vector_store_idx %arg10[%parallel_loop3A_1271], %parallel_loop3A_1270 : memref<8192xf32, #tpu.memory_space<vmem>>[vector<16xi32>], vector<16xf32>,
        %parallel_loop3A_1272 = vector.broadcast %parallel_loop3A_1251 : i32 to vector<16xi32>
        %parallel_loop3A_1273 = arith.addi %select_n3A_145, %parallel_loop3A_1272 : vector<16xi32>
        %parallel_loop3A_1274 = tpu.vector_load_idx %arg8[%parallel_loop3A_1273, %add3A_407] : memref<128x64xf32, #tpu.memory_space<vmem>>[vector<16xi32>, vector<16xi32>], vector<16xf32>,
        %parallel_loop3A_1275 = arith.addi %add3A_668, %parallel_loop3A_1273 : vector<16xi32>
        tpu.vector_store_idx %arg10[%parallel_loop3A_1275], %parallel_loop3A_1274 : memref<8192xf32, #tpu.memory_space<vmem>>[vector<16xi32>], vector<16xf32>,
        %parallel_loop3A_1276 = vector.broadcast %parallel_loop3A_1251 : i32 to vector<16xi32>
        %parallel_loop3A_1277 = arith.addi %select_n3A_170, %parallel_loop3A_1276 : vector<16xi32>
        %parallel_loop3A_1278 = tpu.vector_load_idx %arg8[%parallel_loop3A_1277, %add3A_407] : memref<128x64xf32, #tpu.memory_space<vmem>>[vector<16xi32>, vector<16xi32>], vector<16xf32>,
        %parallel_loop3A_1279 = arith.addi %add3A_668, %parallel_loop3A_1277 : vector<16xi32>
        tpu.vector_store_idx %arg10[%parallel_loop3A_1279], %parallel_loop3A_1278 : memref<8192xf32, #tpu.memory_space<vmem>>[vector<16xi32>], vector<16xf32>,
        %parallel_loop3A_1280 = vector.broadcast %parallel_loop3A_1251 : i32 to vector<16xi32>
        %parallel_loop3A_1281 = arith.addi %select_n3A_195, %parallel_loop3A_1280 : vector<16xi32>
        %parallel_loop3A_1282 = tpu.vector_load_idx %arg8[%parallel_loop3A_1281, %add3A_407] : memref<128x64xf32, #tpu.memory_space<vmem>>[vector<16xi32>, vector<16xi32>], vector<16xf32>,
        %parallel_loop3A_1283 = arith.addi %add3A_668, %parallel_loop3A_1281 : vector<16xi32>
        tpu.vector_store_idx %arg10[%parallel_loop3A_1283], %parallel_loop3A_1282 : memref<8192xf32, #tpu.memory_space<vmem>>[vector<16xi32>], vector<16xf32>,
        %parallel_loop3A_1284 = vector.broadcast %parallel_loop3A_1251 : i32 to vector<16xi32>
        %parallel_loop3A_1285 = arith.addi %select_n3A_220, %parallel_loop3A_1284 : vector<16xi32>
        %parallel_loop3A_1286 = tpu.vector_load_idx %arg8[%parallel_loop3A_1285, %add3A_407] : memref<128x64xf32, #tpu.memory_space<vmem>>[vector<16xi32>, vector<16xi32>], vector<16xf32>,
        %parallel_loop3A_1287 = arith.addi %add3A_668, %parallel_loop3A_1285 : vector<16xi32>
        tpu.vector_store_idx %arg10[%parallel_loop3A_1287], %parallel_loop3A_1286 : memref<8192xf32, #tpu.memory_space<vmem>>[vector<16xi32>], vector<16xf32>,
        %parallel_loop3A_1288 = vector.broadcast %parallel_loop3A_1251 : i32 to vector<16xi32>
        %parallel_loop3A_1289 = arith.addi %select_n3A_245, %parallel_loop3A_1288 : vector<16xi32>
        %parallel_loop3A_1290 = tpu.vector_load_idx %arg8[%parallel_loop3A_1289, %add3A_407] : memref<128x64xf32, #tpu.memory_space<vmem>>[vector<16xi32>, vector<16xi32>], vector<16xf32>,
        %parallel_loop3A_1291 = arith.addi %add3A_668, %parallel_loop3A_1289 : vector<16xi32>
        tpu.vector_store_idx %arg10[%parallel_loop3A_1291], %parallel_loop3A_1290 : memref<8192xf32, #tpu.memory_space<vmem>>[vector<16xi32>], vector<16xf32>,
        %parallel_loop3A_1292 = vector.broadcast %parallel_loop3A_1251 : i32 to vector<16xi32>
        %parallel_loop3A_1293 = arith.addi %select_n3A_270, %parallel_loop3A_1292 : vector<16xi32>
        %parallel_loop3A_1294 = tpu.vector_load_idx %arg8[%parallel_loop3A_1293, %add3A_407] : memref<128x64xf32, #tpu.memory_space<vmem>>[vector<16xi32>, vector<16xi32>], vector<16xf32>,
        %parallel_loop3A_1295 = arith.addi %add3A_668, %parallel_loop3A_1293 : vector<16xi32>
        tpu.vector_store_idx %arg10[%parallel_loop3A_1295], %parallel_loop3A_1294 : memref<8192xf32, #tpu.memory_space<vmem>>[vector<16xi32>], vector<16xf32>,
        %parallel_loop3A_1296 = vector.broadcast %parallel_loop3A_1251 : i32 to vector<16xi32>
        %parallel_loop3A_1297 = arith.addi %select_n3A_295, %parallel_loop3A_1296 : vector<16xi32>
        %parallel_loop3A_1298 = tpu.vector_load_idx %arg8[%parallel_loop3A_1297, %add3A_407] : memref<128x64xf32, #tpu.memory_space<vmem>>[vector<16xi32>, vector<16xi32>], vector<16xf32>,
        %parallel_loop3A_1299 = arith.addi %add3A_668, %parallel_loop3A_1297 : vector<16xi32>
        tpu.vector_store_idx %arg10[%parallel_loop3A_1299], %parallel_loop3A_1298 : memref<8192xf32, #tpu.memory_space<vmem>>[vector<16xi32>], vector<16xf32>,
        %parallel_loop3A_1300 = vector.broadcast %parallel_loop3A_1251 : i32 to vector<16xi32>
        %parallel_loop3A_1301 = arith.addi %select_n3A_320, %parallel_loop3A_1300 : vector<16xi32>
        %parallel_loop3A_1302 = tpu.vector_load_idx %arg8[%parallel_loop3A_1301, %add3A_407] : memref<128x64xf32, #tpu.memory_space<vmem>>[vector<16xi32>, vector<16xi32>], vector<16xf32>,
        %parallel_loop3A_1303 = arith.addi %add3A_668, %parallel_loop3A_1301 : vector<16xi32>
        tpu.vector_store_idx %arg10[%parallel_loop3A_1303], %parallel_loop3A_1302 : memref<8192xf32, #tpu.memory_space<vmem>>[vector<16xi32>], vector<16xf32>,
        %parallel_loop3A_1304 = vector.broadcast %parallel_loop3A_1251 : i32 to vector<16xi32>
        %parallel_loop3A_1305 = arith.addi %select_n3A_345, %parallel_loop3A_1304 : vector<16xi32>
        %parallel_loop3A_1306 = tpu.vector_load_idx %arg8[%parallel_loop3A_1305, %add3A_407] : memref<128x64xf32, #tpu.memory_space<vmem>>[vector<16xi32>, vector<16xi32>], vector<16xf32>,
        %parallel_loop3A_1307 = arith.addi %add3A_668, %parallel_loop3A_1305 : vector<16xi32>
        tpu.vector_store_idx %arg10[%parallel_loop3A_1307], %parallel_loop3A_1306 : memref<8192xf32, #tpu.memory_space<vmem>>[vector<16xi32>], vector<16xf32>,
        %parallel_loop3A_1308 = vector.broadcast %parallel_loop3A_1251 : i32 to vector<16xi32>
        %parallel_loop3A_1309 = arith.addi %select_n3A_370, %parallel_loop3A_1308 : vector<16xi32>
        %parallel_loop3A_1310 = tpu.vector_load_idx %arg8[%parallel_loop3A_1309, %add3A_407] : memref<128x64xf32, #tpu.memory_space<vmem>>[vector<16xi32>, vector<16xi32>], vector<16xf32>,
        %parallel_loop3A_1311 = arith.addi %add3A_668, %parallel_loop3A_1309 : vector<16xi32>
        tpu.vector_store_idx %arg10[%parallel_loop3A_1311], %parallel_loop3A_1310 : memref<8192xf32, #tpu.memory_space<vmem>>[vector<16xi32>], vector<16xf32>,
        %parallel_loop3A_1312 = vector.broadcast %parallel_loop3A_1251 : i32 to vector<16xi32>
        %parallel_loop3A_1313 = arith.addi %select_n3A_395, %parallel_loop3A_1312 : vector<16xi32>
        %parallel_loop3A_1314 = tpu.vector_load_idx %arg8[%parallel_loop3A_1313, %add3A_407] : memref<128x64xf32, #tpu.memory_space<vmem>>[vector<16xi32>, vector<16xi32>], vector<16xf32>,
        %parallel_loop3A_1315 = arith.addi %add3A_668, %parallel_loop3A_1313 : vector<16xi32>
        tpu.vector_store_idx %arg10[%parallel_loop3A_1315], %parallel_loop3A_1314 : memref<8192xf32, #tpu.memory_space<vmem>>[vector<16xi32>], vector<16xf32>,
      } {sc.loop_unroll_factor = 4 : i64, sc.parallel_access}
      %dma_start3A_1229 = arith.constant 6 : i32
      %dma_start3A_1230 = arith.constant 6144 : i32
      %dma_start3A_1231 = tpu.memref_slice %arg10[%dma_start3A_1230] : memref<8192xf32, #tpu.memory_space<vmem>> -> memref<1024xf32, #tpu.memory_space<vmem>>
      %dma_start3A_1232 = arith.constant 0 : i32
      %dma_start3A_1233 = tpu.memref_slice %arg4[%shift_right_arithmetic3A_1146, %dma_start3A_1229, %and3A_1150, %dma_start3A_1232] : memref<200x8x128x1024xf32, #tpu.memory_space<hbm>> -> memref<1x1x1x1024xf32, #tpu.memory_space<hbm>>
      %dma_start3A_1234 = tpu.memref_squeeze %dma_start3A_1233 : memref<1x1x1x1024xf32, #tpu.memory_space<hbm>> -> memref<1024xf32, #tpu.memory_space<hbm>>
      %dma_start3A_1235 = arith.constant 0 : i32
      %dma_start3A_1236 = tpu.memref_slice %arg4[%shift_right_arithmetic3A_1146, %dma_start3A_1229, %and3A_1150, %dma_start3A_1235] : memref<200x8x128x1024xf32, #tpu.memory_space<hbm>> -> memref<1x1x1x1024xf32, #tpu.memory_space<hbm>>
      %dma_start3A_1237 = tpu.memref_squeeze %dma_start3A_1236 : memref<1x1x1x1024xf32, #tpu.memory_space<hbm>> -> memref<1024xf32, #tpu.memory_space<hbm>>
      %dma_start3A_1238 = arith.constant 6144 : i32
      %dma_start3A_1239 = tpu.memref_slice %arg10[%dma_start3A_1238] : memref<8192xf32, #tpu.memory_space<vmem>> -> memref<1024xf32, #tpu.memory_space<vmem>>
      tpu.enqueue_dma source(%dma_start3A_1239 : memref<1024xf32, #tpu.memory_space<vmem>>) target(%dma_start3A_1237 : memref<1024xf32, #tpu.memory_space<hbm>>) target_semaphore(%arg15 : memref<!tpu.dma_semaphore, #tpu.memory_space<semaphore_mem>>)
      %dma_start3A_1240 = arith.constant 7 : i32
      %dma_start3A_1241 = arith.constant 7168 : i32
      %dma_start3A_1242 = tpu.memref_slice %arg10[%dma_start3A_1241] : memref<8192xf32, #tpu.memory_space<vmem>> -> memref<1024xf32, #tpu.memory_space<vmem>>
      %dma_start3A_1243 = arith.constant 0 : i32
      %dma_start3A_1244 = tpu.memref_slice %arg4[%shift_right_arithmetic3A_1146, %dma_start3A_1240, %and3A_1150, %dma_start3A_1243] : memref<200x8x128x1024xf32, #tpu.memory_space<hbm>> -> memref<1x1x1x1024xf32, #tpu.memory_space<hbm>>
      %dma_start3A_1245 = tpu.memref_squeeze %dma_start3A_1244 : memref<1x1x1x1024xf32, #tpu.memory_space<hbm>> -> memref<1024xf32, #tpu.memory_space<hbm>>
      %dma_start3A_1246 = arith.constant 0 : i32
      %dma_start3A_1247 = tpu.memref_slice %arg4[%shift_right_arithmetic3A_1146, %dma_start3A_1240, %and3A_1150, %dma_start3A_1246] : memref<200x8x128x1024xf32, #tpu.memory_space<hbm>> -> memref<1x1x1x1024xf32, #tpu.memory_space<hbm>>
      %dma_start3A_1248 = tpu.memref_squeeze %dma_start3A_1247 : memref<1x1x1x1024xf32, #tpu.memory_space<hbm>> -> memref<1024xf32, #tpu.memory_space<hbm>>
      %dma_start3A_1249 = arith.constant 7168 : i32
      %dma_start3A_1250 = tpu.memref_slice %arg10[%dma_start3A_1249] : memref<8192xf32, #tpu.memory_space<vmem>> -> memref<1024xf32, #tpu.memory_space<vmem>>
      tpu.enqueue_dma source(%dma_start3A_1250 : memref<1024xf32, #tpu.memory_space<vmem>>) target(%dma_start3A_1248 : memref<1024xf32, #tpu.memory_space<hbm>>) target_semaphore(%arg15 : memref<!tpu.dma_semaphore, #tpu.memory_space<semaphore_mem>>)
    }
    %scan3A_739 = arith.constant 400 : i32
    %add3A_740 = arith.constant 102144 : i32
    %add3A_741 = arith.addi %mul3A_2, %add3A_740 : i32
    %shift_right_arithmetic3A = arith.constant 14 : i32
    %shift_right_arithmetic3A_742 = arith.shrsi %add3A_741, %shift_right_arithmetic3A : i32
    %shift_right_arithmetic3A_743 = arith.constant 7 : i32
    %shift_right_arithmetic3A_744 = arith.shrsi %add3A_741, %shift_right_arithmetic3A_743 : i32
    %and3A_745 = arith.constant 127 : i32
    %and3A_746 = arith.andi %shift_right_arithmetic3A_744, %and3A_745 : i32
    %dma_wait3A_747 = arith.constant 0 : i32
    %dma_wait3A_748 = arith.constant 0 : i32
    %dma_wait3A_749 = tpu.memref_slice %arg9[%dma_wait3A_748] : memref<8192xf32, #tpu.memory_space<vmem>> -> memref<1024xf32, #tpu.memory_space<vmem>>
    %dma_wait3A_750 = arith.constant 0 : i32
    %dma_wait3A_751 = tpu.memref_slice %arg4[%shift_right_arithmetic3A_742, %dma_wait3A_747, %and3A_746, %dma_wait3A_750] : memref<200x8x128x1024xf32, #tpu.memory_space<hbm>> -> memref<1x1x1x1024xf32, #tpu.memory_space<hbm>>
    %dma_wait3A_752 = tpu.memref_squeeze %dma_wait3A_751 : memref<1x1x1x1024xf32, #tpu.memory_space<hbm>> -> memref<1024xf32, #tpu.memory_space<hbm>>
    %dma_wait3A_753 = arith.constant 0 : i32
    %dma_wait3A_754 = tpu.memref_slice %arg4[%shift_right_arithmetic3A_742, %dma_wait3A_747, %and3A_746, %dma_wait3A_753] : memref<200x8x128x1024xf32, #tpu.memory_space<hbm>> -> memref<1x1x1x1024xf32, #tpu.memory_space<hbm>>
    %dma_wait3A_755 = tpu.memref_squeeze %dma_wait3A_754 : memref<1x1x1x1024xf32, #tpu.memory_space<hbm>> -> memref<1024xf32, #tpu.memory_space<hbm>>
    %dma_wait3A_756 = arith.constant 0 : i32
    %dma_wait3A_757 = tpu.memref_slice %arg9[%dma_wait3A_756] : memref<8192xf32, #tpu.memory_space<vmem>> -> memref<1024xf32, #tpu.memory_space<vmem>>
    tpu.wait_dma2 semaphore(%arg14 : memref<!tpu.dma_semaphore, #tpu.memory_space<semaphore_mem>>) src(%dma_wait3A_757 : memref<1024xf32, #tpu.memory_space<vmem>>) dst(%dma_wait3A_755 : memref<1024xf32, #tpu.memory_space<hbm>>)
    %dma_wait3A_758 = arith.constant 1 : i32
    %dma_wait3A_759 = arith.constant 1024 : i32
    %dma_wait3A_760 = tpu.memref_slice %arg9[%dma_wait3A_759] : memref<8192xf32, #tpu.memory_space<vmem>> -> memref<1024xf32, #tpu.memory_space<vmem>>
    %dma_wait3A_761 = arith.constant 0 : i32
    %dma_wait3A_762 = tpu.memref_slice %arg4[%shift_right_arithmetic3A_742, %dma_wait3A_758, %and3A_746, %dma_wait3A_761] : memref<200x8x128x1024xf32, #tpu.memory_space<hbm>> -> memref<1x1x1x1024xf32, #tpu.memory_space<hbm>>
    %dma_wait3A_763 = tpu.memref_squeeze %dma_wait3A_762 : memref<1x1x1x1024xf32, #tpu.memory_space<hbm>> -> memref<1024xf32, #tpu.memory_space<hbm>>
    %dma_wait3A_764 = arith.constant 0 : i32
    %dma_wait3A_765 = tpu.memref_slice %arg4[%shift_right_arithmetic3A_742, %dma_wait3A_758, %and3A_746, %dma_wait3A_764] : memref<200x8x128x1024xf32, #tpu.memory_space<hbm>> -> memref<1x1x1x1024xf32, #tpu.memory_space<hbm>>
    %dma_wait3A_766 = tpu.memref_squeeze %dma_wait3A_765 : memref<1x1x1x1024xf32, #tpu.memory_space<hbm>> -> memref<1024xf32, #tpu.memory_space<hbm>>
    %dma_wait3A_767 = arith.constant 1024 : i32
    %dma_wait3A_768 = tpu.memref_slice %arg9[%dma_wait3A_767] : memref<8192xf32, #tpu.memory_space<vmem>> -> memref<1024xf32, #tpu.memory_space<vmem>>
    tpu.wait_dma2 semaphore(%arg14 : memref<!tpu.dma_semaphore, #tpu.memory_space<semaphore_mem>>) src(%dma_wait3A_768 : memref<1024xf32, #tpu.memory_space<vmem>>) dst(%dma_wait3A_766 : memref<1024xf32, #tpu.memory_space<hbm>>)
    %dma_wait3A_769 = arith.constant 2 : i32
    %dma_wait3A_770 = arith.constant 2048 : i32
    %dma_wait3A_771 = tpu.memref_slice %arg9[%dma_wait3A_770] : memref<8192xf32, #tpu.memory_space<vmem>> -> memref<1024xf32, #tpu.memory_space<vmem>>
    %dma_wait3A_772 = arith.constant 0 : i32
    %dma_wait3A_773 = tpu.memref_slice %arg4[%shift_right_arithmetic3A_742, %dma_wait3A_769, %and3A_746, %dma_wait3A_772] : memref<200x8x128x1024xf32, #tpu.memory_space<hbm>> -> memref<1x1x1x1024xf32, #tpu.memory_space<hbm>>
    %dma_wait3A_774 = tpu.memref_squeeze %dma_wait3A_773 : memref<1x1x1x1024xf32, #tpu.memory_space<hbm>> -> memref<1024xf32, #tpu.memory_space<hbm>>
    %dma_wait3A_775 = arith.constant 0 : i32
    %dma_wait3A_776 = tpu.memref_slice %arg4[%shift_right_arithmetic3A_742, %dma_wait3A_769, %and3A_746, %dma_wait3A_775] : memref<200x8x128x1024xf32, #tpu.memory_space<hbm>> -> memref<1x1x1x1024xf32, #tpu.memory_space<hbm>>
    %dma_wait3A_777 = tpu.memref_squeeze %dma_wait3A_776 : memref<1x1x1x1024xf32, #tpu.memory_space<hbm>> -> memref<1024xf32, #tpu.memory_space<hbm>>
    %dma_wait3A_778 = arith.constant 2048 : i32
    %dma_wait3A_779 = tpu.memref_slice %arg9[%dma_wait3A_778] : memref<8192xf32, #tpu.memory_space<vmem>> -> memref<1024xf32, #tpu.memory_space<vmem>>
    tpu.wait_dma2 semaphore(%arg14 : memref<!tpu.dma_semaphore, #tpu.memory_space<semaphore_mem>>) src(%dma_wait3A_779 : memref<1024xf32, #tpu.memory_space<vmem>>) dst(%dma_wait3A_777 : memref<1024xf32, #tpu.memory_space<hbm>>)
    %dma_wait3A_780 = arith.constant 3 : i32
    %dma_wait3A_781 = arith.constant 3072 : i32
    %dma_wait3A_782 = tpu.memref_slice %arg9[%dma_wait3A_781] : memref<8192xf32, #tpu.memory_space<vmem>> -> memref<1024xf32, #tpu.memory_space<vmem>>
    %dma_wait3A_783 = arith.constant 0 : i32
    %dma_wait3A_784 = tpu.memref_slice %arg4[%shift_right_arithmetic3A_742, %dma_wait3A_780, %and3A_746, %dma_wait3A_783] : memref<200x8x128x1024xf32, #tpu.memory_space<hbm>> -> memref<1x1x1x1024xf32, #tpu.memory_space<hbm>>
    %dma_wait3A_785 = tpu.memref_squeeze %dma_wait3A_784 : memref<1x1x1x1024xf32, #tpu.memory_space<hbm>> -> memref<1024xf32, #tpu.memory_space<hbm>>
    %dma_wait3A_786 = arith.constant 0 : i32
    %dma_wait3A_787 = tpu.memref_slice %arg4[%shift_right_arithmetic3A_742, %dma_wait3A_780, %and3A_746, %dma_wait3A_786] : memref<200x8x128x1024xf32, #tpu.memory_space<hbm>> -> memref<1x1x1x1024xf32, #tpu.memory_space<hbm>>
    %dma_wait3A_788 = tpu.memref_squeeze %dma_wait3A_787 : memref<1x1x1x1024xf32, #tpu.memory_space<hbm>> -> memref<1024xf32, #tpu.memory_space<hbm>>
    %dma_wait3A_789 = arith.constant 3072 : i32
    %dma_wait3A_790 = tpu.memref_slice %arg9[%dma_wait3A_789] : memref<8192xf32, #tpu.memory_space<vmem>> -> memref<1024xf32, #tpu.memory_space<vmem>>
    tpu.wait_dma2 semaphore(%arg14 : memref<!tpu.dma_semaphore, #tpu.memory_space<semaphore_mem>>) src(%dma_wait3A_790 : memref<1024xf32, #tpu.memory_space<vmem>>) dst(%dma_wait3A_788 : memref<1024xf32, #tpu.memory_space<hbm>>)
    %dma_wait3A_791 = arith.constant 4 : i32
    %dma_wait3A_792 = arith.constant 4096 : i32
    %dma_wait3A_793 = tpu.memref_slice %arg9[%dma_wait3A_792] : memref<8192xf32, #tpu.memory_space<vmem>> -> memref<1024xf32, #tpu.memory_space<vmem>>
    %dma_wait3A_794 = arith.constant 0 : i32
    %dma_wait3A_795 = tpu.memref_slice %arg4[%shift_right_arithmetic3A_742, %dma_wait3A_791, %and3A_746, %dma_wait3A_794] : memref<200x8x128x1024xf32, #tpu.memory_space<hbm>> -> memref<1x1x1x1024xf32, #tpu.memory_space<hbm>>
    %dma_wait3A_796 = tpu.memref_squeeze %dma_wait3A_795 : memref<1x1x1x1024xf32, #tpu.memory_space<hbm>> -> memref<1024xf32, #tpu.memory_space<hbm>>
    %dma_wait3A_797 = arith.constant 0 : i32
    %dma_wait3A_798 = tpu.memref_slice %arg4[%shift_right_arithmetic3A_742, %dma_wait3A_791, %and3A_746, %dma_wait3A_797] : memref<200x8x128x1024xf32, #tpu.memory_space<hbm>> -> memref<1x1x1x1024xf32, #tpu.memory_space<hbm>>
    %dma_wait3A_799 = tpu.memref_squeeze %dma_wait3A_798 : memref<1x1x1x1024xf32, #tpu.memory_space<hbm>> -> memref<1024xf32, #tpu.memory_space<hbm>>
    %dma_wait3A_800 = arith.constant 4096 : i32
    %dma_wait3A_801 = tpu.memref_slice %arg9[%dma_wait3A_800] : memref<8192xf32, #tpu.memory_space<vmem>> -> memref<1024xf32, #tpu.memory_space<vmem>>
    tpu.wait_dma2 semaphore(%arg14 : memref<!tpu.dma_semaphore, #tpu.memory_space<semaphore_mem>>) src(%dma_wait3A_801 : memref<1024xf32, #tpu.memory_space<vmem>>) dst(%dma_wait3A_799 : memref<1024xf32, #tpu.memory_space<hbm>>)
    %dma_wait3A_802 = arith.constant 5 : i32
    %dma_wait3A_803 = arith.constant 5120 : i32
    %dma_wait3A_804 = tpu.memref_slice %arg9[%dma_wait3A_803] : memref<8192xf32, #tpu.memory_space<vmem>> -> memref<1024xf32, #tpu.memory_space<vmem>>
    %dma_wait3A_805 = arith.constant 0 : i32
    %dma_wait3A_806 = tpu.memref_slice %arg4[%shift_right_arithmetic3A_742, %dma_wait3A_802, %and3A_746, %dma_wait3A_805] : memref<200x8x128x1024xf32, #tpu.memory_space<hbm>> -> memref<1x1x1x1024xf32, #tpu.memory_space<hbm>>
    %dma_wait3A_807 = tpu.memref_squeeze %dma_wait3A_806 : memref<1x1x1x1024xf32, #tpu.memory_space<hbm>> -> memref<1024xf32, #tpu.memory_space<hbm>>
    %dma_wait3A_808 = arith.constant 0 : i32
    %dma_wait3A_809 = tpu.memref_slice %arg4[%shift_right_arithmetic3A_742, %dma_wait3A_802, %and3A_746, %dma_wait3A_808] : memref<200x8x128x1024xf32, #tpu.memory_space<hbm>> -> memref<1x1x1x1024xf32, #tpu.memory_space<hbm>>
    %dma_wait3A_810 = tpu.memref_squeeze %dma_wait3A_809 : memref<1x1x1x1024xf32, #tpu.memory_space<hbm>> -> memref<1024xf32, #tpu.memory_space<hbm>>
    %dma_wait3A_811 = arith.constant 5120 : i32
    %dma_wait3A_812 = tpu.memref_slice %arg9[%dma_wait3A_811] : memref<8192xf32, #tpu.memory_space<vmem>> -> memref<1024xf32, #tpu.memory_space<vmem>>
    tpu.wait_dma2 semaphore(%arg14 : memref<!tpu.dma_semaphore, #tpu.memory_space<semaphore_mem>>) src(%dma_wait3A_812 : memref<1024xf32, #tpu.memory_space<vmem>>) dst(%dma_wait3A_810 : memref<1024xf32, #tpu.memory_space<hbm>>)
    %dma_wait3A_813 = arith.constant 6 : i32
    %dma_wait3A_814 = arith.constant 6144 : i32
    %dma_wait3A_815 = tpu.memref_slice %arg9[%dma_wait3A_814] : memref<8192xf32, #tpu.memory_space<vmem>> -> memref<1024xf32, #tpu.memory_space<vmem>>
    %dma_wait3A_816 = arith.constant 0 : i32
    %dma_wait3A_817 = tpu.memref_slice %arg4[%shift_right_arithmetic3A_742, %dma_wait3A_813, %and3A_746, %dma_wait3A_816] : memref<200x8x128x1024xf32, #tpu.memory_space<hbm>> -> memref<1x1x1x1024xf32, #tpu.memory_space<hbm>>
    %dma_wait3A_818 = tpu.memref_squeeze %dma_wait3A_817 : memref<1x1x1x1024xf32, #tpu.memory_space<hbm>> -> memref<1024xf32, #tpu.memory_space<hbm>>
    %dma_wait3A_819 = arith.constant 0 : i32
    %dma_wait3A_820 = tpu.memref_slice %arg4[%shift_right_arithmetic3A_742, %dma_wait3A_813, %and3A_746, %dma_wait3A_819] : memref<200x8x128x1024xf32, #tpu.memory_space<hbm>> -> memref<1x1x1x1024xf32, #tpu.memory_space<hbm>>
    %dma_wait3A_821 = tpu.memref_squeeze %dma_wait3A_820 : memref<1x1x1x1024xf32, #tpu.memory_space<hbm>> -> memref<1024xf32, #tpu.memory_space<hbm>>
    %dma_wait3A_822 = arith.constant 6144 : i32
    %dma_wait3A_823 = tpu.memref_slice %arg9[%dma_wait3A_822] : memref<8192xf32, #tpu.memory_space<vmem>> -> memref<1024xf32, #tpu.memory_space<vmem>>
    tpu.wait_dma2 semaphore(%arg14 : memref<!tpu.dma_semaphore, #tpu.memory_space<semaphore_mem>>) src(%dma_wait3A_823 : memref<1024xf32, #tpu.memory_space<vmem>>) dst(%dma_wait3A_821 : memref<1024xf32, #tpu.memory_space<hbm>>)
    %dma_wait3A_824 = arith.constant 7 : i32
    %dma_wait3A_825 = arith.constant 7168 : i32
    %dma_wait3A_826 = tpu.memref_slice %arg9[%dma_wait3A_825] : memref<8192xf32, #tpu.memory_space<vmem>> -> memref<1024xf32, #tpu.memory_space<vmem>>
    %dma_wait3A_827 = arith.constant 0 : i32
    %dma_wait3A_828 = tpu.memref_slice %arg4[%shift_right_arithmetic3A_742, %dma_wait3A_824, %and3A_746, %dma_wait3A_827] : memref<200x8x128x1024xf32, #tpu.memory_space<hbm>> -> memref<1x1x1x1024xf32, #tpu.memory_space<hbm>>
    %dma_wait3A_829 = tpu.memref_squeeze %dma_wait3A_828 : memref<1x1x1x1024xf32, #tpu.memory_space<hbm>> -> memref<1024xf32, #tpu.memory_space<hbm>>
    %dma_wait3A_830 = arith.constant 0 : i32
    %dma_wait3A_831 = tpu.memref_slice %arg4[%shift_right_arithmetic3A_742, %dma_wait3A_824, %and3A_746, %dma_wait3A_830] : memref<200x8x128x1024xf32, #tpu.memory_space<hbm>> -> memref<1x1x1x1024xf32, #tpu.memory_space<hbm>>
    %dma_wait3A_832 = tpu.memref_squeeze %dma_wait3A_831 : memref<1x1x1x1024xf32, #tpu.memory_space<hbm>> -> memref<1024xf32, #tpu.memory_space<hbm>>
    %dma_wait3A_833 = arith.constant 7168 : i32
    %dma_wait3A_834 = tpu.memref_slice %arg9[%dma_wait3A_833] : memref<8192xf32, #tpu.memory_space<vmem>> -> memref<1024xf32, #tpu.memory_space<vmem>>
    tpu.wait_dma2 semaphore(%arg14 : memref<!tpu.dma_semaphore, #tpu.memory_space<semaphore_mem>>) src(%dma_wait3A_834 : memref<1024xf32, #tpu.memory_space<vmem>>) dst(%dma_wait3A_832 : memref<1024xf32, #tpu.memory_space<hbm>>)
    %add3A_835 = arith.constant 102272 : i32
    %add3A_836 = arith.addi %mul3A_2, %add3A_835 : i32
    %shift_right_arithmetic3A_837 = arith.constant 14 : i32
    %shift_right_arithmetic3A_838 = arith.shrsi %add3A_836, %shift_right_arithmetic3A_837 : i32
    %shift_right_arithmetic3A_839 = arith.constant 7 : i32
    %shift_right_arithmetic3A_840 = arith.shrsi %add3A_836, %shift_right_arithmetic3A_839 : i32
    %and3A_841 = arith.constant 127 : i32
    %and3A_842 = arith.andi %shift_right_arithmetic3A_840, %and3A_841 : i32
    %dma_wait3A_843 = arith.constant 0 : i32
    %dma_wait3A_844 = arith.constant 0 : i32
    %dma_wait3A_845 = tpu.memref_slice %arg10[%dma_wait3A_844] : memref<8192xf32, #tpu.memory_space<vmem>> -> memref<1024xf32, #tpu.memory_space<vmem>>
    %dma_wait3A_846 = arith.constant 0 : i32
    %dma_wait3A_847 = tpu.memref_slice %arg4[%shift_right_arithmetic3A_838, %dma_wait3A_843, %and3A_842, %dma_wait3A_846] : memref<200x8x128x1024xf32, #tpu.memory_space<hbm>> -> memref<1x1x1x1024xf32, #tpu.memory_space<hbm>>
    %dma_wait3A_848 = tpu.memref_squeeze %dma_wait3A_847 : memref<1x1x1x1024xf32, #tpu.memory_space<hbm>> -> memref<1024xf32, #tpu.memory_space<hbm>>
    %dma_wait3A_849 = arith.constant 0 : i32
    %dma_wait3A_850 = tpu.memref_slice %arg4[%shift_right_arithmetic3A_838, %dma_wait3A_843, %and3A_842, %dma_wait3A_849] : memref<200x8x128x1024xf32, #tpu.memory_space<hbm>> -> memref<1x1x1x1024xf32, #tpu.memory_space<hbm>>
    %dma_wait3A_851 = tpu.memref_squeeze %dma_wait3A_850 : memref<1x1x1x1024xf32, #tpu.memory_space<hbm>> -> memref<1024xf32, #tpu.memory_space<hbm>>
    %dma_wait3A_852 = arith.constant 0 : i32
    %dma_wait3A_853 = tpu.memref_slice %arg10[%dma_wait3A_852] : memref<8192xf32, #tpu.memory_space<vmem>> -> memref<1024xf32, #tpu.memory_space<vmem>>
    tpu.wait_dma2 semaphore(%arg15 : memref<!tpu.dma_semaphore, #tpu.memory_space<semaphore_mem>>) src(%dma_wait3A_853 : memref<1024xf32, #tpu.memory_space<vmem>>) dst(%dma_wait3A_851 : memref<1024xf32, #tpu.memory_space<hbm>>)
    %dma_wait3A_854 = arith.constant 1 : i32
    %dma_wait3A_855 = arith.constant 1024 : i32
    %dma_wait3A_856 = tpu.memref_slice %arg10[%dma_wait3A_855] : memref<8192xf32, #tpu.memory_space<vmem>> -> memref<1024xf32, #tpu.memory_space<vmem>>
    %dma_wait3A_857 = arith.constant 0 : i32
    %dma_wait3A_858 = tpu.memref_slice %arg4[%shift_right_arithmetic3A_838, %dma_wait3A_854, %and3A_842, %dma_wait3A_857] : memref<200x8x128x1024xf32, #tpu.memory_space<hbm>> -> memref<1x1x1x1024xf32, #tpu.memory_space<hbm>>
    %dma_wait3A_859 = tpu.memref_squeeze %dma_wait3A_858 : memref<1x1x1x1024xf32, #tpu.memory_space<hbm>> -> memref<1024xf32, #tpu.memory_space<hbm>>
    %dma_wait3A_860 = arith.constant 0 : i32
    %dma_wait3A_861 = tpu.memref_slice %arg4[%shift_right_arithmetic3A_838, %dma_wait3A_854, %and3A_842, %dma_wait3A_860] : memref<200x8x128x1024xf32, #tpu.memory_space<hbm>> -> memref<1x1x1x1024xf32, #tpu.memory_space<hbm>>
    %dma_wait3A_862 = tpu.memref_squeeze %dma_wait3A_861 : memref<1x1x1x1024xf32, #tpu.memory_space<hbm>> -> memref<1024xf32, #tpu.memory_space<hbm>>
    %dma_wait3A_863 = arith.constant 1024 : i32
    %dma_wait3A_864 = tpu.memref_slice %arg10[%dma_wait3A_863] : memref<8192xf32, #tpu.memory_space<vmem>> -> memref<1024xf32, #tpu.memory_space<vmem>>
    tpu.wait_dma2 semaphore(%arg15 : memref<!tpu.dma_semaphore, #tpu.memory_space<semaphore_mem>>) src(%dma_wait3A_864 : memref<1024xf32, #tpu.memory_space<vmem>>) dst(%dma_wait3A_862 : memref<1024xf32, #tpu.memory_space<hbm>>)
    %dma_wait3A_865 = arith.constant 2 : i32
    %dma_wait3A_866 = arith.constant 2048 : i32
    %dma_wait3A_867 = tpu.memref_slice %arg10[%dma_wait3A_866] : memref<8192xf32, #tpu.memory_space<vmem>> -> memref<1024xf32, #tpu.memory_space<vmem>>
    %dma_wait3A_868 = arith.constant 0 : i32
    %dma_wait3A_869 = tpu.memref_slice %arg4[%shift_right_arithmetic3A_838, %dma_wait3A_865, %and3A_842, %dma_wait3A_868] : memref<200x8x128x1024xf32, #tpu.memory_space<hbm>> -> memref<1x1x1x1024xf32, #tpu.memory_space<hbm>>
    %dma_wait3A_870 = tpu.memref_squeeze %dma_wait3A_869 : memref<1x1x1x1024xf32, #tpu.memory_space<hbm>> -> memref<1024xf32, #tpu.memory_space<hbm>>
    %dma_wait3A_871 = arith.constant 0 : i32
    %dma_wait3A_872 = tpu.memref_slice %arg4[%shift_right_arithmetic3A_838, %dma_wait3A_865, %and3A_842, %dma_wait3A_871] : memref<200x8x128x1024xf32, #tpu.memory_space<hbm>> -> memref<1x1x1x1024xf32, #tpu.memory_space<hbm>>
    %dma_wait3A_873 = tpu.memref_squeeze %dma_wait3A_872 : memref<1x1x1x1024xf32, #tpu.memory_space<hbm>> -> memref<1024xf32, #tpu.memory_space<hbm>>
    %dma_wait3A_874 = arith.constant 2048 : i32
    %dma_wait3A_875 = tpu.memref_slice %arg10[%dma_wait3A_874] : memref<8192xf32, #tpu.memory_space<vmem>> -> memref<1024xf32, #tpu.memory_space<vmem>>
    tpu.wait_dma2 semaphore(%arg15 : memref<!tpu.dma_semaphore, #tpu.memory_space<semaphore_mem>>) src(%dma_wait3A_875 : memref<1024xf32, #tpu.memory_space<vmem>>) dst(%dma_wait3A_873 : memref<1024xf32, #tpu.memory_space<hbm>>)
    %dma_wait3A_876 = arith.constant 3 : i32
    %dma_wait3A_877 = arith.constant 3072 : i32
    %dma_wait3A_878 = tpu.memref_slice %arg10[%dma_wait3A_877] : memref<8192xf32, #tpu.memory_space<vmem>> -> memref<1024xf32, #tpu.memory_space<vmem>>
    %dma_wait3A_879 = arith.constant 0 : i32
    %dma_wait3A_880 = tpu.memref_slice %arg4[%shift_right_arithmetic3A_838, %dma_wait3A_876, %and3A_842, %dma_wait3A_879] : memref<200x8x128x1024xf32, #tpu.memory_space<hbm>> -> memref<1x1x1x1024xf32, #tpu.memory_space<hbm>>
    %dma_wait3A_881 = tpu.memref_squeeze %dma_wait3A_880 : memref<1x1x1x1024xf32, #tpu.memory_space<hbm>> -> memref<1024xf32, #tpu.memory_space<hbm>>
    %dma_wait3A_882 = arith.constant 0 : i32
    %dma_wait3A_883 = tpu.memref_slice %arg4[%shift_right_arithmetic3A_838, %dma_wait3A_876, %and3A_842, %dma_wait3A_882] : memref<200x8x128x1024xf32, #tpu.memory_space<hbm>> -> memref<1x1x1x1024xf32, #tpu.memory_space<hbm>>
    %dma_wait3A_884 = tpu.memref_squeeze %dma_wait3A_883 : memref<1x1x1x1024xf32, #tpu.memory_space<hbm>> -> memref<1024xf32, #tpu.memory_space<hbm>>
    %dma_wait3A_885 = arith.constant 3072 : i32
    %dma_wait3A_886 = tpu.memref_slice %arg10[%dma_wait3A_885] : memref<8192xf32, #tpu.memory_space<vmem>> -> memref<1024xf32, #tpu.memory_space<vmem>>
    tpu.wait_dma2 semaphore(%arg15 : memref<!tpu.dma_semaphore, #tpu.memory_space<semaphore_mem>>) src(%dma_wait3A_886 : memref<1024xf32, #tpu.memory_space<vmem>>) dst(%dma_wait3A_884 : memref<1024xf32, #tpu.memory_space<hbm>>)
    %dma_wait3A_887 = arith.constant 4 : i32
    %dma_wait3A_888 = arith.constant 4096 : i32
    %dma_wait3A_889 = tpu.memref_slice %arg10[%dma_wait3A_888] : memref<8192xf32, #tpu.memory_space<vmem>> -> memref<1024xf32, #tpu.memory_space<vmem>>
    %dma_wait3A_890 = arith.constant 0 : i32
    %dma_wait3A_891 = tpu.memref_slice %arg4[%shift_right_arithmetic3A_838, %dma_wait3A_887, %and3A_842, %dma_wait3A_890] : memref<200x8x128x1024xf32, #tpu.memory_space<hbm>> -> memref<1x1x1x1024xf32, #tpu.memory_space<hbm>>
    %dma_wait3A_892 = tpu.memref_squeeze %dma_wait3A_891 : memref<1x1x1x1024xf32, #tpu.memory_space<hbm>> -> memref<1024xf32, #tpu.memory_space<hbm>>
    %dma_wait3A_893 = arith.constant 0 : i32
    %dma_wait3A_894 = tpu.memref_slice %arg4[%shift_right_arithmetic3A_838, %dma_wait3A_887, %and3A_842, %dma_wait3A_893] : memref<200x8x128x1024xf32, #tpu.memory_space<hbm>> -> memref<1x1x1x1024xf32, #tpu.memory_space<hbm>>
    %dma_wait3A_895 = tpu.memref_squeeze %dma_wait3A_894 : memref<1x1x1x1024xf32, #tpu.memory_space<hbm>> -> memref<1024xf32, #tpu.memory_space<hbm>>
    %dma_wait3A_896 = arith.constant 4096 : i32
    %dma_wait3A_897 = tpu.memref_slice %arg10[%dma_wait3A_896] : memref<8192xf32, #tpu.memory_space<vmem>> -> memref<1024xf32, #tpu.memory_space<vmem>>
    tpu.wait_dma2 semaphore(%arg15 : memref<!tpu.dma_semaphore, #tpu.memory_space<semaphore_mem>>) src(%dma_wait3A_897 : memref<1024xf32, #tpu.memory_space<vmem>>) dst(%dma_wait3A_895 : memref<1024xf32, #tpu.memory_space<hbm>>)
    %dma_wait3A_898 = arith.constant 5 : i32
    %dma_wait3A_899 = arith.constant 5120 : i32
    %dma_wait3A_900 = tpu.memref_slice %arg10[%dma_wait3A_899] : memref<8192xf32, #tpu.memory_space<vmem>> -> memref<1024xf32, #tpu.memory_space<vmem>>
    %dma_wait3A_901 = arith.constant 0 : i32
    %dma_wait3A_902 = tpu.memref_slice %arg4[%shift_right_arithmetic3A_838, %dma_wait3A_898, %and3A_842, %dma_wait3A_901] : memref<200x8x128x1024xf32, #tpu.memory_space<hbm>> -> memref<1x1x1x1024xf32, #tpu.memory_space<hbm>>
    %dma_wait3A_903 = tpu.memref_squeeze %dma_wait3A_902 : memref<1x1x1x1024xf32, #tpu.memory_space<hbm>> -> memref<1024xf32, #tpu.memory_space<hbm>>
    %dma_wait3A_904 = arith.constant 0 : i32
    %dma_wait3A_905 = tpu.memref_slice %arg4[%shift_right_arithmetic3A_838, %dma_wait3A_898, %and3A_842, %dma_wait3A_904] : memref<200x8x128x1024xf32, #tpu.memory_space<hbm>> -> memref<1x1x1x1024xf32, #tpu.memory_space<hbm>>
    %dma_wait3A_906 = tpu.memref_squeeze %dma_wait3A_905 : memref<1x1x1x1024xf32, #tpu.memory_space<hbm>> -> memref<1024xf32, #tpu.memory_space<hbm>>
    %dma_wait3A_907 = arith.constant 5120 : i32
    %dma_wait3A_908 = tpu.memref_slice %arg10[%dma_wait3A_907] : memref<8192xf32, #tpu.memory_space<vmem>> -> memref<1024xf32, #tpu.memory_space<vmem>>
    tpu.wait_dma2 semaphore(%arg15 : memref<!tpu.dma_semaphore, #tpu.memory_space<semaphore_mem>>) src(%dma_wait3A_908 : memref<1024xf32, #tpu.memory_space<vmem>>) dst(%dma_wait3A_906 : memref<1024xf32, #tpu.memory_space<hbm>>)
    %dma_wait3A_909 = arith.constant 6 : i32
    %dma_wait3A_910 = arith.constant 6144 : i32
    %dma_wait3A_911 = tpu.memref_slice %arg10[%dma_wait3A_910] : memref<8192xf32, #tpu.memory_space<vmem>> -> memref<1024xf32, #tpu.memory_space<vmem>>
    %dma_wait3A_912 = arith.constant 0 : i32
    %dma_wait3A_913 = tpu.memref_slice %arg4[%shift_right_arithmetic3A_838, %dma_wait3A_909, %and3A_842, %dma_wait3A_912] : memref<200x8x128x1024xf32, #tpu.memory_space<hbm>> -> memref<1x1x1x1024xf32, #tpu.memory_space<hbm>>
    %dma_wait3A_914 = tpu.memref_squeeze %dma_wait3A_913 : memref<1x1x1x1024xf32, #tpu.memory_space<hbm>> -> memref<1024xf32, #tpu.memory_space<hbm>>
    %dma_wait3A_915 = arith.constant 0 : i32
    %dma_wait3A_916 = tpu.memref_slice %arg4[%shift_right_arithmetic3A_838, %dma_wait3A_909, %and3A_842, %dma_wait3A_915] : memref<200x8x128x1024xf32, #tpu.memory_space<hbm>> -> memref<1x1x1x1024xf32, #tpu.memory_space<hbm>>
    %dma_wait3A_917 = tpu.memref_squeeze %dma_wait3A_916 : memref<1x1x1x1024xf32, #tpu.memory_space<hbm>> -> memref<1024xf32, #tpu.memory_space<hbm>>
    %dma_wait3A_918 = arith.constant 6144 : i32
    %dma_wait3A_919 = tpu.memref_slice %arg10[%dma_wait3A_918] : memref<8192xf32, #tpu.memory_space<vmem>> -> memref<1024xf32, #tpu.memory_space<vmem>>
    tpu.wait_dma2 semaphore(%arg15 : memref<!tpu.dma_semaphore, #tpu.memory_space<semaphore_mem>>) src(%dma_wait3A_919 : memref<1024xf32, #tpu.memory_space<vmem>>) dst(%dma_wait3A_917 : memref<1024xf32, #tpu.memory_space<hbm>>)
    %dma_wait3A_920 = arith.constant 7 : i32
    %dma_wait3A_921 = arith.constant 7168 : i32
    %dma_wait3A_922 = tpu.memref_slice %arg10[%dma_wait3A_921] : memref<8192xf32, #tpu.memory_space<vmem>> -> memref<1024xf32, #tpu.memory_space<vmem>>
    %dma_wait3A_923 = arith.constant 0 : i32
    %dma_wait3A_924 = tpu.memref_slice %arg4[%shift_right_arithmetic3A_838, %dma_wait3A_920, %and3A_842, %dma_wait3A_923] : memref<200x8x128x1024xf32, #tpu.memory_space<hbm>> -> memref<1x1x1x1024xf32, #tpu.memory_space<hbm>>
    %dma_wait3A_925 = tpu.memref_squeeze %dma_wait3A_924 : memref<1x1x1x1024xf32, #tpu.memory_space<hbm>> -> memref<1024xf32, #tpu.memory_space<hbm>>
    %dma_wait3A_926 = arith.constant 0 : i32
    %dma_wait3A_927 = tpu.memref_slice %arg4[%shift_right_arithmetic3A_838, %dma_wait3A_920, %and3A_842, %dma_wait3A_926] : memref<200x8x128x1024xf32, #tpu.memory_space<hbm>> -> memref<1x1x1x1024xf32, #tpu.memory_space<hbm>>
    %dma_wait3A_928 = tpu.memref_squeeze %dma_wait3A_927 : memref<1x1x1x1024xf32, #tpu.memory_space<hbm>> -> memref<1024xf32, #tpu.memory_space<hbm>>
    %dma_wait3A_929 = arith.constant 7168 : i32
    %dma_wait3A_930 = tpu.memref_slice %arg10[%dma_wait3A_929] : memref<8192xf32, #tpu.memory_space<vmem>> -> memref<1024xf32, #tpu.memory_space<vmem>>
    tpu.wait_dma2 semaphore(%arg15 : memref<!tpu.dma_semaphore, #tpu.memory_space<semaphore_mem>>) src(%dma_wait3A_930 : memref<1024xf32, #tpu.memory_space<vmem>>) dst(%dma_wait3A_928 : memref<1024xf32, #tpu.memory_space<hbm>>)
    return
  }
}

</mosaic_0001>

<sc_bundles>
// kernel: kernel.3.cloned.1.call-start
scs
__scs_entry_jumppad:
0x0: {  	(pc) =	sbr.rel $0x88, $3  }
0x1: {  	(tag) =	ssettag $0x0;
	lr =	simm.s32 $0x1  }
0x2: {  	[smem:$0x3F9F] =	sst lr;
	_ =	strace $0xD0000000  }
0x3: {  	_ = 	snop  }
0x4: {  	_ = 	snop  }
0x5: {  	_ = 	snop  }
0x6: {  	_ = 	snop  }
0x7: {  	_ = 	snop  }
__scs_overlays_trampoline_lowered:
0x8: {  	[smem:$0x3FAE] =	sst s0  }
0x9: {  	[smem:$0x3FAF] =	sst s1  }
0xa: {  	[smem:$0x3FB0] =	sst s2  }
0xb: {  	[smem:$0x3FB1] =	sst s3  }
0xc: {  	[smem:$0x3FB2] =	sst s4  }
0xd: {  	[smem:$0x3FB3] =	sst s5  }
0xe: {  	[smem:$0x3FB4] =	sst s6  }
0xf: {  	[smem:$0x3FB5] =	sst s7  }
0x10: {  	[smem:$0x3FB6] =	sst s8  }
0x11: {  	[smem:$0x3FB7] =	sst s9;
	s0 =	simm.s32 @!p0 $0x0  }
0x12: {  	s1 =	sld [smem:$0x3F9D];
	s0 =	simm.s32 @p0 $0x1  }
0x13: {  	[smem:$0x3FB8] =	sst s0;
	s0 =	simm.s32 @!p1 $0x0  }
0x14: {  	s2 =	sld [smem:$0x3F9C];
	s0 =	simm.s32 @p1 $0x1  }
0x15: {  	[smem:$0x3FB9] =	sst s0;
	s0 =	simm.s32 @!p2 $0x0  }
0x16: {  	s3 =	sld [smem:$0x3FDB];
	s0 =	simm.s32 @p2 $0x1  }
0x17: {  	s4 =	simm.s32 $0x1BF5;
	[smem:$0x3FBB] =	sst s0  }
0x18: {  	s0 =	sld [smem:$0x3F9E];
	_ =	swait.ge [sflag:s4], $0x0  }
0x19: {  	s7 =	sld [smem:$0x3F9F]  }
0x1a: {  	s8 =	sadd.s32 $0xFFFFE003, lr  }
0x1b: {  	s9 =	sadd.s32 $0xFFFFFEF7, lr;
	s5 =	simm.s32 $0xFFFFFFFF;
	p2 =	slt.u32 s8, $0xFFFFF086  }
0x1c: {  	p1 =	slt.u32 s9, $0xF7A;
	s5 =	simm.s32 @!p2 $0x0  }
0x1d: {  	s5 =	simm.s32 @p1 $0x1;
	p0 =	seq.s32 s7, s2  }
0x1e: {  	s7 =	smul.u32 @!p0 $0xF7A, s2;
	p2 =	seq.s32 @!p0 s5, $0x0  }
0x1f: {  	s9 =	smul.u32 $0xF7A, s1;
	s8 =	simm.s32 @!p0 $0x1BF5;
	p2 =	por !p2, p0  }
0x20: {  	[sflag:s8] =	ssyncset.s32 @!p0 $0xFFFFF086;
	s6 =	sadd.s32 @!p0 s3, s7;
	s7 =	simm.s32 @!p0 $0x108  }
0x21: {  	s3 =	sadd.s32 s3, s9;
	s6 =	sadd.s32 @!p0 $0x88, s6;
	s7 =	simm.s32 @p2 $0x1082  }
0x22: {  	[simem:s7], [sflag:s8] =	dma.local @!p0 [hbm:s6], $0xF7A  }
0x23: {  	s9 =	sor.u32 $0xD0000000, s2;
	s6 =	simm.s32 $0x108;
	_ =	swait.ge @!p0 [sflag:s8], $0x0  }
0x24: {  	s3 =	sadd.s32 $0x88, s3;
	s6 =	simm.s32 @!p1 $0x1082;
	[sflag:s4] =	ssyncset.s32 $0xFFFFF086  }
0x25: {  	[simem:s6], [sflag:s4] =	dma.local [hbm:s3], $0xF7A  }
0x26: {  	[smem:$0x3F9F] =	sst s1;
	(tag) =	ssettag s2;
	_ =	strace s9  }
0x27: {  	s1 =	sld [smem:$0x3FAF]  }
0x28: {  	s2 =	sld [smem:$0x3FB0]  }
0x29: {  	s4 =	sld [smem:$0x3FB2]  }
0x2a: {  	p0 =	seq.s32 s5, $0x0;
	s5 =	sld [smem:$0x3FB3]  }
0x2b: {  	s6 =	sld [smem:$0x3FB4]  }
0x2c: {  	s7 =	sld [smem:$0x3FB5]  }
0x2d: {  	s3 =	simm.s32 $0x108;
	s8 =	sld [smem:$0x3FB6]  }
0x2e: {  	s3 =	simm.s32 @!p0 $0x1082;
	s9 =	sld [smem:$0x3FB7]  }
0x2f: {  	lr =	sadd.s32 s0, s3;
	s0 =	sld [smem:$0x3FAE]  }
0x30: {  	s3 =	sld [smem:$0x3FB1]  }
0x31: {  	[smem:$0x3FBA] =	sst s10  }
0x32: {  	s10 =	sld [smem:$0x3FB8];
	_ =	sdelay $0x3  }
0x33: {  	p0 =	seq.s32 s10, $0x1;
	s10 =	sld [smem:$0x3FBA];
	_ =	sdelay $0x3  }
0x34: {  	[smem:$0x3FBA] =	sst s10  }
0x35: {  	s10 =	sld [smem:$0x3FB9];
	_ =	sdelay $0x3  }
0x36: {  	p1 =	seq.s32 s10, $0x1;
	s10 =	sld [smem:$0x3FBA];
	_ =	sdelay $0x3  }
0x37: {  	[smem:$0x3FBA] =	sst s10  }
0x38: {  	s10 =	sld [smem:$0x3FBB]  }
0x39: {  	_ = 	snop;
	(pc) =	sbr.ind lr, $3  }
0x3a: {  	_ = 	snop  }
0x3b: {  	_ = 	snop  }
0x3c: {  	p2 =	seq.s32 s10, $0x1;
	s10 =	sld [smem:$0x3FBA]  }
0x3d: {  	_ =	shalt  }
0x3e: {  	_ =	shalt  }
0x3f: {  	_ =	shalt  }
0x40: {  	_ =	shalt  }
0x41: {  	_ =	shalt  }
0x42: {  	_ =	shalt  }
0x43: {  	_ =	shalt  }
0x44: {  	_ =	shalt  }
0x45: {  	_ =	shalt  }
0x46: {  	_ =	shalt  }
0x47: {  	_ =	shalt  }
0x48: {  	_ =	shalt  }
0x49: {  	_ =	shalt  }
0x4a: {  	_ =	shalt  }
0x4b: {  	_ =	shalt  }
0x4c: {  	_ =	shalt  }
0x4d: {  	_ =	shalt  }
0x4e: {  	_ =	shalt  }
0x4f: {  	_ =	shalt  }
0x50: {  	_ =	shalt  }
0x51: {  	_ =	shalt  }
0x52: {  	_ =	shalt  }
0x53: {  	_ =	shalt  }
0x54: {  	_ =	shalt  }
0x55: {  	_ =	shalt  }
0x56: {  	_ =	shalt  }
0x57: {  	_ =	shalt  }
0x58: {  	_ =	shalt  }
0x59: {  	_ =	shalt  }
0x5a: {  	_ =	shalt  }
0x5b: {  	_ =	shalt  }
0x5c: {  	_ =	shalt  }
0x5d: {  	_ =	shalt  }
0x5e: {  	_ =	shalt  }
0x5f: {  	_ =	shalt  }
0x60: {  	_ =	shalt  }
0x61: {  	_ =	shalt  }
0x62: {  	_ =	shalt  }
0x63: {  	_ =	shalt  }
0x64: {  	_ =	shalt  }
0x65: {  	_ =	shalt  }
0x66: {  	_ =	shalt  }
0x67: {  	_ =	shalt  }
0x68: {  	_ =	shalt  }
0x69: {  	_ =	shalt  }
0x6a: {  	_ =	shalt  }
0x6b: {  	_ =	shalt  }
0x6c: {  	_ =	shalt  }
0x6d: {  	_ =	shalt  }
0x6e: {  	_ =	shalt  }
0x6f: {  	_ =	shalt  }
0x70: {  	_ =	shalt  }
0x71: {  	_ =	shalt  }
0x72: {  	_ =	shalt  }
0x73: {  	_ =	shalt  }
0x74: {  	_ =	shalt  }
0x75: {  	_ =	shalt  }
0x76: {  	_ =	shalt  }
0x77: {  	_ =	shalt  }
0x78: {  	_ =	shalt  }
0x79: {  	_ =	shalt  }
0x7a: {  	_ =	shalt  }
0x7b: {  	_ =	shalt  }
0x7c: {  	_ =	shalt  }
0x7d: {  	_ =	shalt  }
0x7e: {  	_ =	shalt  }
0x7f: {  	_ =	shalt  }
0x80: {  	_ =	shalt  }
0x81: {  	_ =	shalt  }
0x82: {  	_ =	shalt  }
0x83: {  	_ =	shalt  }
0x84: {  	_ =	shalt  }
0x85: {  	_ =	shalt  }
0x86: {  	_ =	shalt  }
0x87: {  	_ =	shalt  }
.Lfunc_end0:
.L_simem_size_0:
called_computation_lowered:
.L_overlay_start_0:
0x88: {  	s2 =	sld [smem:$0x3FD9]  }
0x89: {  	s3 =	sld [smem:$0x3FFE];
	_ =	sdelay $0x1  }
0x8a: {  	s1 =	srdreg.scid  }
0x8b: {  	s0 =	sand.u32 $0x1, s1  }
0x8c: {  	s17 =	sshll.u32 s0, $0xA;
	s2 =	sadd.s32 s3, s2  }
0x8d: {  	s2 =	sadd.s32 s2, s17  }
0x8e: {  	[smem:$0x3FC6] =	sst s2  }
0x8f: {  	_ = 	snop  }
0x90: {  	s2 =	sld [smem:$0x3FD0];
	(tm) =	ssettm $0x1  }
0x91: {  	s18 =	sld [smem:$0x3FFB];
	_ =	sdelay $0x3  }
0x92: {  	_ =	strace s18  }
0x93: {  	s3 =	sld [smem:$0x3FFC];
	_ =	sdelay $0x3  }
0x94: {  	_ =	strace s3  }
0x95: {  	s3 =	sld [smem:$0x3FFD];
	_ =	sdelay $0x3  }
0x96: {  	_ =	strace s3  }
0x97: {  	_ =	strace $0x8FFFFFFF  }
0x98: {  	s19 =	sld [smem:$0x3FDB];
	_ =	sdelay $0x1  }
0x99: {  	s4 =	simm.s32 $_scs_section_size  }
0x9a: {  	s5 =	simm.s32 $_size__tile_overlayer_lowered;
	s6 =	simm.s32 $_tile_overlayer_lowered  }
0x9b: {  	s22 =	simm.s32 $0x1BFF;
	s21 =	sshll.u32 s6, $0x1;
	s3 =	sadd.s32 s4, s19  }
0x9c: {  	s7 =	simm.s32 $0x0;
	s20 =	sshll.u32 s5, $0x1;
	s5 =	sadd.s32 s21, s3  }
0x9d: {  	[timem:s7], [sflag:s22] =	dma.local [hbm:s5], s20  }
0x9e: {  	_ =	swait.ge [sflag:s22], s20  }
0x9f: {  	s4 =	ssub.s32 $0x0, s20;
	[sflag:s22] =	ssyncset.done $0x0  }
0xa0: {  	[sflag:s22] =	ssyncadd.s32 s4;
	_ =	sdelay $0x1  }
0xa1: {  	s23 =	simm.s32 $0x1B8B  }
0xa2: {  	_ =	swait.ge [sflag:s23], $0x1  }
0xa3: {  	[sflag:s23] =	ssyncset.done $0x0  }
0xa4: {  	s25 =	simm.s32 $0x1B8E;
	s24 =	sld [smem:$0x3FFE];
	[sflag:s23] =	ssyncadd.s32 $0xFFFFFFFF  }
0xa5: {  	s26 =	simm.s32 $execute0_lowered;
	[smem:$0x3FD2] =	sst s25  }
0xa6: {  	s5 =	sshll.u32 s26, $0x1;
	_ =	strace $0x80000046;
	[dreg:$0x1] =	wrdreg $0xFFFFFFFF  }
0xa7: {  	s28 =	simm.s32 $_size_execute0_lowered;
	s3 =	sadd.s32 s3, s5;
	[dreg:$0x0] =	wrdreg $0x0  }
0xa8: {  	s5 =	sshll.u32 s28, $0x1;
	[dreg:$0x2] =	wrdreg s3  }
0xa9: {  	[dreg:$0x3] =	wrdreg s5  }
0xaa: {  	[dreg:$0x4] =	wrdreg $0xC0  }
0xab: {  	_ =	task [dreg:s7], $0x5FFFF  }
0xac: {  	[dreg:$0x1] =	wrdreg $0xFFFFFFFF  }
0xad: {  	[dreg:$0x0] =	wrdreg $0x60  }
0xae: {  	[dreg:$0x2] =	wrdreg s24  }
0xaf: {  	[dreg:$0x3] =	wrdreg s2  }
0xb0: {  	[dreg:$0x4] =	wrdreg $0x9  }
0xb1: {  	_ =	task.clear_ibuf [dreg:s7], $0x5FFFF;
	_ =	strace $0x90000046  }
0xb2: {  	s29 =	simm.s32 $0x9;
	_ =	strace $0x80000048  }
0xb3: {  	_ =	swait.ge [sflag:s29], $0x1  }
0xb4: {  	[sflag:s29] =	ssyncadd.s32 $0xFFFFFFFF  }
0xb5: {  	_ =	strace $0x90000048  }
0xb6: {  	_ =	sfence  }
0xb7: {  	s30 =	sld [smem:$0x0];
	_ =	sdelay $0x2  }
0xb8: {  	s31 =	sshll.u32 s1, $0xD;
	s1 =	sshrl.u32 s1, $0x2  }
0xb9: {  	s3 =	sand.u32 $0x4000, s31;
	s1 =	sadd.s32 s1, s30  }
0xba: {  	s0 =	sor.u32 s3, s0;
	s1 =	sshll.u32 s1, $0x11  }
0xbb: {  	s0 =	sor.u32 s1, s0  }
0xbc: {  	s0 =	sadd.s32 $0x8F2B, s0  }
0xbd: {  	[sflag:s0] =	ssyncadd.remote.s32 $0x1  }
0xbe: {  	_ =	sfence.sel $0xFFFF  }
0xbf: {  	[dreg:$0x0] =	wrdreg $0xFFFFFFFF;
	(pc) =	sbr.abs _section_cstart, $3  }
0xc0: {  	[dreg:$0x1] =	wrdreg $0xFFFFFFFF  }
0xc1: {  	_ =	task.clear_ibuf [dreg:s7], $0x2FFFF;
	_ =	strace $0x9FFFFFFF  }
0xc2: {  	(tm) =	ssettm $0x7FFFFFFF  }
0xc3: {  	_ =	shalt  }
tec
execute0_lowered:
.L_overlay_start_1:
0x0: {  	(tag) =	ssettag $0x1  }
0x1: {  	v0 =	vimm.s32 $0x300;
	vm9 =	vcmask $0x704;
	v2 =	vimm.s32 $0xC0804000  }
0x2: {  	vm8 =	vcmask $0xB08;
	v11 =	vimm.s32 $0x100;
	vm7 =	vcmask $0xF0C  }
0x3: {  	vm11 =	vcmask $0x1F10;
	vm6 =	vcmask $0x1310;
	vm5 =	vcmask $0x1714  }
0x4: {  	v4 =	vimm.s32 $0x804000C0;
	vm4 =	vcmask $0x1B18;
	v3 =	vsel vm9, $0x140, v11  }
0x5: {  	vm10 =	vcmask $0x300;
	vm3 =	vcmask $0x1F1C;
	v3 =	vsel vm8, $0x180, v3  }
0x6: {  	vm0 =	vcmask $0x1304;
	v5 =	vimm.s32 $0x4000C080;
	v3 =	vsel vm7, $0x1C0, v3  }
0x7: {  	vm2 =	vcmask $0x2320;
	vm1 =	vcmask $0x2724;
	v3 =	vsel vm6, $0x200, v3  }
0x8: {  	vm14 =	vcmask $0x1708;
	v12 =	vsel vm5, $0x240, v3;
	v3 =	vunpack.c.0.s8.s32 v4  }
0x9: {  	vm15 =	vcmask $0x1B0C;
	vm12 =	vcmask $0x2314;
	v4 =	vimm.s32 $0x380  }
0xa: {  	vm13 =	vcmask $0x2718;
	v4 =	vsel vm10, $0x3C0, v4;
	v13 =	vand.u32 $0xFF, v3  }
0xb: {  	v1 =	vsel vm9, $0x340, v0;
	v2 =	vunpack.c.0.s8.s32 v2;
	v4 =	vsel vm0, v13, v4  }
0xc: {  	v0 =	vsel vm10, $0x340, v0;
	v3 =	vimm.s32 $0x340;
	[tilespmem:$0x1F650] =	vst v4;
	v4 =	vunpack.c.0.s8.s32 v5  }
0xd: {  	v11 =	vsel vm10, $0x140, v11;
	v1 =	vsel vm8, $0x380, v1;
	v3 =	vsel vm10, $0x380, v3  }
0xe: {  	v3 =	vsel vm9, $0x3C0, v3;
	v14 =	vand.u32 $0xFF, v4;
	v4 =	vimm.s32 $0xC08040  }
0xf: {  	v0 =	vsel vm9, $0x380, v0;
	v4 =	vunpack.c.0.s8.s32 v4;
	v3 =	vsel vm14, v14, v3  }
0x10: {  	v11 =	vsel vm9, $0x180, v11;
	v1 =	vsel vm7, $0x3C0, v1;
	[tilespmem:$0x1F6E0] =	vst v3;
	v3 =	vimm.s32 $0x2C0  }
0x11: {  	v0 =	vsel vm8, $0x3C0, v0;
	v15 =	vand.u32 $0xFF, v4;
	v3 =	vsel vm10, $0x300, v3  }
0x12: {  	v4 =	vimm.s32 $0x280;
	v3 =	vsel vm9, $0x340, v3;
	v0 =	vsel vm15, v15, v0  }
0x13: {  	v2 =	vand.u32 $0xFF, v2;
	v4 =	vsel vm10, $0x2C0, v4;
	[tilespmem:$0x1F740] =	vst v0;
	v0 =	vsel vm8, $0x380, v3  }
0x14: {  	v11 =	vsel vm8, $0x1C0, v11;
	v3 =	vsel vm9, $0x300, v4;
	v0 =	vsel vm7, $0x3C0, v0  }
0x15: {  	v11 =	vsel vm7, $0x200, v11;
	v3 =	vsel vm8, $0x340, v3;
	v0 =	vsel vm11, v2, v0  }
0x16: {  	v1 =	vsel vm11, v2, v1;
	v11 =	vsel vm6, $0x240, v11;
	[tilespmem:$0x1F7A0] =	vst v0;
	v0 =	vsel vm7, $0x380, v3  }
0x17: {  	v11 =	vsel vm5, $0x280, v11;
	v3 =	vimm.s32 $0x240;
	v0 =	vsel vm6, $0x3C0, v0  }
0x18: {  	v11 =	vsel vm4, $0x2C0, v11;
	v3 =	vsel vm10, $0x280, v3;
	v0 =	vsel vm12, v13, v0  }
0x19: {  	vm0 =	vcmask $0x2B28;
	[tilespmem:$0x1F810] =	vst v0;
	v0 =	vsel vm9, $0x2C0, v3;
	v3 =	vimm.s32 $0x200  }
0x1a: {  	v11 =	vsel vm3, $0x300, v11;
	v0 =	vsel vm8, $0x300, v0;
	v3 =	vsel vm10, $0x240, v3  }
0x1b: {  	v4 =	vimm.s32 $0x1C0;
	v0 =	vsel vm7, $0x340, v0;
	v3 =	vsel vm9, $0x280, v3  }
0x1c: {  	v4 =	vsel vm10, $0x200, v4;
	v0 =	vsel vm6, $0x380, v0;
	v3 =	vsel vm8, $0x2C0, v3  }
0x1d: {  	v4 =	vsel vm9, $0x240, v4;
	v0 =	vsel vm5, $0x3C0, v0;
	v3 =	vsel vm7, $0x300, v3  }
0x1e: {  	v4 =	vsel vm8, $0x280, v4;
	v3 =	vsel vm6, $0x340, v3;
	v0 =	vsel vm13, v14, v0  }
0x1f: {  	v11 =	vsel vm2, $0x340, v11;
	v4 =	vsel vm7, $0x2C0, v4;
	[tilespmem:$0x1F880] =	vst v0;
	v0 =	vsel vm5, $0x380, v3  }
0x20: {  	vm14 =	vcmask $0x2B1C;
	v3 =	vsel vm6, $0x300, v4;
	v0 =	vsel vm4, $0x3C0, v0  }
0x21: {  	v5 =	vimm.s32 $0x1F88;
	v3 =	vsel vm5, $0x340, v3;
	v0 =	vsel vm14, v15, v0  }
0x22: {  	v6 =	vsel vm10, $0x1809, v5;
	vm15 =	vcmask $0x2F20;
	[tilespmem:$0x1F920] =	vst v0;
	v0 =	vsel vm4, $0x380, v3  }
0x23: {  	vm12 =	vcmask $0x3324;
	v3 =	vimm.s32 $0x180;
	v0 =	vsel vm3, $0x3C0, v0  }
0x24: {  	v16 =	vsel vm10, $0x1C0, v3;
	v0 =	vsel vm15, v2, v0;
	v2 =	vimm.s32 $0x140  }
0x25: {  	vm13 =	vcmask $0x3728;
	[tilespmem:$0x1F9B0] =	vst v0;
	v0 =	vsel vm9, $0x200, v16;
	v2 =	vsel vm10, $0x180, v2  }
0x26: {  	v3 =	vimm.s32 $0x1F87;
	v0 =	vsel vm8, $0x240, v0;
	v2 =	vsel vm9, $0x1C0, v2  }
0x27: {  	vm15 =	vcmask $0xB00;
	v0 =	vsel vm7, $0x280, v0;
	v2 =	vsel vm8, $0x200, v2  }
0x28: {  	v9 =	vsel vm10, $0x1808, v3;
	v0 =	vsel vm6, $0x2C0, v0;
	v2 =	vsel vm7, $0x240, v2  }
0x29: {  	v3 =	vimm.s32 $0x1F8A;
	v0 =	vsel vm5, $0x300, v0;
	v2 =	vsel vm6, $0x280, v2  }
0x2a: {  	v5 =	vsel vm10, $0x180B, v3;
	v0 =	vsel vm4, $0x340, v0;
	v2 =	vsel vm5, $0x2C0, v2  }
0x2b: {  	v3 =	vimm.s32 $0x1F8D;
	v0 =	vsel vm3, $0x380, v0;
	v2 =	vsel vm4, $0x300, v2  }
0x2c: {  	v0 =	vsel vm2, $0x3C0, v0;
	v16 =	vsel vm3, $0x340, v2;
	v2 =	vnsel vm15, $0x0, v15  }
0x2d: {  	v0 =	vsel vm12, v13, v0;
	v13 =	vsel vm1, $0x380, v11;
	[tilespmem:$0x1F640] =	vst v2;
	v2 =	vimm.s32 $0x1F84  }
0x2e: {  	[tilespmem:$0x1FA60] =	vst v0;
	v0 =	vsel vm2, $0x380, v16;
	v10 =	vsel vm10, $0x1805, v2;
	v2 =	vimm.s32 $0x1F86  }
0x2f: {  	v0 =	vsel vm1, $0x3C0, v0;
	v7 =	vsel vm10, $0x1807, v2;
	v2 =	vimm.s32 $0x1F89  }
0x30: {  	v0 =	vsel vm13, v14, v0;
	v4 =	vsel vm10, $0x180A, v2;
	v2 =	vimm.s32 $0x1F8C  }
0x31: {  	v3 =	vsel vm10, $0x180E, v3;
	[tilespmem:$0x1FB50] =	vst v0;
	v0 =	vsel vm0, $0x3C0, v13;
	v2 =	vsel vm10, $0x180D, v2  }
0x32: {  	v13 =	vsel vm4, $0x280, v12;
	v12 =	vimm.s32 $0x1F8E;
	v2 =	vsel vm9, $0x188E, v2  }
0x33: {  	v3 =	vsel vm9, $0x188F, v3;
	v12 =	vsel vm10, $0x180F, v12;
	v2 =	vsel vm8, $0x190F, v2  }
0x34: {  	v3 =	vsel vm8, $0x1900, v3;
	v12 =	vsel vm9, $0x1880, v12;
	v2 =	vsel vm7, $0x1980, v2  }
0x35: {  	v12 =	vsel vm8, $0x1901, v12;
	[tilespmem:$0x1F680] =	vst v2;
	v2 =	vsel vm7, $0x1981, v3  }
0x36: {  	[tilespmem:$0x1F690] =	vst v2;
	v2 =	vsel vm7, $0x1982, v12  }
0x37: {  	[tilespmem:$0x1F6A0] =	vst v2;
	v2 =	vld [tilespmem:$0x1F650];
	_ =	sdelay $0x4  }
0x38: {  	v2 =	vsel vm5, $0x100, v2  }
0x39: {  	v14 =	vimm.s32 $0x80;
	v13 =	vsel vm3, $0x2C0, v13;
	v2 =	vsel vm4, $0x140, v2  }
0x3a: {  	v1 =	vcombine.low v13, v1;
	v13 =	vsel vm10, $0xC0, v14;
	[tilespmem:$0x1F6B0] =	vst v2;
	v2 =	vld [tilespmem:$0x1F690]  }
0x3b: {  	v13 =	vsel vm9, $0x100, v13  }
0x3c: {  	v13 =	vsel vm8, $0x140, v13  }
0x3d: {  	v13 =	vsel vm7, $0x180, v13  }
0x3e: {  	[tilespmem:$0x1F660] =	vst v13;
	v13 =	vld [tilespmem:$0x1F640]  }
0x3f: {  	v3 =	vld [tilespmem:$0x1F660];
	v2 =	vsel vm6, $0x1A02, v2  }
0x40: {  	[tilespmem:$0x1F6C0] =	vst v2;
	v2 =	vld [tilespmem:$0x1F6A0];
	_ =	sdelay $0x2  }
0x41: {  	v13 =	vsel vm7, $0x100, v13  }
0x42: {  	[tilespmem:$0x1F670] =	vst v13  }
0x43: {  	v13 =	vsel vm6, $0x1C0, v3;
	v3 =	vld [tilespmem:$0x1F670];
	v2 =	vsel vm6, $0x1A03, v2  }
0x44: {  	[tilespmem:$0x1F6D0] =	vst v2;
	v2 =	vld [tilespmem:$0x1F6B0];
	_ =	sdelay $0x3  }
0x45: {  	v3 =	vsel vm6, $0x140, v3  }
0x46: {  	v3 =	vsel vm5, $0x180, v3;
	v2 =	vsel vm3, $0x180, v2  }
0x47: {  	[tilespmem:$0x1F6F0] =	vst v3;
	v3 =	vld [tilespmem:$0x1F6C0];
	v2 =	vsel vm2, $0x1C0, v2  }
0x48: {  	[tilespmem:$0x1F720] =	vst v2;
	v2 =	vld [tilespmem:$0x1F6E0];
	_ =	sdelay $0x3  }
0x49: {  	v3 =	vsel vm5, $0x1A83, v3  }
0x4a: {  	[tilespmem:$0x1F700] =	vst v3;
	v3 =	vld [tilespmem:$0x1F6D0];
	v2 =	vsel vm4, $0x100, v2  }
0x4b: {  	[tilespmem:$0x1F730] =	vst v2;
	v2 =	vld [tilespmem:$0x1F6F0];
	_ =	sdelay $0x3  }
0x4c: {  	v3 =	vsel vm5, $0x1A84, v3  }
0x4d: {  	[tilespmem:$0x1F710] =	vst v3;
	v3 =	vsel vm4, $0x1C0, v2;
	v2 =	vld [tilespmem:$0x1F700];
	_ =	sdelay $0x4  }
0x4e: {  	v2 =	vsel vm4, $0x1B04, v2  }
0x4f: {  	[tilespmem:$0x1F750] =	vst v2;
	v2 =	vld [tilespmem:$0x1F710];
	_ =	sdelay $0x4  }
0x50: {  	v2 =	vsel vm4, $0x1B05, v2  }
0x51: {  	[tilespmem:$0x1F760] =	vst v2;
	v2 =	vld [tilespmem:$0x1F720];
	_ =	sdelay $0x4  }
0x52: {  	v2 =	vsel vm1, $0x200, v2  }
0x53: {  	[tilespmem:$0x1F770] =	vst v2;
	v2 =	vld [tilespmem:$0x1F730];
	_ =	sdelay $0x4  }
0x54: {  	v2 =	vsel vm3, $0x140, v2  }
0x55: {  	[tilespmem:$0x1F780] =	vst v2;
	v2 =	vld [tilespmem:$0x1F740];
	_ =	sdelay $0x4  }
0x56: {  	v2 =	vsel vm3, $0x100, v2  }
0x57: {  	[tilespmem:$0x1F790] =	vst v2;
	v2 =	vld [tilespmem:$0x1F750];
	_ =	sdelay $0x3  }
0x58: {  	v17 =	vimm.s32 $0x782;
	v18 =	vimm.s32 $0x783  }
0x59: {  	v19 =	vimm.s32 $0x784;
	v20 =	vimm.s32 $0x785;
	v2 =	vsel vm3, $0x1B85, v2  }
0x5a: {  	v21 =	vimm.s32 $0x786;
	v22 =	vimm.s32 $0x787;
	v23 =	vimm.s32 $0x788;
	[tilespmem:$0x1F7B0] =	vst v2;
	v2 =	vld [tilespmem:$0x1F760]  }
0x5b: {  	v24 =	vimm.s32 $0x789;
	v25 =	vimm.s32 $0x78A;
	v26 =	vimm.s32 $0x78B  }
0x5c: {  	v27 =	vimm.s32 $0x78C;
	v28 =	vimm.s32 $0x78D;
	v29 =	vimm.s32 $0x78E  }
0x5d: {  	v30 =	vimm.s32 $0xF80;
	v31 =	vimm.s32 $0xF81;
	v32 =	vimm.s32 $0xF82  }
0x5e: {  	v33 =	vimm.s32 $0xF83;
	v34 =	vimm.s32 $0xF84;
	v35 =	vimm.s32 $0xF85  }
0x5f: {  	v36 =	vimm.s32 $0xF86;
	v37 =	vimm.s32 $0xF87;
	v2 =	vsel vm3, $0x1B86, v2  }
0x60: {  	v38 =	vimm.s32 $0xF88;
	v39 =	vimm.s32 $0xF89;
	v40 =	vimm.s32 $0xF8A;
	[tilespmem:$0x1F7C0] =	vst v2;
	v2 =	vld [tilespmem:$0x1F770]  }
0x61: {  	v41 =	vimm.s32 $0xF8B;
	v42 =	vimm.s32 $0xF8C;
	v43 =	vimm.s32 $0xF8D  }
0x62: {  	v44 =	vimm.s32 $0xF8E;
	v45 =	vimm.s32 $0x1780;
	v46 =	vimm.s32 $0x1781  }
0x63: {  	v47 =	vimm.s32 $0x1782;
	v48 =	vimm.s32 $0x1783;
	v49 =	vimm.s32 $0x1784  }
0x64: {  	v50 =	vimm.s32 $0x1785;
	v51 =	vimm.s32 $0x1786;
	v52 =	vimm.s32 $0x1787  }
0x65: {  	v53 =	vimm.s32 $0x1788;
	v54 =	vimm.s32 $0x1789;
	v2 =	vsel vm0, $0x240, v2  }
0x66: {  	v55 =	vimm.s32 $0x178A;
	v56 =	vimm.s32 $0x178B;
	v57 =	vimm.s32 $0x178C;
	[tilespmem:$0x1F7D0] =	vst v2;
	v2 =	vld [tilespmem:$0x1F780]  }
0x67: {  	v58 =	vimm.s32 $0x178D;
	v59 =	vimm.s32 $0x178E;
	v60 =	vimm.s32 $0x1F80  }
0x68: {  	v61 =	vimm.s32 $0x1F81;
	v62 =	vimm.s32 $0x1F82;
	v63 =	vimm.s32 $0x1F83  }
0x69: {  	v8 =	vimm.s32 $0x1F8B;
	v17 =	vsel vm10, $0x3, v17;
	v18 =	vsel vm10, $0x4, v18  }
0x6a: {  	v19 =	vsel vm10, $0x5, v19;
	v20 =	vsel vm10, $0x6, v20;
	v21 =	vsel vm10, $0x7, v21  }
0x6b: {  	v22 =	vsel vm10, $0x8, v22;
	v23 =	vsel vm10, $0x9, v23;
	v2 =	vsel vm2, $0x180, v2  }
0x6c: {  	v24 =	vsel vm10, $0xA, v24;
	v25 =	vsel vm10, $0xB, v25;
	v26 =	vsel vm10, $0xC, v26;
	[tilespmem:$0x1F7E0] =	vst v2;
	v2 =	vld [tilespmem:$0x1F790]  }
0x6d: {  	v27 =	vsel vm10, $0xD, v27;
	v28 =	vsel vm10, $0xE, v28;
	v29 =	vsel vm10, $0xF, v29  }
0x6e: {  	v30 =	vsel vm10, $0x801, v30;
	v31 =	vsel vm10, $0x802, v31;
	v32 =	vsel vm10, $0x803, v32  }
0x6f: {  	v33 =	vsel vm10, $0x804, v33;
	v34 =	vsel vm10, $0x805, v34;
	v35 =	vsel vm10, $0x806, v35  }
0x70: {  	v36 =	vsel vm10, $0x807, v36;
	v37 =	vsel vm10, $0x808, v37;
	v6 =	vsel vm9, $0x188A, v6  }
0x71: {  	v38 =	vsel vm10, $0x809, v38;
	v6 =	vsel vm8, $0x190B, v6;
	v2 =	vsel vm2, $0x140, v2  }
0x72: {  	v39 =	vsel vm10, $0x80A, v39;
	v40 =	vsel vm10, $0x80B, v40;
	v6 =	vsel vm7, $0x198C, v6;
	[tilespmem:$0x1F7F0] =	vst v2;
	v2 =	vld [tilespmem:$0x1F7A0]  }
0x73: {  	v6 =	vsel vm6, $0x1A0D, v6;
	v5 =	vsel vm9, $0x188C, v5;
	v4 =	vsel vm9, $0x188B, v4  }
0x74: {  	v6 =	vsel vm5, $0x1A8E, v6;
	v5 =	vsel vm8, $0x190D, v5;
	v4 =	vsel vm8, $0x190C, v4  }
0x75: {  	v6 =	vsel vm4, $0x1B0F, v6;
	v5 =	vsel vm7, $0x198E, v5;
	v4 =	vsel vm7, $0x198D, v4  }
0x76: {  	v6 =	vsel vm3, $0x1B80, v6;
	v5 =	vsel vm6, $0x1A0F, v5;
	v4 =	vsel vm6, $0x1A0E, v4  }
0x77: {  	v4 =	vsel vm5, $0x1A8F, v4;
	v3 =	vsel vm3, $0x200, v3;
	v2 =	vsel vm2, $0x100, v2  }
0x78: {  	v5 =	vsel vm5, $0x1A80, v5;
	v4 =	vsel vm4, $0x1B00, v4;
	[tilespmem:$0x1F800] =	vst v2;
	v2 =	vsel vm2, $0x240, v3  }
0x79: {  	v5 =	vsel vm4, $0x1B01, v5;
	v4 =	vsel vm3, $0x1B81, v4;
	[tilespmem:$0x1F820] =	vst v2;
	v2 =	vsel vm2, $0x1C01, v6  }
0x7a: {  	v41 =	vsel vm10, $0x80C, v41;
	v5 =	vsel vm3, $0x1B82, v5;
	[tilespmem:$0x1F830] =	vst v2;
	v2 =	vsel vm2, $0x1C02, v4  }
0x7b: {  	v42 =	vsel vm10, $0x80D, v42;
	v43 =	vsel vm10, $0x80E, v43;
	[tilespmem:$0x1F840] =	vst v2;
	v2 =	vsel vm2, $0x1C03, v5  }
0x7c: {  	v44 =	vsel vm10, $0x80F, v44;
	v45 =	vsel vm10, $0x1001, v45;
	v46 =	vsel vm10, $0x1002, v46;
	[tilespmem:$0x1F850] =	vst v2;
	v2 =	vld [tilespmem:$0x1F7B0]  }
0x7d: {  	v47 =	vsel vm10, $0x1003, v47;
	v48 =	vsel vm10, $0x1004, v48;
	v49 =	vsel vm10, $0x1005, v49  }
0x7e: {  	v50 =	vsel vm10, $0x1006, v50;
	v51 =	vsel vm10, $0x1007, v51;
	v52 =	vsel vm10, $0x1008, v52  }
0x7f: {  	v53 =	vsel vm10, $0x1009, v53;
	v54 =	vsel vm10, $0x100A, v54;
	v55 =	vsel vm10, $0x100B, v55  }
0x80: {  	v56 =	vsel vm10, $0x100C, v56;
	v57 =	vsel vm10, $0x100D, v57;
	v58 =	vsel vm10, $0x100E, v58  }
0x81: {  	v59 =	vsel vm10, $0x100F, v59;
	v60 =	vsel vm10, $0x1801, v60;
	v6 =	vld [tilespmem:$0x1F820];
	v2 =	vsel vm2, $0x1C06, v2  }
0x82: {  	v61 =	vsel vm10, $0x1802, v61;
	v62 =	vsel vm10, $0x1803, v62;
	v63 =	vsel vm10, $0x1804, v63;
	[tilespmem:$0x1F860] =	vst v2;
	v2 =	vld [tilespmem:$0x1F7C0]  }
0x83: {  	v8 =	vsel vm10, $0x180C, v8;
	v17 =	vsel vm9, $0x84, v17;
	v18 =	vsel vm9, $0x85, v18  }
0x84: {  	v19 =	vsel vm9, $0x86, v19;
	v20 =	vsel vm9, $0x87, v20;
	v21 =	vsel vm9, $0x88, v21  }
0x85: {  	v22 =	vsel vm9, $0x89, v22;
	v23 =	vsel vm9, $0x8A, v23;
	v24 =	vsel vm9, $0x8B, v24  }
0x86: {  	v25 =	vsel vm9, $0x8C, v25;
	v26 =	vsel vm9, $0x8D, v26;
	v6 =	vsel vm1, $0x280, v6  }
0x87: {  	v27 =	vsel vm9, $0x8E, v27;
	v28 =	vsel vm9, $0x8F, v28;
	[tilespmem:$0x1F890] =	vst v6;
	v6 =	vld [tilespmem:$0x1F830];
	v2 =	vsel vm2, $0x1C07, v2  }
0x88: {  	v29 =	vsel vm9, $0x80, v29;
	v30 =	vsel vm9, $0x882, v30;
	v31 =	vsel vm9, $0x883, v31;
	[tilespmem:$0x1F870] =	vst v2;
	v2 =	vld [tilespmem:$0x1F7D0]  }
0x89: {  	v32 =	vsel vm9, $0x884, v32;
	v33 =	vsel vm9, $0x885, v33;
	v34 =	vsel vm9, $0x886, v34  }
0x8a: {  	v35 =	vsel vm9, $0x887, v35;
	v36 =	vsel vm9, $0x888, v36;
	v37 =	vsel vm9, $0x889, v37  }
0x8b: {  	v38 =	vsel vm9, $0x88A, v38;
	v39 =	vsel vm9, $0x88B, v39;
	v40 =	vsel vm9, $0x88C, v40  }
0x8c: {  	v41 =	vsel vm9, $0x88D, v41;
	vm12 =	vcmask $0x2F2C;
	v6 =	vsel vm1, $0x1C82, v6  }
0x8d: {  	v42 =	vsel vm9, $0x88E, v42;
	v43 =	vsel vm9, $0x88F, v43;
	[tilespmem:$0x1F8A0] =	vst v6;
	v6 =	vld [tilespmem:$0x1F840];
	v2 =	vsel vm12, $0x280, v2  }
0x8e: {  	v44 =	vsel vm9, $0x880, v44;
	v45 =	vsel vm9, $0x1082, v45;
	v46 =	vsel vm9, $0x1083, v46;
	[tilespmem:$0x1F8F0] =	vst v2;
	v2 =	vld [tilespmem:$0x1F7E0]  }
0x8f: {  	v47 =	vsel vm9, $0x1084, v47;
	v48 =	vsel vm9, $0x1085, v48;
	v49 =	vsel vm9, $0x1086, v49  }
0x90: {  	v50 =	vsel vm9, $0x1087, v50;
	v51 =	vsel vm9, $0x1088, v51;
	v52 =	vsel vm9, $0x1089, v52  }
0x91: {  	v53 =	vsel vm9, $0x108A, v53;
	v54 =	vsel vm9, $0x108B, v54;
	v55 =	vsel vm9, $0x108C, v55  }
0x92: {  	v56 =	vsel vm9, $0x108D, v56;
	v57 =	vsel vm9, $0x108E, v57;
	v58 =	vsel vm9, $0x108F, v58  }
0x93: {  	v59 =	vsel vm9, $0x1080, v59;
	v6 =	vsel vm1, $0x1C83, v6;
	v2 =	vsel vm1, $0x1C0, v2  }
0x94: {  	v60 =	vsel vm9, $0x1882, v60;
	v61 =	vsel vm9, $0x1883, v61;
	[tilespmem:$0x1F8B0] =	vst v6;
	v6 =	vld [tilespmem:$0x1F850];
	v2 =	vsel vm0, $0x200, v2  }
0x95: {  	v62 =	vsel vm9, $0x1884, v62;
	v63 =	vsel vm9, $0x1885, v63;
	v8 =	vsel vm9, $0x188D, v8;
	[tilespmem:$0x1F900] =	vst v2;
	v2 =	vld [tilespmem:$0x1F880]  }
0x96: {  	v17 =	vsel vm8, $0x105, v17;
	v18 =	vsel vm8, $0x106, v18;
	v19 =	vsel vm8, $0x107, v19  }
0x97: {  	v20 =	vsel vm8, $0x108, v20;
	v21 =	vsel vm8, $0x109, v21;
	v22 =	vsel vm8, $0x10A, v22  }
0x98: {  	v23 =	vsel vm8, $0x10B, v23;
	v24 =	vsel vm8, $0x10C, v24;
	v25 =	vsel vm8, $0x10D, v25  }
0x99: {  	v26 =	vsel vm8, $0x10E, v26;
	v27 =	vsel vm8, $0x10F, v27;
	v6 =	vsel vm1, $0x1C84, v6  }
0x9a: {  	v28 =	vsel vm8, $0x100, v28;
	v29 =	vsel vm8, $0x101, v29;
	[tilespmem:$0x1F8C0] =	vst v6;
	v6 =	vld [tilespmem:$0x1F860];
	v2 =	vsel vm0, $0x100, v2  }
0x9b: {  	v30 =	vsel vm8, $0x903, v30;
	v31 =	vsel vm8, $0x904, v31;
	v32 =	vsel vm8, $0x905, v32;
	[tilespmem:$0x1F910] =	vst v2;
	v2 =	vld [tilespmem:$0x1F890]  }
0x9c: {  	v33 =	vsel vm8, $0x906, v33;
	v34 =	vsel vm8, $0x907, v34;
	v35 =	vsel vm8, $0x908, v35  }
0x9d: {  	v36 =	vsel vm8, $0x909, v36;
	v37 =	vsel vm8, $0x90A, v37;
	v38 =	vsel vm8, $0x90B, v38  }
0x9e: {  	v39 =	vsel vm8, $0x90C, v39;
	v40 =	vsel vm8, $0x90D, v40;
	v41 =	vsel vm8, $0x90E, v41  }
0x9f: {  	v42 =	vsel vm8, $0x90F, v42;
	v43 =	vsel vm8, $0x900, v43;
	v6 =	vsel vm1, $0x1C87, v6  }
0xa0: {  	v44 =	vsel vm8, $0x901, v44;
	v45 =	vsel vm8, $0x1103, v45;
	[tilespmem:$0x1F8D0] =	vst v6;
	v6 =	vld [tilespmem:$0x1F870];
	v2 =	vsel vm0, $0x2C0, v2  }
0xa1: {  	v46 =	vsel vm8, $0x1104, v46;
	v47 =	vsel vm8, $0x1105, v47;
	v48 =	vsel vm8, $0x1106, v48;
	[tilespmem:$0x1F930] =	vst v2;
	v2 =	vld [tilespmem:$0x1F8A0]  }
0xa2: {  	v49 =	vsel vm8, $0x1107, v49;
	v50 =	vsel vm8, $0x1108, v50;
	v51 =	vsel vm8, $0x1109, v51  }
0xa3: {  	v52 =	vsel vm8, $0x110A, v52;
	v53 =	vsel vm8, $0x110B, v53;
	v54 =	vsel vm8, $0x110C, v54  }
0xa4: {  	v55 =	vsel vm8, $0x110D, v55;
	v56 =	vsel vm8, $0x110E, v56;
	v57 =	vsel vm8, $0x110F, v57  }
0xa5: {  	v58 =	vsel vm8, $0x1100, v58;
	v59 =	vsel vm8, $0x1101, v59;
	v6 =	vsel vm1, $0x1C88, v6  }
0xa6: {  	v60 =	vsel vm8, $0x1903, v60;
	v61 =	vsel vm8, $0x1904, v61;
	[tilespmem:$0x1F8E0] =	vst v6;
	v6 =	vsel vm0, $0x1D03, v2;
	v2 =	vld [tilespmem:$0x1F8B0]  }
0xa7: {  	v62 =	vsel vm8, $0x1905, v62;
	v63 =	vsel vm8, $0x1906, v63;
	v8 =	vsel vm8, $0x190E, v8  }
0xa8: {  	v17 =	vsel vm7, $0x186, v17;
	v18 =	vsel vm7, $0x187, v18;
	v19 =	vsel vm7, $0x188, v19  }
0xa9: {  	v20 =	vsel vm7, $0x189, v20;
	v21 =	vsel vm7, $0x18A, v21;
	v22 =	vsel vm7, $0x18B, v22  }
0xaa: {  	v23 =	vsel vm7, $0x18C, v23;
	v24 =	vsel vm7, $0x18D, v24;
	v25 =	vsel vm7, $0x18E, v25  }
0xab: {  	v26 =	vsel vm7, $0x18F, v26;
	v27 =	vsel vm7, $0x180, v27;
	v2 =	vsel vm0, $0x1D04, v2  }
0xac: {  	v28 =	vsel vm7, $0x181, v28;
	v29 =	vsel vm7, $0x182, v29;
	v30 =	vsel vm7, $0x984, v30;
	[tilespmem:$0x1F940] =	vst v2;
	v2 =	vld [tilespmem:$0x1F8C0]  }
0xad: {  	v31 =	vsel vm7, $0x985, v31;
	v32 =	vsel vm7, $0x986, v32;
	v33 =	vsel vm7, $0x987, v33  }
0xae: {  	v34 =	vsel vm7, $0x988, v34;
	v35 =	vsel vm7, $0x989, v35;
	v36 =	vsel vm7, $0x98A, v36  }
0xaf: {  	v37 =	vsel vm7, $0x98B, v37;
	v38 =	vsel vm7, $0x98C, v38;
	v39 =	vsel vm7, $0x98D, v39  }
0xb0: {  	v40 =	vsel vm7, $0x98E, v40;
	v41 =	vsel vm7, $0x98F, v41;
	v42 =	vsel vm7, $0x980, v42  }
0xb1: {  	v43 =	vsel vm7, $0x981, v43;
	v44 =	vsel vm7, $0x982, v44;
	v2 =	vsel vm0, $0x1D05, v2  }
0xb2: {  	v45 =	vsel vm7, $0x1184, v45;
	v46 =	vsel vm7, $0x1185, v46;
	v47 =	vsel vm7, $0x1186, v47;
	[tilespmem:$0x1F950] =	vst v2;
	v2 =	vld [tilespmem:$0x1F8D0]  }
0xb3: {  	v48 =	vsel vm7, $0x1187, v48;
	v49 =	vsel vm7, $0x1188, v49;
	v50 =	vsel vm7, $0x1189, v50  }
0xb4: {  	v51 =	vsel vm7, $0x118A, v51;
	v52 =	vsel vm7, $0x118B, v52;
	v53 =	vsel vm7, $0x118C, v53  }
0xb5: {  	v54 =	vsel vm7, $0x118D, v54;
	v55 =	vsel vm7, $0x118E, v55;
	v56 =	vsel vm7, $0x118F, v56  }
0xb6: {  	v57 =	vsel vm7, $0x1180, v57;
	v58 =	vsel vm7, $0x1181, v58;
	v59 =	vsel vm7, $0x1182, v59  }
0xb7: {  	v60 =	vsel vm7, $0x1984, v60;
	v61 =	vsel vm7, $0x1985, v61;
	v2 =	vsel vm0, $0x1D08, v2  }
0xb8: {  	v62 =	vsel vm7, $0x1986, v62;
	v63 =	vsel vm7, $0x1987, v63;
	v8 =	vsel vm7, $0x198F, v8;
	[tilespmem:$0x1F960] =	vst v2;
	v2 =	vld [tilespmem:$0x1F8E0]  }
0xb9: {  	v17 =	vsel vm6, $0x207, v17;
	v18 =	vsel vm6, $0x208, v18;
	v19 =	vsel vm6, $0x209, v19  }
0xba: {  	v20 =	vsel vm6, $0x20A, v20;
	v21 =	vsel vm6, $0x20B, v21;
	v22 =	vsel vm6, $0x20C, v22  }
0xbb: {  	v23 =	vsel vm6, $0x20D, v23;
	v24 =	vsel vm6, $0x20E, v24;
	v25 =	vsel vm6, $0x20F, v25  }
0xbc: {  	v26 =	vsel vm6, $0x200, v26;
	v27 =	vsel vm6, $0x201, v27;
	v28 =	vsel vm6, $0x202, v28  }
0xbd: {  	v29 =	vsel vm6, $0x203, v29;
	v30 =	vsel vm6, $0xA05, v30;
	v2 =	vsel vm0, $0x1D09, v2  }
0xbe: {  	v31 =	vsel vm6, $0xA06, v31;
	v32 =	vsel vm6, $0xA07, v32;
	v33 =	vsel vm6, $0xA08, v33;
	[tilespmem:$0x1F970] =	vst v2;
	v2 =	vld [tilespmem:$0x1F8F0]  }
0xbf: {  	v34 =	vsel vm6, $0xA09, v34;
	v35 =	vsel vm6, $0xA0A, v35;
	v36 =	vsel vm6, $0xA0B, v36  }
0xc0: {  	v37 =	vsel vm6, $0xA0C, v37;
	v38 =	vsel vm6, $0xA0D, v38;
	v39 =	vsel vm6, $0xA0E, v39  }
0xc1: {  	v40 =	vsel vm6, $0xA0F, v40;
	v41 =	vsel vm6, $0xA00, v41;
	v42 =	vsel vm6, $0xA01, v42  }
0xc2: {  	v43 =	vsel vm6, $0xA02, v43;
	v44 =	vsel vm6, $0xA03, v44;
	vm13 =	vcmask $0x3330  }
0xc3: {  	v45 =	vsel vm6, $0x1205, v45;
	v46 =	vsel vm6, $0x1206, v46;
	v2 =	vsel vm13, $0x2C0, v2  }
0xc4: {  	v47 =	vsel vm6, $0x1207, v47;
	v48 =	vsel vm6, $0x1208, v48;
	v49 =	vsel vm6, $0x1209, v49;
	[tilespmem:$0x1FA10] =	vst v2;
	v2 =	vld [tilespmem:$0x1F900]  }
0xc5: {  	v50 =	vsel vm6, $0x120A, v50;
	v51 =	vsel vm6, $0x120B, v51;
	v52 =	vsel vm6, $0x120C, v52  }
0xc6: {  	v53 =	vsel vm6, $0x120D, v53;
	v54 =	vsel vm6, $0x120E, v54;
	v55 =	vsel vm6, $0x120F, v55  }
0xc7: {  	v56 =	vsel vm6, $0x1200, v56;
	v57 =	vsel vm6, $0x1201, v57;
	v58 =	vsel vm6, $0x1202, v58  }
0xc8: {  	v59 =	vsel vm6, $0x1203, v59;
	v60 =	vsel vm6, $0x1A05, v60;
	v61 =	vsel vm6, $0x1A06, v61  }
0xc9: {  	v62 =	vsel vm6, $0x1A07, v62;
	v63 =	vsel vm6, $0x1A08, v63;
	v2 =	vsel vm12, $0x240, v2  }
0xca: {  	v8 =	vsel vm6, $0x1A00, v8;
	v17 =	vsel vm5, $0x288, v17;
	v18 =	vsel vm5, $0x289, v18;
	[tilespmem:$0x1F980] =	vst v2;
	v2 =	vld [tilespmem:$0x1F910]  }
0xcb: {  	v19 =	vsel vm5, $0x28A, v19;
	v20 =	vsel vm5, $0x28B, v20;
	v21 =	vsel vm5, $0x28C, v21  }
0xcc: {  	v22 =	vsel vm5, $0x28D, v22;
	v23 =	vsel vm5, $0x28E, v23;
	v24 =	vsel vm5, $0x28F, v24  }
0xcd: {  	v25 =	vsel vm5, $0x280, v25;
	v26 =	vsel vm5, $0x281, v26;
	v27 =	vsel vm5, $0x282, v27  }
0xce: {  	v28 =	vsel vm5, $0x283, v28;
	v29 =	vsel vm5, $0x284, v29;
	v30 =	vsel vm5, $0xA86, v30  }
0xcf: {  	v31 =	vsel vm5, $0xA87, v31;
	v32 =	vsel vm5, $0xA88, v32;
	v2 =	vsel vm12, $0x140, v2  }
0xd0: {  	v33 =	vsel vm5, $0xA89, v33;
	v34 =	vsel vm5, $0xA8A, v34;
	v35 =	vsel vm5, $0xA8B, v35;
	[tilespmem:$0x1F990] =	vst v2;
	v2 =	vld [tilespmem:$0x1F920]  }
0xd1: {  	v36 =	vsel vm5, $0xA8C, v36;
	v37 =	vsel vm5, $0xA8D, v37;
	v38 =	vsel vm5, $0xA8E, v38  }
0xd2: {  	v39 =	vsel vm5, $0xA8F, v39;
	v40 =	vsel vm5, $0xA80, v40;
	v41 =	vsel vm5, $0xA81, v41  }
0xd3: {  	v42 =	vsel vm5, $0xA82, v42;
	v43 =	vsel vm5, $0xA83, v43;
	v44 =	vsel vm5, $0xA84, v44  }
0xd4: {  	v45 =	vsel vm5, $0x1286, v45;
	v46 =	vsel vm5, $0x1287, v46;
	v47 =	vsel vm5, $0x1288, v47  }
0xd5: {  	v48 =	vsel vm5, $0x1289, v48;
	v49 =	vsel vm5, $0x128A, v49;
	v2 =	vsel vm12, $0x100, v2  }
0xd6: {  	v50 =	vsel vm5, $0x128B, v50;
	v51 =	vsel vm5, $0x128C, v51;
	v52 =	vsel vm5, $0x128D, v52;
	[tilespmem:$0x1F9A0] =	vst v2;
	v2 =	vld [tilespmem:$0x1F930]  }
0xd7: {  	v53 =	vsel vm5, $0x128E, v53;
	v54 =	vsel vm5, $0x128F, v54;
	v55 =	vsel vm5, $0x1280, v55  }
0xd8: {  	v56 =	vsel vm5, $0x1281, v56;
	v57 =	vsel vm5, $0x1282, v57;
	v58 =	vsel vm5, $0x1283, v58  }
0xd9: {  	v59 =	vsel vm5, $0x1284, v59;
	v60 =	vsel vm5, $0x1A86, v60;
	v61 =	vsel vm5, $0x1A87, v61  }
0xda: {  	v62 =	vsel vm5, $0x1A88, v62;
	v63 =	vsel vm5, $0x1A89, v63;
	v8 =	vsel vm5, $0x1A81, v8  }
0xdb: {  	v17 =	vsel vm4, $0x309, v17;
	v18 =	vsel vm4, $0x30A, v18;
	v2 =	vsel vm12, $0x300, v2  }
0xdc: {  	v19 =	vsel vm4, $0x30B, v19;
	v20 =	vsel vm4, $0x30C, v20;
	v21 =	vsel vm4, $0x30D, v21;
	[tilespmem:$0x1F9C0] =	vst v2;
	v2 =	vld [tilespmem:$0x1F940]  }
0xdd: {  	v22 =	vsel vm4, $0x30E, v22;
	v23 =	vsel vm4, $0x30F, v23;
	v24 =	vsel vm4, $0x300, v24  }
0xde: {  	v25 =	vsel vm4, $0x301, v25;
	v26 =	vsel vm4, $0x302, v26;
	v27 =	vsel vm4, $0x303, v27  }
0xdf: {  	v28 =	vsel vm4, $0x304, v28;
	v29 =	vsel vm4, $0x305, v29;
	v30 =	vsel vm4, $0xB07, v30  }
0xe0: {  	v31 =	vsel vm4, $0xB08, v31;
	v32 =	vsel vm4, $0xB09, v32;
	v33 =	vsel vm4, $0xB0A, v33  }
0xe1: {  	v34 =	vsel vm4, $0xB0B, v34;
	v35 =	vsel vm4, $0xB0C, v35;
	v2 =	vsel vm12, $0x1D85, v2  }
0xe2: {  	v36 =	vsel vm4, $0xB0D, v36;
	v37 =	vsel vm4, $0xB0E, v37;
	v38 =	vsel vm4, $0xB0F, v38;
	[tilespmem:$0x1F9D0] =	vst v2;
	v2 =	vld [tilespmem:$0x1F950]  }
0xe3: {  	v39 =	vsel vm4, $0xB00, v39;
	v40 =	vsel vm4, $0xB01, v40;
	v41 =	vsel vm4, $0xB02, v41  }
0xe4: {  	v42 =	vsel vm4, $0xB03, v42;
	v43 =	vsel vm4, $0xB04, v43;
	v44 =	vsel vm4, $0xB05, v44  }
0xe5: {  	v45 =	vsel vm4, $0x1307, v45;
	v46 =	vsel vm4, $0x1308, v46;
	v47 =	vsel vm4, $0x1309, v47  }
0xe6: {  	v48 =	vsel vm4, $0x130A, v48;
	v49 =	vsel vm4, $0x130B, v49;
	v50 =	vsel vm4, $0x130C, v50  }
0xe7: {  	v51 =	vsel vm4, $0x130D, v51;
	v52 =	vsel vm4, $0x130E, v52;
	v2 =	vsel vm12, $0x1D86, v2  }
0xe8: {  	v53 =	vsel vm4, $0x130F, v53;
	v54 =	vsel vm4, $0x1300, v54;
	v55 =	vsel vm4, $0x1301, v55;
	[tilespmem:$0x1F9E0] =	vst v2;
	v2 =	vld [tilespmem:$0x1F960]  }
0xe9: {  	v56 =	vsel vm4, $0x1302, v56;
	v57 =	vsel vm4, $0x1303, v57;
	v58 =	vsel vm4, $0x1304, v58  }
0xea: {  	v59 =	vsel vm4, $0x1305, v59;
	v60 =	vsel vm4, $0x1B07, v60;
	v61 =	vsel vm4, $0x1B08, v61  }
0xeb: {  	v62 =	vsel vm4, $0x1B09, v62;
	v63 =	vsel vm4, $0x1B0A, v63;
	v8 =	vsel vm4, $0x1B02, v8  }
0xec: {  	v17 =	vsel vm3, $0x38A, v17;
	v18 =	vsel vm3, $0x38B, v18;
	v19 =	vsel vm3, $0x38C, v19  }
0xed: {  	v20 =	vsel vm3, $0x38D, v20;
	v21 =	vsel vm3, $0x38E, v21;
	v2 =	vsel vm12, $0x1D89, v2  }
0xee: {  	v22 =	vsel vm3, $0x38F, v22;
	v23 =	vsel vm3, $0x380, v23;
	v24 =	vsel vm3, $0x381, v24;
	[tilespmem:$0x1F9F0] =	vst v2;
	v2 =	vld [tilespmem:$0x1F970]  }
0xef: {  	v25 =	vsel vm3, $0x382, v25;
	v26 =	vsel vm3, $0x383, v26;
	v27 =	vsel vm3, $0x384, v27  }
0xf0: {  	v28 =	vsel vm3, $0x385, v28;
	v29 =	vsel vm3, $0x386, v29;
	v30 =	vsel vm3, $0xB88, v30  }
0xf1: {  	v31 =	vsel vm3, $0xB89, v31;
	v32 =	vsel vm3, $0xB8A, v32;
	v33 =	vsel vm3, $0xB8B, v33  }
0xf2: {  	v34 =	vsel vm3, $0xB8C, v34;
	v35 =	vsel vm3, $0xB8D, v35;
	v36 =	vsel vm3, $0xB8E, v36  }
0xf3: {  	v37 =	vsel vm3, $0xB8F, v37;
	v38 =	vsel vm3, $0xB80, v38;
	v2 =	vsel vm12, $0x1D8A, v2  }
0xf4: {  	v39 =	vsel vm3, $0xB81, v39;
	v40 =	vsel vm3, $0xB82, v40;
	v41 =	vsel vm3, $0xB83, v41;
	[tilespmem:$0x1FA00] =	vst v2;
	v2 =	vld [tilespmem:$0x1F980]  }
0xf5: {  	v42 =	vsel vm3, $0xB84, v42;
	v43 =	vsel vm3, $0xB85, v43;
	v44 =	vsel vm3, $0xB86, v44  }
0xf6: {  	v45 =	vsel vm3, $0x1388, v45;
	v46 =	vsel vm3, $0x1389, v46;
	v47 =	vsel vm3, $0x138A, v47  }
0xf7: {  	v48 =	vsel vm3, $0x138B, v48;
	v49 =	vsel vm3, $0x138C, v49;
	v50 =	vsel vm3, $0x138D, v50  }
0xf8: {  	v51 =	vsel vm3, $0x138E, v51;
	v52 =	vsel vm3, $0x138F, v52;
	v53 =	vsel vm3, $0x1380, v53  }
0xf9: {  	v54 =	vsel vm3, $0x1381, v54;
	v55 =	vsel vm3, $0x1382, v55;
	v2 =	vsel vm13, $0x280, v2  }
0xfa: {  	v56 =	vsel vm3, $0x1383, v56;
	v57 =	vsel vm3, $0x1384, v57;
	v58 =	vsel vm3, $0x1385, v58;
	[tilespmem:$0x1FA20] =	vst v2;
	v2 =	vld [tilespmem:$0x1F990]  }
0xfb: {  	v59 =	vsel vm3, $0x1386, v59;
	v60 =	vsel vm3, $0x1B88, v60;
	v61 =	vsel vm3, $0x1B89, v61  }
0xfc: {  	v62 =	vsel vm3, $0x1B8A, v62;
	v63 =	vsel vm3, $0x1B8B, v63;
	v8 =	vsel vm3, $0x1B83, v8  }
0xfd: {  	v17 =	vsel vm2, $0x40B, v17;
	v18 =	vsel vm2, $0x40C, v18;
	v19 =	vsel vm2, $0x40D, v19  }
0xfe: {  	v20 =	vsel vm2, $0x40E, v20;
	v21 =	vsel vm2, $0x40F, v21;
	v22 =	vsel vm2, $0x400, v22  }
0xff: {  	v23 =	vsel vm2, $0x401, v23;
	v24 =	vsel vm2, $0x402, v24;
	v2 =	vsel vm13, $0x180, v2  }
0x100: {  	v25 =	vsel vm2, $0x403, v25;
	v26 =	vsel vm2, $0x404, v26;
	v27 =	vsel vm2, $0x405, v27;
	[tilespmem:$0x1FA30] =	vst v2;
	v2 =	vld [tilespmem:$0x1F9A0]  }
0x101: {  	v28 =	vsel vm2, $0x406, v28;
	v29 =	vsel vm2, $0x407, v29;
	v30 =	vsel vm2, $0xC09, v30  }
0x102: {  	v31 =	vsel vm2, $0xC0A, v31;
	v32 =	vsel vm2, $0xC0B, v32;
	v33 =	vsel vm2, $0xC0C, v33  }
0x103: {  	v34 =	vsel vm2, $0xC0D, v34;
	v35 =	vsel vm2, $0xC0E, v35;
	v36 =	vsel vm2, $0xC0F, v36  }
0x104: {  	v37 =	vsel vm2, $0xC00, v37;
	v38 =	vsel vm2, $0xC01, v38;
	v39 =	vsel vm2, $0xC02, v39  }
0x105: {  	v40 =	vsel vm2, $0xC03, v40;
	v41 =	vsel vm2, $0xC04, v41;
	v2 =	vsel vm13, $0x140, v2  }
0x106: {  	v42 =	vsel vm2, $0xC05, v42;
	v43 =	vsel vm2, $0xC06, v43;
	v44 =	vsel vm2, $0xC07, v44;
	[tilespmem:$0x1FA40] =	vst v2;
	v2 =	vld [tilespmem:$0x1F9B0]  }
0x107: {  	v45 =	vsel vm2, $0x1409, v45;
	v46 =	vsel vm2, $0x140A, v46;
	v47 =	vsel vm2, $0x140B, v47  }
0x108: {  	v48 =	vsel vm2, $0x140C, v48;
	v49 =	vsel vm2, $0x140D, v49;
	v50 =	vsel vm2, $0x140E, v50  }
0x109: {  	v51 =	vsel vm2, $0x140F, v51;
	v52 =	vsel vm2, $0x1400, v52;
	v53 =	vsel vm2, $0x1401, v53  }
0x10a: {  	v54 =	vsel vm2, $0x1402, v54;
	v55 =	vsel vm2, $0x1403, v55;
	v56 =	vsel vm2, $0x1404, v56  }
0x10b: {  	v57 =	vsel vm2, $0x1405, v57;
	v58 =	vsel vm2, $0x1406, v58;
	v2 =	vsel vm13, $0x100, v2  }
0x10c: {  	v59 =	vsel vm2, $0x1407, v59;
	v60 =	vsel vm2, $0x1C09, v60;
	v61 =	vsel vm2, $0x1C0A, v61;
	[tilespmem:$0x1FA50] =	vst v2;
	v2 =	vld [tilespmem:$0x1F9C0]  }
0x10d: {  	v62 =	vsel vm2, $0x1C0B, v62;
	v63 =	vsel vm2, $0x1C0C, v63;
	v8 =	vsel vm2, $0x1C04, v8  }
0x10e: {  	v17 =	vsel vm1, $0x48C, v17;
	v18 =	vsel vm1, $0x48D, v18;
	v19 =	vsel vm1, $0x48E, v19  }
0x10f: {  	v20 =	vsel vm1, $0x48F, v20;
	v21 =	vsel vm1, $0x480, v21;
	v22 =	vsel vm1, $0x481, v22  }
0x110: {  	v23 =	vsel vm1, $0x482, v23;
	v24 =	vsel vm1, $0x483, v24;
	v25 =	vsel vm1, $0x484, v25  }
0x111: {  	v26 =	vsel vm1, $0x485, v26;
	v27 =	vsel vm1, $0x486, v27;
	v2 =	vsel vm13, $0x340, v2  }
0x112: {  	v28 =	vsel vm1, $0x487, v28;
	v29 =	vsel vm1, $0x488, v29;
	v30 =	vsel vm1, $0xC8A, v30;
	[tilespmem:$0x1FA70] =	vst v2;
	v2 =	vld [tilespmem:$0x1F9D0]  }
0x113: {  	v31 =	vsel vm1, $0xC8B, v31;
	v32 =	vsel vm1, $0xC8C, v32;
	v33 =	vsel vm1, $0xC8D, v33  }
0x114: {  	v34 =	vsel vm1, $0xC8E, v34;
	v35 =	vsel vm1, $0xC8F, v35;
	v36 =	vsel vm1, $0xC80, v36  }
0x115: {  	v37 =	vsel vm1, $0xC81, v37;
	v38 =	vsel vm1, $0xC82, v38;
	v39 =	vsel vm1, $0xC83, v39  }
0x116: {  	v40 =	vsel vm1, $0xC84, v40;
	v41 =	vsel vm1, $0xC85, v41;
	v42 =	vsel vm1, $0xC86, v42  }
0x117: {  	v43 =	vsel vm1, $0xC87, v43;
	v44 =	vsel vm1, $0xC88, v44;
	v2 =	vsel vm13, $0x1E06, v2  }
0x118: {  	v45 =	vsel vm1, $0x148A, v45;
	v46 =	vsel vm1, $0x148B, v46;
	v47 =	vsel vm1, $0x148C, v47;
	[tilespmem:$0x1FA80] =	vst v2;
	v2 =	vld [tilespmem:$0x1F9E0]  }
0x119: {  	v48 =	vsel vm1, $0x148D, v48;
	v49 =	vsel vm1, $0x148E, v49;
	v50 =	vsel vm1, $0x148F, v50  }
0x11a: {  	v51 =	vsel vm1, $0x1480, v51;
	v52 =	vsel vm1, $0x1481, v52;
	v53 =	vsel vm1, $0x1482, v53  }
0x11b: {  	v54 =	vsel vm1, $0x1483, v54;
	v55 =	vsel vm1, $0x1484, v55;
	v56 =	vsel vm1, $0x1485, v56  }
0x11c: {  	v57 =	vsel vm1, $0x1486, v57;
	v58 =	vsel vm1, $0x1487, v58;
	v59 =	vsel vm1, $0x1488, v59  }
0x11d: {  	v62 =	vsel vm1, $0x1C8C, v62;
	v63 =	vsel vm1, $0x1C8D, v63;
	v2 =	vsel vm13, $0x1E07, v2  }
0x11e: {  	v8 =	vsel vm1, $0x1C85, v8;
	v17 =	vsel vm0, $0x50D, v17;
	v19 =	vsel vm0, $0x50F, v19;
	[tilespmem:$0x1FA90] =	vst v2;
	v2 =	vld [tilespmem:$0x1F9F0]  }
0x11f: {  	v20 =	vsel vm0, $0x500, v20;
	v21 =	vsel vm0, $0x501, v21;
	v22 =	vsel vm0, $0x502, v22  }
0x120: {  	v23 =	vsel vm0, $0x503, v23;
	v24 =	vsel vm0, $0x504, v24;
	v25 =	vsel vm0, $0x505, v25  }
0x121: {  	v26 =	vsel vm0, $0x506, v26;
	v27 =	vsel vm0, $0x507, v27;
	v28 =	vsel vm0, $0x508, v28  }
0x122: {  	v29 =	vsel vm0, $0x509, v29;
	v30 =	vsel vm0, $0xD0B, v30;
	v34 =	vsel vm0, $0xD0F, v34  }
0x123: {  	v38 =	vsel vm0, $0xD03, v38;
	v42 =	vsel vm0, $0xD07, v42;
	v2 =	vsel vm13, $0x1E0A, v2  }
0x124: {  	v46 =	vsel vm0, $0x150C, v46;
	v48 =	vsel vm0, $0x150E, v48;
	v9 =	vsel vm9, $0x1889, v9;
	[tilespmem:$0x1FAA0] =	vst v2;
	v2 =	vld [tilespmem:$0x1FA00]  }
0x125: {  	v49 =	vsel vm0, $0x150F, v49;
	v50 =	vsel vm0, $0x1500, v50;
	v9 =	vsel vm8, $0x190A, v9  }
0x126: {  	v53 =	vsel vm0, $0x1503, v53;
	v54 =	vsel vm0, $0x1504, v54;
	v9 =	vsel vm7, $0x198B, v9  }
0x127: {  	v55 =	vsel vm0, $0x1505, v55;
	v56 =	vsel vm0, $0x1506, v56;
	v9 =	vsel vm6, $0x1A0C, v9  }
0x128: {  	v59 =	vsel vm0, $0x1509, v59;
	v62 =	vsel vm0, $0x1D0D, v62;
	v9 =	vsel vm5, $0x1A8D, v9  }
0x129: {  	v63 =	vsel vm0, $0x1D0E, v63;
	v9 =	vsel vm4, $0x1B0E, v9;
	v2 =	vsel vm13, $0x1E0B, v2  }
0x12a: {  	v8 =	vsel vm0, $0x1D06, v8;
	vm14 =	vcmask $0x3B2C;
	v9 =	vsel vm3, $0x1B8F, v9;
	[tilespmem:$0x1FAB0] =	vst v2;
	v2 =	vld [tilespmem:$0x1FA10]  }
0x12b: {  	v9 =	vsel vm2, $0x1C00, v9;
	vm15 =	vcmask $0x3B38;
	v11 =	vimm.s32 $0x1F85  }
0x12c: {  	v9 =	vsel vm1, $0x1C81, v9;
	v16 =	vimm.s32 $0x781;
	v11 =	vsel vm10, $0x1806, v11;
	v3 =	vld [tilespmem:$0x1F7F0]  }
0x12d: {  	v9 =	vsel vm0, $0x1D02, v9;
	v17 =	vsel vm12, $0x58E, v17;
	v19 =	vsel vm12, $0x580, v19  }
0x12e: {  	v20 =	vsel vm12, $0x581, v20;
	v0 =	vsel vm14, v15, v0;
	vm14 =	vcmask $0x3734;
	v4 =	vld [tilespmem:$0x1F800]  }
0x12f: {  	v21 =	vsel vm12, $0x582, v21;
	v22 =	vsel vm12, $0x583, v22;
	v5 =	vld [tilespmem:$0x1F810];
	v2 =	vsel vm14, $0x300, v2  }
0x130: {  	v23 =	vsel vm12, $0x584, v23;
	v24 =	vsel vm12, $0x585, v24;
	v25 =	vsel vm12, $0x586, v25;
	[tilespmem:$0x1FAC0] =	vst v2;
	v2 =	vld [tilespmem:$0x1FA20]  }
0x131: {  	v26 =	vsel vm12, $0x587, v26;
	v27 =	vsel vm12, $0x588, v27;
	v3 =	vsel vm1, $0x180, v3  }
0x132: {  	v28 =	vsel vm12, $0x589, v28;
	v29 =	vsel vm12, $0x58A, v29;
	v3 =	vsel vm0, $0x1C0, v3  }
0x133: {  	v30 =	vsel vm12, $0xD8C, v30;
	v4 =	vsel vm1, $0x140, v4;
	v3 =	vsel vm12, $0x200, v3  }
0x134: {  	v5 =	vsel vm1, $0x100, v5;
	v4 =	vsel vm0, $0x180, v4;
	v3 =	vsel vm13, $0x240, v3  }
0x135: {  	v5 =	vsel vm0, $0x140, v5;
	v4 =	vsel vm12, $0x1C0, v4;
	v2 =	vsel vm14, $0x2C0, v2  }
0x136: {  	v5 =	vsel vm12, $0x180, v5;
	v4 =	vsel vm13, $0x200, v4;
	[tilespmem:$0x1FAD0] =	vst v2;
	v2 =	vsel vm14, $0x280, v3  }
0x137: {  	v34 =	vsel vm12, $0xD80, v34;
	v5 =	vsel vm13, $0x1C0, v5;
	[tilespmem:$0x1FAE0] =	vst v2;
	v2 =	vsel vm14, $0x240, v4  }
0x138: {  	v38 =	vsel vm12, $0xD84, v38;
	v42 =	vsel vm12, $0xD88, v42;
	[tilespmem:$0x1FAF0] =	vst v2;
	v2 =	vsel vm14, $0x200, v5  }
0x139: {  	v46 =	vsel vm12, $0x158D, v46;
	v48 =	vsel vm12, $0x158F, v48;
	v49 =	vsel vm12, $0x1580, v49;
	[tilespmem:$0x1FB00] =	vst v2;
	v2 =	vld [tilespmem:$0x1FA30]  }
0x13a: {  	v50 =	vsel vm12, $0x1581, v50;
	v53 =	vsel vm12, $0x1584, v53;
	v54 =	vsel vm12, $0x1585, v54  }
0x13b: {  	v55 =	vsel vm12, $0x1586, v55;
	v56 =	vsel vm12, $0x1587, v56;
	v59 =	vsel vm12, $0x158A, v59  }
0x13c: {  	v62 =	vsel vm12, $0x1D8E, v62;
	v8 =	vsel vm12, $0x1D87, v8;
	v16 =	vsel vm10, $0x2, v16  }
0x13d: {  	v10 =	vsel vm9, $0x1886, v10;
	v11 =	vsel vm9, $0x1887, v11;
	v9 =	vsel vm12, $0x1D83, v9  }
0x13e: {  	v16 =	vsel vm9, $0x83, v16;
	v7 =	vsel vm9, $0x1888, v7;
	v2 =	vsel vm14, $0x1C0, v2  }
0x13f: {  	v10 =	vsel vm8, $0x1907, v10;
	v11 =	vsel vm8, $0x1908, v11;
	v16 =	vsel vm8, $0x104, v16;
	[tilespmem:$0x1FB10] =	vst v2;
	v2 =	vld [tilespmem:$0x1FA40]  }
0x140: {  	v7 =	vsel vm8, $0x1909, v7;
	v10 =	vsel vm7, $0x1988, v10;
	v11 =	vsel vm7, $0x1989, v11  }
0x141: {  	v17 =	vsel vm13, $0x60F, v17;
	v19 =	vsel vm13, $0x601, v19;
	v20 =	vsel vm13, $0x602, v20  }
0x142: {  	v21 =	vsel vm13, $0x603, v21;
	v22 =	vsel vm13, $0x604, v22;
	v23 =	vsel vm13, $0x605, v23  }
0x143: {  	v24 =	vsel vm13, $0x606, v24;
	v25 =	vsel vm13, $0x607, v25;
	v26 =	vsel vm13, $0x608, v26  }
0x144: {  	v27 =	vsel vm13, $0x609, v27;
	v28 =	vsel vm13, $0x60A, v28;
	v2 =	vsel vm14, $0x180, v2  }
0x145: {  	v29 =	vsel vm13, $0x60B, v29;
	v30 =	vsel vm13, $0xE0D, v30;
	v34 =	vsel vm13, $0xE01, v34;
	[tilespmem:$0x1FB20] =	vst v2;
	v2 =	vld [tilespmem:$0x1FA50]  }
0x146: {  	v38 =	vsel vm13, $0xE05, v38;
	v42 =	vsel vm13, $0xE09, v42;
	v46 =	vsel vm13, $0x160E, v46  }
0x147: {  	v48 =	vsel vm13, $0x1600, v48;
	v49 =	vsel vm13, $0x1601, v49;
	v50 =	vsel vm13, $0x1602, v50  }
0x148: {  	v53 =	vsel vm13, $0x1605, v53;
	v54 =	vsel vm13, $0x1606, v54;
	v56 =	vsel vm13, $0x1608, v56  }
0x149: {  	v59 =	vsel vm13, $0x160B, v59;
	v9 =	vsel vm13, $0x1E04, v9;
	v8 =	vsel vm13, $0x1E08, v8  }
0x14a: {  	v16 =	vsel vm7, $0x185, v16;
	v7 =	vsel vm7, $0x198A, v7;
	v2 =	vsel vm14, $0x140, v2  }
0x14b: {  	v10 =	vsel vm6, $0x1A09, v10;
	v11 =	vsel vm6, $0x1A0A, v11;
	v14 =	vimm.s32 $0x40;
	[tilespmem:$0x1FB30] =	vst v2;
	v2 =	vld [tilespmem:$0x1FA60]  }
0x14c: {  	v16 =	vsel vm6, $0x206, v16;
	v7 =	vsel vm6, $0x1A0B, v7;
	v10 =	vsel vm5, $0x1A8A, v10  }
0x14d: {  	v11 =	vsel vm5, $0x1A8B, v11;
	v17 =	vsel vm14, $0x680, v17;
	v19 =	vsel vm14, $0x682, v19  }
0x14e: {  	v20 =	vsel vm14, $0x683, v20;
	v21 =	vsel vm14, $0x684, v21;
	v22 =	vsel vm14, $0x685, v22  }
0x14f: {  	v23 =	vsel vm14, $0x686, v23;
	v24 =	vsel vm14, $0x687, v24;
	v25 =	vsel vm14, $0x688, v25  }
0x150: {  	v7 =	vsel vm5, $0x1A8C, v7;
	v10 =	vsel vm4, $0x1B0B, v10;
	v2 =	vsel vm14, $0x100, v2  }
0x151: {  	v11 =	vsel vm4, $0x1B0C, v11;
	v7 =	vsel vm4, $0x1B0D, v7;
	v10 =	vsel vm3, $0x1B8C, v10;
	[tilespmem:$0x1FB40] =	vst v2;
	v2 =	vld [tilespmem:$0x1FA70]  }
0x152: {  	v11 =	vsel vm3, $0x1B8D, v11;
	v7 =	vsel vm3, $0x1B8E, v7;
	v10 =	vsel vm2, $0x1C0D, v10  }
0x153: {  	v11 =	vsel vm2, $0x1C0E, v11;
	v7 =	vsel vm2, $0x1C0F, v7;
	v10 =	vsel vm1, $0x1C8E, v10  }
0x154: {  	v11 =	vsel vm1, $0x1C8F, v11;
	v7 =	vsel vm1, $0x1C80, v7;
	v10 =	vsel vm0, $0x1D0F, v10  }
0x155: {  	v11 =	vsel vm0, $0x1D00, v11;
	v7 =	vsel vm0, $0x1D01, v7;
	v10 =	vsel vm12, $0x1D80, v10  }
0x156: {  	v11 =	vsel vm12, $0x1D81, v11;
	v10 =	vsel vm13, $0x1E01, v10;
	v2 =	vsel vm14, $0x380, v2  }
0x157: {  	v7 =	vsel vm12, $0x1D82, v7;
	v11 =	vsel vm13, $0x1E02, v11;
	[tilespmem:$0x1FB60] =	vst v2;
	v2 =	vsel vm14, $0x1E82, v10  }
0x158: {  	v26 =	vsel vm14, $0x689, v26;
	v7 =	vsel vm13, $0x1E03, v7;
	[tilespmem:$0x1FD10] =	vst v2;
	v2 =	vsel vm14, $0x1E83, v11  }
0x159: {  	v27 =	vsel vm14, $0x68A, v27;
	v6 =	vsel vm12, $0x1D84, v6;
	[tilespmem:$0x1FD30] =	vst v2;
	v2 =	vsel vm14, $0x1E84, v7  }
0x15a: {  	v28 =	vsel vm14, $0x68B, v28;
	v6 =	vsel vm13, $0x1E05, v6;
	[tilespmem:$0x1FD50] =	vst v2;
	v2 =	vsel vm14, $0x1E85, v9  }
0x15b: {  	v29 =	vsel vm14, $0x68C, v29;
	v30 =	vsel vm14, $0xE8E, v30;
	v12 =	vld [tilespmem:$0x1F680];
	[tilespmem:$0x1FD70] =	vst v2;
	v2 =	vsel vm14, $0x1E86, v6  }
0x15c: {  	v34 =	vsel vm14, $0xE82, v34;
	v38 =	vsel vm14, $0xE86, v38;
	v42 =	vsel vm14, $0xE8A, v42;
	[tilespmem:$0x1FD90] =	vst v2;
	v2 =	vld [tilespmem:$0x1FA80]  }
0x15d: {  	v46 =	vsel vm14, $0x168F, v46;
	v48 =	vsel vm14, $0x1681, v48;
	v49 =	vsel vm14, $0x1682, v49  }
0x15e: {  	v50 =	vsel vm14, $0x1683, v50;
	v53 =	vsel vm14, $0x1686, v53;
	v54 =	vsel vm14, $0x1687, v54  }
0x15f: {  	v56 =	vsel vm14, $0x1689, v56;
	v59 =	vsel vm14, $0x168C, v59;
	v14 =	vsel vm10, $0x80, v14  }
0x160: {  	v16 =	vsel vm5, $0x287, v16;
	v17 =	vsel vm15, $0x701, v17;
	v12 =	vsel vm6, $0x1A01, v12  }
0x161: {  	v19 =	vsel vm15, $0x703, v19;
	v12 =	vsel vm5, $0x1A82, v12;
	v2 =	vsel vm14, $0x1E87, v2  }
0x162: {  	v30 =	vsel vm15, $0xF0F, v30;
	v34 =	vsel vm15, $0xF03, v34;
	v12 =	vsel vm4, $0x1B03, v12;
	[tilespmem:$0x1FDB0] =	vst v2;
	v2 =	vld [tilespmem:$0x1FA90]  }
0x163: {  	v38 =	vsel vm15, $0xF07, v38;
	v14 =	vsel vm9, $0xC0, v14;
	v12 =	vsel vm3, $0x1B84, v12  }
0x164: {  	v16 =	vsel vm4, $0x308, v16;
	[tilespmem:$0x1FB70] =	vst v19;
	v19 =	vsel vm15, $0x704, v20;
	v12 =	vsel vm2, $0x1C05, v12  }
0x165: {  	v20 =	vsel vm15, $0x1707, v53;
	[tilespmem:$0x1FB80] =	vst v19;
	v19 =	vsel vm15, $0x705, v21;
	v12 =	vsel vm1, $0x1C86, v12  }
0x166: {  	v14 =	vsel vm8, $0x100, v14;
	[tilespmem:$0x1FB90] =	vst v19;
	v19 =	vsel vm15, $0x706, v22;
	v12 =	vsel vm0, $0x1D07, v12  }
0x167: {  	v16 =	vsel vm3, $0x389, v16;
	[tilespmem:$0x1FBA0] =	vst v19;
	v12 =	vsel vm12, $0x1D88, v12;
	v2 =	vsel vm14, $0x1E88, v2  }
0x168: {  	v14 =	vsel vm7, $0x140, v14;
	v12 =	vsel vm13, $0x1E09, v12;
	[tilespmem:$0x1FDD0] =	vst v2;
	v2 =	vsel vm14, $0x1E89, v8  }
0x169: {  	v16 =	vsel vm2, $0x40A, v16;
	v14 =	vsel vm6, $0x180, v14;
	[tilespmem:$0x1FDF0] =	vst v2;
	v2 =	vsel vm14, $0x1E8A, v12  }
0x16a: {  	v16 =	vsel vm1, $0x48B, v16;
	v19 =	vsel vm15, $0x707, v23;
	v14 =	vsel vm5, $0x1C0, v14;
	[tilespmem:$0x1FE10] =	vst v2;
	v2 =	vld [tilespmem:$0x1FAA0]  }
0x16b: {  	v16 =	vsel vm0, $0x50C, v16;
	[tilespmem:$0x1FBB0] =	vst v19;
	v19 =	vsel vm15, $0x708, v24;
	v14 =	vsel vm4, $0x200, v14;
	v3 =	vld [tilespmem:$0x1FAD0]  }
0x16c: {  	v16 =	vsel vm12, $0x58D, v16;
	[tilespmem:$0x1FBC0] =	vst v19;
	v19 =	vsel vm15, $0x709, v25;
	v13 =	vsel vm5, $0x200, v13;
	v4 =	vld [tilespmem:$0x1FAE0]  }
0x16d: {  	v14 =	vsel vm3, $0x240, v14;
	v16 =	vsel vm13, $0x60E, v16;
	v13 =	vsel vm4, $0x240, v13;
	v5 =	vld [tilespmem:$0x1FAF0]  }
0x16e: {  	[tilespmem:$0x1FBD0] =	vst v19;
	v19 =	vsel vm15, $0x70A, v26;
	v14 =	vsel vm2, $0x280, v14;
	v13 =	vsel vm3, $0x280, v13;
	v10 =	vld [tilespmem:$0x1FB40]  }
0x16f: {  	v16 =	vsel vm14, $0x68F, v16;
	[tilespmem:$0x1FBE0] =	vst v19;
	v13 =	vsel vm2, $0x2C0, v13;
	v11 =	vld [tilespmem:$0x1FB50];
	v2 =	vsel vm14, $0x1E8B, v2  }
0x170: {  	v19 =	vsel vm15, $0x70B, v27;
	v14 =	vsel vm1, $0x2C0, v14;
	v13 =	vsel vm1, $0x300, v13;
	[tilespmem:$0x1FE30] =	vst v2;
	v2 =	vld [tilespmem:$0x1FAB0]  }
0x171: {  	v16 =	vsel vm15, $0x700, v16;
	v14 =	vsel vm0, $0x300, v14;
	v13 =	vsel vm0, $0x340, v13;
	v7 =	vld [tilespmem:$0x1FB10]  }
0x172: {  	[tilespmem:$0x1FBF0] =	vst v19;
	v19 =	vsel vm15, $0x70C, v28;
	v14 =	vsel vm12, $0x340, v14;
	v13 =	vsel vm12, $0x380, v13;
	v9 =	vld [tilespmem:$0x1FB30]  }
0x173: {  	[tilespmem:$0x1FC00] =	vst v19;
	v19 =	vsel vm15, $0x70D, v29;
	v14 =	vsel vm13, $0x380, v14;
	v13 =	vsel vm13, $0x3C0, v13;
	v6 =	vld [tilespmem:$0x1FB00]  }
0x174: {  	s3 =	stileid.u32;
	[tilespmem:$0x1FC20] =	vst v34;
	v29 =	vsel vm15, $0x1702, v48;
	v14 =	vsel vm14, $0x3C0, v14;
	v13 =	vsel vm14, $0x0, v13;
	v8 =	vld [tilespmem:$0x1FB20]  }
0x175: {  	s0 =	rddreg [dreg:$0x0];
	s4 =	sshll.u32 s3, $0x1;
	s3 =	simm.s32 $0x0;
	[tilespmem:$0x1FC10] =	vst v19;
	v12 =	vsel vm15, $0x40, v13;
	v13 =	vsel vm15, $0x0, v14;
	v14 =	vld [tilespmem:$0x1FB60];
	v2 =	vsel vm14, $0x1E8C, v2  }
0x176: {  	[smem:$0x7FF] =	sst s3;
	v48 =	vmovc v16;
	v16 =	vmovc v30;
	v30 =	vsel vm15, $0x1703, v49;
	v49 =	vmov v17;
	v17 =	vsel vm15, $0x1704, v50;
	[tilespmem:$0x1FE50] =	vst v2;
	v2 =	vld [tilespmem:$0x1FAC0]  }
0x177: {  	s2 =	rddreg [dreg:$0x1];
	_ =	strace $0x80000047;
	[tilespmem:$0x1FC60] =	vst v38;
	v38 =	vsel vm15, $0xF0B, v42;
	v42 =	vsel vm15, $0x1700, v46;
	v46 =	vmovc v17;
	v17 =	vsel vm15, $0x170A, v56  }
0x178: {  	v55 =	vsel vm13, $0x1607, v55;
	v21 =	vsel vm15, $0x1708, v54;
	v54 =	vmovc v20;
	v20 =	vsel vm15, $0x170D, v59;
	v59 =	vmovc v17;
	v17 =	vld [tilespmem:$0x1FD10]  }
0x179: {  	v63 =	vsel vm12, $0x1D8F, v63;
	v62 =	vsel vm13, $0x1E0F, v62;
	v55 =	vsel vm14, $0x1688, v55  }
0x17a: {  	v63 =	vsel vm13, $0x1E00, v63;
	v62 =	vsel vm14, $0x1E80, v62;
	[tilespmem:$0x1FCD0] =	vst v21;
	v21 =	vsel vm15, $0x1709, v55  }
0x17b: {  	v15 =	vimm.s32 $0x780;
	v63 =	vsel vm14, $0x1E81, v63;
	[tilespmem:$0x1FCE0] =	vst v21;
	v21 =	vsel vm15, $0x1F01, v62  }
0x17c: {  	v60 =	vsel vm1, $0x1C8A, v60;
	v15 =	vsel vm10, $0x1, v15;
	[tilespmem:$0x1FCF0] =	vst v21;
	v21 =	vsel vm15, $0x1F02, v63  }
0x17d: {  	v61 =	vsel vm1, $0x1C8B, v61;
	v15 =	vsel vm9, $0x82, v15;
	[tilespmem:$0x1FD00] =	vst v21;
	v21 =	vsel vm15, $0x1F03, v17;
	v17 =	vld [tilespmem:$0x1FD30]  }
0x17e: {  	v18 =	vsel vm0, $0x50E, v18;
	v35 =	vsel vm0, $0xD00, v35;
	v15 =	vsel vm8, $0x103, v15  }
0x17f: {  	v36 =	vsel vm0, $0xD01, v36;
	v37 =	vsel vm0, $0xD02, v37;
	v15 =	vsel vm7, $0x184, v15  }
0x180: {  	v39 =	vsel vm0, $0xD04, v39;
	v35 =	vsel vm12, $0xD81, v35;
	v15 =	vsel vm6, $0x205, v15  }
0x181: {  	v36 =	vsel vm12, $0xD82, v36;
	v37 =	vsel vm12, $0xD83, v37;
	v15 =	vsel vm5, $0x286, v15  }
0x182: {  	v39 =	vsel vm12, $0xD85, v39;
	v15 =	vsel vm4, $0x307, v15;
	[tilespmem:$0x1FD20] =	vst v21;
	v21 =	vsel vm15, $0x1F04, v17;
	v17 =	vld [tilespmem:$0x1FD50]  }
0x183: {  	v35 =	vsel vm13, $0xE02, v35;
	v36 =	vsel vm13, $0xE03, v36;
	v15 =	vsel vm3, $0x388, v15  }
0x184: {  	v37 =	vsel vm13, $0xE04, v37;
	v35 =	vsel vm14, $0xE83, v35;
	v15 =	vsel vm2, $0x409, v15  }
0x185: {  	v39 =	vsel vm13, $0xE06, v39;
	v34 =	vsel vm15, $0xF04, v35;
	v15 =	vsel vm1, $0x48A, v15  }
0x186: {  	v36 =	vsel vm14, $0xE84, v36;
	v37 =	vsel vm14, $0xE85, v37;
	v15 =	vsel vm0, $0x50B, v15;
	[tilespmem:$0x1FC30] =	vst v34  }
0x187: {  	v36 =	vsel vm15, $0xF05, v36;
	v15 =	vsel vm12, $0x58C, v15;
	[tilespmem:$0x1FD40] =	vst v21;
	v21 =	vsel vm15, $0x1F05, v17;
	v17 =	vld [tilespmem:$0x1FD70]  }
0x188: {  	v39 =	vsel vm14, $0xE87, v39;
	v37 =	vsel vm15, $0xF06, v37;
	v15 =	vsel vm13, $0x60D, v15;
	[tilespmem:$0x1FC40] =	vst v36  }
0x189: {  	v31 =	vsel vm0, $0xD0C, v31;
	v39 =	vsel vm15, $0xF08, v39;
	v15 =	vsel vm14, $0x68E, v15;
	[tilespmem:$0x1FC50] =	vst v37  }
0x18a: {  	v32 =	vsel vm0, $0xD0D, v32;
	v18 =	vsel vm12, $0x58F, v18;
	v15 =	vsel vm15, $0x70F, v15;
	[tilespmem:$0x1FC70] =	vst v39  }
0x18b: {  	v33 =	vsel vm0, $0xD0E, v33;
	v40 =	vsel vm0, $0xD05, v40;
	v18 =	vsel vm13, $0x600, v18;
	[tilespmem:$0x1FE70] =	vst v15  }
0x18c: {  	v41 =	vsel vm0, $0xD06, v41;
	v18 =	vsel vm14, $0x681, v18;
	[tilespmem:$0x1FD60] =	vst v21;
	v21 =	vsel vm15, $0x1F06, v17;
	v17 =	vld [tilespmem:$0x1FD90]  }
0x18d: {  	v51 =	vsel vm0, $0x1501, v51;
	v52 =	vsel vm0, $0x1502, v52;
	v18 =	vsel vm15, $0x702, v18;
	[tilespmem:$0x1FE80] =	vst v48  }
0x18e: {  	v31 =	vsel vm12, $0xD8D, v31;
	v32 =	vsel vm12, $0xD8E, v32;
	v33 =	vsel vm12, $0xD8F, v33;
	v50 =	vmovc v18;
	[tilespmem:$0x1FE90] =	vst v49  }
0x18f: {  	v51 =	vsel vm12, $0x1582, v51;
	v52 =	vsel vm12, $0x1583, v52;
	v31 =	vsel vm13, $0xE0E, v31;
	[tilespmem:$0x1FEA0] =	vst v50  }
0x190: {  	v32 =	vsel vm13, $0xE0F, v32;
	v33 =	vsel vm13, $0xE00, v33;
	v31 =	vsel vm14, $0xE8F, v31;
	[tilespmem:$0x1FEB0] =	vst v16  }
0x191: {  	v32 =	vsel vm14, $0xE80, v32;
	v31 =	vsel vm15, $0xF00, v31;
	[tilespmem:$0x1FD80] =	vst v21;
	v21 =	vsel vm15, $0x1F07, v17;
	v17 =	vld [tilespmem:$0x1FDB0]  }
0x192: {  	v51 =	vsel vm13, $0x1603, v51;
	v33 =	vsel vm14, $0xE81, v33;
	v32 =	vsel vm15, $0xF01, v32;
	[tilespmem:$0x1FEC0] =	vst v31  }
0x193: {  	v52 =	vsel vm13, $0x1604, v52;
	v51 =	vsel vm14, $0x1684, v51;
	v33 =	vsel vm15, $0xF02, v33;
	[tilespmem:$0x1FED0] =	vst v32  }
0x194: {  	v43 =	vsel vm0, $0xD08, v43;
	v57 =	vsel vm0, $0x1507, v57;
	v52 =	vsel vm14, $0x1685, v52;
	[tilespmem:$0x1FEE0] =	vst v33  }
0x195: {  	v58 =	vsel vm0, $0x1508, v58;
	v60 =	vsel vm0, $0x1D0B, v60;
	v18 =	vsel vm15, $0x1705, v51;
	[tilespmem:$0x1FF30] =	vst v30  }
0x196: {  	v57 =	vsel vm12, $0x1588, v57;
	v19 =	vsel vm15, $0x1706, v52;
	v51 =	vmovc v18;
	[tilespmem:$0x1FDA0] =	vst v21;
	v21 =	vsel vm15, $0x1F08, v17;
	v17 =	vld [tilespmem:$0x1FDD0]  }
0x197: {  	v61 =	vsel vm0, $0x1D0C, v61;
	v58 =	vsel vm12, $0x1589, v58;
	v57 =	vsel vm13, $0x1609, v57;
	v52 =	vmovc v19;
	[tilespmem:$0x1FF50] =	vst v51  }
0x198: {  	v40 =	vsel vm12, $0xD86, v40;
	v58 =	vsel vm13, $0x160A, v58;
	v57 =	vsel vm14, $0x168A, v57;
	[tilespmem:$0x1FF60] =	vst v52  }
0x199: {  	v60 =	vsel vm12, $0x1D8C, v60;
	v58 =	vsel vm14, $0x168B, v58;
	v24 =	vsel vm15, $0x170B, v57;
	[tilespmem:$0x1FF70] =	vst v54  }
0x19a: {  	v61 =	vsel vm12, $0x1D8D, v61;
	v60 =	vsel vm13, $0x1E0D, v60;
	v18 =	vsel vm15, $0x170C, v58;
	[tilespmem:$0x1FF90] =	vst v24  }
0x19b: {  	v61 =	vsel vm13, $0x1E0E, v61;
	v60 =	vsel vm14, $0x1E8E, v60;
	v19 =	vmovc v20;
	[tilespmem:$0x1FFA0] =	vst v18;
	v22 =	vsel vm15, $0x1F09, v17;
	v17 =	vld [tilespmem:$0x1FDF0]  }
0x19c: {  	v40 =	vsel vm13, $0xE07, v40;
	v61 =	vsel vm14, $0x1E8F, v61;
	v20 =	vsel vm15, $0x1F0F, v60;
	[tilespmem:$0x1FFB0] =	vst v19  }
0x19d: {  	v41 =	vsel vm12, $0xD87, v41;
	v40 =	vsel vm14, $0xE88, v40;
	v60 =	vsel vm15, $0x1F00, v61;
	[tilespmem:$0x1FFC0] =	vst v20  }
0x19e: {  	v44 =	vsel vm0, $0xD09, v44;
	v41 =	vsel vm13, $0xE08, v41;
	v36 =	vsel vm15, $0xF09, v40;
	[tilespmem:$0x1FFD0] =	vst v60  }
0x19f: {  	v43 =	vsel vm12, $0xD89, v43;
	v44 =	vsel vm12, $0xD8A, v44;
	v41 =	vsel vm14, $0xE89, v41;
	[tilespmem:$0x1FC80] =	vst v36  }
0x1a0: {  	v43 =	vsel vm13, $0xE0A, v43;
	v37 =	vsel vm15, $0xF0A, v41;
	[tilespmem:$0x1FDE0] =	vst v22;
	v22 =	vsel vm15, $0x1F0A, v17;
	v17 =	vld [tilespmem:$0x1FE10]  }
0x1a1: {  	v45 =	vsel vm0, $0x150B, v45;
	v44 =	vsel vm13, $0xE0B, v44;
	v43 =	vsel vm14, $0xE8B, v43;
	[tilespmem:$0x1FC90] =	vst v37  }
0x1a2: {  	v45 =	vsel vm12, $0x158C, v45;
	v44 =	vsel vm14, $0xE8C, v44;
	v39 =	vsel vm15, $0xF0C, v43;
	[tilespmem:$0x1FCA0] =	vst v38  }
0x1a3: {  	v47 =	vsel vm0, $0x150D, v47;
	v45 =	vsel vm13, $0x160D, v45;
	v40 =	vsel vm15, $0xF0D, v44;
	[tilespmem:$0x1FCB0] =	vst v39  }
0x1a4: {  	v47 =	vsel vm12, $0x158E, v47;
	v45 =	vsel vm14, $0x168E, v45;
	[tilespmem:$0x1FCC0] =	vst v40  }
0x1a5: {  	v47 =	vsel vm13, $0x160F, v47;
	v41 =	vsel vm15, $0x170F, v45;
	[tilespmem:$0x1FE00] =	vst v22;
	v22 =	vsel vm15, $0x1F0B, v17;
	v17 =	vld [tilespmem:$0x1FE30]  }
0x1a6: {  	s1 =	srdreg.scid;
	s19 =	simm.s32 $0x1;
	v47 =	vsel vm14, $0x1680, v47;
	[tilespmem:$0x1FEF0] =	vst v41  }
0x1a7: {  	s20 =	simm.s32 $0x80;
	s21 =	simm.s32 $0x100;
	s22 =	simm.s32 $0x2100;
	v43 =	vsel vm15, $0x1701, v47;
	[tilespmem:$0x1FF00] =	vst v42  }
0x1a8: {  	s23 =	simm.s32 $0x2;
	s24 =	simm.s32 $0x4100;
	s29 =	simm.s32 $0x7D00;
	v45 =	vmov v29;
	[tilespmem:$0x1FF10] =	vst v43  }
0x1a9: {  	s30 =	simm.s32 $0x4;
	s8 =	simm.s32 $0x0;
	s1 =	sand.u32 $0x1, s1;
	[tilespmem:$0x1FF20] =	vst v45  }
0x1aa: {  	s5 =	sadd.s32 $0x1DC00, s0;
	s6 =	sadd.s32 $0x600, s0;
	s4 =	sor.u32 s1, s4;
	[tilespmem:$0x1FE20] =	vst v22;
	v22 =	vsel vm15, $0x1F0C, v17;
	v17 =	vld [tilespmem:$0x1FE50]  }
0x1ab: {  	s10 =	sadd.s32 $0x4000, s2;
	s11 =	sadd.s32 $0x8000, s2;
	s4 =	smul.u32 $0x19000, s4;
	[tilespmem:$0x1FDC0] =	vst v21;
	v21 =	vlaneseq.u32  }
0x1ac: {  	s12 =	sadd.s32 $0xC000, s2;
	s13 =	sadd.s32 $0x10000, s2;
	s14 =	sadd.s32 $0x14000, s2;
	[tilespmem:$0x1FF40] =	vst v46;
	v23 =	vmul.u32 $0x81, v21  }
0x1ad: {  	s15 =	sadd.s32 $0x18000, s2;
	s1 =	ssub.s32 $0x2, s1;
	s7 =	sshrl.u32 s4, $0x3;
	v3 =	vsel vm15, $0x300, v3;
	v4 =	vsel vm15, $0x2C0, v4;
	v5 =	vsel vm15, $0x280, v5;
	[tilespmem:$0x1FF80] =	vst v59  }
0x1ae: {  	s16 =	sadd.s32 $0x1C000, s2;
	s28 =	sshrl.u32 s1, $0x1;
	s7 =	sadd.s32 s5, s7;
	v10 =	vsel vm15, $0x140, v10;
	v11 =	vsel vm15, $0x100, v11;
	v7 =	vsel vm15, $0x200, v7;
	[tilespmem:$0x1FFE0] =	vst v23  }
0x1af: {  	s0 =	ssub.s32 s1, s28;
	s31 =	sadd.s32 $0x10, s7;
	v9 =	vsel vm15, $0x180, v9;
	v6 =	vsel vm15, $0x240, v6;
	[dreg:$0x3] =	wrdreg s7;
	[tilespmem:$0x1FE40] =	vst v22;
	v22 =	vsel vm15, $0x1F0D, v17  }
0x1b0: {  	s9 =	sor.u32 $0x100, s4;
	s0 =	smax.u32 s0, $0x1;
	v61 =	vmovc v31;
	v8 =	vsel vm15, $0x1C0, v8;
	v14 =	vsel vm15, $0x3C0, v14;
	[dreg:$0x4] =	wrdreg s31;
	v47 =	vmovc v15;
	v17 =	vor.u32 $0x800, v23;
	[tilespmem:$0x1FE60] =	vst v22  }
0x1b1: {  	s17 =	sor.u32 $0x180, s4;
	[dreg:$0x5] =	wrdreg s0;
	s0 =	simm.s32 $0x6100;
	v62 =	vmovc v32;
	v63 =	vmovc v33;
	v2 =	vsel vm15, $0x340, v2;
	v28 =	vmul.u32 $0x40, v21;
	v29 =	vor.u32 $0x10, v21;
	[tilespmem:$0x1FFF0] =	vst v17  }
.LBB2_1:
0x1b2: {  	[dreg:$0x6] =	wrdreg s8  }
0x1b3: {  	s1 =	rddreg [dreg:$0x3]  }
0x1b4: {  	[tilespmem:s3], [sflag:$0x1] =	stream.linear.gather [hbm4b:s1+s3], $0x80, $0x38;
	[tilespmem:$0x8100] =	vst v63  }
0x1b5: {  	_ =	swait.ge [sflag:s19], $0x80  }
0x1b6: {  	[sflag:s19] =	ssyncset.done $0x0  }
0x1b7: {  	[sflag:s19] =	ssyncadd.s32 $0xFFFFFF80  }
0x1b8: {  	v31 =	vld [tilespmem:$0x0]  }
0x1b9: {  	v32 =	vld [tilespmem:$0x10]  }
0x1ba: {  	v33 =	vld [tilespmem:$0x20]  }
0x1bb: {  	v34 =	vld [tilespmem:$0x30]  }
0x1bc: {  	v35 =	vld [tilespmem:$0x40]  }
0x1bd: {  	v36 =	vld [tilespmem:$0x50];
	vm0 =	vlt.s32 v31, $0x3A97  }
0x1be: {  	v37 =	vld [tilespmem:$0x60];
	vm9 =	vlt.s32 v32, $0x3A97;
	v31 =	vnsel vm0, $0x3A97, v31  }
0x1bf: {  	v58 =	vld [tilespmem:$0x70];
	vm10 =	vlt.s32 v33, $0x3A97;
	[tilespmem:$0x0] =	vst v31;
	v31 =	vnsel vm9, $0x3A97, v32  }
0x1c0: {  	vm11 =	vlt.s32 v34, $0x3A97;
	[tilespmem:$0x10] =	vst v31;
	v31 =	vnsel vm10, $0x3A97, v33  }
0x1c1: {  	vm12 =	vlt.s32 v35, $0x3A97;
	[tilespmem:$0x20] =	vst v31;
	v31 =	vnsel vm11, $0x3A97, v34  }
0x1c2: {  	vm13 =	vlt.s32 v36, $0x3A97;
	[tilespmem:$0x30] =	vst v31;
	v31 =	vnsel vm12, $0x3A97, v35  }
0x1c3: {  	vm14 =	vlt.s32 v37, $0x3A97;
	[tilespmem:$0x40] =	vst v31;
	v31 =	vnsel vm13, $0x3A97, v36  }
0x1c4: {  	vm15 =	vlt.s32 v58, $0x3A97;
	[tilespmem:$0x50] =	vst v31;
	v31 =	vnsel vm14, $0x3A97, v37  }
0x1c5: {  	[tilespmem:$0x60] =	vst v31;
	v31 =	vnsel vm15, $0x3A97, v58  }
0x1c6: {  	[tilespmem:$0x70] =	vst v31  }
0x1c7: {  	[tilespmem:s21], [sflag:$0x2] =	stream.indirect.gather [hbm4b:s6+s20], $0x40, s3, s20, $0xb8;
	[tilespmem:$0x8100] =	vst v63  }
0x1c8: {  	s31 =	simm.s32 $0x0;
	s28 =	rddreg [dreg:$0x4]  }
0x1c9: {  	[tilespmem:s20], [sflag:$0x1] =	stream.linear.gather [hbm4b:s28+s3], $0x80, $0x38;
	[tilespmem:$0x8100] =	vst v63  }
.LBB2_2:
0x1ca: {  	_ =	swait.ge [sflag:s19], $0x80  }
0x1cb: {  	[sflag:s19] =	ssyncset.done $0x0  }
0x1cc: {  	[sflag:s19] =	ssyncadd.s32 $0xFFFFFF80  }
0x1cd: {  	v31 =	vld [tilespmem:$0x80]  }
0x1ce: {  	v32 =	vld [tilespmem:$0x90]  }
0x1cf: {  	v33 =	vld [tilespmem:$0xA0]  }
0x1d0: {  	v34 =	vld [tilespmem:$0xB0]  }
0x1d1: {  	v35 =	vld [tilespmem:$0xC0]  }
0x1d2: {  	v36 =	vld [tilespmem:$0xD0];
	vm0 =	vlt.s32 v31, $0x3A97  }
0x1d3: {  	v37 =	vld [tilespmem:$0xE0];
	vm9 =	vlt.s32 v32, $0x3A97;
	v31 =	vnsel vm0, $0x3A97, v31  }
0x1d4: {  	v58 =	vld [tilespmem:$0xF0];
	vm10 =	vlt.s32 v33, $0x3A97;
	[tilespmem:$0x80] =	vst v31;
	v31 =	vnsel vm9, $0x3A97, v32  }
0x1d5: {  	vm11 =	vlt.s32 v34, $0x3A97;
	[tilespmem:$0x90] =	vst v31;
	v31 =	vnsel vm10, $0x3A97, v33  }
0x1d6: {  	vm12 =	vlt.s32 v35, $0x3A97;
	[tilespmem:$0xA0] =	vst v31;
	v31 =	vnsel vm11, $0x3A97, v34  }
0x1d7: {  	vm13 =	vlt.s32 v36, $0x3A97;
	[tilespmem:$0xB0] =	vst v31;
	v31 =	vnsel vm12, $0x3A97, v35  }
0x1d8: {  	vm14 =	vlt.s32 v37, $0x3A97;
	[tilespmem:$0xC0] =	vst v31;
	v31 =	vnsel vm13, $0x3A97, v36  }
0x1d9: {  	p0 =	seq.s32 s31, $0x18F;
	vm15 =	vlt.s32 v58, $0x3A97;
	[tilespmem:$0xD0] =	vst v31;
	v31 =	vnsel vm14, $0x3A97, v37  }
0x1da: {  	p1 =	seq.s32 @!p0 s31, $0x0;
	[tilespmem:$0xE0] =	vst v31;
	v31 =	vnsel vm15, $0x3A97, v58  }
0x1db: {  	p1 =	por p0, !p1;
	[tilespmem:$0xF0] =	vst v31  }
0x1dc: {  	[tilespmem:s22], [sflag:$0x3] =	stream.indirect.gather [hbm4b:s6+s20], $0x40, s20, s20, $0xb8;
	[tilespmem:$0x8100] =	vst v63  }
.Ltmp0:
0x1dd: {  	s8 =	sshll.u32 s31, $0x8;
	(pc) =	sbr.rel @!p1 .LBB2_3-.Ltmp0, $4  }
0x1de: {  	s1 =	sadd.s32 @!p0 s8, s9;
	_ =	swait.ge [sflag:s23], $0x2000  }
0x1df: {  	s1 =	sshrl.u32 @!p0 s1, $0x3;
	[sflag:s23] =	ssyncset.done $0x0  }
0x1e0: {  	s7 =	simm.s32 @!p0 $0x0;
	s1 =	sadd.s32 @!p0 s5, s1;
	[sflag:s23] =	ssyncadd.s32 $0xFFFFE000  }
0x1e1: {  	[tilespmem:s7], [sflag:$0x1] =	stream.linear.gather @!p0 [hbm4b:s1+s7], $0x80, $0x38;
	[tilespmem:$0x8100] =	vst v63  }
0x1e2: {  	_ =	swait.ge [sflag:s30], $0x400  }
0x1e3: {  	[sflag:s30] =	ssyncset.done $0x0  }
0x1e4: {  	[sflag:s30] =	ssyncadd.s32 $0xFFFFFC00  }
0x1e5: {  	_ =	swait.ge [sflag:s30], $0x400  }
0x1e6: {  	[sflag:s30] =	ssyncset.done $0x0  }
0x1e7: {  	[sflag:s30] =	ssyncadd.s32 $0xFFFFFC00  }
0x1e8: {  	_ =	swait.ge [sflag:s30], $0x400  }
0x1e9: {  	[sflag:s30] =	ssyncset.done $0x0  }
0x1ea: {  	[sflag:s30] =	ssyncadd.s32 $0xFFFFFC00  }
0x1eb: {  	_ =	swait.ge [sflag:s30], $0x400  }
0x1ec: {  	[sflag:s30] =	ssyncset.done $0x0  }
0x1ed: {  	[sflag:s30] =	ssyncadd.s32 $0xFFFFFC00  }
0x1ee: {  	_ =	swait.ge [sflag:s30], $0x400  }
0x1ef: {  	[sflag:s30] =	ssyncset.done $0x0  }
0x1f0: {  	[sflag:s30] =	ssyncadd.s32 $0xFFFFFC00  }
0x1f1: {  	_ =	swait.ge [sflag:s30], $0x400  }
0x1f2: {  	[sflag:s30] =	ssyncset.done $0x0  }
0x1f3: {  	[sflag:s30] =	ssyncadd.s32 $0xFFFFFC00  }
0x1f4: {  	_ =	swait.ge [sflag:s30], $0x400  }
0x1f5: {  	[sflag:s30] =	ssyncset.done $0x0  }
0x1f6: {  	[sflag:s30] =	ssyncadd.s32 $0xFFFFFC00  }
0x1f7: {  	_ =	swait.ge [sflag:s30], $0x400  }
.Ltmp1:
0x1f8: {  	v22 =	vld [tilespmem:$0x1FB70];
	(pc) =	sbr.rel .LBB2_5-.Ltmp1, $4  }
0x1f9: {  	v25 =	vld [tilespmem:$0x1FB80]  }
0x1fa: {  	v26 =	vld [tilespmem:$0x1FC10]  }
0x1fb: {  	[sflag:s30] =	ssyncset.done $0x0;
	v27 =	vld [tilespmem:$0x1FB90]  }
0x1fc: {  	p1 =	por $0x0, $0x0;
	v30 =	vld [tilespmem:$0x1FBA0];
	[sflag:s30] =	ssyncadd.s32 $0xFFFFFC00  }
.LBB2_3:
0x1fd: {  	v22 =	vld [tilespmem:$0x1FB70]  }
0x1fe: {  	v25 =	vld [tilespmem:$0x1FB80]  }
0x1ff: {  	v26 =	vld [tilespmem:$0x1FC10]  }
0x200: {  	v27 =	vld [tilespmem:$0x1FB90]  }
0x201: {  	p1 =	por @!p0 $0x1, $0x1;
	v30 =	vld [tilespmem:$0x1FBA0]  }
.LBB2_5:
0x202: {  	v15 =	vld [tilespmem:$0x1FBB0]  }
0x203: {  	v51 =	vld [tilespmem:$0x1FBC0]  }
0x204: {  	v52 =	vld [tilespmem:$0x1FBD0]  }
0x205: {  	v53 =	vld [tilespmem:$0x1FBE0]  }
0x206: {  	s1 =	sadd.s32 s8, s4;
	v54 =	vld [tilespmem:$0x1FBF0]  }
0x207: {  	s7 =	simm.s32 $0x0;
	p2 =	por $0x1, $0x1;
	v55 =	vld [tilespmem:$0x1FC00];
	s1 =	sadd.s32 $0x80, s1  }
.LBB2_6:
0x208: {  	v31 =	vmov s7  }
0x209: {  	s25 =	sor.u32 $0x10, s7;
	v32 =	vshll.u32 v31, $0x6  }
0x20a: {  	s18 =	sor.u32 $0x20, s7;
	v31 =	vmov s25;
	v33 =	vor.u32 v28, v32  }
0x20b: {  	s26 =	sor.u32 $0x30, s7;
	v34 =	vshll.u32 v31, $0x6;
	v31 =	vmov s18;
	v35 =	vor.u32 v21, v33  }
0x20c: {  	v37 =	vmov s26;
	v46 =	vor.u32 v28, v34;
	v31 =	vshll.u32 v31, $0x6  }
0x20d: {  	v33 =	vshll.u32 v37, $0x6;
	v36 =	vor.u32 v21, v46;
	v56 =	vor.u32 v28, v31  }
0x20e: {  	v37 =	vor.u32 v28, v33;
	v38 =	vor.u32 v21, v56  }
0x20f: {  	v37 =	vor.u32 v21, v37  }
0x210: {  	v39 =	vor.u32 s7, v23;
	v40 =	vor.u32 v14, v32;
	v35 =	vld.idx.msk [tilespmem:v35+s21+$0x0], $0xffff  }
0x211: {  	v40 =	vor.u32 v21, v40  }
0x212: {  	v41 =	vor.u32 s25, v23;
	v42 =	vor.u32 v14, v34;
	v36 =	vld.idx.msk [tilespmem:v36+s21+$0x0], $0xffff  }
0x213: {  	v43 =	vor.u32 s18, v23;
	v42 =	vor.u32 v21, v42;
	v44 =	vor.u32 v14, v31;
	v38 =	vld.idx.msk [tilespmem:v38+s21+$0x0], $0xffff  }
0x214: {  	v45 =	vor.u32 s26, v23;
	v46 =	vor.u32 v14, v33;
	v44 =	vor.u32 v21, v44;
	v37 =	vld.idx.msk [tilespmem:v37+s21+$0x0], $0xffff  }
0x215: {  	v58 =	vor.u32 v21, v46;
	[tilespmem:v39+s24+$0x0] =	vst.idx.msk $0xffff, v35  }
0x216: {  	v57 =	vor.u32 v13, v32;
	v46 =	vor.u32 s7, v47;
	v40 =	vld.idx.msk [tilespmem:v40+s21+$0x0], $0xffff  }
0x217: {  	v56 =	vor.u32 v13, v34;
	v35 =	vor.u32 v21, v57;
	[tilespmem:v41+s24+$0x0] =	vst.idx.msk $0xffff, v36  }
0x218: {  	v57 =	vor.u32 v13, v31;
	v41 =	vor.u32 s25, v47;
	v36 =	vld.idx.msk [tilespmem:v42+s21+$0x0], $0xffff;
	[tilespmem:v43+s24+$0x0] =	vst.idx.msk $0xffff, v38  }
0x219: {  	v38 =	vor.u32 v21, v56;
	v43 =	vor.u32 s18, v47;
	[tilespmem:v45+s24+$0x0] =	vst.idx.msk $0xffff, v37;
	v42 =	vld.idx.msk [tilespmem:v44+s21+$0x0], $0xffff  }
0x21a: {  	v39 =	vor.u32 s26, v47;
	v44 =	vor.u32 v21, v57;
	v37 =	vld.idx.msk [tilespmem:v58+s21+$0x0], $0xffff;
	v58 =	vor.u32 v13, v33  }
0x21b: {  	v45 =	vor.u32 v21, v58;
	[tilespmem:v46+s24+$0x0] =	vst.idx.msk $0xffff, v40  }
0x21c: {  	v56 =	vor.u32 v12, v32;
	v46 =	vor.u32 s7, v48;
	v35 =	vld.idx.msk [tilespmem:v35+s21+$0x0], $0xffff  }
0x21d: {  	v57 =	vor.u32 v12, v34;
	v40 =	vor.u32 v21, v56;
	[tilespmem:v41+s24+$0x0] =	vst.idx.msk $0xffff, v36  }
0x21e: {  	v58 =	vor.u32 v12, v31;
	v36 =	vld.idx.msk [tilespmem:v38+s21+$0x0], $0xffff;
	v38 =	vor.u32 s25, v48;
	[tilespmem:v43+s24+$0x0] =	vst.idx.msk $0xffff, v42  }
0x21f: {  	v41 =	vor.u32 v21, v57;
	v43 =	vor.u32 s18, v48;
	[tilespmem:v39+s24+$0x0] =	vst.idx.msk $0xffff, v37;
	v42 =	vld.idx.msk [tilespmem:v44+s21+$0x0], $0xffff  }
0x220: {  	v56 =	vor.u32 v12, v33;
	v39 =	vor.u32 s26, v48;
	v44 =	vor.u32 v21, v58;
	v37 =	vld.idx.msk [tilespmem:v45+s21+$0x0], $0xffff  }
0x221: {  	v45 =	vor.u32 v21, v56;
	[tilespmem:v46+s24+$0x0] =	vst.idx.msk $0xffff, v35  }
0x222: {  	v57 =	vor.u32 v1, v32;
	v46 =	vor.u32 s7, v49;
	v40 =	vld.idx.msk [tilespmem:v40+s21+$0x0], $0xffff  }
0x223: {  	v58 =	vor.u32 v1, v34;
	v35 =	vor.u32 v21, v57;
	[tilespmem:v38+s24+$0x0] =	vst.idx.msk $0xffff, v36  }
0x224: {  	v56 =	vor.u32 v1, v31;
	v38 =	vor.u32 s25, v49;
	v36 =	vld.idx.msk [tilespmem:v41+s21+$0x0], $0xffff;
	[tilespmem:v43+s24+$0x0] =	vst.idx.msk $0xffff, v42  }
0x225: {  	v41 =	vor.u32 v21, v58;
	v43 =	vor.u32 s18, v49;
	[tilespmem:v39+s24+$0x0] =	vst.idx.msk $0xffff, v37;
	v42 =	vld.idx.msk [tilespmem:v44+s21+$0x0], $0xffff  }
0x226: {  	v57 =	vor.u32 v1, v33;
	v39 =	vor.u32 s26, v49;
	v44 =	vor.u32 v21, v56;
	v37 =	vld.idx.msk [tilespmem:v45+s21+$0x0], $0xffff  }
0x227: {  	v45 =	vor.u32 v21, v57;
	[tilespmem:v46+s24+$0x0] =	vst.idx.msk $0xffff, v40  }
0x228: {  	v58 =	vor.u32 v0, v32;
	v46 =	vor.u32 s7, v50;
	v35 =	vld.idx.msk [tilespmem:v35+s21+$0x0], $0xffff  }
0x229: {  	v56 =	vor.u32 v0, v34;
	v40 =	vor.u32 v21, v58;
	[tilespmem:v38+s24+$0x0] =	vst.idx.msk $0xffff, v36  }
0x22a: {  	v57 =	vor.u32 v0, v31;
	v38 =	vor.u32 s25, v50;
	v36 =	vld.idx.msk [tilespmem:v41+s21+$0x0], $0xffff;
	[tilespmem:v43+s24+$0x0] =	vst.idx.msk $0xffff, v42  }
0x22b: {  	v41 =	vor.u32 v21, v56;
	v43 =	vor.u32 s18, v50;
	[tilespmem:v39+s24+$0x0] =	vst.idx.msk $0xffff, v37;
	v42 =	vld.idx.msk [tilespmem:v44+s21+$0x0], $0xffff  }
0x22c: {  	v58 =	vor.u32 v0, v33;
	v39 =	vor.u32 s26, v50;
	v44 =	vor.u32 v21, v57;
	v37 =	vld.idx.msk [tilespmem:v45+s21+$0x0], $0xffff  }
0x22d: {  	v45 =	vor.u32 v21, v58;
	[tilespmem:v46+s24+$0x0] =	vst.idx.msk $0xffff, v35  }
0x22e: {  	v56 =	vor.u32 v11, v32;
	v46 =	vor.u32 s7, v22;
	v40 =	vld.idx.msk [tilespmem:v40+s21+$0x0], $0xffff  }
0x22f: {  	v57 =	vor.u32 v11, v34;
	v35 =	vor.u32 v21, v56;
	[tilespmem:v38+s24+$0x0] =	vst.idx.msk $0xffff, v36  }
0x230: {  	v58 =	vor.u32 v11, v31;
	v38 =	vor.u32 s25, v22;
	v36 =	vld.idx.msk [tilespmem:v41+s21+$0x0], $0xffff;
	[tilespmem:v43+s24+$0x0] =	vst.idx.msk $0xffff, v42  }
0x231: {  	v41 =	vor.u32 v21, v57;
	v43 =	vor.u32 s18, v22;
	[tilespmem:v39+s24+$0x0] =	vst.idx.msk $0xffff, v37;
	v42 =	vld.idx.msk [tilespmem:v44+s21+$0x0], $0xffff  }
0x232: {  	v56 =	vor.u32 v11, v33;
	v39 =	vor.u32 s26, v22;
	v44 =	vor.u32 v21, v58;
	v37 =	vld.idx.msk [tilespmem:v45+s21+$0x0], $0xffff  }
0x233: {  	v45 =	vor.u32 v21, v56;
	[tilespmem:v46+s24+$0x0] =	vst.idx.msk $0xffff, v40  }
0x234: {  	v57 =	vor.u32 v10, v32;
	v46 =	vor.u32 s7, v25;
	v35 =	vld.idx.msk [tilespmem:v35+s21+$0x0], $0xffff  }
0x235: {  	v58 =	vor.u32 v10, v34;
	v40 =	vor.u32 v21, v57;
	[tilespmem:v38+s24+$0x0] =	vst.idx.msk $0xffff, v36  }
0x236: {  	v56 =	vor.u32 v10, v31;
	v38 =	vor.u32 s25, v25;
	v36 =	vld.idx.msk [tilespmem:v41+s21+$0x0], $0xffff;
	[tilespmem:v43+s24+$0x0] =	vst.idx.msk $0xffff, v42  }
0x237: {  	v41 =	vor.u32 v21, v58;
	v43 =	vor.u32 s18, v25;
	[tilespmem:v39+s24+$0x0] =	vst.idx.msk $0xffff, v37;
	v42 =	vld.idx.msk [tilespmem:v44+s21+$0x0], $0xffff  }
0x238: {  	v57 =	vor.u32 v10, v33;
	v39 =	vor.u32 s26, v25;
	v44 =	vor.u32 v21, v56;
	v37 =	vld.idx.msk [tilespmem:v45+s21+$0x0], $0xffff  }
0x239: {  	v45 =	vor.u32 v21, v57;
	[tilespmem:v46+s24+$0x0] =	vst.idx.msk $0xffff, v35  }
0x23a: {  	v58 =	vor.u32 v9, v32;
	v46 =	vor.u32 s7, v27;
	v40 =	vld.idx.msk [tilespmem:v40+s21+$0x0], $0xffff  }
0x23b: {  	v56 =	vor.u32 v9, v34;
	v35 =	vor.u32 v21, v58;
	[tilespmem:v38+s24+$0x0] =	vst.idx.msk $0xffff, v36  }
0x23c: {  	v57 =	vor.u32 v9, v31;
	v38 =	vor.u32 s25, v27;
	v36 =	vld.idx.msk [tilespmem:v41+s21+$0x0], $0xffff;
	[tilespmem:v43+s24+$0x0] =	vst.idx.msk $0xffff, v42  }
0x23d: {  	v41 =	vor.u32 v21, v56;
	v43 =	vor.u32 s18, v27;
	[tilespmem:v39+s24+$0x0] =	vst.idx.msk $0xffff, v37;
	v42 =	vld.idx.msk [tilespmem:v44+s21+$0x0], $0xffff  }
0x23e: {  	v58 =	vor.u32 v9, v33;
	v39 =	vor.u32 s26, v27;
	v44 =	vor.u32 v21, v57;
	v37 =	vld.idx.msk [tilespmem:v45+s21+$0x0], $0xffff  }
0x23f: {  	v45 =	vor.u32 v21, v58;
	[tilespmem:v46+s24+$0x0] =	vst.idx.msk $0xffff, v40  }
0x240: {  	v56 =	vor.u32 v8, v32;
	v46 =	vor.u32 s7, v30;
	v35 =	vld.idx.msk [tilespmem:v35+s21+$0x0], $0xffff  }
0x241: {  	v57 =	vor.u32 v8, v34;
	v40 =	vor.u32 v21, v56;
	[tilespmem:v38+s24+$0x0] =	vst.idx.msk $0xffff, v36  }
0x242: {  	v58 =	vor.u32 v8, v31;
	v38 =	vor.u32 s25, v30;
	v36 =	vld.idx.msk [tilespmem:v41+s21+$0x0], $0xffff;
	[tilespmem:v43+s24+$0x0] =	vst.idx.msk $0xffff, v42  }
0x243: {  	v41 =	vor.u32 v21, v57;
	v43 =	vor.u32 s18, v30;
	[tilespmem:v39+s24+$0x0] =	vst.idx.msk $0xffff, v37;
	v42 =	vld.idx.msk [tilespmem:v44+s21+$0x0], $0xffff  }
0x244: {  	v56 =	vor.u32 v8, v33;
	v39 =	vor.u32 s26, v30;
	v44 =	vor.u32 v21, v58;
	v37 =	vld.idx.msk [tilespmem:v45+s21+$0x0], $0xffff  }
0x245: {  	v45 =	vor.u32 v21, v56;
	[tilespmem:v46+s24+$0x0] =	vst.idx.msk $0xffff, v35  }
0x246: {  	v57 =	vor.u32 v7, v32;
	v46 =	vor.u32 s7, v15;
	v40 =	vld.idx.msk [tilespmem:v40+s21+$0x0], $0xffff  }
0x247: {  	v58 =	vor.u32 v7, v34;
	v35 =	vor.u32 v21, v57;
	[tilespmem:v38+s24+$0x0] =	vst.idx.msk $0xffff, v36  }
0x248: {  	v56 =	vor.u32 v7, v31;
	v38 =	vor.u32 s25, v15;
	v36 =	vld.idx.msk [tilespmem:v41+s21+$0x0], $0xffff;
	[tilespmem:v43+s24+$0x0] =	vst.idx.msk $0xffff, v42  }
0x249: {  	v41 =	vor.u32 v21, v58;
	v43 =	vor.u32 s18, v15;
	[tilespmem:v39+s24+$0x0] =	vst.idx.msk $0xffff, v37;
	v42 =	vld.idx.msk [tilespmem:v44+s21+$0x0], $0xffff  }
0x24a: {  	v57 =	vor.u32 v7, v33;
	v39 =	vor.u32 s26, v15;
	v44 =	vor.u32 v21, v56;
	v37 =	vld.idx.msk [tilespmem:v45+s21+$0x0], $0xffff  }
0x24b: {  	v45 =	vor.u32 v21, v57;
	[tilespmem:v46+s24+$0x0] =	vst.idx.msk $0xffff, v40  }
0x24c: {  	v58 =	vor.u32 v6, v32;
	v46 =	vor.u32 s7, v51;
	v35 =	vld.idx.msk [tilespmem:v35+s21+$0x0], $0xffff  }
0x24d: {  	v56 =	vor.u32 v6, v34;
	v40 =	vor.u32 v21, v58;
	[tilespmem:v38+s24+$0x0] =	vst.idx.msk $0xffff, v36  }
0x24e: {  	v57 =	vor.u32 v6, v31;
	v38 =	vor.u32 s25, v51;
	v36 =	vld.idx.msk [tilespmem:v41+s21+$0x0], $0xffff;
	[tilespmem:v43+s24+$0x0] =	vst.idx.msk $0xffff, v42  }
0x24f: {  	v41 =	vor.u32 v21, v56;
	v43 =	vor.u32 s18, v51;
	[tilespmem:v39+s24+$0x0] =	vst.idx.msk $0xffff, v37;
	v42 =	vld.idx.msk [tilespmem:v44+s21+$0x0], $0xffff  }
0x250: {  	v58 =	vor.u32 v6, v33;
	v39 =	vor.u32 s26, v51;
	v44 =	vor.u32 v21, v57;
	v37 =	vld.idx.msk [tilespmem:v45+s21+$0x0], $0xffff  }
0x251: {  	v45 =	vor.u32 v21, v58;
	[tilespmem:v46+s24+$0x0] =	vst.idx.msk $0xffff, v35  }
0x252: {  	v56 =	vor.u32 v5, v32;
	v46 =	vor.u32 s7, v52;
	v40 =	vld.idx.msk [tilespmem:v40+s21+$0x0], $0xffff  }
0x253: {  	v57 =	vor.u32 v5, v34;
	v35 =	vor.u32 v21, v56;
	[tilespmem:v38+s24+$0x0] =	vst.idx.msk $0xffff, v36  }
0x254: {  	v58 =	vor.u32 v5, v31;
	v38 =	vor.u32 s25, v52;
	v36 =	vld.idx.msk [tilespmem:v41+s21+$0x0], $0xffff;
	[tilespmem:v43+s24+$0x0] =	vst.idx.msk $0xffff, v42  }
0x255: {  	v41 =	vor.u32 v21, v57;
	v43 =	vor.u32 s18, v52;
	[tilespmem:v39+s24+$0x0] =	vst.idx.msk $0xffff, v37;
	v42 =	vld.idx.msk [tilespmem:v44+s21+$0x0], $0xffff  }
0x256: {  	v56 =	vor.u32 v5, v33;
	v39 =	vor.u32 s26, v52;
	v44 =	vor.u32 v21, v58;
	v37 =	vld.idx.msk [tilespmem:v45+s21+$0x0], $0xffff  }
0x257: {  	v45 =	vor.u32 v21, v56;
	[tilespmem:v46+s24+$0x0] =	vst.idx.msk $0xffff, v40  }
0x258: {  	v57 =	vor.u32 v4, v32;
	v46 =	vor.u32 s7, v53;
	v35 =	vld.idx.msk [tilespmem:v35+s21+$0x0], $0xffff  }
0x259: {  	v58 =	vor.u32 v4, v34;
	v56 =	vor.u32 v4, v31;
	[tilespmem:v38+s24+$0x0] =	vst.idx.msk $0xffff, v36  }
0x25a: {  	v40 =	vor.u32 v21, v57;
	v38 =	vor.u32 s25, v53;
	v36 =	vld.idx.msk [tilespmem:v41+s21+$0x0], $0xffff;
	[tilespmem:v43+s24+$0x0] =	vst.idx.msk $0xffff, v42  }
0x25b: {  	v41 =	vor.u32 v21, v58;
	v43 =	vor.u32 s18, v53;
	[tilespmem:v39+s24+$0x0] =	vst.idx.msk $0xffff, v37;
	v42 =	vld.idx.msk [tilespmem:v44+s21+$0x0], $0xffff  }
0x25c: {  	v57 =	vor.u32 v4, v33;
	v39 =	vor.u32 s26, v53;
	v44 =	vor.u32 v21, v56;
	v37 =	vld.idx.msk [tilespmem:v45+s21+$0x0], $0xffff  }
0x25d: {  	[tilespmem:v46+s24+$0x0] =	vst.idx.msk $0xffff, v35;
	v35 =	vor.u32 v21, v57  }
0x25e: {  	v58 =	vor.u32 v3, v32;
	v45 =	vor.u32 s7, v54  }
0x25f: {  	v56 =	vor.u32 v3, v34;
	v57 =	vor.u32 v3, v31;
	v40 =	vld.idx.msk [tilespmem:v40+s21+$0x0], $0xffff;
	[tilespmem:v38+s24+$0x0] =	vst.idx.msk $0xffff, v36  }
0x260: {  	v36 =	vor.u32 v21, v58;
	v38 =	vld.idx.msk [tilespmem:v41+s21+$0x0], $0xffff;
	v41 =	vor.u32 s25, v54;
	[tilespmem:v43+s24+$0x0] =	vst.idx.msk $0xffff, v42  }
0x261: {  	v42 =	vor.u32 v21, v56;
	[tilespmem:v39+s24+$0x0] =	vst.idx.msk $0xffff, v37;
	v43 =	vld.idx.msk [tilespmem:v44+s21+$0x0], $0xffff;
	v44 =	vor.u32 s18, v54  }
0x262: {  	v58 =	vor.u32 v3, v33;
	v37 =	vor.u32 v21, v57;
	v39 =	vor.u32 s26, v54;
	v35 =	vld.idx.msk [tilespmem:v35+s21+$0x0], $0xffff  }
0x263: {  	v56 =	vor.u32 v21, v58  }
0x264: {  	v32 =	vor.u32 v2, v32;
	v34 =	vor.u32 v2, v34;
	[tilespmem:v45+s24+$0x0] =	vst.idx.msk $0xffff, v40  }
0x265: {  	v32 =	vor.u32 v21, v32;
	v57 =	vor.u32 s7, v55;
	[tilespmem:v41+s24+$0x0] =	vst.idx.msk $0xffff, v38;
	v36 =	vld.idx.msk [tilespmem:v36+s21+$0x0], $0xffff  }
0x266: {  	v34 =	vor.u32 v21, v34;
	v58 =	vor.u32 s25, v55;
	[tilespmem:v44+s24+$0x0] =	vst.idx.msk $0xffff, v43;
	v41 =	vld.idx.msk [tilespmem:v42+s21+$0x0], $0xffff  }
0x267: {  	v31 =	vor.u32 v2, v31;
	v44 =	vor.u32 s18, v55;
	v37 =	vld.idx.msk [tilespmem:v37+s21+$0x0], $0xffff;
	[tilespmem:v39+s24+$0x0] =	vst.idx.msk $0xffff, v35  }
0x268: {  	v31 =	vor.u32 v21, v31;
	v33 =	vor.u32 v2, v33;
	v45 =	vor.u32 s26, v55;
	v39 =	vld.idx.msk [tilespmem:v56+s21+$0x0], $0xffff  }
0x269: {  	v33 =	vor.u32 v21, v33  }
0x26a: {  	[tilespmem:v57+s24+$0x0] =	vst.idx.msk $0xffff, v36  }
0x26b: {  	v46 =	vor.u32 s7, v26;
	[tilespmem:v58+s24+$0x0] =	vst.idx.msk $0xffff, v41;
	v32 =	vld.idx.msk [tilespmem:v32+s21+$0x0], $0xffff  }
0x26c: {  	v56 =	vor.u32 s25, v26;
	[tilespmem:v44+s24+$0x0] =	vst.idx.msk $0xffff, v37;
	v34 =	vld.idx.msk [tilespmem:v34+s21+$0x0], $0xffff  }
0x26d: {  	v57 =	vor.u32 s18, v26;
	v31 =	vld.idx.msk [tilespmem:v31+s21+$0x0], $0xffff;
	[tilespmem:v45+s24+$0x0] =	vst.idx.msk $0xffff, v39  }
0x26e: {  	p3 =	por p2, p2;
	v58 =	vor.u32 s26, v26;
	v33 =	vld.idx.msk [tilespmem:v33+s21+$0x0], $0xffff  }
.Ltmp2:
0x26f: {  	_ = 	snop;
	(pc) =	sbr.rel @p3 .LBB2_6-.Ltmp2, $4  }
0x270: {  	[tilespmem:v46+s24+$0x0] =	vst.idx.msk $0xffff, v32  }
0x271: {  	[tilespmem:v56+s24+$0x0] =	vst.idx.msk $0xffff, v34  }
0x272: {  	[tilespmem:v57+s24+$0x0] =	vst.idx.msk $0xffff, v31  }
0x273: {  	p2 =	por $0x0, $0x0;
	s7 =	simm.s32 $0x40;
	[tilespmem:v58+s24+$0x0] =	vst.idx.msk $0xffff, v33  }
0x274: {  	v47 =	vld [tilespmem:$0x1FC20]  }
0x275: {  	v48 =	vld [tilespmem:$0x1FC30]  }
0x276: {  	v15 =	vld [tilespmem:$0x1FC40]  }
0x277: {  	s7 =	sadd.s32 s4, s8;
	v51 =	vld [tilespmem:$0x1FC50]  }
0x278: {  	v52 =	vld [tilespmem:$0x1FC60];
	s18 =	sshll.u32 s7, $0x3  }
0x279: {  	v53 =	vld [tilespmem:$0x1FC70];
	s7 =	sand.u32 $0x3F00, s7;
	s18 =	sand.u32 $0xFFE0000, s18  }
0x27a: {  	v54 =	vld [tilespmem:$0x1FC80];
	s18 =	sor.u32 s7, s18  }
0x27b: {  	v55 =	vld [tilespmem:$0x1FC90];
	s7 =	simm.s32 $0x0;
	s25 =	sadd.s32 s2, s18  }
0x27c: {  	v56 =	vld [tilespmem:$0x1FCA0];
	[hbm4b:s25+s7] =	stream.linear.scatter [tilespmem:s24], [sflag:$0x4], $0x400, $0x38  }
0x27d: {  	s26 =	simm.s32 $0x4500;
	p2 =	por $0x1, $0x1;
	v57 =	vld [tilespmem:$0x1FCB0];
	s28 =	sadd.s32 s18, s10  }
0x27e: {  	v58 =	vld [tilespmem:$0x1FCC0];
	[hbm4b:s28+s7] =	stream.linear.scatter [tilespmem:s26], [sflag:$0x4], $0x400, $0x38  }
.LBB2_8:
0x27f: {  	v31 =	vmov s7  }
0x280: {  	s26 =	sor.u32 $0x10, s7;
	v32 =	vshll.u32 v31, $0x6  }
0x281: {  	s25 =	sor.u32 $0x20, s7;
	v31 =	vmov s26;
	v33 =	vor.u32 v28, v32  }
0x282: {  	s28 =	sor.u32 $0x30, s7;
	v34 =	vshll.u32 v31, $0x6;
	v31 =	vmov s25;
	v35 =	vor.u32 v29, v33  }
0x283: {  	v37 =	vmov s28;
	v45 =	vor.u32 v28, v34;
	v31 =	vshll.u32 v31, $0x6  }
0x284: {  	v33 =	vshll.u32 v37, $0x6;
	v36 =	vor.u32 v29, v45;
	v46 =	vor.u32 v28, v31  }
0x285: {  	v37 =	vor.u32 v28, v33;
	v38 =	vor.u32 v29, v46  }
0x286: {  	v37 =	vor.u32 v29, v37  }
0x287: {  	v39 =	vor.u32 s7, v17;
	v40 =	vor.u32 v14, v32;
	v35 =	vld.idx.msk [tilespmem:v35+s21+$0x0], $0xffff  }
0x288: {  	v40 =	vor.u32 v29, v40  }
0x289: {  	v41 =	vor.u32 s26, v17;
	v42 =	vor.u32 v14, v34;
	v36 =	vld.idx.msk [tilespmem:v36+s21+$0x0], $0xffff  }
0x28a: {  	v43 =	vor.u32 s25, v17;
	v42 =	vor.u32 v29, v42;
	v44 =	vor.u32 v14, v31;
	v38 =	vld.idx.msk [tilespmem:v38+s21+$0x0], $0xffff  }
0x28b: {  	v45 =	vor.u32 s28, v17;
	v44 =	vor.u32 v29, v44;
	v46 =	vor.u32 v14, v33;
	v37 =	vld.idx.msk [tilespmem:v37+s21+$0x0], $0xffff  }
0x28c: {  	[tilespmem:v39+s24+$0x0] =	vst.idx.msk $0xffff, v35;
	v39 =	vor.u32 v29, v46  }
0x28d: {  	v49 =	vor.u32 v13, v32;
	v46 =	vor.u32 s7, v16;
	v40 =	vld.idx.msk [tilespmem:v40+s21+$0x0], $0xffff  }
0x28e: {  	v50 =	vor.u32 v13, v34;
	v35 =	vor.u32 v29, v49;
	[tilespmem:v41+s24+$0x0] =	vst.idx.msk $0xffff, v36  }
0x28f: {  	v49 =	vor.u32 v13, v31;
	v41 =	vor.u32 s26, v16;
	v36 =	vld.idx.msk [tilespmem:v42+s21+$0x0], $0xffff;
	[tilespmem:v43+s24+$0x0] =	vst.idx.msk $0xffff, v38  }
0x290: {  	v38 =	vor.u32 v29, v50;
	v43 =	vor.u32 s25, v16;
	[tilespmem:v45+s24+$0x0] =	vst.idx.msk $0xffff, v37;
	v42 =	vld.idx.msk [tilespmem:v44+s21+$0x0], $0xffff  }
0x291: {  	v50 =	vor.u32 v13, v33;
	v44 =	vor.u32 v29, v49;
	v37 =	vld.idx.msk [tilespmem:v39+s21+$0x0], $0xffff;
	v39 =	vor.u32 s28, v16  }
0x292: {  	v45 =	vor.u32 v29, v50;
	[tilespmem:v46+s24+$0x0] =	vst.idx.msk $0xffff, v40  }
0x293: {  	v49 =	vor.u32 v12, v32;
	v46 =	vor.u32 s7, v61;
	v35 =	vld.idx.msk [tilespmem:v35+s21+$0x0], $0xffff  }
0x294: {  	v50 =	vor.u32 v12, v34;
	v40 =	vor.u32 v29, v49;
	[tilespmem:v41+s24+$0x0] =	vst.idx.msk $0xffff, v36  }
0x295: {  	v49 =	vor.u32 v12, v31;
	v36 =	vld.idx.msk [tilespmem:v38+s21+$0x0], $0xffff;
	v38 =	vor.u32 s26, v61;
	[tilespmem:v43+s24+$0x0] =	vst.idx.msk $0xffff, v42  }
0x296: {  	v41 =	vor.u32 v29, v50;
	v43 =	vor.u32 s25, v61;
	v42 =	vld.idx.msk [tilespmem:v44+s21+$0x0], $0xffff;
	[tilespmem:v39+s24+$0x0] =	vst.idx.msk $0xffff, v37  }
0x297: {  	v50 =	vor.u32 v12, v33;
	v44 =	vor.u32 v29, v49;
	v39 =	vor.u32 s28, v61;
	v37 =	vld.idx.msk [tilespmem:v45+s21+$0x0], $0xffff  }
0x298: {  	v45 =	vor.u32 v29, v50;
	[tilespmem:v46+s24+$0x0] =	vst.idx.msk $0xffff, v35  }
0x299: {  	v49 =	vor.u32 v1, v32;
	v46 =	vor.u32 s7, v62;
	v40 =	vld.idx.msk [tilespmem:v40+s21+$0x0], $0xffff  }
0x29a: {  	v50 =	vor.u32 v1, v34;
	v35 =	vor.u32 v29, v49;
	[tilespmem:v38+s24+$0x0] =	vst.idx.msk $0xffff, v36  }
0x29b: {  	v49 =	vor.u32 v1, v31;
	v38 =	vor.u32 s26, v62;
	v36 =	vld.idx.msk [tilespmem:v41+s21+$0x0], $0xffff;
	[tilespmem:v43+s24+$0x0] =	vst.idx.msk $0xffff, v42  }
0x29c: {  	v41 =	vor.u32 v29, v50;
	v43 =	vor.u32 s25, v62;
	v42 =	vld.idx.msk [tilespmem:v44+s21+$0x0], $0xffff;
	[tilespmem:v39+s24+$0x0] =	vst.idx.msk $0xffff, v37  }
0x29d: {  	v50 =	vor.u32 v1, v33;
	v44 =	vor.u32 v29, v49;
	v39 =	vor.u32 s28, v62;
	v37 =	vld.idx.msk [tilespmem:v45+s21+$0x0], $0xffff  }
0x29e: {  	v45 =	vor.u32 v29, v50;
	[tilespmem:v46+s24+$0x0] =	vst.idx.msk $0xffff, v40  }
0x29f: {  	v49 =	vor.u32 v0, v32;
	v46 =	vor.u32 s7, v63;
	v35 =	vld.idx.msk [tilespmem:v35+s21+$0x0], $0xffff  }
0x2a0: {  	v50 =	vor.u32 v0, v34;
	v40 =	vor.u32 v29, v49;
	[tilespmem:v38+s24+$0x0] =	vst.idx.msk $0xffff, v36  }
0x2a1: {  	v49 =	vor.u32 v0, v31;
	v38 =	vor.u32 s26, v63;
	v36 =	vld.idx.msk [tilespmem:v41+s21+$0x0], $0xffff;
	[tilespmem:v43+s24+$0x0] =	vst.idx.msk $0xffff, v42  }
0x2a2: {  	v41 =	vor.u32 v29, v50;
	v43 =	vor.u32 s25, v63;
	v42 =	vld.idx.msk [tilespmem:v44+s21+$0x0], $0xffff;
	[tilespmem:v39+s24+$0x0] =	vst.idx.msk $0xffff, v37  }
0x2a3: {  	v50 =	vor.u32 v0, v33;
	v44 =	vor.u32 v29, v49;
	v39 =	vor.u32 s28, v63;
	v37 =	vld.idx.msk [tilespmem:v45+s21+$0x0], $0xffff  }
0x2a4: {  	v45 =	vor.u32 v29, v50;
	[tilespmem:v46+s24+$0x0] =	vst.idx.msk $0xffff, v35  }
0x2a5: {  	v49 =	vor.u32 v11, v32;
	v46 =	vor.u32 s7, v47;
	v40 =	vld.idx.msk [tilespmem:v40+s21+$0x0], $0xffff  }
0x2a6: {  	v50 =	vor.u32 v11, v34;
	v35 =	vor.u32 v29, v49;
	[tilespmem:v38+s24+$0x0] =	vst.idx.msk $0xffff, v36  }
0x2a7: {  	v49 =	vor.u32 v11, v31;
	v38 =	vor.u32 s26, v47;
	v36 =	vld.idx.msk [tilespmem:v41+s21+$0x0], $0xffff;
	[tilespmem:v43+s24+$0x0] =	vst.idx.msk $0xffff, v42  }
0x2a8: {  	v41 =	vor.u32 v29, v50;
	v43 =	vor.u32 s25, v47;
	v42 =	vld.idx.msk [tilespmem:v44+s21+$0x0], $0xffff;
	[tilespmem:v39+s24+$0x0] =	vst.idx.msk $0xffff, v37  }
0x2a9: {  	v50 =	vor.u32 v11, v33;
	v44 =	vor.u32 v29, v49;
	v39 =	vor.u32 s28, v47;
	v37 =	vld.idx.msk [tilespmem:v45+s21+$0x0], $0xffff  }
0x2aa: {  	v45 =	vor.u32 v29, v50;
	[tilespmem:v46+s24+$0x0] =	vst.idx.msk $0xffff, v40  }
0x2ab: {  	v49 =	vor.u32 v10, v32;
	v46 =	vor.u32 s7, v48;
	v35 =	vld.idx.msk [tilespmem:v35+s21+$0x0], $0xffff  }
0x2ac: {  	v50 =	vor.u32 v10, v34;
	v40 =	vor.u32 v29, v49;
	[tilespmem:v38+s24+$0x0] =	vst.idx.msk $0xffff, v36  }
0x2ad: {  	v49 =	vor.u32 v10, v31;
	v38 =	vor.u32 s26, v48;
	v36 =	vld.idx.msk [tilespmem:v41+s21+$0x0], $0xffff;
	[tilespmem:v43+s24+$0x0] =	vst.idx.msk $0xffff, v42  }
0x2ae: {  	v41 =	vor.u32 v29, v50;
	v43 =	vor.u32 s25, v48;
	v42 =	vld.idx.msk [tilespmem:v44+s21+$0x0], $0xffff;
	[tilespmem:v39+s24+$0x0] =	vst.idx.msk $0xffff, v37  }
0x2af: {  	v50 =	vor.u32 v10, v33;
	v44 =	vor.u32 v29, v49;
	v39 =	vor.u32 s28, v48;
	v37 =	vld.idx.msk [tilespmem:v45+s21+$0x0], $0xffff  }
0x2b0: {  	v45 =	vor.u32 v29, v50;
	[tilespmem:v46+s24+$0x0] =	vst.idx.msk $0xffff, v35  }
0x2b1: {  	v49 =	vor.u32 v9, v32;
	v46 =	vor.u32 s7, v15;
	v40 =	vld.idx.msk [tilespmem:v40+s21+$0x0], $0xffff  }
0x2b2: {  	v50 =	vor.u32 v9, v34;
	v35 =	vor.u32 v29, v49;
	[tilespmem:v38+s24+$0x0] =	vst.idx.msk $0xffff, v36  }
0x2b3: {  	v49 =	vor.u32 v9, v31;
	v38 =	vor.u32 s26, v15;
	v36 =	vld.idx.msk [tilespmem:v41+s21+$0x0], $0xffff;
	[tilespmem:v43+s24+$0x0] =	vst.idx.msk $0xffff, v42  }
0x2b4: {  	v41 =	vor.u32 v29, v50;
	v43 =	vor.u32 s25, v15;
	v42 =	vld.idx.msk [tilespmem:v44+s21+$0x0], $0xffff;
	[tilespmem:v39+s24+$0x0] =	vst.idx.msk $0xffff, v37  }
0x2b5: {  	v50 =	vor.u32 v9, v33;
	v44 =	vor.u32 v29, v49;
	v39 =	vor.u32 s28, v15;
	v37 =	vld.idx.msk [tilespmem:v45+s21+$0x0], $0xffff  }
0x2b6: {  	v45 =	vor.u32 v29, v50;
	[tilespmem:v46+s24+$0x0] =	vst.idx.msk $0xffff, v40  }
0x2b7: {  	v49 =	vor.u32 v8, v32;
	v46 =	vor.u32 s7, v51;
	v35 =	vld.idx.msk [tilespmem:v35+s21+$0x0], $0xffff  }
0x2b8: {  	v50 =	vor.u32 v8, v34;
	v40 =	vor.u32 v29, v49;
	[tilespmem:v38+s24+$0x0] =	vst.idx.msk $0xffff, v36  }
0x2b9: {  	v49 =	vor.u32 v8, v31;
	v38 =	vor.u32 s26, v51;
	v36 =	vld.idx.msk [tilespmem:v41+s21+$0x0], $0xffff;
	[tilespmem:v43+s24+$0x0] =	vst.idx.msk $0xffff, v42  }
0x2ba: {  	v41 =	vor.u32 v29, v50;
	v43 =	vor.u32 s25, v51;
	v42 =	vld.idx.msk [tilespmem:v44+s21+$0x0], $0xffff;
	[tilespmem:v39+s24+$0x0] =	vst.idx.msk $0xffff, v37  }
0x2bb: {  	v50 =	vor.u32 v8, v33;
	v44 =	vor.u32 v29, v49;
	v39 =	vor.u32 s28, v51;
	v37 =	vld.idx.msk [tilespmem:v45+s21+$0x0], $0xffff  }
0x2bc: {  	v45 =	vor.u32 v29, v50;
	[tilespmem:v46+s24+$0x0] =	vst.idx.msk $0xffff, v35  }
0x2bd: {  	v49 =	vor.u32 v7, v32;
	v46 =	vor.u32 s7, v52;
	v40 =	vld.idx.msk [tilespmem:v40+s21+$0x0], $0xffff  }
0x2be: {  	v50 =	vor.u32 v7, v34;
	v35 =	vor.u32 v29, v49;
	[tilespmem:v38+s24+$0x0] =	vst.idx.msk $0xffff, v36  }
0x2bf: {  	v49 =	vor.u32 v7, v31;
	v38 =	vor.u32 s26, v52;
	v36 =	vld.idx.msk [tilespmem:v41+s21+$0x0], $0xffff;
	[tilespmem:v43+s24+$0x0] =	vst.idx.msk $0xffff, v42  }
0x2c0: {  	v41 =	vor.u32 v29, v50;
	v43 =	vor.u32 s25, v52;
	v42 =	vld.idx.msk [tilespmem:v44+s21+$0x0], $0xffff;
	[tilespmem:v39+s24+$0x0] =	vst.idx.msk $0xffff, v37  }
0x2c1: {  	v50 =	vor.u32 v7, v33;
	v44 =	vor.u32 v29, v49;
	v39 =	vor.u32 s28, v52;
	v37 =	vld.idx.msk [tilespmem:v45+s21+$0x0], $0xffff  }
0x2c2: {  	v45 =	vor.u32 v29, v50;
	[tilespmem:v46+s24+$0x0] =	vst.idx.msk $0xffff, v40  }
0x2c3: {  	v49 =	vor.u32 v6, v32;
	v46 =	vor.u32 s7, v53;
	v35 =	vld.idx.msk [tilespmem:v35+s21+$0x0], $0xffff  }
0x2c4: {  	v50 =	vor.u32 v6, v34;
	v40 =	vor.u32 v29, v49;
	[tilespmem:v38+s24+$0x0] =	vst.idx.msk $0xffff, v36  }
0x2c5: {  	v49 =	vor.u32 v6, v31;
	v38 =	vor.u32 s26, v53;
	v36 =	vld.idx.msk [tilespmem:v41+s21+$0x0], $0xffff;
	[tilespmem:v43+s24+$0x0] =	vst.idx.msk $0xffff, v42  }
0x2c6: {  	v41 =	vor.u32 v29, v50;
	v43 =	vor.u32 s25, v53;
	v42 =	vld.idx.msk [tilespmem:v44+s21+$0x0], $0xffff;
	[tilespmem:v39+s24+$0x0] =	vst.idx.msk $0xffff, v37  }
0x2c7: {  	v50 =	vor.u32 v6, v33;
	v44 =	vor.u32 v29, v49;
	v39 =	vor.u32 s28, v53;
	v37 =	vld.idx.msk [tilespmem:v45+s21+$0x0], $0xffff  }
0x2c8: {  	v45 =	vor.u32 v29, v50;
	[tilespmem:v46+s24+$0x0] =	vst.idx.msk $0xffff, v35  }
0x2c9: {  	v49 =	vor.u32 v5, v32;
	v46 =	vor.u32 s7, v54;
	v40 =	vld.idx.msk [tilespmem:v40+s21+$0x0], $0xffff  }
0x2ca: {  	v50 =	vor.u32 v5, v34;
	v35 =	vor.u32 v29, v49;
	[tilespmem:v38+s24+$0x0] =	vst.idx.msk $0xffff, v36  }
0x2cb: {  	v49 =	vor.u32 v5, v31;
	v38 =	vor.u32 s26, v54;
	v36 =	vld.idx.msk [tilespmem:v41+s21+$0x0], $0xffff;
	[tilespmem:v43+s24+$0x0] =	vst.idx.msk $0xffff, v42  }
0x2cc: {  	v41 =	vor.u32 v29, v50;
	v43 =	vor.u32 s25, v54;
	v42 =	vld.idx.msk [tilespmem:v44+s21+$0x0], $0xffff;
	[tilespmem:v39+s24+$0x0] =	vst.idx.msk $0xffff, v37  }
0x2cd: {  	v50 =	vor.u32 v5, v33;
	v44 =	vor.u32 v29, v49;
	v39 =	vor.u32 s28, v54;
	v37 =	vld.idx.msk [tilespmem:v45+s21+$0x0], $0xffff  }
0x2ce: {  	v45 =	vor.u32 v29, v50;
	[tilespmem:v46+s24+$0x0] =	vst.idx.msk $0xffff, v40  }
0x2cf: {  	v49 =	vor.u32 v4, v32;
	v46 =	vor.u32 s7, v55;
	v35 =	vld.idx.msk [tilespmem:v35+s21+$0x0], $0xffff  }
0x2d0: {  	v50 =	vor.u32 v4, v34;
	v40 =	vor.u32 v29, v49;
	[tilespmem:v38+s24+$0x0] =	vst.idx.msk $0xffff, v36  }
0x2d1: {  	v49 =	vor.u32 v4, v31;
	v38 =	vor.u32 s26, v55;
	v36 =	vld.idx.msk [tilespmem:v41+s21+$0x0], $0xffff;
	[tilespmem:v43+s24+$0x0] =	vst.idx.msk $0xffff, v42  }
0x2d2: {  	v41 =	vor.u32 v29, v50;
	v43 =	vor.u32 s25, v55;
	v42 =	vld.idx.msk [tilespmem:v44+s21+$0x0], $0xffff;
	[tilespmem:v39+s24+$0x0] =	vst.idx.msk $0xffff, v37  }
0x2d3: {  	v50 =	vor.u32 v4, v33;
	v44 =	vor.u32 v29, v49;
	v39 =	vor.u32 s28, v55;
	v37 =	vld.idx.msk [tilespmem:v45+s21+$0x0], $0xffff  }
0x2d4: {  	[tilespmem:v46+s24+$0x0] =	vst.idx.msk $0xffff, v35;
	v35 =	vor.u32 v29, v50  }
0x2d5: {  	v49 =	vor.u32 v3, v32;
	v45 =	vor.u32 s7, v56;
	v40 =	vld.idx.msk [tilespmem:v40+s21+$0x0], $0xffff  }
0x2d6: {  	v50 =	vor.u32 v3, v34;
	[tilespmem:v38+s24+$0x0] =	vst.idx.msk $0xffff, v36;
	v36 =	vor.u32 v29, v49  }
0x2d7: {  	v49 =	vor.u32 v3, v31;
	v38 =	vld.idx.msk [tilespmem:v41+s21+$0x0], $0xffff;
	v41 =	vor.u32 s26, v56;
	[tilespmem:v43+s24+$0x0] =	vst.idx.msk $0xffff, v42  }
0x2d8: {  	v42 =	vor.u32 v29, v50;
	v43 =	vld.idx.msk [tilespmem:v44+s21+$0x0], $0xffff;
	v44 =	vor.u32 s25, v56;
	[tilespmem:v39+s24+$0x0] =	vst.idx.msk $0xffff, v37  }
0x2d9: {  	v50 =	vor.u32 v3, v33;
	v37 =	vor.u32 v29, v49;
	v39 =	vor.u32 s28, v56;
	v35 =	vld.idx.msk [tilespmem:v35+s21+$0x0], $0xffff  }
0x2da: {  	v32 =	vor.u32 v2, v32;
	[tilespmem:v45+s24+$0x0] =	vst.idx.msk $0xffff, v40;
	v45 =	vor.u32 v29, v50  }
0x2db: {  	v32 =	vor.u32 v29, v32  }
0x2dc: {  	v46 =	vor.u32 s7, v57;
	v34 =	vor.u32 v2, v34;
	[tilespmem:v41+s24+$0x0] =	vst.idx.msk $0xffff, v38;
	v36 =	vld.idx.msk [tilespmem:v36+s21+$0x0], $0xffff  }
0x2dd: {  	v34 =	vor.u32 v29, v34;
	v49 =	vor.u32 s26, v57;
	[tilespmem:v44+s24+$0x0] =	vst.idx.msk $0xffff, v43;
	v41 =	vld.idx.msk [tilespmem:v42+s21+$0x0], $0xffff  }
0x2de: {  	v31 =	vor.u32 v2, v31;
	v50 =	vor.u32 s25, v57;
	v37 =	vld.idx.msk [tilespmem:v37+s21+$0x0], $0xffff;
	[tilespmem:v39+s24+$0x0] =	vst.idx.msk $0xffff, v35  }
0x2df: {  	v31 =	vor.u32 v29, v31;
	v33 =	vor.u32 v2, v33;
	v44 =	vor.u32 s28, v57;
	v39 =	vld.idx.msk [tilespmem:v45+s21+$0x0], $0xffff  }
0x2e0: {  	v33 =	vor.u32 v29, v33  }
0x2e1: {  	[tilespmem:v46+s24+$0x0] =	vst.idx.msk $0xffff, v36  }
0x2e2: {  	v45 =	vor.u32 s7, v58;
	[tilespmem:v49+s24+$0x0] =	vst.idx.msk $0xffff, v41;
	v32 =	vld.idx.msk [tilespmem:v32+s21+$0x0], $0xffff  }
0x2e3: {  	v46 =	vor.u32 s26, v58;
	[tilespmem:v50+s24+$0x0] =	vst.idx.msk $0xffff, v37;
	v34 =	vld.idx.msk [tilespmem:v34+s21+$0x0], $0xffff  }
0x2e4: {  	v49 =	vor.u32 s25, v58;
	v31 =	vld.idx.msk [tilespmem:v31+s21+$0x0], $0xffff;
	[tilespmem:v44+s24+$0x0] =	vst.idx.msk $0xffff, v39  }
0x2e5: {  	p3 =	por p2, p2;
	v50 =	vor.u32 s28, v58;
	v33 =	vld.idx.msk [tilespmem:v33+s21+$0x0], $0xffff  }
.Ltmp3:
0x2e6: {  	_ = 	snop;
	(pc) =	sbr.rel @p3 .LBB2_8-.Ltmp3, $4  }
0x2e7: {  	[tilespmem:v45+s24+$0x0] =	vst.idx.msk $0xffff, v32  }
0x2e8: {  	[tilespmem:v46+s24+$0x0] =	vst.idx.msk $0xffff, v34  }
0x2e9: {  	[tilespmem:v49+s24+$0x0] =	vst.idx.msk $0xffff, v31  }
0x2ea: {  	p2 =	por $0x0, $0x0;
	s7 =	simm.s32 $0x40;
	[tilespmem:v50+s24+$0x0] =	vst.idx.msk $0xffff, v33  }
0x2eb: {  	v15 =	vld [tilespmem:$0x1FEF0]  }
0x2ec: {  	v49 =	vld [tilespmem:$0x1FF00]  }
0x2ed: {  	v50 =	vld [tilespmem:$0x1FF10]  }
0x2ee: {  	v51 =	vld [tilespmem:$0x1FF20]  }
0x2ef: {  	v52 =	vld [tilespmem:$0x1FF30]  }
0x2f0: {  	v53 =	vld [tilespmem:$0x1FF40]  }
0x2f1: {  	v54 =	vld [tilespmem:$0x1FF50]  }
0x2f2: {  	s25 =	sadd.s32 s18, s11;
	s7 =	simm.s32 $0x0;
	s26 =	simm.s32 $0x4900;
	v55 =	vld [tilespmem:$0x1FF60]  }
0x2f3: {  	v56 =	vld [tilespmem:$0x1FF70];
	[hbm4b:s25+s7] =	stream.linear.scatter [tilespmem:s26], [sflag:$0x4], $0x400, $0x38  }
0x2f4: {  	s28 =	simm.s32 $0x4D00;
	p2 =	por $0x1, $0x1;
	v57 =	vld [tilespmem:$0x1FCD0];
	s26 =	sadd.s32 s18, s12  }
0x2f5: {  	v58 =	vld [tilespmem:$0x1FCE0];
	[hbm4b:s26+s7] =	stream.linear.scatter [tilespmem:s28], [sflag:$0x4], $0x400, $0x38  }
.LBB2_10:
0x2f6: {  	v31 =	vmov s7  }
0x2f7: {  	s26 =	sor.u32 $0x10, s7;
	v32 =	vshll.u32 v31, $0x6  }
0x2f8: {  	s25 =	sor.u32 $0x20, s7;
	v34 =	vmov s26;
	v31 =	vor.u32 $0x20, v21;
	v33 =	vor.u32 v28, v32  }
0x2f9: {  	s28 =	sor.u32 $0x30, s7;
	v47 =	vmov s25;
	v36 =	vshll.u32 v34, $0x6;
	v37 =	vor.u32 v31, v33  }
0x2fa: {  	v35 =	vmov s28;
	v34 =	vshll.u32 v47, $0x6;
	v48 =	vor.u32 v28, v36  }
0x2fb: {  	v35 =	vshll.u32 v35, $0x6;
	v61 =	vor.u32 v28, v34;
	v38 =	vor.u32 v31, v48  }
0x2fc: {  	v40 =	vor.u32 v28, v35;
	v39 =	vor.u32 v31, v61  }
0x2fd: {  	v33 =	vor.u32 $0x1000, v23;
	v40 =	vor.u32 v31, v40  }
0x2fe: {  	v42 =	vor.u32 v14, v32;
	v41 =	vor.u32 s7, v33;
	v37 =	vld.idx.msk [tilespmem:v37+s21+$0x0], $0xffff  }
0x2ff: {  	v42 =	vor.u32 v31, v42  }
0x300: {  	v44 =	vor.u32 v14, v36;
	v43 =	vor.u32 s26, v33;
	v38 =	vld.idx.msk [tilespmem:v38+s21+$0x0], $0xffff  }
0x301: {  	v46 =	vor.u32 v14, v34;
	v44 =	vor.u32 v31, v44;
	v45 =	vor.u32 s25, v33;
	v39 =	vld.idx.msk [tilespmem:v39+s21+$0x0], $0xffff  }
0x302: {  	v46 =	vor.u32 v31, v46;
	v47 =	vor.u32 s28, v33;
	v48 =	vor.u32 v14, v35;
	v40 =	vld.idx.msk [tilespmem:v40+s21+$0x0], $0xffff  }
0x303: {  	v63 =	vor.u32 v31, v48;
	[tilespmem:v41+s24+$0x0] =	vst.idx.msk $0xffff, v37  }
0x304: {  	v62 =	vor.u32 v13, v32;
	v48 =	vor.u32 s7, v15;
	v42 =	vld.idx.msk [tilespmem:v42+s21+$0x0], $0xffff  }
0x305: {  	v61 =	vor.u32 v13, v36;
	v37 =	vor.u32 v31, v62;
	[tilespmem:v43+s24+$0x0] =	vst.idx.msk $0xffff, v38  }
0x306: {  	v62 =	vor.u32 v13, v34;
	v43 =	vor.u32 s26, v15;
	[tilespmem:v45+s24+$0x0] =	vst.idx.msk $0xffff, v39;
	v38 =	vld.idx.msk [tilespmem:v44+s21+$0x0], $0xffff  }
0x307: {  	v39 =	vor.u32 v31, v61;
	v45 =	vor.u32 s25, v15;
	[tilespmem:v47+s24+$0x0] =	vst.idx.msk $0xffff, v40;
	v44 =	vld.idx.msk [tilespmem:v46+s21+$0x0], $0xffff  }
0x308: {  	v41 =	vor.u32 s28, v15;
	v46 =	vor.u32 v31, v62;
	v40 =	vld.idx.msk [tilespmem:v63+s21+$0x0], $0xffff;
	v63 =	vor.u32 v13, v35  }
0x309: {  	v47 =	vor.u32 v31, v63;
	[tilespmem:v48+s24+$0x0] =	vst.idx.msk $0xffff, v42  }
0x30a: {  	v61 =	vor.u32 v12, v32;
	v48 =	vor.u32 s7, v49;
	v37 =	vld.idx.msk [tilespmem:v37+s21+$0x0], $0xffff  }
0x30b: {  	v62 =	vor.u32 v12, v36;
	v42 =	vor.u32 v31, v61;
	[tilespmem:v43+s24+$0x0] =	vst.idx.msk $0xffff, v38  }
0x30c: {  	v63 =	vor.u32 v12, v34;
	[tilespmem:v45+s24+$0x0] =	vst.idx.msk $0xffff, v44;
	v38 =	vld.idx.msk [tilespmem:v39+s21+$0x0], $0xffff;
	v39 =	vor.u32 s26, v49  }
0x30d: {  	v43 =	vor.u32 v31, v62;
	v45 =	vor.u32 s25, v49;
	[tilespmem:v41+s24+$0x0] =	vst.idx.msk $0xffff, v40;
	v44 =	vld.idx.msk [tilespmem:v46+s21+$0x0], $0xffff  }
0x30e: {  	v61 =	vor.u32 v12, v35;
	v41 =	vor.u32 s28, v49;
	v46 =	vor.u32 v31, v63;
	v40 =	vld.idx.msk [tilespmem:v47+s21+$0x0], $0xffff  }
0x30f: {  	v47 =	vor.u32 v31, v61;
	[tilespmem:v48+s24+$0x0] =	vst.idx.msk $0xffff, v37  }
0x310: {  	v62 =	vor.u32 v1, v32;
	v48 =	vor.u32 s7, v50;
	v42 =	vld.idx.msk [tilespmem:v42+s21+$0x0], $0xffff  }
0x311: {  	v63 =	vor.u32 v1, v36;
	v37 =	vor.u32 v31, v62;
	[tilespmem:v39+s24+$0x0] =	vst.idx.msk $0xffff, v38  }
0x312: {  	v61 =	vor.u32 v1, v34;
	v39 =	vor.u32 s26, v50;
	[tilespmem:v45+s24+$0x0] =	vst.idx.msk $0xffff, v44;
	v38 =	vld.idx.msk [tilespmem:v43+s21+$0x0], $0xffff  }
0x313: {  	v45 =	vor.u32 s25, v50;
	[tilespmem:v41+s24+$0x0] =	vst.idx.msk $0xffff, v40;
	v43 =	vor.u32 v31, v63;
	v44 =	vld.idx.msk [tilespmem:v46+s21+$0x0], $0xffff  }
0x314: {  	v62 =	vor.u32 v1, v35;
	v41 =	vor.u32 s28, v50;
	v46 =	vor.u32 v31, v61;
	v40 =	vld.idx.msk [tilespmem:v47+s21+$0x0], $0xffff  }
0x315: {  	v47 =	vor.u32 v31, v62;
	[tilespmem:v48+s24+$0x0] =	vst.idx.msk $0xffff, v42  }
0x316: {  	v63 =	vor.u32 v0, v32;
	v48 =	vor.u32 s7, v51;
	v37 =	vld.idx.msk [tilespmem:v37+s21+$0x0], $0xffff  }
0x317: {  	v61 =	vor.u32 v0, v36;
	v42 =	vor.u32 v31, v63;
	[tilespmem:v39+s24+$0x0] =	vst.idx.msk $0xffff, v38  }
0x318: {  	v62 =	vor.u32 v0, v34;
	v39 =	vor.u32 s26, v51;
	[tilespmem:v45+s24+$0x0] =	vst.idx.msk $0xffff, v44;
	v38 =	vld.idx.msk [tilespmem:v43+s21+$0x0], $0xffff  }
0x319: {  	v45 =	vor.u32 s25, v51;
	[tilespmem:v41+s24+$0x0] =	vst.idx.msk $0xffff, v40;
	v43 =	vor.u32 v31, v61;
	v44 =	vld.idx.msk [tilespmem:v46+s21+$0x0], $0xffff  }
0x31a: {  	v63 =	vor.u32 v0, v35;
	v41 =	vor.u32 s28, v51;
	v46 =	vor.u32 v31, v62;
	v40 =	vld.idx.msk [tilespmem:v47+s21+$0x0], $0xffff  }
0x31b: {  	v47 =	vor.u32 v31, v63;
	[tilespmem:v48+s24+$0x0] =	vst.idx.msk $0xffff, v37  }
0x31c: {  	v61 =	vor.u32 v11, v32;
	v48 =	vor.u32 s7, v52;
	v42 =	vld.idx.msk [tilespmem:v42+s21+$0x0], $0xffff  }
0x31d: {  	v62 =	vor.u32 v11, v36;
	v37 =	vor.u32 v31, v61;
	[tilespmem:v39+s24+$0x0] =	vst.idx.msk $0xffff, v38  }
0x31e: {  	v63 =	vor.u32 v11, v34;
	v39 =	vor.u32 s26, v52;
	[tilespmem:v45+s24+$0x0] =	vst.idx.msk $0xffff, v44;
	v38 =	vld.idx.msk [tilespmem:v43+s21+$0x0], $0xffff  }
0x31f: {  	v45 =	vor.u32 s25, v52;
	[tilespmem:v41+s24+$0x0] =	vst.idx.msk $0xffff, v40;
	v43 =	vor.u32 v31, v62;
	v44 =	vld.idx.msk [tilespmem:v46+s21+$0x0], $0xffff  }
0x320: {  	v61 =	vor.u32 v11, v35;
	v41 =	vor.u32 s28, v52;
	v46 =	vor.u32 v31, v63;
	v40 =	vld.idx.msk [tilespmem:v47+s21+$0x0], $0xffff  }
0x321: {  	v47 =	vor.u32 v31, v61;
	[tilespmem:v48+s24+$0x0] =	vst.idx.msk $0xffff, v42  }
0x322: {  	v62 =	vor.u32 v10, v32;
	v48 =	vor.u32 s7, v53;
	v37 =	vld.idx.msk [tilespmem:v37+s21+$0x0], $0xffff  }
0x323: {  	v63 =	vor.u32 v10, v36;
	v42 =	vor.u32 v31, v62;
	[tilespmem:v39+s24+$0x0] =	vst.idx.msk $0xffff, v38  }
0x324: {  	v61 =	vor.u32 v10, v34;
	v39 =	vor.u32 s26, v53;
	[tilespmem:v45+s24+$0x0] =	vst.idx.msk $0xffff, v44;
	v38 =	vld.idx.msk [tilespmem:v43+s21+$0x0], $0xffff  }
0x325: {  	v45 =	vor.u32 s25, v53;
	[tilespmem:v41+s24+$0x0] =	vst.idx.msk $0xffff, v40;
	v43 =	vor.u32 v31, v63;
	v44 =	vld.idx.msk [tilespmem:v46+s21+$0x0], $0xffff  }
0x326: {  	v62 =	vor.u32 v10, v35;
	v41 =	vor.u32 s28, v53;
	v46 =	vor.u32 v31, v61;
	v40 =	vld.idx.msk [tilespmem:v47+s21+$0x0], $0xffff  }
0x327: {  	v47 =	vor.u32 v31, v62;
	[tilespmem:v48+s24+$0x0] =	vst.idx.msk $0xffff, v37  }
0x328: {  	v63 =	vor.u32 v9, v32;
	v48 =	vor.u32 s7, v54;
	v42 =	vld.idx.msk [tilespmem:v42+s21+$0x0], $0xffff  }
0x329: {  	v61 =	vor.u32 v9, v36;
	v37 =	vor.u32 v31, v63;
	[tilespmem:v39+s24+$0x0] =	vst.idx.msk $0xffff, v38  }
0x32a: {  	v62 =	vor.u32 v9, v34;
	v39 =	vor.u32 s26, v54;
	[tilespmem:v45+s24+$0x0] =	vst.idx.msk $0xffff, v44;
	v38 =	vld.idx.msk [tilespmem:v43+s21+$0x0], $0xffff  }
0x32b: {  	v45 =	vor.u32 s25, v54;
	[tilespmem:v41+s24+$0x0] =	vst.idx.msk $0xffff, v40;
	v43 =	vor.u32 v31, v61;
	v44 =	vld.idx.msk [tilespmem:v46+s21+$0x0], $0xffff  }
0x32c: {  	v63 =	vor.u32 v9, v35;
	v41 =	vor.u32 s28, v54;
	v46 =	vor.u32 v31, v62;
	v40 =	vld.idx.msk [tilespmem:v47+s21+$0x0], $0xffff  }
0x32d: {  	v47 =	vor.u32 v31, v63;
	[tilespmem:v48+s24+$0x0] =	vst.idx.msk $0xffff, v42  }
0x32e: {  	v61 =	vor.u32 v8, v32;
	v48 =	vor.u32 s7, v55;
	v37 =	vld.idx.msk [tilespmem:v37+s21+$0x0], $0xffff  }
0x32f: {  	v62 =	vor.u32 v8, v36;
	v42 =	vor.u32 v31, v61;
	[tilespmem:v39+s24+$0x0] =	vst.idx.msk $0xffff, v38  }
0x330: {  	v63 =	vor.u32 v8, v34;
	v39 =	vor.u32 s26, v55;
	[tilespmem:v45+s24+$0x0] =	vst.idx.msk $0xffff, v44;
	v38 =	vld.idx.msk [tilespmem:v43+s21+$0x0], $0xffff  }
0x331: {  	v45 =	vor.u32 s25, v55;
	[tilespmem:v41+s24+$0x0] =	vst.idx.msk $0xffff, v40;
	v43 =	vor.u32 v31, v62;
	v44 =	vld.idx.msk [tilespmem:v46+s21+$0x0], $0xffff  }
0x332: {  	v61 =	vor.u32 v8, v35;
	v41 =	vor.u32 s28, v55;
	v46 =	vor.u32 v31, v63;
	v40 =	vld.idx.msk [tilespmem:v47+s21+$0x0], $0xffff  }
0x333: {  	v47 =	vor.u32 v31, v61;
	[tilespmem:v48+s24+$0x0] =	vst.idx.msk $0xffff, v37  }
0x334: {  	v62 =	vor.u32 v7, v32;
	v48 =	vor.u32 s7, v56;
	v42 =	vld.idx.msk [tilespmem:v42+s21+$0x0], $0xffff  }
0x335: {  	v63 =	vor.u32 v7, v36;
	v37 =	vor.u32 v31, v62;
	[tilespmem:v39+s24+$0x0] =	vst.idx.msk $0xffff, v38  }
0x336: {  	v61 =	vor.u32 v7, v34;
	v39 =	vor.u32 s26, v56;
	[tilespmem:v45+s24+$0x0] =	vst.idx.msk $0xffff, v44;
	v38 =	vld.idx.msk [tilespmem:v43+s21+$0x0], $0xffff  }
0x337: {  	v45 =	vor.u32 s25, v56;
	[tilespmem:v41+s24+$0x0] =	vst.idx.msk $0xffff, v40;
	v43 =	vor.u32 v31, v63;
	v44 =	vld.idx.msk [tilespmem:v46+s21+$0x0], $0xffff  }
0x338: {  	v62 =	vor.u32 v7, v35;
	v41 =	vor.u32 s28, v56;
	v46 =	vor.u32 v31, v61;
	v40 =	vld.idx.msk [tilespmem:v47+s21+$0x0], $0xffff  }
0x339: {  	v47 =	vor.u32 v31, v62;
	[tilespmem:v48+s24+$0x0] =	vst.idx.msk $0xffff, v42  }
0x33a: {  	v63 =	vor.u32 v6, v32;
	v48 =	vor.u32 s7, v57;
	v37 =	vld.idx.msk [tilespmem:v37+s21+$0x0], $0xffff  }
0x33b: {  	v61 =	vor.u32 v6, v36;
	v42 =	vor.u32 v31, v63;
	[tilespmem:v39+s24+$0x0] =	vst.idx.msk $0xffff, v38  }
0x33c: {  	v62 =	vor.u32 v6, v34;
	v39 =	vor.u32 s26, v57;
	[tilespmem:v45+s24+$0x0] =	vst.idx.msk $0xffff, v44;
	v38 =	vld.idx.msk [tilespmem:v43+s21+$0x0], $0xffff  }
0x33d: {  	v45 =	vor.u32 s25, v57;
	[tilespmem:v41+s24+$0x0] =	vst.idx.msk $0xffff, v40;
	v43 =	vor.u32 v31, v61;
	v44 =	vld.idx.msk [tilespmem:v46+s21+$0x0], $0xffff  }
0x33e: {  	v63 =	vor.u32 v6, v35;
	v41 =	vor.u32 s28, v57;
	v46 =	vor.u32 v31, v62;
	v40 =	vld.idx.msk [tilespmem:v47+s21+$0x0], $0xffff  }
0x33f: {  	v47 =	vor.u32 v31, v63;
	[tilespmem:v48+s24+$0x0] =	vst.idx.msk $0xffff, v37  }
0x340: {  	v61 =	vor.u32 v5, v32;
	v48 =	vor.u32 s7, v58;
	v42 =	vld.idx.msk [tilespmem:v42+s21+$0x0], $0xffff  }
0x341: {  	v62 =	vor.u32 v5, v36;
	v37 =	vor.u32 v31, v61;
	[tilespmem:v39+s24+$0x0] =	vst.idx.msk $0xffff, v38  }
0x342: {  	v63 =	vor.u32 v5, v34;
	v39 =	vor.u32 s26, v58;
	[tilespmem:v45+s24+$0x0] =	vst.idx.msk $0xffff, v44;
	v38 =	vld.idx.msk [tilespmem:v43+s21+$0x0], $0xffff  }
0x343: {  	v45 =	vor.u32 s25, v58;
	[tilespmem:v41+s24+$0x0] =	vst.idx.msk $0xffff, v40;
	v43 =	vor.u32 v31, v62;
	v44 =	vld.idx.msk [tilespmem:v46+s21+$0x0], $0xffff  }
0x344: {  	v61 =	vor.u32 v5, v35;
	v41 =	vor.u32 s28, v58;
	v46 =	vor.u32 v31, v63;
	v40 =	vld.idx.msk [tilespmem:v47+s21+$0x0], $0xffff  }
0x345: {  	v47 =	vor.u32 v31, v61;
	[tilespmem:v48+s24+$0x0] =	vst.idx.msk $0xffff, v42  }
0x346: {  	v62 =	vor.u32 v4, v32;
	v48 =	vor.u32 s7, v59;
	v37 =	vld.idx.msk [tilespmem:v37+s21+$0x0], $0xffff  }
0x347: {  	v63 =	vor.u32 v4, v36;
	v61 =	vor.u32 v4, v34;
	[tilespmem:v39+s24+$0x0] =	vst.idx.msk $0xffff, v38  }
0x348: {  	v42 =	vor.u32 v31, v62;
	v39 =	vor.u32 s26, v59;
	[tilespmem:v45+s24+$0x0] =	vst.idx.msk $0xffff, v44;
	v38 =	vld.idx.msk [tilespmem:v43+s21+$0x0], $0xffff  }
0x349: {  	v45 =	vor.u32 s25, v59;
	[tilespmem:v41+s24+$0x0] =	vst.idx.msk $0xffff, v40;
	v43 =	vor.u32 v31, v63;
	v44 =	vld.idx.msk [tilespmem:v46+s21+$0x0], $0xffff  }
0x34a: {  	v62 =	vor.u32 v4, v35;
	v41 =	vor.u32 s28, v59;
	v46 =	vor.u32 v31, v61;
	v40 =	vld.idx.msk [tilespmem:v47+s21+$0x0], $0xffff  }
0x34b: {  	[tilespmem:v48+s24+$0x0] =	vst.idx.msk $0xffff, v37;
	v37 =	vor.u32 v31, v62  }
0x34c: {  	v47 =	vor.u32 s7, v24;
	v63 =	vor.u32 v3, v32  }
0x34d: {  	v61 =	vor.u32 v3, v36;
	v62 =	vor.u32 v3, v34;
	v42 =	vld.idx.msk [tilespmem:v42+s21+$0x0], $0xffff;
	[tilespmem:v39+s24+$0x0] =	vst.idx.msk $0xffff, v38  }
0x34e: {  	v38 =	vor.u32 v31, v63;
	[tilespmem:v45+s24+$0x0] =	vst.idx.msk $0xffff, v44;
	v39 =	vld.idx.msk [tilespmem:v43+s21+$0x0], $0xffff;
	v43 =	vor.u32 s26, v24  }
0x34f: {  	v44 =	vor.u32 v31, v61;
	[tilespmem:v41+s24+$0x0] =	vst.idx.msk $0xffff, v40;
	v45 =	vld.idx.msk [tilespmem:v46+s21+$0x0], $0xffff;
	v46 =	vor.u32 s25, v24  }
0x350: {  	v40 =	vor.u32 v31, v62;
	v41 =	vor.u32 s28, v24;
	v63 =	vor.u32 v3, v35;
	v37 =	vld.idx.msk [tilespmem:v37+s21+$0x0], $0xffff  }
0x351: {  	v61 =	vor.u32 v31, v63  }
0x352: {  	v32 =	vor.u32 v2, v32;
	v36 =	vor.u32 v2, v36;
	[tilespmem:v47+s24+$0x0] =	vst.idx.msk $0xffff, v42  }
0x353: {  	v32 =	vor.u32 v31, v32;
	v62 =	vor.u32 s7, v18;
	[tilespmem:v43+s24+$0x0] =	vst.idx.msk $0xffff, v39;
	v38 =	vld.idx.msk [tilespmem:v38+s21+$0x0], $0xffff  }
0x354: {  	v36 =	vor.u32 v31, v36;
	v63 =	vor.u32 s26, v18;
	[tilespmem:v46+s24+$0x0] =	vst.idx.msk $0xffff, v45;
	v43 =	vld.idx.msk [tilespmem:v44+s21+$0x0], $0xffff  }
0x355: {  	v34 =	vor.u32 v2, v34;
	v46 =	vor.u32 s25, v18;
	v40 =	vld.idx.msk [tilespmem:v40+s21+$0x0], $0xffff;
	[tilespmem:v41+s24+$0x0] =	vst.idx.msk $0xffff, v37  }
0x356: {  	v34 =	vor.u32 v31, v34;
	v35 =	vor.u32 v2, v35;
	v47 =	vor.u32 s28, v18;
	v41 =	vld.idx.msk [tilespmem:v61+s21+$0x0], $0xffff  }
0x357: {  	v35 =	vor.u32 v31, v35  }
0x358: {  	[tilespmem:v62+s24+$0x0] =	vst.idx.msk $0xffff, v38  }
0x359: {  	v48 =	vor.u32 s7, v19;
	[tilespmem:v63+s24+$0x0] =	vst.idx.msk $0xffff, v43;
	v32 =	vld.idx.msk [tilespmem:v32+s21+$0x0], $0xffff  }
0x35a: {  	v61 =	vor.u32 s26, v19;
	[tilespmem:v46+s24+$0x0] =	vst.idx.msk $0xffff, v40;
	v36 =	vld.idx.msk [tilespmem:v36+s21+$0x0], $0xffff  }
0x35b: {  	v62 =	vor.u32 s25, v19;
	v34 =	vld.idx.msk [tilespmem:v34+s21+$0x0], $0xffff;
	[tilespmem:v47+s24+$0x0] =	vst.idx.msk $0xffff, v41  }
0x35c: {  	p3 =	por p2, p2;
	v63 =	vor.u32 s28, v19;
	v35 =	vld.idx.msk [tilespmem:v35+s21+$0x0], $0xffff  }
.Ltmp4:
0x35d: {  	_ = 	snop;
	(pc) =	sbr.rel @p3 .LBB2_10-.Ltmp4, $4  }
0x35e: {  	[tilespmem:v48+s24+$0x0] =	vst.idx.msk $0xffff, v32  }
0x35f: {  	[tilespmem:v61+s24+$0x0] =	vst.idx.msk $0xffff, v36  }
0x360: {  	[tilespmem:v62+s24+$0x0] =	vst.idx.msk $0xffff, v34  }
0x361: {  	p2 =	por $0x0, $0x0;
	s7 =	simm.s32 $0x40;
	[tilespmem:v63+s24+$0x0] =	vst.idx.msk $0xffff, v35  }
0x362: {  	v15 =	vld [tilespmem:$0x1FCF0]  }
0x363: {  	v16 =	vld [tilespmem:$0x1FD00]  }
0x364: {  	v51 =	vld [tilespmem:$0x1FD20]  }
0x365: {  	v52 =	vld [tilespmem:$0x1FD40]  }
0x366: {  	v53 =	vld [tilespmem:$0x1FD60]  }
0x367: {  	v54 =	vld [tilespmem:$0x1FD80]  }
0x368: {  	v22 =	vld [tilespmem:$0x1FDA0]  }
0x369: {  	v17 =	vmov v23;
	v23 =	vld [tilespmem:$0x1FDC0]  }
0x36a: {  	v25 =	vld [tilespmem:$0x1FDE0]  }
0x36b: {  	s25 =	sadd.s32 s18, s13;
	s7 =	simm.s32 $0x0;
	s26 =	simm.s32 $0x5100;
	v26 =	vld [tilespmem:$0x1FE00]  }
0x36c: {  	v27 =	vld [tilespmem:$0x1FE20];
	[hbm4b:s25+s7] =	stream.linear.scatter [tilespmem:s26], [sflag:$0x4], $0x400, $0x38  }
0x36d: {  	s28 =	simm.s32 $0x5500;
	p2 =	por $0x1, $0x1;
	v30 =	vld [tilespmem:$0x1FE40];
	s26 =	sadd.s32 s18, s14  }
0x36e: {  	v24 =	vld [tilespmem:$0x1FE60];
	[hbm4b:s26+s7] =	stream.linear.scatter [tilespmem:s28], [sflag:$0x4], $0x400, $0x38  }
.LBB2_12:
0x36f: {  	v32 =	vmov s7  }
0x370: {  	s26 =	sor.u32 $0x10, s7;
	s25 =	sor.u32 $0x20, s7;
	v35 =	vshll.u32 v32, $0x6  }
0x371: {  	s28 =	sor.u32 $0x30, s7;
	v36 =	vmov s26;
	v32 =	vor.u32 $0x30, v21;
	v58 =	vmov s25  }
0x372: {  	v37 =	vmov s28;
	v34 =	vor.u32 v28, v35;
	v38 =	vshll.u32 v36, $0x6  }
0x373: {  	v36 =	vshll.u32 v58, $0x6;
	v39 =	vor.u32 v32, v34;
	v59 =	vor.u32 v28, v38  }
0x374: {  	v37 =	vshll.u32 v37, $0x6;
	v61 =	vor.u32 v28, v36;
	v40 =	vor.u32 v32, v59  }
0x375: {  	v42 =	vor.u32 v28, v37;
	v41 =	vor.u32 v32, v61  }
0x376: {  	v42 =	vor.u32 v32, v42  }
0x377: {  	v34 =	vor.u32 $0x1800, v17  }
0x378: {  	v44 =	vor.u32 v14, v35;
	v43 =	vor.u32 s7, v34;
	v39 =	vld.idx.msk [tilespmem:v39+s21+$0x0], $0xffff  }
0x379: {  	v44 =	vor.u32 v32, v44;
	v46 =	vor.u32 v14, v38;
	v45 =	vor.u32 s26, v34;
	v40 =	vld.idx.msk [tilespmem:v40+s21+$0x0], $0xffff  }
0x37a: {  	v48 =	vor.u32 v14, v36;
	v46 =	vor.u32 v32, v46;
	v47 =	vor.u32 s25, v34;
	v41 =	vld.idx.msk [tilespmem:v41+s21+$0x0], $0xffff  }
0x37b: {  	v50 =	vor.u32 v14, v37;
	v48 =	vor.u32 v32, v48;
	v49 =	vor.u32 s28, v34;
	v42 =	vld.idx.msk [tilespmem:v42+s21+$0x0], $0xffff  }
0x37c: {  	v63 =	vor.u32 v32, v50  }
0x37d: {  	v55 =	vor.u32 s7, v20;
	[tilespmem:v43+s24+$0x0] =	vst.idx.msk $0xffff, v39  }
0x37e: {  	v62 =	vor.u32 v13, v35;
	v56 =	vor.u32 v13, v38;
	v44 =	vld.idx.msk [tilespmem:v44+s21+$0x0], $0xffff;
	[tilespmem:v45+s24+$0x0] =	vst.idx.msk $0xffff, v40  }
0x37f: {  	v58 =	vor.u32 s25, v20;
	v39 =	vor.u32 v32, v62;
	v45 =	vor.u32 s26, v20;
	[tilespmem:v47+s24+$0x0] =	vst.idx.msk $0xffff, v41;
	v40 =	vld.idx.msk [tilespmem:v46+s21+$0x0], $0xffff  }
0x380: {  	v57 =	vor.u32 v32, v56;
	v59 =	vor.u32 v13, v36;
	[tilespmem:v49+s24+$0x0] =	vst.idx.msk $0xffff, v42;
	v46 =	vld.idx.msk [tilespmem:v48+s21+$0x0], $0xffff  }
0x381: {  	v61 =	vor.u32 s28, v20;
	v62 =	vor.u32 v13, v37;
	v48 =	vor.u32 v32, v59;
	v42 =	vld.idx.msk [tilespmem:v63+s21+$0x0], $0xffff  }
0x382: {  	v49 =	vor.u32 v32, v62  }
0x383: {  	v63 =	vor.u32 v12, v35;
	[tilespmem:v55+s24+$0x0] =	vst.idx.msk $0xffff, v44  }
0x384: {  	v56 =	vor.u32 s26, v60;
	v59 =	vor.u32 v12, v36;
	v55 =	vor.u32 s7, v60;
	v39 =	vld.idx.msk [tilespmem:v39+s21+$0x0], $0xffff;
	[tilespmem:v45+s24+$0x0] =	vst.idx.msk $0xffff, v40  }
0x385: {  	v44 =	vor.u32 v32, v63;
	[tilespmem:v58+s24+$0x0] =	vst.idx.msk $0xffff, v46;
	v40 =	vld.idx.msk [tilespmem:v57+s21+$0x0], $0xffff;
	v57 =	vor.u32 v12, v38  }
0x386: {  	v58 =	vor.u32 s25, v60;
	[tilespmem:v61+s24+$0x0] =	vst.idx.msk $0xffff, v42;
	v46 =	vld.idx.msk [tilespmem:v48+s21+$0x0], $0xffff;
	v45 =	vor.u32 v32, v57  }
0x387: {  	v62 =	vor.u32 v12, v37;
	v61 =	vor.u32 s28, v60;
	v48 =	vor.u32 v32, v59;
	v42 =	vld.idx.msk [tilespmem:v49+s21+$0x0], $0xffff  }
0x388: {  	v49 =	vor.u32 v32, v62  }
0x389: {  	v63 =	vor.u32 v1, v35;
	v59 =	vor.u32 v1, v36;
	[tilespmem:v55+s24+$0x0] =	vst.idx.msk $0xffff, v39  }
0x38a: {  	v57 =	vor.u32 v1, v38;
	v55 =	vor.u32 s7, v15;
	v44 =	vld.idx.msk [tilespmem:v44+s21+$0x0], $0xffff;
	[tilespmem:v56+s24+$0x0] =	vst.idx.msk $0xffff, v40  }
0x38b: {  	v39 =	vor.u32 v32, v63;
	v56 =	vor.u32 s26, v15;
	[tilespmem:v58+s24+$0x0] =	vst.idx.msk $0xffff, v46;
	v40 =	vld.idx.msk [tilespmem:v45+s21+$0x0], $0xffff  }
0x38c: {  	v58 =	vor.u32 s25, v15;
	[tilespmem:v61+s24+$0x0] =	vst.idx.msk $0xffff, v42;
	v45 =	vor.u32 v32, v57;
	v46 =	vld.idx.msk [tilespmem:v48+s21+$0x0], $0xffff  }
0x38d: {  	v62 =	vor.u32 v1, v37;
	v61 =	vor.u32 s28, v15;
	v48 =	vor.u32 v32, v59;
	v42 =	vld.idx.msk [tilespmem:v49+s21+$0x0], $0xffff  }
0x38e: {  	v49 =	vor.u32 v32, v62  }
0x38f: {  	v63 =	vor.u32 v0, v35;
	v57 =	vor.u32 v0, v38;
	[tilespmem:v55+s24+$0x0] =	vst.idx.msk $0xffff, v44  }
0x390: {  	v59 =	vor.u32 v0, v36;
	v55 =	vor.u32 s7, v16;
	v39 =	vld.idx.msk [tilespmem:v39+s21+$0x0], $0xffff;
	[tilespmem:v56+s24+$0x0] =	vst.idx.msk $0xffff, v40  }
0x391: {  	v44 =	vor.u32 v32, v63;
	v56 =	vor.u32 s26, v16;
	[tilespmem:v58+s24+$0x0] =	vst.idx.msk $0xffff, v46;
	v40 =	vld.idx.msk [tilespmem:v45+s21+$0x0], $0xffff  }
0x392: {  	v58 =	vor.u32 s25, v16;
	[tilespmem:v61+s24+$0x0] =	vst.idx.msk $0xffff, v42;
	v45 =	vor.u32 v32, v57;
	v46 =	vld.idx.msk [tilespmem:v48+s21+$0x0], $0xffff  }
0x393: {  	v62 =	vor.u32 v0, v37;
	v61 =	vor.u32 s28, v16;
	v48 =	vor.u32 v32, v59;
	v42 =	vld.idx.msk [tilespmem:v49+s21+$0x0], $0xffff  }
0x394: {  	v49 =	vor.u32 v32, v62  }
0x395: {  	v63 =	vor.u32 v11, v35;
	v57 =	vor.u32 v11, v38;
	[tilespmem:v55+s24+$0x0] =	vst.idx.msk $0xffff, v39  }
0x396: {  	v59 =	vor.u32 v11, v36;
	v55 =	vor.u32 s7, v51;
	v44 =	vld.idx.msk [tilespmem:v44+s21+$0x0], $0xffff;
	[tilespmem:v56+s24+$0x0] =	vst.idx.msk $0xffff, v40  }
0x397: {  	v39 =	vor.u32 v32, v63;
	v56 =	vor.u32 s26, v51;
	[tilespmem:v58+s24+$0x0] =	vst.idx.msk $0xffff, v46;
	v40 =	vld.idx.msk [tilespmem:v45+s21+$0x0], $0xffff  }
0x398: {  	v58 =	vor.u32 s25, v51;
	[tilespmem:v61+s24+$0x0] =	vst.idx.msk $0xffff, v42;
	v45 =	vor.u32 v32, v57;
	v46 =	vld.idx.msk [tilespmem:v48+s21+$0x0], $0xffff  }
0x399: {  	v62 =	vor.u32 v11, v37;
	v61 =	vor.u32 s28, v51;
	v48 =	vor.u32 v32, v59;
	v42 =	vld.idx.msk [tilespmem:v49+s21+$0x0], $0xffff  }
0x39a: {  	v49 =	vor.u32 v32, v62  }
0x39b: {  	v63 =	vor.u32 v10, v35;
	v57 =	vor.u32 v10, v38;
	[tilespmem:v55+s24+$0x0] =	vst.idx.msk $0xffff, v44  }
0x39c: {  	v59 =	vor.u32 v10, v36;
	v55 =	vor.u32 s7, v52;
	v39 =	vld.idx.msk [tilespmem:v39+s21+$0x0], $0xffff;
	[tilespmem:v56+s24+$0x0] =	vst.idx.msk $0xffff, v40  }
0x39d: {  	v44 =	vor.u32 v32, v63;
	v56 =	vor.u32 s26, v52;
	[tilespmem:v58+s24+$0x0] =	vst.idx.msk $0xffff, v46;
	v40 =	vld.idx.msk [tilespmem:v45+s21+$0x0], $0xffff  }
0x39e: {  	v58 =	vor.u32 s25, v52;
	[tilespmem:v61+s24+$0x0] =	vst.idx.msk $0xffff, v42;
	v45 =	vor.u32 v32, v57;
	v46 =	vld.idx.msk [tilespmem:v48+s21+$0x0], $0xffff  }
0x39f: {  	v62 =	vor.u32 v10, v37;
	v61 =	vor.u32 s28, v52;
	v48 =	vor.u32 v32, v59;
	v42 =	vld.idx.msk [tilespmem:v49+s21+$0x0], $0xffff  }
0x3a0: {  	v49 =	vor.u32 v32, v62  }
0x3a1: {  	v63 =	vor.u32 v9, v35;
	v57 =	vor.u32 v9, v38;
	[tilespmem:v55+s24+$0x0] =	vst.idx.msk $0xffff, v39  }
0x3a2: {  	v59 =	vor.u32 v9, v36;
	v55 =	vor.u32 s7, v53;
	v44 =	vld.idx.msk [tilespmem:v44+s21+$0x0], $0xffff;
	[tilespmem:v56+s24+$0x0] =	vst.idx.msk $0xffff, v40  }
0x3a3: {  	v39 =	vor.u32 v32, v63;
	v56 =	vor.u32 s26, v53;
	[tilespmem:v58+s24+$0x0] =	vst.idx.msk $0xffff, v46;
	v40 =	vld.idx.msk [tilespmem:v45+s21+$0x0], $0xffff  }
0x3a4: {  	v58 =	vor.u32 s25, v53;
	[tilespmem:v61+s24+$0x0] =	vst.idx.msk $0xffff, v42;
	v45 =	vor.u32 v32, v57;
	v46 =	vld.idx.msk [tilespmem:v48+s21+$0x0], $0xffff  }
0x3a5: {  	v62 =	vor.u32 v9, v37;
	v61 =	vor.u32 s28, v53;
	v48 =	vor.u32 v32, v59;
	v42 =	vld.idx.msk [tilespmem:v49+s21+$0x0], $0xffff  }
0x3a6: {  	v49 =	vor.u32 v32, v62  }
0x3a7: {  	v63 =	vor.u32 v8, v35;
	v57 =	vor.u32 v8, v38;
	[tilespmem:v55+s24+$0x0] =	vst.idx.msk $0xffff, v44  }
0x3a8: {  	v59 =	vor.u32 v8, v36;
	v55 =	vor.u32 s7, v54;
	v39 =	vld.idx.msk [tilespmem:v39+s21+$0x0], $0xffff;
	[tilespmem:v56+s24+$0x0] =	vst.idx.msk $0xffff, v40  }
0x3a9: {  	v44 =	vor.u32 v32, v63;
	v56 =	vor.u32 s26, v54;
	[tilespmem:v58+s24+$0x0] =	vst.idx.msk $0xffff, v46;
	v40 =	vld.idx.msk [tilespmem:v45+s21+$0x0], $0xffff  }
0x3aa: {  	v58 =	vor.u32 s25, v54;
	[tilespmem:v61+s24+$0x0] =	vst.idx.msk $0xffff, v42;
	v45 =	vor.u32 v32, v57;
	v46 =	vld.idx.msk [tilespmem:v48+s21+$0x0], $0xffff  }
0x3ab: {  	v62 =	vor.u32 v8, v37;
	v61 =	vor.u32 s28, v54;
	v48 =	vor.u32 v32, v59;
	v42 =	vld.idx.msk [tilespmem:v49+s21+$0x0], $0xffff  }
0x3ac: {  	v49 =	vor.u32 v32, v62  }
0x3ad: {  	v63 =	vor.u32 v7, v35;
	v57 =	vor.u32 v7, v38;
	[tilespmem:v55+s24+$0x0] =	vst.idx.msk $0xffff, v39  }
0x3ae: {  	v59 =	vor.u32 v7, v36;
	v55 =	vor.u32 s7, v22;
	v44 =	vld.idx.msk [tilespmem:v44+s21+$0x0], $0xffff;
	[tilespmem:v56+s24+$0x0] =	vst.idx.msk $0xffff, v40  }
0x3af: {  	v39 =	vor.u32 v32, v63;
	v56 =	vor.u32 s26, v22;
	[tilespmem:v58+s24+$0x0] =	vst.idx.msk $0xffff, v46;
	v40 =	vld.idx.msk [tilespmem:v45+s21+$0x0], $0xffff  }
0x3b0: {  	v58 =	vor.u32 s25, v22;
	[tilespmem:v61+s24+$0x0] =	vst.idx.msk $0xffff, v42;
	v45 =	vor.u32 v32, v57;
	v46 =	vld.idx.msk [tilespmem:v48+s21+$0x0], $0xffff  }
0x3b1: {  	v62 =	vor.u32 v7, v37;
	v61 =	vor.u32 s28, v22;
	v48 =	vor.u32 v32, v59;
	v42 =	vld.idx.msk [tilespmem:v49+s21+$0x0], $0xffff  }
0x3b2: {  	v49 =	vor.u32 v32, v62  }
0x3b3: {  	v63 =	vor.u32 v6, v35;
	v57 =	vor.u32 v6, v38;
	[tilespmem:v55+s24+$0x0] =	vst.idx.msk $0xffff, v44  }
0x3b4: {  	v59 =	vor.u32 v6, v36;
	v55 =	vor.u32 s7, v23;
	v39 =	vld.idx.msk [tilespmem:v39+s21+$0x0], $0xffff;
	[tilespmem:v56+s24+$0x0] =	vst.idx.msk $0xffff, v40  }
0x3b5: {  	v44 =	vor.u32 v32, v63;
	v56 =	vor.u32 s26, v23;
	[tilespmem:v58+s24+$0x0] =	vst.idx.msk $0xffff, v46;
	v40 =	vld.idx.msk [tilespmem:v45+s21+$0x0], $0xffff  }
0x3b6: {  	v58 =	vor.u32 s25, v23;
	[tilespmem:v61+s24+$0x0] =	vst.idx.msk $0xffff, v42;
	v45 =	vor.u32 v32, v57;
	v46 =	vld.idx.msk [tilespmem:v48+s21+$0x0], $0xffff  }
0x3b7: {  	v62 =	vor.u32 v6, v37;
	v61 =	vor.u32 s28, v23;
	v48 =	vor.u32 v32, v59;
	v42 =	vld.idx.msk [tilespmem:v49+s21+$0x0], $0xffff  }
0x3b8: {  	v49 =	vor.u32 v32, v62  }
0x3b9: {  	v63 =	vor.u32 v5, v35;
	v57 =	vor.u32 v5, v38;
	[tilespmem:v55+s24+$0x0] =	vst.idx.msk $0xffff, v39  }
0x3ba: {  	v59 =	vor.u32 v5, v36;
	v55 =	vor.u32 s7, v25;
	v44 =	vld.idx.msk [tilespmem:v44+s21+$0x0], $0xffff;
	[tilespmem:v56+s24+$0x0] =	vst.idx.msk $0xffff, v40  }
0x3bb: {  	v39 =	vor.u32 v32, v63;
	v56 =	vor.u32 s26, v25;
	[tilespmem:v58+s24+$0x0] =	vst.idx.msk $0xffff, v46;
	v40 =	vld.idx.msk [tilespmem:v45+s21+$0x0], $0xffff  }
0x3bc: {  	v58 =	vor.u32 s25, v25;
	[tilespmem:v61+s24+$0x0] =	vst.idx.msk $0xffff, v42;
	v45 =	vor.u32 v32, v57;
	v46 =	vld.idx.msk [tilespmem:v48+s21+$0x0], $0xffff  }
0x3bd: {  	v62 =	vor.u32 v5, v37;
	v61 =	vor.u32 s28, v25;
	v48 =	vor.u32 v32, v59;
	v42 =	vld.idx.msk [tilespmem:v49+s21+$0x0], $0xffff  }
0x3be: {  	v49 =	vor.u32 v32, v62  }
0x3bf: {  	v63 =	vor.u32 v4, v35;
	v57 =	vor.u32 v4, v38;
	[tilespmem:v55+s24+$0x0] =	vst.idx.msk $0xffff, v44  }
0x3c0: {  	v59 =	vor.u32 v4, v36;
	v55 =	vor.u32 s7, v26;
	v39 =	vld.idx.msk [tilespmem:v39+s21+$0x0], $0xffff;
	[tilespmem:v56+s24+$0x0] =	vst.idx.msk $0xffff, v40  }
0x3c1: {  	v44 =	vor.u32 v32, v63;
	v56 =	vor.u32 s26, v26;
	[tilespmem:v58+s24+$0x0] =	vst.idx.msk $0xffff, v46;
	v40 =	vld.idx.msk [tilespmem:v45+s21+$0x0], $0xffff  }
0x3c2: {  	v58 =	vor.u32 s25, v26;
	[tilespmem:v61+s24+$0x0] =	vst.idx.msk $0xffff, v42;
	v45 =	vor.u32 v32, v57;
	v46 =	vld.idx.msk [tilespmem:v48+s21+$0x0], $0xffff  }
0x3c3: {  	v43 =	vor.u32 s28, v26;
	v61 =	vor.u32 v4, v37;
	v48 =	vor.u32 v32, v59;
	v42 =	vld.idx.msk [tilespmem:v49+s21+$0x0], $0xffff  }
0x3c4: {  	v62 =	vor.u32 v32, v61  }
0x3c5: {  	v63 =	vor.u32 v3, v35;
	v49 =	vor.u32 s7, v27;
	[tilespmem:v55+s24+$0x0] =	vst.idx.msk $0xffff, v39  }
0x3c6: {  	v57 =	vor.u32 v3, v38;
	v59 =	vor.u32 v3, v36;
	v44 =	vld.idx.msk [tilespmem:v44+s21+$0x0], $0xffff;
	[tilespmem:v56+s24+$0x0] =	vst.idx.msk $0xffff, v40  }
0x3c7: {  	v55 =	vor.u32 v32, v63;
	v56 =	vor.u32 s26, v27;
	[tilespmem:v58+s24+$0x0] =	vst.idx.msk $0xffff, v46;
	v41 =	vld.idx.msk [tilespmem:v45+s21+$0x0], $0xffff  }
0x3c8: {  	v58 =	vor.u32 s25, v27;
	v46 =	vor.u32 v32, v57;
	[tilespmem:v43+s24+$0x0] =	vst.idx.msk $0xffff, v42;
	v47 =	vld.idx.msk [tilespmem:v48+s21+$0x0], $0xffff  }
0x3c9: {  	v61 =	vor.u32 v32, v59;
	v63 =	vor.u32 v3, v37;
	v39 =	vld.idx.msk [tilespmem:v62+s21+$0x0], $0xffff;
	v62 =	vor.u32 s28, v27  }
0x3ca: {  	v35 =	vor.u32 v2, v35;
	v50 =	vor.u32 v32, v63  }
0x3cb: {  	v35 =	vor.u32 v32, v35;
	[tilespmem:v49+s24+$0x0] =	vst.idx.msk $0xffff, v44  }
0x3cc: {  	v38 =	vor.u32 v2, v38;
	[tilespmem:v56+s24+$0x0] =	vst.idx.msk $0xffff, v41;
	v40 =	vld.idx.msk [tilespmem:v55+s21+$0x0], $0xffff;
	v55 =	vor.u32 s7, v30  }
0x3cd: {  	v36 =	vor.u32 v2, v36;
	[tilespmem:v58+s24+$0x0] =	vst.idx.msk $0xffff, v47;
	v56 =	vor.u32 s26, v30;
	v45 =	vld.idx.msk [tilespmem:v46+s21+$0x0], $0xffff  }
0x3ce: {  	v38 =	vor.u32 v32, v38;
	v57 =	vor.u32 s25, v30;
	[tilespmem:v62+s24+$0x0] =	vst.idx.msk $0xffff, v39;
	v42 =	vld.idx.msk [tilespmem:v61+s21+$0x0], $0xffff  }
0x3cf: {  	v36 =	vor.u32 v32, v36;
	v37 =	vor.u32 v2, v37;
	v58 =	vor.u32 s28, v30;
	v43 =	vld.idx.msk [tilespmem:v50+s21+$0x0], $0xffff  }
0x3d0: {  	v37 =	vor.u32 v32, v37  }
0x3d1: {  	[tilespmem:v55+s24+$0x0] =	vst.idx.msk $0xffff, v40  }
0x3d2: {  	v59 =	vor.u32 s7, v24;
	[tilespmem:v56+s24+$0x0] =	vst.idx.msk $0xffff, v45;
	v35 =	vld.idx.msk [tilespmem:v35+s21+$0x0], $0xffff  }
0x3d3: {  	v61 =	vor.u32 s26, v24;
	[tilespmem:v57+s24+$0x0] =	vst.idx.msk $0xffff, v42;
	v38 =	vld.idx.msk [tilespmem:v38+s21+$0x0], $0xffff  }
0x3d4: {  	v62 =	vor.u32 s25, v24;
	[tilespmem:v58+s24+$0x0] =	vst.idx.msk $0xffff, v43;
	v36 =	vld.idx.msk [tilespmem:v36+s21+$0x0], $0xffff  }
0x3d5: {  	p3 =	por p2, p2;
	v63 =	vor.u32 s28, v24;
	v37 =	vld.idx.msk [tilespmem:v37+s21+$0x0], $0xffff  }
.Ltmp5:
0x3d6: {  	_ = 	snop;
	(pc) =	sbr.rel @p3 .LBB2_12-.Ltmp5, $4  }
0x3d7: {  	[tilespmem:v59+s24+$0x0] =	vst.idx.msk $0xffff, v35  }
0x3d8: {  	[tilespmem:v61+s24+$0x0] =	vst.idx.msk $0xffff, v38  }
0x3d9: {  	[tilespmem:v62+s24+$0x0] =	vst.idx.msk $0xffff, v36  }
0x3da: {  	p2 =	por $0x0, $0x0;
	s7 =	simm.s32 $0x40;
	[tilespmem:v63+s24+$0x0] =	vst.idx.msk $0xffff, v37  }
0x3db: {  	s7 =	sadd.s32 s18, s15;
	s25 =	simm.s32 $0x5900  }
0x3dc: {  	[hbm4b:s7+s3] =	stream.linear.scatter [tilespmem:s25], [sflag:$0x4], $0x400, $0x38;
	[tilespmem:$0x8100] =	vst v63  }
0x3dd: {  	s26 =	sadd.s32 s18, s16;
	s28 =	simm.s32 $0x5D00;
	s7 =	simm.s32 @p0 $0x3  }
0x3de: {  	[hbm4b:s26+s3] =	stream.linear.scatter [tilespmem:s28], [sflag:$0x4], $0x400, $0x38;
	[tilespmem:$0x8100] =	vst v63  }
0x3df: {  	_ =	swait.ge @p0 [sflag:s7], $0x2000  }
0x3e0: {  	[sflag:s7] =	ssyncset.done @p0 $0x0  }
0x3e1: {  	[sflag:s7] =	ssyncadd.s32 @p0 $0xFFFFE000;
	s7 =	simm.s32 @!p0 $0x1  }
0x3e2: {  	_ =	swait.ge @!p0 [sflag:s7], $0x80  }
0x3e3: {  	[sflag:s7] =	ssyncset.done @!p0 $0x0  }
0x3e4: {  	[sflag:s7] =	ssyncadd.s32 @!p0 $0xFFFFFF80  }
0x3e5: {  	v35 =	vld @!p0 [tilespmem:$0x0]  }
0x3e6: {  	v36 =	vld @!p0 [tilespmem:$0x10]  }
0x3e7: {  	v37 =	vld @!p0 [tilespmem:$0x20]  }
0x3e8: {  	v38 =	vld @!p0 [tilespmem:$0x30]  }
0x3e9: {  	v39 =	vld @!p0 [tilespmem:$0x40]  }
0x3ea: {  	v40 =	vld @!p0 [tilespmem:$0x50];
	vm0 =	vlt.s32 @!p0 v35, $0x3A97  }
0x3eb: {  	v41 =	vld @!p0 [tilespmem:$0x60];
	v35 =	vnsel @!p0 vm0, $0x3A97, v35;
	vm0 =	vlt.s32 @!p0 v36, $0x3A97  }
0x3ec: {  	[tilespmem:$0x0] =	vst @!p0 v35;
	v35 =	vnsel @!p0 vm0, $0x3A97, v36;
	vm0 =	vlt.s32 @!p0 v37, $0x3A97;
	v36 =	vld @!p0 [tilespmem:$0x70]  }
0x3ed: {  	[tilespmem:$0x10] =	vst @!p0 v35;
	v35 =	vnsel @!p0 vm0, $0x3A97, v37;
	vm0 =	vlt.s32 @!p0 v38, $0x3A97  }
0x3ee: {  	[tilespmem:$0x20] =	vst @!p0 v35;
	v35 =	vnsel @!p0 vm0, $0x3A97, v38;
	vm0 =	vlt.s32 @!p0 v39, $0x3A97  }
0x3ef: {  	[tilespmem:$0x30] =	vst @!p0 v35;
	v35 =	vnsel @!p0 vm0, $0x3A97, v39;
	vm0 =	vlt.s32 @!p0 v40, $0x3A97  }
0x3f0: {  	[tilespmem:$0x40] =	vst @!p0 v35;
	v35 =	vnsel @!p0 vm0, $0x3A97, v40;
	vm0 =	vlt.s32 @!p0 v41, $0x3A97  }
0x3f1: {  	[tilespmem:$0x50] =	vst @!p0 v35;
	v35 =	vnsel @!p0 vm0, $0x3A97, v41;
	vm0 =	vlt.s32 @!p0 v36, $0x3A97  }
0x3f2: {  	[tilespmem:$0x60] =	vst @!p0 v35;
	v35 =	vnsel @!p0 vm0, $0x3A97, v36  }
0x3f3: {  	s18 =	simm.s32 @!p0 $0x0;
	s25 =	simm.s32 @!p0 $0x100;
	s7 =	simm.s32 @!p0 $0x80;
	[tilespmem:$0x70] =	vst @!p0 v35  }
0x3f4: {  	[tilespmem:s25], [sflag:$0x2] =	stream.indirect.gather @!p0 [hbm4b:s6+s7], $0x40, s18, s7, $0xb8;
	[tilespmem:$0x8100] =	vst v63  }
0x3f5: {  	s25 =	simm.s32 @!p0 $0x3  }
0x3f6: {  	s8 =	sadd.s32 @!p0 s8, s17;
	_ =	swait.ge @!p0 [sflag:s25], $0x2000  }
0x3f7: {  	s8 =	sshrl.u32 @!p0 s8, $0x3;
	[sflag:s25] =	ssyncset.done @!p0 $0x0  }
0x3f8: {  	s8 =	sadd.s32 @!p0 s5, s8;
	[sflag:s25] =	ssyncadd.s32 @!p0 $0xFFFFE000  }
0x3f9: {  	[tilespmem:s7], [sflag:$0x1] =	stream.linear.gather @!p0 [hbm4b:s8+s18], $0x80, $0x38;
	[tilespmem:$0x8100] =	vst v63  }
0x3fa: {  	s7 =	simm.s32 @!p1 $0x5  }
0x3fb: {  	_ =	swait.ge @!p1 [sflag:s7], $0x400  }
0x3fc: {  	[sflag:s7] =	ssyncset.done @!p1 $0x0  }
0x3fd: {  	[sflag:s7] =	ssyncadd.s32 @!p1 $0xFFFFFC00  }
0x3fe: {  	_ =	swait.ge @!p1 [sflag:s7], $0x400  }
0x3ff: {  	[sflag:s7] =	ssyncset.done @!p1 $0x0  }
0x400: {  	[sflag:s7] =	ssyncadd.s32 @!p1 $0xFFFFFC00  }
0x401: {  	_ =	swait.ge @!p1 [sflag:s7], $0x400  }
0x402: {  	[sflag:s7] =	ssyncset.done @!p1 $0x0  }
0x403: {  	[sflag:s7] =	ssyncadd.s32 @!p1 $0xFFFFFC00  }
0x404: {  	_ =	swait.ge @!p1 [sflag:s7], $0x400  }
0x405: {  	[sflag:s7] =	ssyncset.done @!p1 $0x0  }
0x406: {  	[sflag:s7] =	ssyncadd.s32 @!p1 $0xFFFFFC00  }
0x407: {  	_ =	swait.ge @!p1 [sflag:s7], $0x400  }
0x408: {  	[sflag:s7] =	ssyncset.done @!p1 $0x0  }
0x409: {  	[sflag:s7] =	ssyncadd.s32 @!p1 $0xFFFFFC00  }
0x40a: {  	_ =	swait.ge @!p1 [sflag:s7], $0x400  }
0x40b: {  	[sflag:s7] =	ssyncset.done @!p1 $0x0  }
0x40c: {  	[sflag:s7] =	ssyncadd.s32 @!p1 $0xFFFFFC00  }
0x40d: {  	_ =	swait.ge @!p1 [sflag:s7], $0x400  }
0x40e: {  	[sflag:s7] =	ssyncset.done @!p1 $0x0  }
0x40f: {  	[sflag:s7] =	ssyncadd.s32 @!p1 $0xFFFFFC00  }
0x410: {  	_ =	swait.ge @!p1 [sflag:s7], $0x400  }
0x411: {  	v51 =	vld [tilespmem:$0x1FE70]  }
0x412: {  	v52 =	vld [tilespmem:$0x1FE80]  }
0x413: {  	v53 =	vld [tilespmem:$0x1FE90]  }
0x414: {  	v54 =	vld [tilespmem:$0x1FEA0]  }
0x415: {  	v55 =	vld [tilespmem:$0x1FB70]  }
0x416: {  	v56 =	vld [tilespmem:$0x1FB80]  }
0x417: {  	v57 =	vld [tilespmem:$0x1FB90]  }
0x418: {  	v58 =	vld [tilespmem:$0x1FBA0]  }
0x419: {  	v59 =	vld [tilespmem:$0x1FBB0]  }
0x41a: {  	v60 =	vld [tilespmem:$0x1FBC0]  }
0x41b: {  	v61 =	vld [tilespmem:$0x1FBD0]  }
0x41c: {  	v62 =	vld [tilespmem:$0x1FBE0]  }
0x41d: {  	v63 =	vld [tilespmem:$0x1FBF0]  }
0x41e: {  	[sflag:s7] =	ssyncset.done @!p1 $0x0;
	v15 =	vld [tilespmem:$0x1FC00]  }
0x41f: {  	v22 =	vmov v17;
	p0 =	por $0x1, $0x1;
	v16 =	vld [tilespmem:$0x1FC10];
	[sflag:s7] =	ssyncadd.s32 @!p1 $0xFFFFFC00;
	s7 =	simm.s32 $0x0  }
.LBB2_14:
0x420: {  	v35 =	vmov s7  }
0x421: {  	s18 =	sor.u32 $0x10, s7;
	v36 =	vshll.u32 v35, $0x6  }
0x422: {  	s8 =	sor.u32 $0x20, s7;
	v47 =	vmov s18;
	v37 =	vor.u32 v28, v36  }
0x423: {  	s25 =	sor.u32 $0x30, s7;
	v48 =	vmov s8;
	v38 =	vshll.u32 v47, $0x6;
	v39 =	vor.u32 v21, v37  }
0x424: {  	v41 =	vmov s25;
	v35 =	vshll.u32 v48, $0x6;
	v49 =	vor.u32 v28, v38  }
0x425: {  	v50 =	vor.u32 v28, v35;
	v37 =	vshll.u32 v41, $0x6;
	v40 =	vor.u32 v21, v49  }
0x426: {  	v42 =	vor.u32 v21, v50;
	v41 =	vor.u32 v28, v37  }
0x427: {  	v41 =	vor.u32 v21, v41  }
0x428: {  	v43 =	vor.u32 s7, v22;
	v44 =	vor.u32 v14, v36;
	v39 =	vld.idx.msk [tilespmem:v39+s22+$0x0], $0xffff  }
0x429: {  	v44 =	vor.u32 v21, v44  }
0x42a: {  	v45 =	vor.u32 s18, v22;
	v46 =	vor.u32 v14, v38;
	v40 =	vld.idx.msk [tilespmem:v40+s22+$0x0], $0xffff  }
0x42b: {  	v47 =	vor.u32 s8, v22;
	v48 =	vor.u32 v14, v35;
	v46 =	vor.u32 v21, v46;
	v42 =	vld.idx.msk [tilespmem:v42+s22+$0x0], $0xffff  }
0x42c: {  	v48 =	vor.u32 v21, v48;
	v49 =	vor.u32 s25, v22;
	v50 =	vor.u32 v14, v37;
	v41 =	vld.idx.msk [tilespmem:v41+s22+$0x0], $0xffff  }
0x42d: {  	v25 =	vor.u32 v21, v50;
	[tilespmem:v43+s0+$0x0] =	vst.idx.msk $0xffff, v39  }
0x42e: {  	v24 =	vor.u32 v13, v36;
	v50 =	vor.u32 s7, v51;
	v44 =	vld.idx.msk [tilespmem:v44+s22+$0x0], $0xffff  }
0x42f: {  	v26 =	vor.u32 v13, v38;
	v39 =	vor.u32 v21, v24;
	[tilespmem:v45+s0+$0x0] =	vst.idx.msk $0xffff, v40  }
0x430: {  	v24 =	vor.u32 v13, v35;
	v45 =	vor.u32 s18, v51;
	[tilespmem:v47+s0+$0x0] =	vst.idx.msk $0xffff, v42;
	v40 =	vld.idx.msk [tilespmem:v46+s22+$0x0], $0xffff  }
0x431: {  	v42 =	vor.u32 v21, v26;
	v47 =	vor.u32 s8, v51;
	v46 =	vld.idx.msk [tilespmem:v48+s22+$0x0], $0xffff;
	[tilespmem:v49+s0+$0x0] =	vst.idx.msk $0xffff, v41  }
0x432: {  	v43 =	vor.u32 s25, v51;
	v48 =	vor.u32 v21, v24;
	v41 =	vld.idx.msk [tilespmem:v25+s22+$0x0], $0xffff;
	v25 =	vor.u32 v13, v37  }
0x433: {  	v49 =	vor.u32 v21, v25;
	[tilespmem:v50+s0+$0x0] =	vst.idx.msk $0xffff, v44  }
0x434: {  	v26 =	vor.u32 v12, v36;
	v50 =	vor.u32 s7, v52;
	v39 =	vld.idx.msk [tilespmem:v39+s22+$0x0], $0xffff  }
0x435: {  	v24 =	vor.u32 v12, v38;
	v44 =	vor.u32 v21, v26;
	[tilespmem:v45+s0+$0x0] =	vst.idx.msk $0xffff, v40  }
0x436: {  	v25 =	vor.u32 v12, v35;
	[tilespmem:v47+s0+$0x0] =	vst.idx.msk $0xffff, v46;
	v40 =	vld.idx.msk [tilespmem:v42+s22+$0x0], $0xffff;
	v42 =	vor.u32 s18, v52  }
0x437: {  	v45 =	vor.u32 v21, v24;
	v47 =	vor.u32 s8, v52;
	v46 =	vld.idx.msk [tilespmem:v48+s22+$0x0], $0xffff;
	[tilespmem:v43+s0+$0x0] =	vst.idx.msk $0xffff, v41  }
0x438: {  	v26 =	vor.u32 v12, v37;
	v48 =	vor.u32 v21, v25;
	v43 =	vor.u32 s25, v52;
	v41 =	vld.idx.msk [tilespmem:v49+s22+$0x0], $0xffff  }
0x439: {  	v49 =	vor.u32 v21, v26;
	[tilespmem:v50+s0+$0x0] =	vst.idx.msk $0xffff, v39  }
0x43a: {  	v24 =	vor.u32 v1, v36;
	v50 =	vor.u32 s7, v53;
	v44 =	vld.idx.msk [tilespmem:v44+s22+$0x0], $0xffff  }
0x43b: {  	v25 =	vor.u32 v1, v38;
	v39 =	vor.u32 v21, v24;
	[tilespmem:v42+s0+$0x0] =	vst.idx.msk $0xffff, v40  }
0x43c: {  	v26 =	vor.u32 v1, v35;
	v42 =	vor.u32 s18, v53;
	[tilespmem:v47+s0+$0x0] =	vst.idx.msk $0xffff, v46;
	v40 =	vld.idx.msk [tilespmem:v45+s22+$0x0], $0xffff  }
0x43d: {  	v47 =	vor.u32 s8, v53;
	v45 =	vor.u32 v21, v25;
	v46 =	vld.idx.msk [tilespmem:v48+s22+$0x0], $0xffff;
	[tilespmem:v43+s0+$0x0] =	vst.idx.msk $0xffff, v41  }
0x43e: {  	v24 =	vor.u32 v1, v37;
	v48 =	vor.u32 v21, v26;
	v43 =	vor.u32 s25, v53;
	v41 =	vld.idx.msk [tilespmem:v49+s22+$0x0], $0xffff  }
0x43f: {  	v49 =	vor.u32 v21, v24;
	[tilespmem:v50+s0+$0x0] =	vst.idx.msk $0xffff, v44  }
0x440: {  	v25 =	vor.u32 v0, v36;
	v50 =	vor.u32 s7, v54;
	v39 =	vld.idx.msk [tilespmem:v39+s22+$0x0], $0xffff  }
0x441: {  	v26 =	vor.u32 v0, v38;
	v44 =	vor.u32 v21, v25;
	[tilespmem:v42+s0+$0x0] =	vst.idx.msk $0xffff, v40  }
0x442: {  	v24 =	vor.u32 v0, v35;
	v42 =	vor.u32 s18, v54;
	[tilespmem:v47+s0+$0x0] =	vst.idx.msk $0xffff, v46;
	v40 =	vld.idx.msk [tilespmem:v45+s22+$0x0], $0xffff  }
0x443: {  	v47 =	vor.u32 s8, v54;
	v45 =	vor.u32 v21, v26;
	v46 =	vld.idx.msk [tilespmem:v48+s22+$0x0], $0xffff;
	[tilespmem:v43+s0+$0x0] =	vst.idx.msk $0xffff, v41  }
0x444: {  	v25 =	vor.u32 v0, v37;
	v48 =	vor.u32 v21, v24;
	v43 =	vor.u32 s25, v54;
	v41 =	vld.idx.msk [tilespmem:v49+s22+$0x0], $0xffff  }
0x445: {  	v49 =	vor.u32 v21, v25;
	[tilespmem:v50+s0+$0x0] =	vst.idx.msk $0xffff, v39  }
0x446: {  	v26 =	vor.u32 v11, v36;
	v50 =	vor.u32 s7, v55;
	v44 =	vld.idx.msk [tilespmem:v44+s22+$0x0], $0xffff  }
0x447: {  	v24 =	vor.u32 v11, v38;
	v39 =	vor.u32 v21, v26;
	[tilespmem:v42+s0+$0x0] =	vst.idx.msk $0xffff, v40  }
0x448: {  	v25 =	vor.u32 v11, v35;
	v42 =	vor.u32 s18, v55;
	[tilespmem:v47+s0+$0x0] =	vst.idx.msk $0xffff, v46;
	v40 =	vld.idx.msk [tilespmem:v45+s22+$0x0], $0xffff  }
0x449: {  	v47 =	vor.u32 s8, v55;
	v45 =	vor.u32 v21, v24;
	v46 =	vld.idx.msk [tilespmem:v48+s22+$0x0], $0xffff;
	[tilespmem:v43+s0+$0x0] =	vst.idx.msk $0xffff, v41  }
0x44a: {  	v26 =	vor.u32 v11, v37;
	v48 =	vor.u32 v21, v25;
	v43 =	vor.u32 s25, v55;
	v41 =	vld.idx.msk [tilespmem:v49+s22+$0x0], $0xffff  }
0x44b: {  	v49 =	vor.u32 v21, v26;
	[tilespmem:v50+s0+$0x0] =	vst.idx.msk $0xffff, v44  }
0x44c: {  	v24 =	vor.u32 v10, v36;
	v50 =	vor.u32 s7, v56;
	v39 =	vld.idx.msk [tilespmem:v39+s22+$0x0], $0xffff  }
0x44d: {  	v25 =	vor.u32 v10, v38;
	v44 =	vor.u32 v21, v24;
	[tilespmem:v42+s0+$0x0] =	vst.idx.msk $0xffff, v40  }
0x44e: {  	v26 =	vor.u32 v10, v35;
	v42 =	vor.u32 s18, v56;
	[tilespmem:v47+s0+$0x0] =	vst.idx.msk $0xffff, v46;
	v40 =	vld.idx.msk [tilespmem:v45+s22+$0x0], $0xffff  }
0x44f: {  	v47 =	vor.u32 s8, v56;
	v45 =	vor.u32 v21, v25;
	v46 =	vld.idx.msk [tilespmem:v48+s22+$0x0], $0xffff;
	[tilespmem:v43+s0+$0x0] =	vst.idx.msk $0xffff, v41  }
0x450: {  	v24 =	vor.u32 v10, v37;
	v48 =	vor.u32 v21, v26;
	v43 =	vor.u32 s25, v56;
	v41 =	vld.idx.msk [tilespmem:v49+s22+$0x0], $0xffff  }
0x451: {  	v49 =	vor.u32 v21, v24;
	[tilespmem:v50+s0+$0x0] =	vst.idx.msk $0xffff, v39  }
0x452: {  	v25 =	vor.u32 v9, v36;
	v50 =	vor.u32 s7, v57;
	v44 =	vld.idx.msk [tilespmem:v44+s22+$0x0], $0xffff  }
0x453: {  	v26 =	vor.u32 v9, v38;
	v39 =	vor.u32 v21, v25;
	[tilespmem:v42+s0+$0x0] =	vst.idx.msk $0xffff, v40  }
0x454: {  	v24 =	vor.u32 v9, v35;
	v42 =	vor.u32 s18, v57;
	[tilespmem:v47+s0+$0x0] =	vst.idx.msk $0xffff, v46;
	v40 =	vld.idx.msk [tilespmem:v45+s22+$0x0], $0xffff  }
0x455: {  	v47 =	vor.u32 s8, v57;
	v45 =	vor.u32 v21, v26;
	v46 =	vld.idx.msk [tilespmem:v48+s22+$0x0], $0xffff;
	[tilespmem:v43+s0+$0x0] =	vst.idx.msk $0xffff, v41  }
0x456: {  	v25 =	vor.u32 v9, v37;
	v48 =	vor.u32 v21, v24;
	v43 =	vor.u32 s25, v57;
	v41 =	vld.idx.msk [tilespmem:v49+s22+$0x0], $0xffff  }
0x457: {  	v49 =	vor.u32 v21, v25;
	[tilespmem:v50+s0+$0x0] =	vst.idx.msk $0xffff, v44  }
0x458: {  	v26 =	vor.u32 v8, v36;
	v50 =	vor.u32 s7, v58;
	v39 =	vld.idx.msk [tilespmem:v39+s22+$0x0], $0xffff  }
0x459: {  	v24 =	vor.u32 v8, v38;
	v44 =	vor.u32 v21, v26;
	[tilespmem:v42+s0+$0x0] =	vst.idx.msk $0xffff, v40  }
0x45a: {  	v25 =	vor.u32 v8, v35;
	v42 =	vor.u32 s18, v58;
	[tilespmem:v47+s0+$0x0] =	vst.idx.msk $0xffff, v46;
	v40 =	vld.idx.msk [tilespmem:v45+s22+$0x0], $0xffff  }
0x45b: {  	v47 =	vor.u32 s8, v58;
	v45 =	vor.u32 v21, v24;
	v46 =	vld.idx.msk [tilespmem:v48+s22+$0x0], $0xffff;
	[tilespmem:v43+s0+$0x0] =	vst.idx.msk $0xffff, v41  }
0x45c: {  	v26 =	vor.u32 v8, v37;
	v48 =	vor.u32 v21, v25;
	v43 =	vor.u32 s25, v58;
	v41 =	vld.idx.msk [tilespmem:v49+s22+$0x0], $0xffff  }
0x45d: {  	v49 =	vor.u32 v21, v26;
	[tilespmem:v50+s0+$0x0] =	vst.idx.msk $0xffff, v39  }
0x45e: {  	v24 =	vor.u32 v7, v36;
	v50 =	vor.u32 s7, v59;
	v44 =	vld.idx.msk [tilespmem:v44+s22+$0x0], $0xffff  }
0x45f: {  	v25 =	vor.u32 v7, v38;
	v39 =	vor.u32 v21, v24;
	[tilespmem:v42+s0+$0x0] =	vst.idx.msk $0xffff, v40  }
0x460: {  	v26 =	vor.u32 v7, v35;
	v42 =	vor.u32 s18, v59;
	[tilespmem:v47+s0+$0x0] =	vst.idx.msk $0xffff, v46;
	v40 =	vld.idx.msk [tilespmem:v45+s22+$0x0], $0xffff  }
0x461: {  	v47 =	vor.u32 s8, v59;
	v45 =	vor.u32 v21, v25;
	v46 =	vld.idx.msk [tilespmem:v48+s22+$0x0], $0xffff;
	[tilespmem:v43+s0+$0x0] =	vst.idx.msk $0xffff, v41  }
0x462: {  	v24 =	vor.u32 v7, v37;
	v48 =	vor.u32 v21, v26;
	v43 =	vor.u32 s25, v59;
	v41 =	vld.idx.msk [tilespmem:v49+s22+$0x0], $0xffff  }
0x463: {  	v49 =	vor.u32 v21, v24;
	[tilespmem:v50+s0+$0x0] =	vst.idx.msk $0xffff, v44  }
0x464: {  	v25 =	vor.u32 v6, v36;
	v50 =	vor.u32 s7, v60;
	v39 =	vld.idx.msk [tilespmem:v39+s22+$0x0], $0xffff  }
0x465: {  	v26 =	vor.u32 v6, v38;
	v44 =	vor.u32 v21, v25;
	[tilespmem:v42+s0+$0x0] =	vst.idx.msk $0xffff, v40  }
0x466: {  	v24 =	vor.u32 v6, v35;
	v42 =	vor.u32 s18, v60;
	[tilespmem:v47+s0+$0x0] =	vst.idx.msk $0xffff, v46;
	v40 =	vld.idx.msk [tilespmem:v45+s22+$0x0], $0xffff  }
0x467: {  	v47 =	vor.u32 s8, v60;
	v45 =	vor.u32 v21, v26;
	v46 =	vld.idx.msk [tilespmem:v48+s22+$0x0], $0xffff;
	[tilespmem:v43+s0+$0x0] =	vst.idx.msk $0xffff, v41  }
0x468: {  	v25 =	vor.u32 v6, v37;
	v48 =	vor.u32 v21, v24;
	v43 =	vor.u32 s25, v60;
	v41 =	vld.idx.msk [tilespmem:v49+s22+$0x0], $0xffff  }
0x469: {  	v49 =	vor.u32 v21, v25;
	[tilespmem:v50+s0+$0x0] =	vst.idx.msk $0xffff, v39  }
0x46a: {  	v26 =	vor.u32 v5, v36;
	v50 =	vor.u32 s7, v61;
	v44 =	vld.idx.msk [tilespmem:v44+s22+$0x0], $0xffff  }
0x46b: {  	v24 =	vor.u32 v5, v38;
	v39 =	vor.u32 v21, v26;
	[tilespmem:v42+s0+$0x0] =	vst.idx.msk $0xffff, v40  }
0x46c: {  	v25 =	vor.u32 v5, v35;
	v42 =	vor.u32 s18, v61;
	[tilespmem:v47+s0+$0x0] =	vst.idx.msk $0xffff, v46;
	v40 =	vld.idx.msk [tilespmem:v45+s22+$0x0], $0xffff  }
0x46d: {  	v47 =	vor.u32 s8, v61;
	v45 =	vor.u32 v21, v24;
	v46 =	vld.idx.msk [tilespmem:v48+s22+$0x0], $0xffff;
	[tilespmem:v43+s0+$0x0] =	vst.idx.msk $0xffff, v41  }
0x46e: {  	v26 =	vor.u32 v5, v37;
	v48 =	vor.u32 v21, v25;
	v43 =	vor.u32 s25, v61;
	v41 =	vld.idx.msk [tilespmem:v49+s22+$0x0], $0xffff  }
0x46f: {  	v49 =	vor.u32 v21, v26;
	[tilespmem:v50+s0+$0x0] =	vst.idx.msk $0xffff, v44  }
0x470: {  	v24 =	vor.u32 v4, v36;
	v50 =	vor.u32 s7, v62;
	v39 =	vld.idx.msk [tilespmem:v39+s22+$0x0], $0xffff  }
0x471: {  	v25 =	vor.u32 v4, v38;
	v44 =	vor.u32 v21, v24;
	[tilespmem:v42+s0+$0x0] =	vst.idx.msk $0xffff, v40  }
0x472: {  	v26 =	vor.u32 v4, v35;
	v42 =	vor.u32 s18, v62;
	[tilespmem:v47+s0+$0x0] =	vst.idx.msk $0xffff, v46;
	v40 =	vld.idx.msk [tilespmem:v45+s22+$0x0], $0xffff  }
0x473: {  	v47 =	vor.u32 s8, v62;
	v45 =	vor.u32 v21, v25;
	v46 =	vld.idx.msk [tilespmem:v48+s22+$0x0], $0xffff;
	[tilespmem:v43+s0+$0x0] =	vst.idx.msk $0xffff, v41  }
0x474: {  	v24 =	vor.u32 v4, v37;
	v48 =	vor.u32 v21, v26;
	v43 =	vor.u32 s25, v62;
	v41 =	vld.idx.msk [tilespmem:v49+s22+$0x0], $0xffff  }
0x475: {  	[tilespmem:v50+s0+$0x0] =	vst.idx.msk $0xffff, v39;
	v39 =	vor.u32 v21, v24  }
0x476: {  	v25 =	vor.u32 v3, v36;
	v49 =	vor.u32 s7, v63;
	v44 =	vld.idx.msk [tilespmem:v44+s22+$0x0], $0xffff  }
0x477: {  	v26 =	vor.u32 v3, v38;
	v24 =	vor.u32 v3, v35;
	[tilespmem:v42+s0+$0x0] =	vst.idx.msk $0xffff, v40  }
0x478: {  	v40 =	vor.u32 v21, v25;
	[tilespmem:v47+s0+$0x0] =	vst.idx.msk $0xffff, v46;
	v42 =	vld.idx.msk [tilespmem:v45+s22+$0x0], $0xffff;
	v45 =	vor.u32 s18, v63  }
0x479: {  	v46 =	vor.u32 v21, v26;
	v47 =	vld.idx.msk [tilespmem:v48+s22+$0x0], $0xffff;
	v48 =	vor.u32 s8, v63;
	[tilespmem:v43+s0+$0x0] =	vst.idx.msk $0xffff, v41  }
0x47a: {  	v25 =	vor.u32 s25, v63;
	v26 =	vor.u32 v3, v37;
	v41 =	vor.u32 v21, v24;
	v39 =	vld.idx.msk [tilespmem:v39+s22+$0x0], $0xffff  }
0x47b: {  	[tilespmem:v49+s0+$0x0] =	vst.idx.msk $0xffff, v44;
	v49 =	vor.u32 v21, v26  }
0x47c: {  	v36 =	vor.u32 v2, v36;
	v38 =	vor.u32 v2, v38  }
0x47d: {  	v36 =	vor.u32 v21, v36;
	v50 =	vor.u32 s7, v15;
	[tilespmem:v45+s0+$0x0] =	vst.idx.msk $0xffff, v42;
	v40 =	vld.idx.msk [tilespmem:v40+s22+$0x0], $0xffff  }
0x47e: {  	v38 =	vor.u32 v21, v38;
	v24 =	vor.u32 s18, v15;
	[tilespmem:v48+s0+$0x0] =	vst.idx.msk $0xffff, v47;
	v45 =	vld.idx.msk [tilespmem:v46+s22+$0x0], $0xffff  }
0x47f: {  	v35 =	vor.u32 v2, v35;
	v41 =	vld.idx.msk [tilespmem:v41+s22+$0x0], $0xffff;
	[tilespmem:v25+s0+$0x0] =	vst.idx.msk $0xffff, v39;
	v25 =	vor.u32 s8, v15  }
0x480: {  	v35 =	vor.u32 v21, v35;
	v37 =	vor.u32 v2, v37;
	v26 =	vor.u32 s25, v15;
	v43 =	vld.idx.msk [tilespmem:v49+s22+$0x0], $0xffff  }
0x481: {  	v37 =	vor.u32 v21, v37  }
0x482: {  	[tilespmem:v50+s0+$0x0] =	vst.idx.msk $0xffff, v40  }
0x483: {  	v47 =	vor.u32 s7, v16;
	[tilespmem:v24+s0+$0x0] =	vst.idx.msk $0xffff, v45;
	v36 =	vld.idx.msk [tilespmem:v36+s22+$0x0], $0xffff  }
0x484: {  	v48 =	vor.u32 s18, v16;
	v38 =	vld.idx.msk [tilespmem:v38+s22+$0x0], $0xffff;
	[tilespmem:v25+s0+$0x0] =	vst.idx.msk $0xffff, v41  }
0x485: {  	v49 =	vor.u32 s8, v16;
	v35 =	vld.idx.msk [tilespmem:v35+s22+$0x0], $0xffff;
	[tilespmem:v26+s0+$0x0] =	vst.idx.msk $0xffff, v43  }
0x486: {  	p1 =	por p0, p0;
	v50 =	vor.u32 s25, v16;
	v37 =	vld.idx.msk [tilespmem:v37+s22+$0x0], $0xffff  }
.Ltmp6:
0x487: {  	_ = 	snop;
	(pc) =	sbr.rel @p1 .LBB2_14-.Ltmp6, $4  }
0x488: {  	[tilespmem:v47+s0+$0x0] =	vst.idx.msk $0xffff, v36  }
0x489: {  	[tilespmem:v48+s0+$0x0] =	vst.idx.msk $0xffff, v38  }
0x48a: {  	[tilespmem:v49+s0+$0x0] =	vst.idx.msk $0xffff, v35  }
0x48b: {  	p0 =	por $0x0, $0x0;
	s7 =	simm.s32 $0x40;
	[tilespmem:v50+s0+$0x0] =	vst.idx.msk $0xffff, v37  }
0x48c: {  	v16 =	vld [tilespmem:$0x1FEB0]  }
0x48d: {  	v61 =	vld [tilespmem:$0x1FEC0]  }
0x48e: {  	v62 =	vld [tilespmem:$0x1FED0]  }
0x48f: {  	v63 =	vld [tilespmem:$0x1FEE0]  }
0x490: {  	v15 =	vld [tilespmem:$0x1FC20]  }
0x491: {  	v51 =	vld [tilespmem:$0x1FC30]  }
0x492: {  	v52 =	vld [tilespmem:$0x1FC40]  }
0x493: {  	v53 =	vld [tilespmem:$0x1FC50]  }
0x494: {  	v54 =	vld [tilespmem:$0x1FC60]  }
0x495: {  	s7 =	sshll.u32 s1, $0x3;
	v55 =	vld [tilespmem:$0x1FC70]  }
0x496: {  	s26 =	sand.u32 $0x3F80, s1;
	v56 =	vld [tilespmem:$0x1FC80];
	s7 =	sand.u32 $0xFFE0000, s7  }
0x497: {  	v57 =	vld [tilespmem:$0x1FC90];
	s1 =	sor.u32 s26, s7  }
0x498: {  	v58 =	vld [tilespmem:$0x1FCA0];
	s7 =	simm.s32 $0x0;
	s8 =	sadd.s32 s2, s1  }
0x499: {  	v59 =	vld [tilespmem:$0x1FCB0];
	[hbm4b:s8+s7] =	stream.linear.scatter [tilespmem:s0], [sflag:$0x5], $0x400, $0x38  }
0x49a: {  	s18 =	simm.s32 $0x6500;
	p0 =	por $0x1, $0x1;
	v60 =	vld [tilespmem:$0x1FCC0];
	s28 =	sadd.s32 s1, s10  }
0x49b: {  	v17 =	vld [tilespmem:$0x1FFF0];
	[hbm4b:s28+s7] =	stream.linear.scatter [tilespmem:s18], [sflag:$0x5], $0x400, $0x38  }
.LBB2_16:
0x49c: {  	v35 =	vmov s7  }
0x49d: {  	s18 =	sor.u32 $0x10, s7;
	v36 =	vshll.u32 v35, $0x6  }
0x49e: {  	s8 =	sor.u32 $0x20, s7;
	v47 =	vmov s18;
	v37 =	vor.u32 v28, v36  }
0x49f: {  	s25 =	sor.u32 $0x30, s7;
	v48 =	vmov s8;
	v38 =	vshll.u32 v47, $0x6;
	v39 =	vor.u32 v29, v37  }
0x4a0: {  	v41 =	vmov s25;
	v35 =	vshll.u32 v48, $0x6;
	v49 =	vor.u32 v28, v38  }
0x4a1: {  	v50 =	vor.u32 v28, v35;
	v37 =	vshll.u32 v41, $0x6;
	v40 =	vor.u32 v29, v49  }
0x4a2: {  	v42 =	vor.u32 v29, v50;
	v41 =	vor.u32 v28, v37  }
0x4a3: {  	v41 =	vor.u32 v29, v41  }
0x4a4: {  	v43 =	vor.u32 s7, v17;
	v44 =	vor.u32 v14, v36;
	v39 =	vld.idx.msk [tilespmem:v39+s22+$0x0], $0xffff  }
0x4a5: {  	v44 =	vor.u32 v29, v44  }
0x4a6: {  	v45 =	vor.u32 s18, v17;
	v46 =	vor.u32 v14, v38;
	v40 =	vld.idx.msk [tilespmem:v40+s22+$0x0], $0xffff  }
0x4a7: {  	v47 =	vor.u32 s8, v17;
	v48 =	vor.u32 v14, v35;
	v46 =	vor.u32 v29, v46;
	v42 =	vld.idx.msk [tilespmem:v42+s22+$0x0], $0xffff  }
0x4a8: {  	v48 =	vor.u32 v29, v48;
	v49 =	vor.u32 s25, v17;
	v50 =	vor.u32 v14, v37;
	v41 =	vld.idx.msk [tilespmem:v41+s22+$0x0], $0xffff  }
0x4a9: {  	v25 =	vor.u32 v29, v50;
	[tilespmem:v43+s0+$0x0] =	vst.idx.msk $0xffff, v39  }
0x4aa: {  	v24 =	vor.u32 v13, v36;
	v50 =	vor.u32 s7, v16;
	v44 =	vld.idx.msk [tilespmem:v44+s22+$0x0], $0xffff  }
0x4ab: {  	v26 =	vor.u32 v13, v38;
	v39 =	vor.u32 v29, v24;
	[tilespmem:v45+s0+$0x0] =	vst.idx.msk $0xffff, v40  }
0x4ac: {  	v24 =	vor.u32 v13, v35;
	v45 =	vor.u32 s18, v16;
	[tilespmem:v47+s0+$0x0] =	vst.idx.msk $0xffff, v42;
	v40 =	vld.idx.msk [tilespmem:v46+s22+$0x0], $0xffff  }
0x4ad: {  	v42 =	vor.u32 v29, v26;
	v47 =	vor.u32 s8, v16;
	v46 =	vld.idx.msk [tilespmem:v48+s22+$0x0], $0xffff;
	[tilespmem:v49+s0+$0x0] =	vst.idx.msk $0xffff, v41  }
0x4ae: {  	v43 =	vor.u32 s25, v16;
	v48 =	vor.u32 v29, v24;
	v41 =	vld.idx.msk [tilespmem:v25+s22+$0x0], $0xffff;
	v25 =	vor.u32 v13, v37  }
0x4af: {  	v49 =	vor.u32 v29, v25;
	[tilespmem:v50+s0+$0x0] =	vst.idx.msk $0xffff, v44  }
0x4b0: {  	v26 =	vor.u32 v12, v36;
	v50 =	vor.u32 s7, v61;
	v39 =	vld.idx.msk [tilespmem:v39+s22+$0x0], $0xffff  }
0x4b1: {  	v24 =	vor.u32 v12, v38;
	v44 =	vor.u32 v29, v26;
	[tilespmem:v45+s0+$0x0] =	vst.idx.msk $0xffff, v40  }
0x4b2: {  	v25 =	vor.u32 v12, v35;
	[tilespmem:v47+s0+$0x0] =	vst.idx.msk $0xffff, v46;
	v40 =	vld.idx.msk [tilespmem:v42+s22+$0x0], $0xffff;
	v42 =	vor.u32 s18, v61  }
0x4b3: {  	v45 =	vor.u32 v29, v24;
	v47 =	vor.u32 s8, v61;
	v46 =	vld.idx.msk [tilespmem:v48+s22+$0x0], $0xffff;
	[tilespmem:v43+s0+$0x0] =	vst.idx.msk $0xffff, v41  }
0x4b4: {  	v26 =	vor.u32 v12, v37;
	v48 =	vor.u32 v29, v25;
	v43 =	vor.u32 s25, v61;
	v41 =	vld.idx.msk [tilespmem:v49+s22+$0x0], $0xffff  }
0x4b5: {  	v49 =	vor.u32 v29, v26;
	[tilespmem:v50+s0+$0x0] =	vst.idx.msk $0xffff, v39  }
0x4b6: {  	v24 =	vor.u32 v1, v36;
	v50 =	vor.u32 s7, v62;
	v44 =	vld.idx.msk [tilespmem:v44+s22+$0x0], $0xffff  }
0x4b7: {  	v25 =	vor.u32 v1, v38;
	v39 =	vor.u32 v29, v24;
	[tilespmem:v42+s0+$0x0] =	vst.idx.msk $0xffff, v40  }
0x4b8: {  	v26 =	vor.u32 v1, v35;
	v42 =	vor.u32 s18, v62;
	[tilespmem:v47+s0+$0x0] =	vst.idx.msk $0xffff, v46;
	v40 =	vld.idx.msk [tilespmem:v45+s22+$0x0], $0xffff  }
0x4b9: {  	v47 =	vor.u32 s8, v62;
	v45 =	vor.u32 v29, v25;
	v46 =	vld.idx.msk [tilespmem:v48+s22+$0x0], $0xffff;
	[tilespmem:v43+s0+$0x0] =	vst.idx.msk $0xffff, v41  }
0x4ba: {  	v24 =	vor.u32 v1, v37;
	v48 =	vor.u32 v29, v26;
	v43 =	vor.u32 s25, v62;
	v41 =	vld.idx.msk [tilespmem:v49+s22+$0x0], $0xffff  }
0x4bb: {  	v49 =	vor.u32 v29, v24;
	[tilespmem:v50+s0+$0x0] =	vst.idx.msk $0xffff, v44  }
0x4bc: {  	v25 =	vor.u32 v0, v36;
	v50 =	vor.u32 s7, v63;
	v39 =	vld.idx.msk [tilespmem:v39+s22+$0x0], $0xffff  }
0x4bd: {  	v26 =	vor.u32 v0, v38;
	v44 =	vor.u32 v29, v25;
	[tilespmem:v42+s0+$0x0] =	vst.idx.msk $0xffff, v40  }
0x4be: {  	v24 =	vor.u32 v0, v35;
	v42 =	vor.u32 s18, v63;
	[tilespmem:v47+s0+$0x0] =	vst.idx.msk $0xffff, v46;
	v40 =	vld.idx.msk [tilespmem:v45+s22+$0x0], $0xffff  }
0x4bf: {  	v47 =	vor.u32 s8, v63;
	v45 =	vor.u32 v29, v26;
	v46 =	vld.idx.msk [tilespmem:v48+s22+$0x0], $0xffff;
	[tilespmem:v43+s0+$0x0] =	vst.idx.msk $0xffff, v41  }
0x4c0: {  	v25 =	vor.u32 v0, v37;
	v48 =	vor.u32 v29, v24;
	v43 =	vor.u32 s25, v63;
	v41 =	vld.idx.msk [tilespmem:v49+s22+$0x0], $0xffff  }
0x4c1: {  	v49 =	vor.u32 v29, v25;
	[tilespmem:v50+s0+$0x0] =	vst.idx.msk $0xffff, v39  }
0x4c2: {  	v26 =	vor.u32 v11, v36;
	v50 =	vor.u32 s7, v15;
	v44 =	vld.idx.msk [tilespmem:v44+s22+$0x0], $0xffff  }
0x4c3: {  	v24 =	vor.u32 v11, v38;
	v39 =	vor.u32 v29, v26;
	[tilespmem:v42+s0+$0x0] =	vst.idx.msk $0xffff, v40  }
0x4c4: {  	v25 =	vor.u32 v11, v35;
	v42 =	vor.u32 s18, v15;
	[tilespmem:v47+s0+$0x0] =	vst.idx.msk $0xffff, v46;
	v40 =	vld.idx.msk [tilespmem:v45+s22+$0x0], $0xffff  }
0x4c5: {  	v47 =	vor.u32 s8, v15;
	v45 =	vor.u32 v29, v24;
	v46 =	vld.idx.msk [tilespmem:v48+s22+$0x0], $0xffff;
	[tilespmem:v43+s0+$0x0] =	vst.idx.msk $0xffff, v41  }
0x4c6: {  	v26 =	vor.u32 v11, v37;
	v48 =	vor.u32 v29, v25;
	v43 =	vor.u32 s25, v15;
	v41 =	vld.idx.msk [tilespmem:v49+s22+$0x0], $0xffff  }
0x4c7: {  	v49 =	vor.u32 v29, v26;
	[tilespmem:v50+s0+$0x0] =	vst.idx.msk $0xffff, v44  }
0x4c8: {  	v24 =	vor.u32 v10, v36;
	v50 =	vor.u32 s7, v51;
	v39 =	vld.idx.msk [tilespmem:v39+s22+$0x0], $0xffff  }
0x4c9: {  	v25 =	vor.u32 v10, v38;
	v44 =	vor.u32 v29, v24;
	[tilespmem:v42+s0+$0x0] =	vst.idx.msk $0xffff, v40  }
0x4ca: {  	v26 =	vor.u32 v10, v35;
	v42 =	vor.u32 s18, v51;
	[tilespmem:v47+s0+$0x0] =	vst.idx.msk $0xffff, v46;
	v40 =	vld.idx.msk [tilespmem:v45+s22+$0x0], $0xffff  }
0x4cb: {  	v47 =	vor.u32 s8, v51;
	v45 =	vor.u32 v29, v25;
	v46 =	vld.idx.msk [tilespmem:v48+s22+$0x0], $0xffff;
	[tilespmem:v43+s0+$0x0] =	vst.idx.msk $0xffff, v41  }
0x4cc: {  	v24 =	vor.u32 v10, v37;
	v48 =	vor.u32 v29, v26;
	v43 =	vor.u32 s25, v51;
	v41 =	vld.idx.msk [tilespmem:v49+s22+$0x0], $0xffff  }
0x4cd: {  	v49 =	vor.u32 v29, v24;
	[tilespmem:v50+s0+$0x0] =	vst.idx.msk $0xffff, v39  }
0x4ce: {  	v25 =	vor.u32 v9, v36;
	v50 =	vor.u32 s7, v52;
	v44 =	vld.idx.msk [tilespmem:v44+s22+$0x0], $0xffff  }
0x4cf: {  	v26 =	vor.u32 v9, v38;
	v39 =	vor.u32 v29, v25;
	[tilespmem:v42+s0+$0x0] =	vst.idx.msk $0xffff, v40  }
0x4d0: {  	v24 =	vor.u32 v9, v35;
	v42 =	vor.u32 s18, v52;
	[tilespmem:v47+s0+$0x0] =	vst.idx.msk $0xffff, v46;
	v40 =	vld.idx.msk [tilespmem:v45+s22+$0x0], $0xffff  }
0x4d1: {  	v47 =	vor.u32 s8, v52;
	v45 =	vor.u32 v29, v26;
	v46 =	vld.idx.msk [tilespmem:v48+s22+$0x0], $0xffff;
	[tilespmem:v43+s0+$0x0] =	vst.idx.msk $0xffff, v41  }
0x4d2: {  	v25 =	vor.u32 v9, v37;
	v48 =	vor.u32 v29, v24;
	v43 =	vor.u32 s25, v52;
	v41 =	vld.idx.msk [tilespmem:v49+s22+$0x0], $0xffff  }
0x4d3: {  	v49 =	vor.u32 v29, v25;
	[tilespmem:v50+s0+$0x0] =	vst.idx.msk $0xffff, v44  }
0x4d4: {  	v26 =	vor.u32 v8, v36;
	v50 =	vor.u32 s7, v53;
	v39 =	vld.idx.msk [tilespmem:v39+s22+$0x0], $0xffff  }
0x4d5: {  	v24 =	vor.u32 v8, v38;
	v44 =	vor.u32 v29, v26;
	[tilespmem:v42+s0+$0x0] =	vst.idx.msk $0xffff, v40  }
0x4d6: {  	v25 =	vor.u32 v8, v35;
	v42 =	vor.u32 s18, v53;
	[tilespmem:v47+s0+$0x0] =	vst.idx.msk $0xffff, v46;
	v40 =	vld.idx.msk [tilespmem:v45+s22+$0x0], $0xffff  }
0x4d7: {  	v47 =	vor.u32 s8, v53;
	v45 =	vor.u32 v29, v24;
	v46 =	vld.idx.msk [tilespmem:v48+s22+$0x0], $0xffff;
	[tilespmem:v43+s0+$0x0] =	vst.idx.msk $0xffff, v41  }
0x4d8: {  	v26 =	vor.u32 v8, v37;
	v48 =	vor.u32 v29, v25;
	v43 =	vor.u32 s25, v53;
	v41 =	vld.idx.msk [tilespmem:v49+s22+$0x0], $0xffff  }
0x4d9: {  	v49 =	vor.u32 v29, v26;
	[tilespmem:v50+s0+$0x0] =	vst.idx.msk $0xffff, v39  }
0x4da: {  	v24 =	vor.u32 v7, v36;
	v50 =	vor.u32 s7, v54;
	v44 =	vld.idx.msk [tilespmem:v44+s22+$0x0], $0xffff  }
0x4db: {  	v25 =	vor.u32 v7, v38;
	v39 =	vor.u32 v29, v24;
	[tilespmem:v42+s0+$0x0] =	vst.idx.msk $0xffff, v40  }
0x4dc: {  	v26 =	vor.u32 v7, v35;
	v42 =	vor.u32 s18, v54;
	[tilespmem:v47+s0+$0x0] =	vst.idx.msk $0xffff, v46;
	v40 =	vld.idx.msk [tilespmem:v45+s22+$0x0], $0xffff  }
0x4dd: {  	v47 =	vor.u32 s8, v54;
	v45 =	vor.u32 v29, v25;
	v46 =	vld.idx.msk [tilespmem:v48+s22+$0x0], $0xffff;
	[tilespmem:v43+s0+$0x0] =	vst.idx.msk $0xffff, v41  }
0x4de: {  	v24 =	vor.u32 v7, v37;
	v48 =	vor.u32 v29, v26;
	v43 =	vor.u32 s25, v54;
	v41 =	vld.idx.msk [tilespmem:v49+s22+$0x0], $0xffff  }
0x4df: {  	v49 =	vor.u32 v29, v24;
	[tilespmem:v50+s0+$0x0] =	vst.idx.msk $0xffff, v44  }
0x4e0: {  	v25 =	vor.u32 v6, v36;
	v50 =	vor.u32 s7, v55;
	v39 =	vld.idx.msk [tilespmem:v39+s22+$0x0], $0xffff  }
0x4e1: {  	v26 =	vor.u32 v6, v38;
	v44 =	vor.u32 v29, v25;
	[tilespmem:v42+s0+$0x0] =	vst.idx.msk $0xffff, v40  }
0x4e2: {  	v24 =	vor.u32 v6, v35;
	v42 =	vor.u32 s18, v55;
	[tilespmem:v47+s0+$0x0] =	vst.idx.msk $0xffff, v46;
	v40 =	vld.idx.msk [tilespmem:v45+s22+$0x0], $0xffff  }
0x4e3: {  	v47 =	vor.u32 s8, v55;
	v45 =	vor.u32 v29, v26;
	v46 =	vld.idx.msk [tilespmem:v48+s22+$0x0], $0xffff;
	[tilespmem:v43+s0+$0x0] =	vst.idx.msk $0xffff, v41  }
0x4e4: {  	v25 =	vor.u32 v6, v37;
	v48 =	vor.u32 v29, v24;
	v43 =	vor.u32 s25, v55;
	v41 =	vld.idx.msk [tilespmem:v49+s22+$0x0], $0xffff  }
0x4e5: {  	v49 =	vor.u32 v29, v25;
	[tilespmem:v50+s0+$0x0] =	vst.idx.msk $0xffff, v39  }
0x4e6: {  	v26 =	vor.u32 v5, v36;
	v50 =	vor.u32 s7, v56;
	v44 =	vld.idx.msk [tilespmem:v44+s22+$0x0], $0xffff  }
0x4e7: {  	v24 =	vor.u32 v5, v38;
	v39 =	vor.u32 v29, v26;
	[tilespmem:v42+s0+$0x0] =	vst.idx.msk $0xffff, v40  }
0x4e8: {  	v25 =	vor.u32 v5, v35;
	v42 =	vor.u32 s18, v56;
	[tilespmem:v47+s0+$0x0] =	vst.idx.msk $0xffff, v46;
	v40 =	vld.idx.msk [tilespmem:v45+s22+$0x0], $0xffff  }
0x4e9: {  	v47 =	vor.u32 s8, v56;
	v45 =	vor.u32 v29, v24;
	v46 =	vld.idx.msk [tilespmem:v48+s22+$0x0], $0xffff;
	[tilespmem:v43+s0+$0x0] =	vst.idx.msk $0xffff, v41  }
0x4ea: {  	v26 =	vor.u32 v5, v37;
	v48 =	vor.u32 v29, v25;
	v43 =	vor.u32 s25, v56;
	v41 =	vld.idx.msk [tilespmem:v49+s22+$0x0], $0xffff  }
0x4eb: {  	v49 =	vor.u32 v29, v26;
	[tilespmem:v50+s0+$0x0] =	vst.idx.msk $0xffff, v44  }
0x4ec: {  	v24 =	vor.u32 v4, v36;
	v50 =	vor.u32 s7, v57;
	v39 =	vld.idx.msk [tilespmem:v39+s22+$0x0], $0xffff  }
0x4ed: {  	v25 =	vor.u32 v4, v38;
	v44 =	vor.u32 v29, v24;
	[tilespmem:v42+s0+$0x0] =	vst.idx.msk $0xffff, v40  }
0x4ee: {  	v26 =	vor.u32 v4, v35;
	v42 =	vor.u32 s18, v57;
	[tilespmem:v47+s0+$0x0] =	vst.idx.msk $0xffff, v46;
	v40 =	vld.idx.msk [tilespmem:v45+s22+$0x0], $0xffff  }
0x4ef: {  	v47 =	vor.u32 s8, v57;
	v45 =	vor.u32 v29, v25;
	v46 =	vld.idx.msk [tilespmem:v48+s22+$0x0], $0xffff;
	[tilespmem:v43+s0+$0x0] =	vst.idx.msk $0xffff, v41  }
0x4f0: {  	v24 =	vor.u32 v4, v37;
	v48 =	vor.u32 v29, v26;
	v43 =	vor.u32 s25, v57;
	v41 =	vld.idx.msk [tilespmem:v49+s22+$0x0], $0xffff  }
0x4f1: {  	[tilespmem:v50+s0+$0x0] =	vst.idx.msk $0xffff, v39;
	v39 =	vor.u32 v29, v24  }
0x4f2: {  	v25 =	vor.u32 v3, v36;
	v49 =	vor.u32 s7, v58;
	v44 =	vld.idx.msk [tilespmem:v44+s22+$0x0], $0xffff  }
0x4f3: {  	v26 =	vor.u32 v3, v38;
	v24 =	vor.u32 v3, v35;
	[tilespmem:v42+s0+$0x0] =	vst.idx.msk $0xffff, v40  }
0x4f4: {  	v40 =	vor.u32 v29, v25;
	[tilespmem:v47+s0+$0x0] =	vst.idx.msk $0xffff, v46;
	v42 =	vld.idx.msk [tilespmem:v45+s22+$0x0], $0xffff;
	v45 =	vor.u32 s18, v58  }
0x4f5: {  	v46 =	vor.u32 v29, v26;
	v47 =	vld.idx.msk [tilespmem:v48+s22+$0x0], $0xffff;
	v48 =	vor.u32 s8, v58;
	[tilespmem:v43+s0+$0x0] =	vst.idx.msk $0xffff, v41  }
0x4f6: {  	v25 =	vor.u32 s25, v58;
	v26 =	vor.u32 v3, v37;
	v41 =	vor.u32 v29, v24;
	v39 =	vld.idx.msk [tilespmem:v39+s22+$0x0], $0xffff  }
0x4f7: {  	[tilespmem:v49+s0+$0x0] =	vst.idx.msk $0xffff, v44;
	v49 =	vor.u32 v29, v26  }
0x4f8: {  	v36 =	vor.u32 v2, v36;
	v38 =	vor.u32 v2, v38  }
0x4f9: {  	v36 =	vor.u32 v29, v36;
	v50 =	vor.u32 s7, v59;
	[tilespmem:v45+s0+$0x0] =	vst.idx.msk $0xffff, v42;
	v40 =	vld.idx.msk [tilespmem:v40+s22+$0x0], $0xffff  }
0x4fa: {  	v38 =	vor.u32 v29, v38;
	v24 =	vor.u32 s18, v59;
	[tilespmem:v48+s0+$0x0] =	vst.idx.msk $0xffff, v47;
	v45 =	vld.idx.msk [tilespmem:v46+s22+$0x0], $0xffff  }
0x4fb: {  	v35 =	vor.u32 v2, v35;
	v41 =	vld.idx.msk [tilespmem:v41+s22+$0x0], $0xffff;
	[tilespmem:v25+s0+$0x0] =	vst.idx.msk $0xffff, v39;
	v25 =	vor.u32 s8, v59  }
0x4fc: {  	v35 =	vor.u32 v29, v35;
	v37 =	vor.u32 v2, v37;
	v26 =	vor.u32 s25, v59;
	v43 =	vld.idx.msk [tilespmem:v49+s22+$0x0], $0xffff  }
0x4fd: {  	v37 =	vor.u32 v29, v37  }
0x4fe: {  	[tilespmem:v50+s0+$0x0] =	vst.idx.msk $0xffff, v40  }
0x4ff: {  	v47 =	vor.u32 s7, v60;
	[tilespmem:v24+s0+$0x0] =	vst.idx.msk $0xffff, v45;
	v36 =	vld.idx.msk [tilespmem:v36+s22+$0x0], $0xffff  }
0x500: {  	v48 =	vor.u32 s18, v60;
	v38 =	vld.idx.msk [tilespmem:v38+s22+$0x0], $0xffff;
	[tilespmem:v25+s0+$0x0] =	vst.idx.msk $0xffff, v41  }
0x501: {  	v49 =	vor.u32 s8, v60;
	v35 =	vld.idx.msk [tilespmem:v35+s22+$0x0], $0xffff;
	[tilespmem:v26+s0+$0x0] =	vst.idx.msk $0xffff, v43  }
0x502: {  	p1 =	por p0, p0;
	v50 =	vor.u32 s25, v60;
	v37 =	vld.idx.msk [tilespmem:v37+s22+$0x0], $0xffff  }
.Ltmp7:
0x503: {  	_ = 	snop;
	(pc) =	sbr.rel @p1 .LBB2_16-.Ltmp7, $4  }
0x504: {  	[tilespmem:v47+s0+$0x0] =	vst.idx.msk $0xffff, v36  }
0x505: {  	[tilespmem:v48+s0+$0x0] =	vst.idx.msk $0xffff, v38  }
0x506: {  	[tilespmem:v49+s0+$0x0] =	vst.idx.msk $0xffff, v35  }
0x507: {  	p0 =	por $0x0, $0x0;
	s7 =	simm.s32 $0x40;
	[tilespmem:v50+s0+$0x0] =	vst.idx.msk $0xffff, v37  }
0x508: {  	v15 =	vld [tilespmem:$0x1FEF0]  }
0x509: {  	v51 =	vld [tilespmem:$0x1FF00]  }
0x50a: {  	v52 =	vld [tilespmem:$0x1FF10]  }
0x50b: {  	v53 =	vld [tilespmem:$0x1FF20]  }
0x50c: {  	v54 =	vld [tilespmem:$0x1FF30]  }
0x50d: {  	v55 =	vld [tilespmem:$0x1FF40]  }
0x50e: {  	v56 =	vld [tilespmem:$0x1FF50]  }
0x50f: {  	v57 =	vld [tilespmem:$0x1FF60]  }
0x510: {  	v58 =	vld [tilespmem:$0x1FF70]  }
0x511: {  	v59 =	vld [tilespmem:$0x1FCD0]  }
0x512: {  	v60 =	vld [tilespmem:$0x1FCE0]  }
0x513: {  	s8 =	sadd.s32 s1, s11;
	s7 =	simm.s32 $0x0;
	s18 =	simm.s32 $0x6900;
	v17 =	vld [tilespmem:$0x1FF80]  }
0x514: {  	v18 =	vld [tilespmem:$0x1FF90];
	[hbm4b:s8+s7] =	stream.linear.scatter [tilespmem:s18], [sflag:$0x5], $0x400, $0x38  }
0x515: {  	s26 =	sadd.s32 s1, s12;
	s28 =	simm.s32 $0x6D00;
	p0 =	por $0x1, $0x1;
	v19 =	vld [tilespmem:$0x1FFA0]  }
0x516: {  	v20 =	vld [tilespmem:$0x1FFB0];
	[hbm4b:s26+s7] =	stream.linear.scatter [tilespmem:s28], [sflag:$0x5], $0x400, $0x38  }
.LBB2_18:
0x517: {  	v35 =	vmov s7  }
0x518: {  	s18 =	sor.u32 $0x10, s7;
	v36 =	vshll.u32 v35, $0x6  }
0x519: {  	s8 =	sor.u32 $0x20, s7;
	v47 =	vmov s18;
	v37 =	vor.u32 v28, v36  }
0x51a: {  	s25 =	sor.u32 $0x30, s7;
	v48 =	vmov s8;
	v38 =	vshll.u32 v47, $0x6;
	v39 =	vor.u32 v31, v37  }
0x51b: {  	v41 =	vmov s25;
	v35 =	vshll.u32 v48, $0x6;
	v49 =	vor.u32 v28, v38  }
0x51c: {  	v50 =	vor.u32 v28, v35;
	v37 =	vshll.u32 v41, $0x6;
	v40 =	vor.u32 v31, v49  }
0x51d: {  	v42 =	vor.u32 v31, v50;
	v41 =	vor.u32 v28, v37  }
0x51e: {  	v41 =	vor.u32 v31, v41  }
0x51f: {  	v43 =	vor.u32 s7, v33;
	v44 =	vor.u32 v14, v36;
	v39 =	vld.idx.msk [tilespmem:v39+s22+$0x0], $0xffff  }
0x520: {  	v44 =	vor.u32 v31, v44  }
0x521: {  	v45 =	vor.u32 s18, v33;
	v46 =	vor.u32 v14, v38;
	v40 =	vld.idx.msk [tilespmem:v40+s22+$0x0], $0xffff  }
0x522: {  	v47 =	vor.u32 s8, v33;
	v48 =	vor.u32 v14, v35;
	v46 =	vor.u32 v31, v46;
	v42 =	vld.idx.msk [tilespmem:v42+s22+$0x0], $0xffff  }
0x523: {  	v48 =	vor.u32 v31, v48;
	v49 =	vor.u32 s25, v33;
	v50 =	vor.u32 v14, v37;
	v41 =	vld.idx.msk [tilespmem:v41+s22+$0x0], $0xffff  }
0x524: {  	v25 =	vor.u32 v31, v50;
	[tilespmem:v43+s0+$0x0] =	vst.idx.msk $0xffff, v39  }
0x525: {  	v24 =	vor.u32 v13, v36;
	v50 =	vor.u32 s7, v15;
	v44 =	vld.idx.msk [tilespmem:v44+s22+$0x0], $0xffff  }
0x526: {  	v26 =	vor.u32 v13, v38;
	v39 =	vor.u32 v31, v24;
	[tilespmem:v45+s0+$0x0] =	vst.idx.msk $0xffff, v40  }
0x527: {  	v24 =	vor.u32 v13, v35;
	v45 =	vor.u32 s18, v15;
	[tilespmem:v47+s0+$0x0] =	vst.idx.msk $0xffff, v42;
	v40 =	vld.idx.msk [tilespmem:v46+s22+$0x0], $0xffff  }
0x528: {  	v42 =	vor.u32 v31, v26;
	v47 =	vor.u32 s8, v15;
	v46 =	vld.idx.msk [tilespmem:v48+s22+$0x0], $0xffff;
	[tilespmem:v49+s0+$0x0] =	vst.idx.msk $0xffff, v41  }
0x529: {  	v43 =	vor.u32 s25, v15;
	v48 =	vor.u32 v31, v24;
	v41 =	vld.idx.msk [tilespmem:v25+s22+$0x0], $0xffff;
	v25 =	vor.u32 v13, v37  }
0x52a: {  	v49 =	vor.u32 v31, v25;
	[tilespmem:v50+s0+$0x0] =	vst.idx.msk $0xffff, v44  }
0x52b: {  	v26 =	vor.u32 v12, v36;
	v50 =	vor.u32 s7, v51;
	v39 =	vld.idx.msk [tilespmem:v39+s22+$0x0], $0xffff  }
0x52c: {  	v24 =	vor.u32 v12, v38;
	v44 =	vor.u32 v31, v26;
	[tilespmem:v45+s0+$0x0] =	vst.idx.msk $0xffff, v40  }
0x52d: {  	v25 =	vor.u32 v12, v35;
	[tilespmem:v47+s0+$0x0] =	vst.idx.msk $0xffff, v46;
	v40 =	vld.idx.msk [tilespmem:v42+s22+$0x0], $0xffff;
	v42 =	vor.u32 s18, v51  }
0x52e: {  	v45 =	vor.u32 v31, v24;
	v47 =	vor.u32 s8, v51;
	v46 =	vld.idx.msk [tilespmem:v48+s22+$0x0], $0xffff;
	[tilespmem:v43+s0+$0x0] =	vst.idx.msk $0xffff, v41  }
0x52f: {  	v26 =	vor.u32 v12, v37;
	v48 =	vor.u32 v31, v25;
	v43 =	vor.u32 s25, v51;
	v41 =	vld.idx.msk [tilespmem:v49+s22+$0x0], $0xffff  }
0x530: {  	v49 =	vor.u32 v31, v26;
	[tilespmem:v50+s0+$0x0] =	vst.idx.msk $0xffff, v39  }
0x531: {  	v24 =	vor.u32 v1, v36;
	v50 =	vor.u32 s7, v52;
	v44 =	vld.idx.msk [tilespmem:v44+s22+$0x0], $0xffff  }
0x532: {  	v25 =	vor.u32 v1, v38;
	v39 =	vor.u32 v31, v24;
	[tilespmem:v42+s0+$0x0] =	vst.idx.msk $0xffff, v40  }
0x533: {  	v26 =	vor.u32 v1, v35;
	v42 =	vor.u32 s18, v52;
	[tilespmem:v47+s0+$0x0] =	vst.idx.msk $0xffff, v46;
	v40 =	vld.idx.msk [tilespmem:v45+s22+$0x0], $0xffff  }
0x534: {  	v47 =	vor.u32 s8, v52;
	v45 =	vor.u32 v31, v25;
	v46 =	vld.idx.msk [tilespmem:v48+s22+$0x0], $0xffff;
	[tilespmem:v43+s0+$0x0] =	vst.idx.msk $0xffff, v41  }
0x535: {  	v24 =	vor.u32 v1, v37;
	v48 =	vor.u32 v31, v26;
	v43 =	vor.u32 s25, v52;
	v41 =	vld.idx.msk [tilespmem:v49+s22+$0x0], $0xffff  }
0x536: {  	v49 =	vor.u32 v31, v24;
	[tilespmem:v50+s0+$0x0] =	vst.idx.msk $0xffff, v44  }
0x537: {  	v25 =	vor.u32 v0, v36;
	v50 =	vor.u32 s7, v53;
	v39 =	vld.idx.msk [tilespmem:v39+s22+$0x0], $0xffff  }
0x538: {  	v26 =	vor.u32 v0, v38;
	v44 =	vor.u32 v31, v25;
	[tilespmem:v42+s0+$0x0] =	vst.idx.msk $0xffff, v40  }
0x539: {  	v24 =	vor.u32 v0, v35;
	v42 =	vor.u32 s18, v53;
	[tilespmem:v47+s0+$0x0] =	vst.idx.msk $0xffff, v46;
	v40 =	vld.idx.msk [tilespmem:v45+s22+$0x0], $0xffff  }
0x53a: {  	v47 =	vor.u32 s8, v53;
	v45 =	vor.u32 v31, v26;
	v46 =	vld.idx.msk [tilespmem:v48+s22+$0x0], $0xffff;
	[tilespmem:v43+s0+$0x0] =	vst.idx.msk $0xffff, v41  }
0x53b: {  	v25 =	vor.u32 v0, v37;
	v48 =	vor.u32 v31, v24;
	v43 =	vor.u32 s25, v53;
	v41 =	vld.idx.msk [tilespmem:v49+s22+$0x0], $0xffff  }
0x53c: {  	v49 =	vor.u32 v31, v25;
	[tilespmem:v50+s0+$0x0] =	vst.idx.msk $0xffff, v39  }
0x53d: {  	v26 =	vor.u32 v11, v36;
	v50 =	vor.u32 s7, v54;
	v44 =	vld.idx.msk [tilespmem:v44+s22+$0x0], $0xffff  }
0x53e: {  	v24 =	vor.u32 v11, v38;
	v39 =	vor.u32 v31, v26;
	[tilespmem:v42+s0+$0x0] =	vst.idx.msk $0xffff, v40  }
0x53f: {  	v25 =	vor.u32 v11, v35;
	v42 =	vor.u32 s18, v54;
	[tilespmem:v47+s0+$0x0] =	vst.idx.msk $0xffff, v46;
	v40 =	vld.idx.msk [tilespmem:v45+s22+$0x0], $0xffff  }
0x540: {  	v47 =	vor.u32 s8, v54;
	v45 =	vor.u32 v31, v24;
	v46 =	vld.idx.msk [tilespmem:v48+s22+$0x0], $0xffff;
	[tilespmem:v43+s0+$0x0] =	vst.idx.msk $0xffff, v41  }
0x541: {  	v26 =	vor.u32 v11, v37;
	v48 =	vor.u32 v31, v25;
	v43 =	vor.u32 s25, v54;
	v41 =	vld.idx.msk [tilespmem:v49+s22+$0x0], $0xffff  }
0x542: {  	v49 =	vor.u32 v31, v26;
	[tilespmem:v50+s0+$0x0] =	vst.idx.msk $0xffff, v44  }
0x543: {  	v24 =	vor.u32 v10, v36;
	v50 =	vor.u32 s7, v55;
	v39 =	vld.idx.msk [tilespmem:v39+s22+$0x0], $0xffff  }
0x544: {  	v25 =	vor.u32 v10, v38;
	v44 =	vor.u32 v31, v24;
	[tilespmem:v42+s0+$0x0] =	vst.idx.msk $0xffff, v40  }
0x545: {  	v26 =	vor.u32 v10, v35;
	v42 =	vor.u32 s18, v55;
	[tilespmem:v47+s0+$0x0] =	vst.idx.msk $0xffff, v46;
	v40 =	vld.idx.msk [tilespmem:v45+s22+$0x0], $0xffff  }
0x546: {  	v47 =	vor.u32 s8, v55;
	v45 =	vor.u32 v31, v25;
	v46 =	vld.idx.msk [tilespmem:v48+s22+$0x0], $0xffff;
	[tilespmem:v43+s0+$0x0] =	vst.idx.msk $0xffff, v41  }
0x547: {  	v24 =	vor.u32 v10, v37;
	v48 =	vor.u32 v31, v26;
	v43 =	vor.u32 s25, v55;
	v41 =	vld.idx.msk [tilespmem:v49+s22+$0x0], $0xffff  }
0x548: {  	v49 =	vor.u32 v31, v24;
	[tilespmem:v50+s0+$0x0] =	vst.idx.msk $0xffff, v39  }
0x549: {  	v25 =	vor.u32 v9, v36;
	v50 =	vor.u32 s7, v56;
	v44 =	vld.idx.msk [tilespmem:v44+s22+$0x0], $0xffff  }
0x54a: {  	v26 =	vor.u32 v9, v38;
	v39 =	vor.u32 v31, v25;
	[tilespmem:v42+s0+$0x0] =	vst.idx.msk $0xffff, v40  }
0x54b: {  	v24 =	vor.u32 v9, v35;
	v42 =	vor.u32 s18, v56;
	[tilespmem:v47+s0+$0x0] =	vst.idx.msk $0xffff, v46;
	v40 =	vld.idx.msk [tilespmem:v45+s22+$0x0], $0xffff  }
0x54c: {  	v47 =	vor.u32 s8, v56;
	v45 =	vor.u32 v31, v26;
	v46 =	vld.idx.msk [tilespmem:v48+s22+$0x0], $0xffff;
	[tilespmem:v43+s0+$0x0] =	vst.idx.msk $0xffff, v41  }
0x54d: {  	v25 =	vor.u32 v9, v37;
	v48 =	vor.u32 v31, v24;
	v43 =	vor.u32 s25, v56;
	v41 =	vld.idx.msk [tilespmem:v49+s22+$0x0], $0xffff  }
0x54e: {  	v49 =	vor.u32 v31, v25;
	[tilespmem:v50+s0+$0x0] =	vst.idx.msk $0xffff, v44  }
0x54f: {  	v26 =	vor.u32 v8, v36;
	v50 =	vor.u32 s7, v57;
	v39 =	vld.idx.msk [tilespmem:v39+s22+$0x0], $0xffff  }
0x550: {  	v24 =	vor.u32 v8, v38;
	v44 =	vor.u32 v31, v26;
	[tilespmem:v42+s0+$0x0] =	vst.idx.msk $0xffff, v40  }
0x551: {  	v25 =	vor.u32 v8, v35;
	v42 =	vor.u32 s18, v57;
	[tilespmem:v47+s0+$0x0] =	vst.idx.msk $0xffff, v46;
	v40 =	vld.idx.msk [tilespmem:v45+s22+$0x0], $0xffff  }
0x552: {  	v47 =	vor.u32 s8, v57;
	v45 =	vor.u32 v31, v24;
	v46 =	vld.idx.msk [tilespmem:v48+s22+$0x0], $0xffff;
	[tilespmem:v43+s0+$0x0] =	vst.idx.msk $0xffff, v41  }
0x553: {  	v26 =	vor.u32 v8, v37;
	v48 =	vor.u32 v31, v25;
	v43 =	vor.u32 s25, v57;
	v41 =	vld.idx.msk [tilespmem:v49+s22+$0x0], $0xffff  }
0x554: {  	v49 =	vor.u32 v31, v26;
	[tilespmem:v50+s0+$0x0] =	vst.idx.msk $0xffff, v39  }
0x555: {  	v24 =	vor.u32 v7, v36;
	v50 =	vor.u32 s7, v58;
	v44 =	vld.idx.msk [tilespmem:v44+s22+$0x0], $0xffff  }
0x556: {  	v25 =	vor.u32 v7, v38;
	v39 =	vor.u32 v31, v24;
	[tilespmem:v42+s0+$0x0] =	vst.idx.msk $0xffff, v40  }
0x557: {  	v26 =	vor.u32 v7, v35;
	v42 =	vor.u32 s18, v58;
	[tilespmem:v47+s0+$0x0] =	vst.idx.msk $0xffff, v46;
	v40 =	vld.idx.msk [tilespmem:v45+s22+$0x0], $0xffff  }
0x558: {  	v47 =	vor.u32 s8, v58;
	v45 =	vor.u32 v31, v25;
	v46 =	vld.idx.msk [tilespmem:v48+s22+$0x0], $0xffff;
	[tilespmem:v43+s0+$0x0] =	vst.idx.msk $0xffff, v41  }
0x559: {  	v24 =	vor.u32 v7, v37;
	v48 =	vor.u32 v31, v26;
	v43 =	vor.u32 s25, v58;
	v41 =	vld.idx.msk [tilespmem:v49+s22+$0x0], $0xffff  }
0x55a: {  	v49 =	vor.u32 v31, v24;
	[tilespmem:v50+s0+$0x0] =	vst.idx.msk $0xffff, v44  }
0x55b: {  	v25 =	vor.u32 v6, v36;
	v50 =	vor.u32 s7, v59;
	v39 =	vld.idx.msk [tilespmem:v39+s22+$0x0], $0xffff  }
0x55c: {  	v26 =	vor.u32 v6, v38;
	v44 =	vor.u32 v31, v25;
	[tilespmem:v42+s0+$0x0] =	vst.idx.msk $0xffff, v40  }
0x55d: {  	v24 =	vor.u32 v6, v35;
	v42 =	vor.u32 s18, v59;
	[tilespmem:v47+s0+$0x0] =	vst.idx.msk $0xffff, v46;
	v40 =	vld.idx.msk [tilespmem:v45+s22+$0x0], $0xffff  }
0x55e: {  	v47 =	vor.u32 s8, v59;
	v45 =	vor.u32 v31, v26;
	v46 =	vld.idx.msk [tilespmem:v48+s22+$0x0], $0xffff;
	[tilespmem:v43+s0+$0x0] =	vst.idx.msk $0xffff, v41  }
0x55f: {  	v25 =	vor.u32 v6, v37;
	v48 =	vor.u32 v31, v24;
	v43 =	vor.u32 s25, v59;
	v41 =	vld.idx.msk [tilespmem:v49+s22+$0x0], $0xffff  }
0x560: {  	v49 =	vor.u32 v31, v25;
	[tilespmem:v50+s0+$0x0] =	vst.idx.msk $0xffff, v39  }
0x561: {  	v26 =	vor.u32 v5, v36;
	v50 =	vor.u32 s7, v60;
	v44 =	vld.idx.msk [tilespmem:v44+s22+$0x0], $0xffff  }
0x562: {  	v24 =	vor.u32 v5, v38;
	v39 =	vor.u32 v31, v26;
	[tilespmem:v42+s0+$0x0] =	vst.idx.msk $0xffff, v40  }
0x563: {  	v25 =	vor.u32 v5, v35;
	v42 =	vor.u32 s18, v60;
	[tilespmem:v47+s0+$0x0] =	vst.idx.msk $0xffff, v46;
	v40 =	vld.idx.msk [tilespmem:v45+s22+$0x0], $0xffff  }
0x564: {  	v47 =	vor.u32 s8, v60;
	v45 =	vor.u32 v31, v24;
	v46 =	vld.idx.msk [tilespmem:v48+s22+$0x0], $0xffff;
	[tilespmem:v43+s0+$0x0] =	vst.idx.msk $0xffff, v41  }
0x565: {  	v26 =	vor.u32 v5, v37;
	v48 =	vor.u32 v31, v25;
	v43 =	vor.u32 s25, v60;
	v41 =	vld.idx.msk [tilespmem:v49+s22+$0x0], $0xffff  }
0x566: {  	v49 =	vor.u32 v31, v26;
	[tilespmem:v50+s0+$0x0] =	vst.idx.msk $0xffff, v44  }
0x567: {  	v24 =	vor.u32 v4, v36;
	v50 =	vor.u32 s7, v17;
	v39 =	vld.idx.msk [tilespmem:v39+s22+$0x0], $0xffff  }
0x568: {  	v25 =	vor.u32 v4, v38;
	v44 =	vor.u32 v31, v24;
	[tilespmem:v42+s0+$0x0] =	vst.idx.msk $0xffff, v40  }
0x569: {  	v26 =	vor.u32 v4, v35;
	v42 =	vor.u32 s18, v17;
	[tilespmem:v47+s0+$0x0] =	vst.idx.msk $0xffff, v46;
	v40 =	vld.idx.msk [tilespmem:v45+s22+$0x0], $0xffff  }
0x56a: {  	v47 =	vor.u32 s8, v17;
	v45 =	vor.u32 v31, v25;
	v46 =	vld.idx.msk [tilespmem:v48+s22+$0x0], $0xffff;
	[tilespmem:v43+s0+$0x0] =	vst.idx.msk $0xffff, v41  }
0x56b: {  	v24 =	vor.u32 v4, v37;
	v48 =	vor.u32 v31, v26;
	v43 =	vor.u32 s25, v17;
	v41 =	vld.idx.msk [tilespmem:v49+s22+$0x0], $0xffff  }
0x56c: {  	[tilespmem:v50+s0+$0x0] =	vst.idx.msk $0xffff, v39;
	v39 =	vor.u32 v31, v24  }
0x56d: {  	v25 =	vor.u32 v3, v36;
	v49 =	vor.u32 s7, v18;
	v44 =	vld.idx.msk [tilespmem:v44+s22+$0x0], $0xffff  }
0x56e: {  	v26 =	vor.u32 v3, v38;
	v24 =	vor.u32 v3, v35;
	[tilespmem:v42+s0+$0x0] =	vst.idx.msk $0xffff, v40  }
0x56f: {  	v40 =	vor.u32 v31, v25;
	[tilespmem:v47+s0+$0x0] =	vst.idx.msk $0xffff, v46;
	v42 =	vld.idx.msk [tilespmem:v45+s22+$0x0], $0xffff;
	v45 =	vor.u32 s18, v18  }
0x570: {  	v46 =	vor.u32 v31, v26;
	v47 =	vld.idx.msk [tilespmem:v48+s22+$0x0], $0xffff;
	v48 =	vor.u32 s8, v18;
	[tilespmem:v43+s0+$0x0] =	vst.idx.msk $0xffff, v41  }
0x571: {  	v25 =	vor.u32 s25, v18;
	v26 =	vor.u32 v3, v37;
	v41 =	vor.u32 v31, v24;
	v39 =	vld.idx.msk [tilespmem:v39+s22+$0x0], $0xffff  }
0x572: {  	[tilespmem:v49+s0+$0x0] =	vst.idx.msk $0xffff, v44;
	v49 =	vor.u32 v31, v26  }
0x573: {  	v36 =	vor.u32 v2, v36;
	v38 =	vor.u32 v2, v38  }
0x574: {  	v36 =	vor.u32 v31, v36;
	v50 =	vor.u32 s7, v19;
	[tilespmem:v45+s0+$0x0] =	vst.idx.msk $0xffff, v42;
	v40 =	vld.idx.msk [tilespmem:v40+s22+$0x0], $0xffff  }
0x575: {  	v38 =	vor.u32 v31, v38;
	v24 =	vor.u32 s18, v19;
	[tilespmem:v48+s0+$0x0] =	vst.idx.msk $0xffff, v47;
	v45 =	vld.idx.msk [tilespmem:v46+s22+$0x0], $0xffff  }
0x576: {  	v35 =	vor.u32 v2, v35;
	v41 =	vld.idx.msk [tilespmem:v41+s22+$0x0], $0xffff;
	[tilespmem:v25+s0+$0x0] =	vst.idx.msk $0xffff, v39;
	v25 =	vor.u32 s8, v19  }
0x577: {  	v35 =	vor.u32 v31, v35;
	v37 =	vor.u32 v2, v37;
	v26 =	vor.u32 s25, v19;
	v43 =	vld.idx.msk [tilespmem:v49+s22+$0x0], $0xffff  }
0x578: {  	v37 =	vor.u32 v31, v37  }
0x579: {  	[tilespmem:v50+s0+$0x0] =	vst.idx.msk $0xffff, v40  }
0x57a: {  	v47 =	vor.u32 s7, v20;
	[tilespmem:v24+s0+$0x0] =	vst.idx.msk $0xffff, v45;
	v36 =	vld.idx.msk [tilespmem:v36+s22+$0x0], $0xffff  }
0x57b: {  	v48 =	vor.u32 s18, v20;
	v38 =	vld.idx.msk [tilespmem:v38+s22+$0x0], $0xffff;
	[tilespmem:v25+s0+$0x0] =	vst.idx.msk $0xffff, v41  }
0x57c: {  	v49 =	vor.u32 s8, v20;
	v35 =	vld.idx.msk [tilespmem:v35+s22+$0x0], $0xffff;
	[tilespmem:v26+s0+$0x0] =	vst.idx.msk $0xffff, v43  }
0x57d: {  	p1 =	por p0, p0;
	v50 =	vor.u32 s25, v20;
	v37 =	vld.idx.msk [tilespmem:v37+s22+$0x0], $0xffff  }
.Ltmp8:
0x57e: {  	_ = 	snop;
	(pc) =	sbr.rel @p1 .LBB2_18-.Ltmp8, $4  }
0x57f: {  	[tilespmem:v47+s0+$0x0] =	vst.idx.msk $0xffff, v36  }
0x580: {  	[tilespmem:v48+s0+$0x0] =	vst.idx.msk $0xffff, v38  }
0x581: {  	[tilespmem:v49+s0+$0x0] =	vst.idx.msk $0xffff, v35  }
0x582: {  	p0 =	por $0x0, $0x0;
	s7 =	simm.s32 $0x40;
	[tilespmem:v50+s0+$0x0] =	vst.idx.msk $0xffff, v37  }
0x583: {  	v20 =	vld [tilespmem:$0x1FFC0]  }
0x584: {  	v60 =	vld [tilespmem:$0x1FFD0]  }
0x585: {  	v17 =	vld [tilespmem:$0x1FCF0]  }
0x586: {  	v18 =	vld [tilespmem:$0x1FD00]  }
0x587: {  	v19 =	vld [tilespmem:$0x1FD20]  }
0x588: {  	v49 =	vld [tilespmem:$0x1FD40]  }
0x589: {  	v50 =	vld [tilespmem:$0x1FD60]  }
0x58a: {  	v59 =	vld [tilespmem:$0x1FD80]  }
0x58b: {  	v22 =	vld [tilespmem:$0x1FDA0]  }
0x58c: {  	v23 =	vld [tilespmem:$0x1FDC0]  }
0x58d: {  	v25 =	vld [tilespmem:$0x1FDE0]  }
0x58e: {  	s8 =	sadd.s32 s1, s13;
	s7 =	simm.s32 $0x0;
	s18 =	simm.s32 $0x7100;
	v26 =	vld [tilespmem:$0x1FE00]  }
0x58f: {  	v27 =	vld [tilespmem:$0x1FE20];
	[hbm4b:s8+s7] =	stream.linear.scatter [tilespmem:s18], [sflag:$0x5], $0x400, $0x38  }
0x590: {  	s26 =	sadd.s32 s1, s14;
	s28 =	simm.s32 $0x7500;
	p0 =	por $0x1, $0x1;
	v30 =	vld [tilespmem:$0x1FE40]  }
0x591: {  	v24 =	vld [tilespmem:$0x1FE60];
	[hbm4b:s26+s7] =	stream.linear.scatter [tilespmem:s28], [sflag:$0x5], $0x400, $0x38  }
.LBB2_20:
0x592: {  	v31 =	vmov s7;
	s18 =	sor.u32 $0x10, s7;
	s25 =	sor.u32 $0x30, s7  }
0x593: {  	s8 =	sor.u32 $0x20, s7;
	v33 =	vshll.u32 v31, $0x6;
	v31 =	vmov s18;
	v39 =	vmov s25  }
0x594: {  	v35 =	vor.u32 v28, v33;
	v36 =	vshll.u32 v31, $0x6;
	v31 =	vmov s8  }
0x595: {  	v37 =	vor.u32 v32, v35;
	v54 =	vor.u32 v28, v36;
	v31 =	vshll.u32 v31, $0x6  }
0x596: {  	v35 =	vshll.u32 v39, $0x6;
	v38 =	vor.u32 v32, v54;
	v55 =	vor.u32 v28, v31  }
0x597: {  	v39 =	vor.u32 v28, v35;
	v40 =	vor.u32 v32, v55  }
0x598: {  	v39 =	vor.u32 v32, v39;
	_ =	sdelay $0x1  }
0x599: {  	v41 =	vor.u32 s7, v34;
	v42 =	vor.u32 v14, v33;
	v37 =	vld.idx.msk [tilespmem:v37+s22+$0x0], $0xffff  }
0x59a: {  	v43 =	vor.u32 s18, v34;
	v42 =	vor.u32 v32, v42;
	v44 =	vor.u32 v14, v36;
	v38 =	vld.idx.msk [tilespmem:v38+s22+$0x0], $0xffff  }
0x59b: {  	v45 =	vor.u32 s8, v34;
	v44 =	vor.u32 v32, v44;
	v46 =	vor.u32 v14, v31;
	v40 =	vld.idx.msk [tilespmem:v40+s22+$0x0], $0xffff  }
0x59c: {  	v47 =	vor.u32 s25, v34;
	v48 =	vor.u32 v14, v35;
	v46 =	vor.u32 v32, v46;
	v39 =	vld.idx.msk [tilespmem:v39+s22+$0x0], $0xffff  }
0x59d: {  	v57 =	vor.u32 v32, v48  }
0x59e: {  	v58 =	vor.u32 s7, v20;
	v52 =	vor.u32 v13, v36;
	[tilespmem:v41+s0+$0x0] =	vst.idx.msk $0xffff, v37  }
0x59f: {  	v56 =	vor.u32 v13, v33;
	v53 =	vor.u32 v32, v52;
	v42 =	vld.idx.msk [tilespmem:v42+s22+$0x0], $0xffff;
	[tilespmem:v43+s0+$0x0] =	vst.idx.msk $0xffff, v38  }
0x5a0: {  	v37 =	vor.u32 v32, v56;
	v43 =	vor.u32 s18, v20;
	v38 =	vld.idx.msk [tilespmem:v44+s22+$0x0], $0xffff;
	[tilespmem:v45+s0+$0x0] =	vst.idx.msk $0xffff, v40  }
0x5a1: {  	v54 =	vor.u32 s8, v20;
	v55 =	vor.u32 v13, v31;
	[tilespmem:v47+s0+$0x0] =	vst.idx.msk $0xffff, v39;
	v44 =	vld.idx.msk [tilespmem:v46+s22+$0x0], $0xffff  }
0x5a2: {  	v41 =	vor.u32 s25, v20;
	v56 =	vor.u32 v13, v35;
	v46 =	vor.u32 v32, v55;
	v39 =	vld.idx.msk [tilespmem:v57+s22+$0x0], $0xffff  }
0x5a3: {  	v47 =	vor.u32 v32, v56  }
0x5a4: {  	v57 =	vor.u32 v12, v33;
	[tilespmem:v58+s0+$0x0] =	vst.idx.msk $0xffff, v42  }
0x5a5: {  	v52 =	vor.u32 s18, v60;
	v55 =	vor.u32 v12, v31;
	v58 =	vor.u32 s7, v60;
	v37 =	vld.idx.msk [tilespmem:v37+s22+$0x0], $0xffff;
	[tilespmem:v43+s0+$0x0] =	vst.idx.msk $0xffff, v38  }
0x5a6: {  	v42 =	vor.u32 v32, v57;
	v38 =	vld.idx.msk [tilespmem:v53+s22+$0x0], $0xffff;
	v53 =	vor.u32 v12, v36;
	[tilespmem:v54+s0+$0x0] =	vst.idx.msk $0xffff, v44  }
0x5a7: {  	v54 =	vor.u32 s8, v60;
	[tilespmem:v41+s0+$0x0] =	vst.idx.msk $0xffff, v39;
	v43 =	vor.u32 v32, v53;
	v44 =	vld.idx.msk [tilespmem:v46+s22+$0x0], $0xffff  }
0x5a8: {  	v56 =	vor.u32 v12, v35;
	v41 =	vor.u32 s25, v60;
	v46 =	vor.u32 v32, v55;
	v39 =	vld.idx.msk [tilespmem:v47+s22+$0x0], $0xffff  }
0x5a9: {  	v47 =	vor.u32 v32, v56  }
0x5aa: {  	v57 =	vor.u32 v1, v33;
	v53 =	vor.u32 v1, v36;
	[tilespmem:v58+s0+$0x0] =	vst.idx.msk $0xffff, v37  }
0x5ab: {  	v55 =	vor.u32 v1, v31;
	v58 =	vor.u32 s7, v17;
	v42 =	vld.idx.msk [tilespmem:v42+s22+$0x0], $0xffff;
	[tilespmem:v52+s0+$0x0] =	vst.idx.msk $0xffff, v38  }
0x5ac: {  	v37 =	vor.u32 v32, v57;
	v52 =	vor.u32 s18, v17;
	v38 =	vld.idx.msk [tilespmem:v43+s22+$0x0], $0xffff;
	[tilespmem:v54+s0+$0x0] =	vst.idx.msk $0xffff, v44  }
0x5ad: {  	v43 =	vor.u32 v32, v53;
	v54 =	vor.u32 s8, v17;
	[tilespmem:v41+s0+$0x0] =	vst.idx.msk $0xffff, v39;
	v44 =	vld.idx.msk [tilespmem:v46+s22+$0x0], $0xffff  }
0x5ae: {  	v56 =	vor.u32 v1, v35;
	v41 =	vor.u32 s25, v17;
	v46 =	vor.u32 v32, v55;
	v39 =	vld.idx.msk [tilespmem:v47+s22+$0x0], $0xffff  }
0x5af: {  	v47 =	vor.u32 v32, v56  }
0x5b0: {  	v57 =	vor.u32 v0, v33;
	v53 =	vor.u32 v0, v36;
	[tilespmem:v58+s0+$0x0] =	vst.idx.msk $0xffff, v42  }
0x5b1: {  	v55 =	vor.u32 v0, v31;
	v58 =	vor.u32 s7, v18;
	v37 =	vld.idx.msk [tilespmem:v37+s22+$0x0], $0xffff;
	[tilespmem:v52+s0+$0x0] =	vst.idx.msk $0xffff, v38  }
0x5b2: {  	v42 =	vor.u32 v32, v57;
	v52 =	vor.u32 s18, v18;
	v38 =	vld.idx.msk [tilespmem:v43+s22+$0x0], $0xffff;
	[tilespmem:v54+s0+$0x0] =	vst.idx.msk $0xffff, v44  }
0x5b3: {  	v43 =	vor.u32 v32, v53;
	v54 =	vor.u32 s8, v18;
	[tilespmem:v41+s0+$0x0] =	vst.idx.msk $0xffff, v39;
	v44 =	vld.idx.msk [tilespmem:v46+s22+$0x0], $0xffff  }
0x5b4: {  	v56 =	vor.u32 v0, v35;
	v41 =	vor.u32 s25, v18;
	v46 =	vor.u32 v32, v55;
	v39 =	vld.idx.msk [tilespmem:v47+s22+$0x0], $0xffff  }
0x5b5: {  	v47 =	vor.u32 v32, v56  }
0x5b6: {  	v57 =	vor.u32 v11, v33;
	v53 =	vor.u32 v11, v36;
	[tilespmem:v58+s0+$0x0] =	vst.idx.msk $0xffff, v37  }
0x5b7: {  	v55 =	vor.u32 v11, v31;
	v58 =	vor.u32 s7, v19;
	v42 =	vld.idx.msk [tilespmem:v42+s22+$0x0], $0xffff;
	[tilespmem:v52+s0+$0x0] =	vst.idx.msk $0xffff, v38  }
0x5b8: {  	v37 =	vor.u32 v32, v57;
	v52 =	vor.u32 s18, v19;
	v38 =	vld.idx.msk [tilespmem:v43+s22+$0x0], $0xffff;
	[tilespmem:v54+s0+$0x0] =	vst.idx.msk $0xffff, v44  }
0x5b9: {  	v43 =	vor.u32 v32, v53;
	v54 =	vor.u32 s8, v19;
	[tilespmem:v41+s0+$0x0] =	vst.idx.msk $0xffff, v39;
	v44 =	vld.idx.msk [tilespmem:v46+s22+$0x0], $0xffff  }
0x5ba: {  	v56 =	vor.u32 v11, v35;
	v41 =	vor.u32 s25, v19;
	v46 =	vor.u32 v32, v55;
	v39 =	vld.idx.msk [tilespmem:v47+s22+$0x0], $0xffff  }
0x5bb: {  	v47 =	vor.u32 v32, v56  }
0x5bc: {  	v57 =	vor.u32 v10, v33;
	v53 =	vor.u32 v10, v36;
	[tilespmem:v58+s0+$0x0] =	vst.idx.msk $0xffff, v42  }
0x5bd: {  	v55 =	vor.u32 v10, v31;
	v58 =	vor.u32 s7, v49;
	v37 =	vld.idx.msk [tilespmem:v37+s22+$0x0], $0xffff;
	[tilespmem:v52+s0+$0x0] =	vst.idx.msk $0xffff, v38  }
0x5be: {  	v42 =	vor.u32 v32, v57;
	v52 =	vor.u32 s18, v49;
	v38 =	vld.idx.msk [tilespmem:v43+s22+$0x0], $0xffff;
	[tilespmem:v54+s0+$0x0] =	vst.idx.msk $0xffff, v44  }
0x5bf: {  	v43 =	vor.u32 v32, v53;
	v54 =	vor.u32 s8, v49;
	[tilespmem:v41+s0+$0x0] =	vst.idx.msk $0xffff, v39;
	v44 =	vld.idx.msk [tilespmem:v46+s22+$0x0], $0xffff  }
0x5c0: {  	v56 =	vor.u32 v10, v35;
	v41 =	vor.u32 s25, v49;
	v46 =	vor.u32 v32, v55;
	v39 =	vld.idx.msk [tilespmem:v47+s22+$0x0], $0xffff  }
0x5c1: {  	v47 =	vor.u32 v32, v56  }
0x5c2: {  	v57 =	vor.u32 v9, v33;
	v53 =	vor.u32 v9, v36;
	[tilespmem:v58+s0+$0x0] =	vst.idx.msk $0xffff, v37  }
0x5c3: {  	v55 =	vor.u32 v9, v31;
	v58 =	vor.u32 s7, v50;
	v42 =	vld.idx.msk [tilespmem:v42+s22+$0x0], $0xffff;
	[tilespmem:v52+s0+$0x0] =	vst.idx.msk $0xffff, v38  }
0x5c4: {  	v37 =	vor.u32 v32, v57;
	v52 =	vor.u32 s18, v50;
	v38 =	vld.idx.msk [tilespmem:v43+s22+$0x0], $0xffff;
	[tilespmem:v54+s0+$0x0] =	vst.idx.msk $0xffff, v44  }
0x5c5: {  	v43 =	vor.u32 v32, v53;
	v54 =	vor.u32 s8, v50;
	[tilespmem:v41+s0+$0x0] =	vst.idx.msk $0xffff, v39;
	v44 =	vld.idx.msk [tilespmem:v46+s22+$0x0], $0xffff  }
0x5c6: {  	v56 =	vor.u32 v9, v35;
	v41 =	vor.u32 s25, v50;
	v46 =	vor.u32 v32, v55;
	v39 =	vld.idx.msk [tilespmem:v47+s22+$0x0], $0xffff  }
0x5c7: {  	v47 =	vor.u32 v32, v56  }
0x5c8: {  	v57 =	vor.u32 v8, v33;
	v53 =	vor.u32 v8, v36;
	[tilespmem:v58+s0+$0x0] =	vst.idx.msk $0xffff, v42  }
0x5c9: {  	v55 =	vor.u32 v8, v31;
	v58 =	vor.u32 s7, v59;
	v37 =	vld.idx.msk [tilespmem:v37+s22+$0x0], $0xffff;
	[tilespmem:v52+s0+$0x0] =	vst.idx.msk $0xffff, v38  }
0x5ca: {  	v42 =	vor.u32 v32, v57;
	v52 =	vor.u32 s18, v59;
	v38 =	vld.idx.msk [tilespmem:v43+s22+$0x0], $0xffff;
	[tilespmem:v54+s0+$0x0] =	vst.idx.msk $0xffff, v44  }
0x5cb: {  	v43 =	vor.u32 v32, v53;
	v54 =	vor.u32 s8, v59;
	[tilespmem:v41+s0+$0x0] =	vst.idx.msk $0xffff, v39;
	v44 =	vld.idx.msk [tilespmem:v46+s22+$0x0], $0xffff  }
0x5cc: {  	v56 =	vor.u32 v8, v35;
	v41 =	vor.u32 s25, v59;
	v46 =	vor.u32 v32, v55;
	v39 =	vld.idx.msk [tilespmem:v47+s22+$0x0], $0xffff  }
0x5cd: {  	v47 =	vor.u32 v32, v56  }
0x5ce: {  	v57 =	vor.u32 v7, v33;
	v53 =	vor.u32 v7, v36;
	[tilespmem:v58+s0+$0x0] =	vst.idx.msk $0xffff, v37  }
0x5cf: {  	v55 =	vor.u32 v7, v31;
	v58 =	vor.u32 s7, v22;
	v42 =	vld.idx.msk [tilespmem:v42+s22+$0x0], $0xffff;
	[tilespmem:v52+s0+$0x0] =	vst.idx.msk $0xffff, v38  }
0x5d0: {  	v37 =	vor.u32 v32, v57;
	v52 =	vor.u32 s18, v22;
	v38 =	vld.idx.msk [tilespmem:v43+s22+$0x0], $0xffff;
	[tilespmem:v54+s0+$0x0] =	vst.idx.msk $0xffff, v44  }
0x5d1: {  	v43 =	vor.u32 v32, v53;
	v54 =	vor.u32 s8, v22;
	[tilespmem:v41+s0+$0x0] =	vst.idx.msk $0xffff, v39;
	v44 =	vld.idx.msk [tilespmem:v46+s22+$0x0], $0xffff  }
0x5d2: {  	v56 =	vor.u32 v7, v35;
	v41 =	vor.u32 s25, v22;
	v46 =	vor.u32 v32, v55;
	v39 =	vld.idx.msk [tilespmem:v47+s22+$0x0], $0xffff  }
0x5d3: {  	v47 =	vor.u32 v32, v56  }
0x5d4: {  	v57 =	vor.u32 v6, v33;
	v53 =	vor.u32 v6, v36;
	[tilespmem:v58+s0+$0x0] =	vst.idx.msk $0xffff, v42  }
0x5d5: {  	v55 =	vor.u32 v6, v31;
	v58 =	vor.u32 s7, v23;
	v37 =	vld.idx.msk [tilespmem:v37+s22+$0x0], $0xffff;
	[tilespmem:v52+s0+$0x0] =	vst.idx.msk $0xffff, v38  }
0x5d6: {  	v42 =	vor.u32 v32, v57;
	v52 =	vor.u32 s18, v23;
	v38 =	vld.idx.msk [tilespmem:v43+s22+$0x0], $0xffff;
	[tilespmem:v54+s0+$0x0] =	vst.idx.msk $0xffff, v44  }
0x5d7: {  	v43 =	vor.u32 v32, v53;
	v54 =	vor.u32 s8, v23;
	[tilespmem:v41+s0+$0x0] =	vst.idx.msk $0xffff, v39;
	v44 =	vld.idx.msk [tilespmem:v46+s22+$0x0], $0xffff  }
0x5d8: {  	v56 =	vor.u32 v6, v35;
	v41 =	vor.u32 s25, v23;
	v46 =	vor.u32 v32, v55;
	v39 =	vld.idx.msk [tilespmem:v47+s22+$0x0], $0xffff  }
0x5d9: {  	v47 =	vor.u32 v32, v56  }
0x5da: {  	v57 =	vor.u32 v5, v33;
	v53 =	vor.u32 v5, v36;
	[tilespmem:v58+s0+$0x0] =	vst.idx.msk $0xffff, v37  }
0x5db: {  	v55 =	vor.u32 v5, v31;
	v58 =	vor.u32 s7, v25;
	v42 =	vld.idx.msk [tilespmem:v42+s22+$0x0], $0xffff;
	[tilespmem:v52+s0+$0x0] =	vst.idx.msk $0xffff, v38  }
0x5dc: {  	v37 =	vor.u32 v32, v57;
	v52 =	vor.u32 s18, v25;
	v38 =	vld.idx.msk [tilespmem:v43+s22+$0x0], $0xffff;
	[tilespmem:v54+s0+$0x0] =	vst.idx.msk $0xffff, v44  }
0x5dd: {  	v43 =	vor.u32 v32, v53;
	v54 =	vor.u32 s8, v25;
	[tilespmem:v41+s0+$0x0] =	vst.idx.msk $0xffff, v39;
	v44 =	vld.idx.msk [tilespmem:v46+s22+$0x0], $0xffff  }
0x5de: {  	v56 =	vor.u32 v5, v35;
	v41 =	vor.u32 s25, v25;
	v46 =	vor.u32 v32, v55;
	v39 =	vld.idx.msk [tilespmem:v47+s22+$0x0], $0xffff  }
0x5df: {  	v47 =	vor.u32 v32, v56  }
0x5e0: {  	v57 =	vor.u32 v4, v33;
	v53 =	vor.u32 v4, v36;
	[tilespmem:v58+s0+$0x0] =	vst.idx.msk $0xffff, v42  }
0x5e1: {  	v55 =	vor.u32 v4, v31;
	v58 =	vor.u32 s7, v26;
	v37 =	vld.idx.msk [tilespmem:v37+s22+$0x0], $0xffff;
	[tilespmem:v52+s0+$0x0] =	vst.idx.msk $0xffff, v38  }
0x5e2: {  	v42 =	vor.u32 v32, v57;
	v52 =	vor.u32 s18, v26;
	v38 =	vld.idx.msk [tilespmem:v43+s22+$0x0], $0xffff;
	[tilespmem:v54+s0+$0x0] =	vst.idx.msk $0xffff, v44  }
0x5e3: {  	v43 =	vor.u32 v32, v53;
	v54 =	vor.u32 s8, v26;
	[tilespmem:v41+s0+$0x0] =	vst.idx.msk $0xffff, v39;
	v44 =	vld.idx.msk [tilespmem:v46+s22+$0x0], $0xffff  }
0x5e4: {  	v56 =	vor.u32 v4, v35;
	v41 =	vor.u32 s25, v26;
	v46 =	vor.u32 v32, v55;
	v39 =	vld.idx.msk [tilespmem:v47+s22+$0x0], $0xffff  }
0x5e5: {  	v57 =	vor.u32 v32, v56  }
0x5e6: {  	v53 =	vor.u32 v3, v36;
	v47 =	vor.u32 s7, v27;
	[tilespmem:v58+s0+$0x0] =	vst.idx.msk $0xffff, v37  }
0x5e7: {  	v55 =	vor.u32 v3, v31;
	v58 =	vor.u32 v3, v33;
	v42 =	vld.idx.msk [tilespmem:v42+s22+$0x0], $0xffff;
	[tilespmem:v52+s0+$0x0] =	vst.idx.msk $0xffff, v38  }
0x5e8: {  	v38 =	vor.u32 v32, v58;
	v52 =	vor.u32 s18, v27;
	v40 =	vld.idx.msk [tilespmem:v43+s22+$0x0], $0xffff;
	[tilespmem:v54+s0+$0x0] =	vst.idx.msk $0xffff, v44  }
0x5e9: {  	v54 =	vor.u32 s8, v27;
	v44 =	vor.u32 v32, v53;
	[tilespmem:v41+s0+$0x0] =	vst.idx.msk $0xffff, v39;
	v45 =	vld.idx.msk [tilespmem:v46+s22+$0x0], $0xffff  }
0x5ea: {  	v56 =	vor.u32 v32, v55;
	v58 =	vor.u32 v3, v35;
	v37 =	vld.idx.msk [tilespmem:v57+s22+$0x0], $0xffff;
	v57 =	vor.u32 s25, v27  }
0x5eb: {  	v48 =	vor.u32 v32, v58  }
0x5ec: {  	v51 =	vor.u32 s7, v30;
	v36 =	vor.u32 v2, v36;
	[tilespmem:v47+s0+$0x0] =	vst.idx.msk $0xffff, v42  }
0x5ed: {  	v36 =	vor.u32 v32, v36;
	v33 =	vor.u32 v2, v33;
	[tilespmem:v52+s0+$0x0] =	vst.idx.msk $0xffff, v40;
	v38 =	vld.idx.msk [tilespmem:v38+s22+$0x0], $0xffff  }
0x5ee: {  	v33 =	vor.u32 v32, v33;
	v52 =	vor.u32 s18, v30;
	[tilespmem:v54+s0+$0x0] =	vst.idx.msk $0xffff, v45;
	v43 =	vld.idx.msk [tilespmem:v44+s22+$0x0], $0xffff  }
0x5ef: {  	v31 =	vor.u32 v2, v31;
	v53 =	vor.u32 s8, v30;
	[tilespmem:v57+s0+$0x0] =	vst.idx.msk $0xffff, v37;
	v39 =	vld.idx.msk [tilespmem:v56+s22+$0x0], $0xffff  }
0x5f0: {  	v31 =	vor.u32 v32, v31;
	v35 =	vor.u32 v2, v35;
	v54 =	vor.u32 s25, v30;
	v41 =	vld.idx.msk [tilespmem:v48+s22+$0x0], $0xffff  }
0x5f1: {  	v35 =	vor.u32 v32, v35  }
0x5f2: {  	[tilespmem:v51+s0+$0x0] =	vst.idx.msk $0xffff, v38  }
0x5f3: {  	v55 =	vor.u32 s7, v24;
	[tilespmem:v52+s0+$0x0] =	vst.idx.msk $0xffff, v43;
	v33 =	vld.idx.msk [tilespmem:v33+s22+$0x0], $0xffff  }
0x5f4: {  	v56 =	vor.u32 s18, v24;
	[tilespmem:v53+s0+$0x0] =	vst.idx.msk $0xffff, v39;
	v36 =	vld.idx.msk [tilespmem:v36+s22+$0x0], $0xffff  }
0x5f5: {  	v57 =	vor.u32 s8, v24;
	[tilespmem:v54+s0+$0x0] =	vst.idx.msk $0xffff, v41;
	v31 =	vld.idx.msk [tilespmem:v31+s22+$0x0], $0xffff  }
0x5f6: {  	p1 =	por p0, p0;
	v58 =	vor.u32 s25, v24;
	v35 =	vld.idx.msk [tilespmem:v35+s22+$0x0], $0xffff  }
.Ltmp9:
0x5f7: {  	_ = 	snop;
	(pc) =	sbr.rel @p1 .LBB2_20-.Ltmp9, $4  }
0x5f8: {  	[tilespmem:v55+s0+$0x0] =	vst.idx.msk $0xffff, v33  }
0x5f9: {  	[tilespmem:v56+s0+$0x0] =	vst.idx.msk $0xffff, v36  }
0x5fa: {  	[tilespmem:v57+s0+$0x0] =	vst.idx.msk $0xffff, v31  }
0x5fb: {  	p0 =	por $0x0, $0x0;
	s7 =	simm.s32 $0x40;
	[tilespmem:v58+s0+$0x0] =	vst.idx.msk $0xffff, v35  }
0x5fc: {  	v47 =	vld [tilespmem:$0x1FE70]  }
0x5fd: {  	v48 =	vld [tilespmem:$0x1FE80]  }
0x5fe: {  	v49 =	vld [tilespmem:$0x1FE90]  }
0x5ff: {  	s31 =	sadd.s32 $0x1, s31;
	v50 =	vld [tilespmem:$0x1FEA0]  }
0x600: {  	v59 =	vld [tilespmem:$0x1FF80];
	p0 =	sne.s32 s31, $0x190  }
.Ltmp10:
0x601: {  	v24 =	vld [tilespmem:$0x1FF90];
	(pc) =	sbr.rel @p0 .LBB2_2-.Ltmp10, $4  }
0x602: {  	s7 =	sadd.s32 s1, s15;
	s8 =	simm.s32 $0x7900;
	v18 =	vld [tilespmem:$0x1FFA0]  }
0x603: {  	v19 =	vld [tilespmem:$0x1FFB0];
	[hbm4b:s7+s3] =	stream.linear.scatter [tilespmem:s8], [sflag:$0x5], $0x400, $0x38  }
0x604: {  	s28 =	sadd.s32 s1, s16;
	v23 =	vld [tilespmem:$0x1FFE0]  }
0x605: {  	v17 =	vld [tilespmem:$0x1FFF0];
	[hbm4b:s28+s3] =	stream.linear.scatter [tilespmem:s29], [sflag:$0x5], $0x400, $0x38  }
0x606: {  	_ =	swait.ge [sflag:s30], $0x400  }
0x607: {  	[sflag:s30] =	ssyncset.done $0x0  }
0x608: {  	[sflag:s30] =	ssyncadd.s32 $0xFFFFFC00  }
0x609: {  	_ =	swait.ge [sflag:s30], $0x400  }
0x60a: {  	[sflag:s30] =	ssyncset.done $0x0  }
0x60b: {  	[sflag:s30] =	ssyncadd.s32 $0xFFFFFC00  }
0x60c: {  	_ =	swait.ge [sflag:s30], $0x400  }
0x60d: {  	[sflag:s30] =	ssyncset.done $0x0  }
0x60e: {  	[sflag:s30] =	ssyncadd.s32 $0xFFFFFC00  }
0x60f: {  	_ =	swait.ge [sflag:s30], $0x400  }
0x610: {  	[sflag:s30] =	ssyncset.done $0x0  }
0x611: {  	[sflag:s30] =	ssyncadd.s32 $0xFFFFFC00  }
0x612: {  	_ =	swait.ge [sflag:s30], $0x400  }
0x613: {  	[sflag:s30] =	ssyncset.done $0x0  }
0x614: {  	[sflag:s30] =	ssyncadd.s32 $0xFFFFFC00  }
0x615: {  	_ =	swait.ge [sflag:s30], $0x400  }
0x616: {  	[sflag:s30] =	ssyncset.done $0x0  }
0x617: {  	[sflag:s30] =	ssyncadd.s32 $0xFFFFFC00  }
0x618: {  	_ =	swait.ge [sflag:s30], $0x400  }
0x619: {  	[sflag:s30] =	ssyncset.done $0x0  }
0x61a: {  	[sflag:s30] =	ssyncadd.s32 $0xFFFFFC00  }
0x61b: {  	_ =	swait.ge [sflag:s30], $0x400  }
0x61c: {  	[sflag:s30] =	ssyncset.done $0x0  }
0x61d: {  	s7 =	simm.s32 $0x5;
	[sflag:s30] =	ssyncadd.s32 $0xFFFFFC00  }
0x61e: {  	_ =	swait.ge [sflag:s7], $0x400  }
0x61f: {  	[sflag:s7] =	ssyncset.done $0x0  }
0x620: {  	[sflag:s7] =	ssyncadd.s32 $0xFFFFFC00  }
0x621: {  	_ =	swait.ge [sflag:s7], $0x400  }
0x622: {  	[sflag:s7] =	ssyncset.done $0x0  }
0x623: {  	[sflag:s7] =	ssyncadd.s32 $0xFFFFFC00  }
0x624: {  	_ =	swait.ge [sflag:s7], $0x400  }
0x625: {  	[sflag:s7] =	ssyncset.done $0x0  }
0x626: {  	[sflag:s7] =	ssyncadd.s32 $0xFFFFFC00  }
0x627: {  	_ =	swait.ge [sflag:s7], $0x400  }
0x628: {  	[sflag:s7] =	ssyncset.done $0x0  }
0x629: {  	[sflag:s7] =	ssyncadd.s32 $0xFFFFFC00  }
0x62a: {  	_ =	swait.ge [sflag:s7], $0x400  }
0x62b: {  	[sflag:s7] =	ssyncset.done $0x0  }
0x62c: {  	[sflag:s7] =	ssyncadd.s32 $0xFFFFFC00  }
0x62d: {  	_ =	swait.ge [sflag:s7], $0x400  }
0x62e: {  	[sflag:s7] =	ssyncset.done $0x0  }
0x62f: {  	[sflag:s7] =	ssyncadd.s32 $0xFFFFFC00  }
0x630: {  	_ =	swait.ge [sflag:s7], $0x400  }
0x631: {  	[sflag:s7] =	ssyncset.done $0x0  }
0x632: {  	[sflag:s7] =	ssyncadd.s32 $0xFFFFFC00  }
0x633: {  	_ =	swait.ge [sflag:s7], $0x400  }
0x634: {  	s8 =	rddreg [dreg:$0x6]  }
0x635: {  	s1 =	rddreg [dreg:$0x5];
	s8 =	sadd.s32 $0x1, s8  }
0x636: {  	p0 =	sne.s32 s8, s1  }
.Ltmp11:
0x637: {  	_ = 	snop;
	(pc) =	sbr.rel @p0 .LBB2_1-.Ltmp11, $3  }
0x638: {  	_ =	sdelay $0x1  }
0x639: {  	[sflag:s7] =	ssyncset.done $0x0  }
0x63a: {  	[sflag:s7] =	ssyncadd.s32 $0xFFFFFC00  }
0x63b: {  	_ =	sfence.sel $0x180000  }
0x63c: {  	[bflag:$0x0] =	sbarrier.arrive $0xFFFF  }
0x63d: {  	_ =	strace $0x90000047  }
0x63e: {  	s0 =	stileid.u32;
	[bflag:$0x2] =	sbarrier.arrive $0xFFFF  }
0x63f: {  	p0 =	sne.s32 s0, $0x0;
	s0 =	rddreg [dreg:$0x2]  }
0x640: {  	s0 =	sadd.s32 @!p0 $0x100000, s0  }
0x641: {  	[sflag:s0] =	ssyncadd.tile.s32 @!p0 $0x1;
	_ =	shalt  }
.Lfunc_end2:
_tile_overlayer_lowered:
.L_overlay_start_2:
0x642: {  	(tag) =	ssettag $0x2  }
0x643: {  	s0 =	rddreg [dreg:$0x0];
	s2 =	stileid.u32  }
0x644: {  	s1 =	rddreg [dreg:$0x1];
	p0 =	sne.s32 s2, $0x0  }
0x645: {  	s3 =	rddreg [dreg:$0x2];
	[bflag:$0x3] =	sbarrier.arrive $0xFFFF;
	s2 =	simm.s32 @!p0 $0x1C06  }
0x646: {  	[timem:s3], [sflag:s2] =	dma.local @!p0 [hbm:s0], s1  }
0x647: {  	s0 =	simm.s32 @!p0 $0x6  }
0x648: {  	_ =	swait.ge @!p0 [sflag:s0], s1  }
0x649: {  	s1 =	ssub.s32 @!p0 $0x0, s1;
	[sflag:s0] =	ssyncset.done @!p0 $0x0  }
0x64a: {  	[sflag:s0] =	ssyncadd.s32 @!p0 s1  }
0x64b: {  	[bflag:$0x3] =	sbarrier.arrive $0xFFFF  }
0x64c: {  	_ =	shalt  }

</sc_bundles>
